<compile_context>
chip_gen: v7x
topology: tpu7x:2x2x1
jax: 0.10.2.dev20260603
libtpu: 0.0.44.dev20260713+nightly
codegen_flags: <defaults>
</compile_context>

<pallas_src>
import functools

import jax
import jax.numpy as jnp
from jax import lax
from jax.experimental import pallas as pl
from jax.experimental.pallas import tpu as pltpu
from jax.experimental.pallas import tpu_sc as plsc

N = 10000
E = 320000
NC = 2
NS = 16
NW = NC * NS
CH = 128
NCH = 79
ECH = NW * NCH
EPAD = ECH * CH
NPAD = 10240
ROWS_PER_TILE = NPAD // NS
DW = 16

_SC_PARAMS = pltpu.CompilerParams(use_tc_tiling_on_sc=False)

AGG128_N0, AGG128_N1 = 222, 94
AGG64_N0, AGG64_N1 = 111, 47


@functools.lru_cache(maxsize=None)
def _mesh():
    return plsc.VectorSubcoreMesh(
        core_axis_name="c", subcore_axis_name="s",
        num_cores=NC, num_subcores=NS)


@functools.lru_cache(maxsize=None)
def _make_deg():
    return functools.partial(
        pl.kernel,
        out_type=jax.ShapeDtypeStruct((NC, NPAD, DW), jnp.float32),
        mesh=_mesh(),
        scratch_types=[
            pltpu.VMEM((NCH, CH), jnp.int32),
            pltpu.VMEM((NCH, CH), jnp.int32),
            pltpu.VMEM((CH, DW), jnp.float32),
            pltpu.VMEM((CH, DW), jnp.float32),
            pltpu.VMEM((ROWS_PER_TILE, DW), jnp.float32),
            pltpu.VMEM_SHARED((NPAD, DW), jnp.float32),
            pltpu.SemaphoreType.DMA,
            pltpu.SemaphoreType.DMA,
        ],
        compiler_params=_SC_PARAMS,
    )(_deg_body)


def _deg_body(src_hbm, dst_hbm, out_hbm, srcall, dstall, oneh0, oneh1, zbuf,
              dacc, semA, semB):
    cid = lax.axis_index("c")
    sid = lax.axis_index("s")
    wid = sid * NC + cid

    lane = lax.iota(jnp.int32, DW)
    e0 = jnp.where(lane == 0, 1.0, 0.0).astype(jnp.float32)
    e1 = jnp.where(lane == 1, 1.0, 0.0).astype(jnp.float32)
    z = jnp.zeros((DW,), jnp.float32)

    @pl.loop(0, CH)
    def _(r):
        oneh0[r, :] = e0
        oneh1[r, :] = e1

    @pl.loop(0, ROWS_PER_TILE)
    def _(r):
        zbuf[r, :] = z

    r0 = sid * ROWS_PER_TILE
    pltpu.sync_copy(zbuf, dacc.at[pl.ds(r0, ROWS_PER_TILE)])

    cbase = wid * NCH
    pltpu.sync_copy(src_hbm.at[pl.ds(cbase, NCH), :], srcall)
    pltpu.sync_copy(dst_hbm.at[pl.ds(cbase, NCH), :], dstall)
    plsc.subcore_barrier()

    def startA(c):
        pltpu.make_async_copy(oneh0, dacc.at[srcall.at[c]], semA).start(
            add=True)

    def startB(c):
        pltpu.make_async_copy(oneh1, dacc.at[dstall.at[c]], semB).start(
            add=True)

    def waitA(c):
        pltpu.make_async_copy(oneh0, dacc.at[srcall.at[c]], semA).wait()

    def waitB(c):
        pltpu.make_async_copy(oneh1, dacc.at[dstall.at[c]], semB).wait()

    startA(0)
    startB(0)

    @pl.loop(0, NCH - 1)
    def _(c):
        startA(c + 1)
        startB(c + 1)
        waitA(c)
        waitB(c)

    waitA(NCH - 1)
    waitB(NCH - 1)

    plsc.subcore_barrier()

    @pl.when(cid == 0)
    def _():
        pltpu.sync_copy(dacc.at[pl.ds(r0, ROWS_PER_TILE)],
                        out_hbm.at[0, pl.ds(r0, ROWS_PER_TILE), :])

    @pl.when(cid == 1)
    def _():
        pltpu.sync_copy(dacc.at[pl.ds(r0, ROWS_PER_TILE)],
                        out_hbm.at[1, pl.ds(r0, ROWS_PER_TILE), :])


@functools.lru_cache(maxsize=None)
def _make_agg(d, ch, n0, n1):
    assert NS * (n0 + n1) == EPAD // ch
    nmax = max(n0, n1)

    @functools.partial(
        pl.kernel,
        out_type=jax.ShapeDtypeStruct((NC, NPAD, d), jnp.float32),
        mesh=_mesh(),
        scratch_types=[
            pltpu.VMEM((nmax, ch), jnp.int32),
            pltpu.VMEM((ch,), jnp.int32),
            pltpu.VMEM((ch,), jnp.int32),
            pltpu.VMEM((ch, d), jnp.float32),
            pltpu.VMEM((ch, d), jnp.float32),
            pltpu.VMEM_SHARED((NPAD, d), jnp.float32),
            pltpu.SemaphoreType.DMA,
            pltpu.SemaphoreType.DMA,
            pltpu.SemaphoreType.DMA,
            pltpu.SemaphoreType.DMA,
        ],
        compiler_params=_SC_PARAMS,
    )
    def agg(y_hbm, src_hbm, dst_hbm, out_hbm, srcall, dstb0, dstb1, rows0,
            rows1, acc, gsem0, gsem1, dsem0, dsem1):
        cid = lax.axis_index("c")
        sid = lax.axis_index("s")

        z = jnp.zeros((16,), jnp.float32)

        @pl.loop(0, ch)
        def _(r):
            @pl.loop(0, d // 16)
            def _(j):
                rows0[r, pl.ds(j * 16, 16)] = z

        r0 = sid * ROWS_PER_TILE
        @pl.loop(0, ROWS_PER_TILE // ch)
        def _(k):
            pltpu.sync_copy(rows0, acc.at[pl.ds(r0 + k * ch, ch)])

        def run(cbase, count):
            pltpu.sync_copy(src_hbm.at[pl.ds(cbase, count), :],
                            srcall.at[pl.ds(0, count), :])

            def gstart(c, rows, sem):
                pltpu.make_async_copy(
                    y_hbm.at[srcall.at[c]], rows, sem).start()

            def gwait(c, rows, sem):
                pltpu.make_async_copy(y_hbm.at[srcall.at[c]], rows, sem).wait()

            def dstart(c, dstb, sem):
                pltpu.make_async_copy(
                    dst_hbm.at[cbase + c], dstb, sem).start()

            def dwait(c, dstb, sem):
                pltpu.make_async_copy(dst_hbm.at[cbase + c], dstb, sem).wait()

            def scat(rows, dstb):
                pltpu.sync_copy(rows, acc.at[dstb], add=True)

            dstart(0, dstb0, dsem0)
            gstart(0, rows0, gsem0)
            if count > 1:
                dstart(1, dstb1, dsem1)
                gstart(1, rows1, gsem1)

            @pl.loop(0, count // 2)
            def _(p):
                c0 = 2 * p
                gwait(c0, rows0, gsem0)
                dwait(c0, dstb0, dsem0)
                scat(rows0, dstb0)

                @pl.when(c0 + 2 < count)
                def _():
                    dstart(c0 + 2, dstb0, dsem0)
                    gstart(c0 + 2, rows0, gsem0)

                gwait(c0 + 1, rows1, gsem1)
                dwait(c0 + 1, dstb1, dsem1)
                scat(rows1, dstb1)

                @pl.when(c0 + 3 < count)
                def _():
                    dstart(c0 + 3, dstb1, dsem1)
                    gstart(c0 + 3, rows1, gsem1)

            if count % 2:
                gwait(count - 1, rows0, gsem0)
                dwait(count - 1, dstb0, dsem0)
                scat(rows0, dstb0)

        plsc.subcore_barrier()

        @pl.when(cid == 0)
        def _():
            run(sid * n0, n0)

        @pl.when(cid == 1)
        def _():
            run(NS * n0 + sid * n1, n1)

        plsc.subcore_barrier()

        @pl.when(cid == 0)
        def _():
            pltpu.sync_copy(acc.at[pl.ds(r0, ROWS_PER_TILE)],
                            out_hbm.at[0, pl.ds(r0, ROWS_PER_TILE), :])

        @pl.when(cid == 1)
        def _():
            pltpu.sync_copy(acc.at[pl.ds(r0, ROWS_PER_TILE)],
                            out_hbm.at[1, pl.ds(r0, ROWS_PER_TILE), :])

    return agg


_MB = 512
_GRIDP = NPAD // _MB


def _mm_first_body(x_ref, dp_ref, w_ref, y_ref, nout_ref, nin_ref):
    s = dp_ref[0] + dp_ref[1]
    dout = s[:, 0:1]
    din = s[:, 1:2]
    nout = jnp.where(dout > 0, lax.rsqrt(dout), 0.0)
    nout_ref[...] = nout
    nin_ref[...] = jnp.where(din > 0, lax.rsqrt(din), 0.0)
    h = x_ref[...] * nout
    y_ref[...] = jnp.dot(h, w_ref[...], preferred_element_type=jnp.float32)


def _mm_first(x, dp, w):
    din, dout = w.shape
    return pl.pallas_call(
        _mm_first_body,
        grid=(_GRIDP,),
        in_specs=[
            pl.BlockSpec((_MB, din), lambda i: (i, 0)),
            pl.BlockSpec((NC, _MB, DW), lambda i: (0, i, 0)),
            pl.BlockSpec((din, dout), lambda i: (0, 0)),
        ],
        out_specs=[
            pl.BlockSpec((_MB, dout), lambda i: (i, 0)),
            pl.BlockSpec((_MB, 1), lambda i: (i, 0)),
            pl.BlockSpec((_MB, 1), lambda i: (i, 0)),
        ],
        out_shape=[
            jax.ShapeDtypeStruct((NPAD, dout), jnp.float32),
            jax.ShapeDtypeStruct((NPAD, 1), jnp.float32),
            jax.ShapeDtypeStruct((NPAD, 1), jnp.float32),
        ],
    )(x, dp, w)


def _mm_mid_body(p_ref, nin_ref, b_ref, nout_ref, w_ref, y_ref):
    agg = p_ref[0] + p_ref[1]
    h = jax.nn.relu(agg * nin_ref[...] + b_ref[...])
    h = h * nout_ref[...]
    y_ref[...] = jnp.dot(h, w_ref[...], preferred_element_type=jnp.float32)


def _mm_mid(p, nin, b, nout, w):
    din, dout = w.shape
    return pl.pallas_call(
        _mm_mid_body,
        grid=(_GRIDP,),
        in_specs=[
            pl.BlockSpec((NC, _MB, din), lambda i: (0, i, 0)),
            pl.BlockSpec((_MB, 1), lambda i: (i, 0)),
            pl.BlockSpec((1, din), lambda i: (0, 0)),
            pl.BlockSpec((_MB, 1), lambda i: (i, 0)),
            pl.BlockSpec((din, dout), lambda i: (0, 0)),
        ],
        out_specs=pl.BlockSpec((_MB, dout), lambda i: (i, 0)),
        out_shape=jax.ShapeDtypeStruct((NPAD, dout), jnp.float32),
    )(p, nin, b, nout, w)


_FMB = 400


def _final_body(p_ref, nin_ref, b_ref, y_ref):
    agg = p_ref[0] + p_ref[1]
    y_ref[...] = agg * nin_ref[...] + b_ref[...]


def _final(p, nin, b):
    d = p.shape[-1]
    return pl.pallas_call(
        _final_body,
        grid=(N // _FMB,),
        in_specs=[
            pl.BlockSpec((NC, _FMB, d), lambda i: (0, i, 0)),
            pl.BlockSpec((_FMB, 1), lambda i: (i, 0)),
            pl.BlockSpec((1, d), lambda i: (0, 0)),
        ],
        out_specs=pl.BlockSpec((_FMB, d), lambda i: (i, 0)),
        out_shape=jax.ShapeDtypeStruct((N, d), jnp.float32),
    )(p, nin, b)


def kernel(inputs, edge_index, W0, b0, W1, b1, W2, b2):
    ei = edge_index.astype(jnp.int32)
    pad = jnp.full((2, EPAD - E), N, jnp.int32)
    ei = jnp.concatenate([ei, pad], axis=1)
    src = ei[0].reshape(ECH, CH)
    dst = ei[1].reshape(ECH, CH)
    src64 = ei[0].reshape(ECH * 2, CH // 2)
    dst64 = ei[1].reshape(ECH * 2, CH // 2)

    xp = jnp.pad(inputs, ((0, NPAD - N), (0, 0)))

    dp = _make_deg()(src, dst)

    agg128 = _make_agg(128, 64, AGG128_N0, AGG128_N1)
    y0, nout, nin = _mm_first(xp, dp, W0)
    p0 = agg128(y0, src64, dst64)
    y1 = _mm_mid(p0, nin, b0.reshape(1, -1), nout, W1)
    p1 = agg128(y1, src64, dst64)
    y2 = _mm_mid(p1, nin, b1.reshape(1, -1), nout, W2)
    p2 = _make_agg(64, 128, AGG64_N0, AGG64_N1)(y2, src, dst)
    return _final(p2, nin, b2.reshape(1, -1))

# --- scband reference (transcript-rebuilt; emitter-appended) ---
"""Pipeline reference for scband-gcn-45810121179684 (READ-ONLY COPY).

The authoritative reference and input builder live on the scoring server;
editing this copy changes nothing except your own understanding.
"""

import jax, jax.numpy as jnp
import numpy as np

N_NODES = 10000
N_EDGES = 320000
IN_DIM = 128
HIDDEN = 128
NUM_CLASSES = 64
NUM_LAYERS = 2


def setup_inputs(seed: int = 0) -> dict:
    key = jax.random.key(seed)
    ks = jax.random.split(key, 10)
    inputs = jax.random.normal(ks[0], (N_NODES, IN_DIM), dtype=jnp.float32)
    edge_index = jax.random.randint(ks[1], (2, N_EDGES), 0, N_NODES, dtype=jnp.int64)
    # GraphConv weights: layer0 (in->hidden), layer1 (hidden->hidden), layer2 (hidden->classes)
    W0 = jax.random.normal(ks[2], (IN_DIM, HIDDEN), dtype=jnp.float32) * (1.0 / np.sqrt(IN_DIM))
    b0 = jnp.zeros((HIDDEN,), dtype=jnp.float32)
    W1 = jax.random.normal(ks[3], (HIDDEN, HIDDEN), dtype=jnp.float32) * (1.0 / np.sqrt(HIDDEN))
    b1 = jnp.zeros((HIDDEN,), dtype=jnp.float32)
    W2 = jax.random.normal(ks[4], (HIDDEN, NUM_CLASSES), dtype=jnp.float32) * (1.0 / np.sqrt(HIDDEN))
    b2 = jnp.zeros((NUM_CLASSES,), dtype=jnp.float32)
    return {"inputs": inputs, "edge_index": edge_index, "W0": W0, "b0": b0, "W1": W1, "b1": b1, "W2": W2, "b2": b2}


def _graph_conv(x, src, dst, W, b, n_nodes):
    # DGL GraphConv with norm='both': D_out^{-1/2} on source, aggregate (sum), D_in^{-1/2} on dest
    deg_out = jnp.bincount(src, length=n_nodes).astype(jnp.float32)
    deg_in = jnp.bincount(dst, length=n_nodes).astype(jnp.float32)
    norm_out = jnp.where(deg_out > 0, deg_out ** -0.5, 0.0)
    norm_in = jnp.where(deg_in > 0, deg_in ** -0.5, 0.0)
    xw = x @ W
    msg = jnp.take(xw, src, axis=0) * norm_out[src][:, None]
    agg = jax.ops.segment_sum(msg, dst, num_segments=n_nodes)
    return agg * norm_in[:, None] + b


def reference(inputs, edge_index, W0, b0, W1, b1, W2, b2):
    src = edge_index[0]
    dst = edge_index[1]
    h = inputs
    h = _graph_conv(h, src, dst, W0, b0, N_NODES)
    h = jax.nn.relu(h)
    h = _graph_conv(h, src, dst, W1, b1, N_NODES)
    h = jax.nn.relu(h)
    logits = _graph_conv(h, src, dst, W2, b2, N_NODES)
    return logits

if __name__ == "__main__":
    import jax
    _d = setup_inputs()
    print(jax.jit(kernel)(*tuple(_d.values())))

</pallas_src>

<mosaic_0001>
#map = affine_map<(d0, d1) -> (0, 0)>
#map1 = affine_map<(d0, d1) -> (0, 0, 0)>
module attributes {stable_mosaic.version = 14 : i64} {
  func.func @_deg_body(%arg0: i32, %arg1: i32, %arg2: memref<2528x128xi32, #tpu.memory_space<hbm>>, %arg3: memref<2528x128xi32, #tpu.memory_space<hbm>>, %arg4: memref<2x10240x16xf32, #tpu.memory_space<hbm>>, %arg5: memref<79x128xi32, #tpu.memory_space<vmem>>, %arg6: memref<79x128xi32, #tpu.memory_space<vmem>>, %arg7: memref<128x16xf32, #tpu.memory_space<vmem>>, %arg8: memref<128x16xf32, #tpu.memory_space<vmem>>, %arg9: memref<640x16xf32, #tpu.memory_space<vmem>>, %arg10: memref<10240x16xf32, #tpu.memory_space<vmem_shared>>, %arg11: memref<!tpu.dma_semaphore, #tpu.memory_space<semaphore_mem>>, %arg12: memref<!tpu.dma_semaphore, #tpu.memory_space<semaphore_mem>>) attributes {dimension_semantics = [#tpu.dimension_semantics<core_parallel>, #tpu.dimension_semantics<subcore_parallel>], iteration_bounds = array<i64: 2, 16>, scalar_prefetch = 0 : i64, scratch_operands = 8 : i64, tpu.core_type = #tpu.core_type<sc_vector_subcore>, window_params = [{transform_indices = #map}, {transform_indices = #map}, {transform_indices = #map1}]} {
    %mul3A = arith.constant 2 : i32
    %mul3A_0 = arith.muli %arg1, %mul3A : i32
    %add3A = arith.addi %mul3A_0, %arg0 : i32
    %iota3A = tpu.iota {dimensions = array<i32: 0>} : vector<16xi32>
    %eq3A = arith.constant 0 : i32
    %eq3A_1 = vector.broadcast %eq3A : i32 to vector<16xi32>
    %eq3A_2 = arith.cmpi eq, %iota3A, %eq3A_1 : vector<16xi32>
    %jit3A = arith.constant 1.000000e+00 : f32
    %jit3A_3 = arith.constant 0.000000e+00 : f32
    %broadcast_in_dim3A = vector.broadcast %jit3A : f32 to vector<16xf32>
    %broadcast_in_dim3A_4 = vector.broadcast %jit3A_3 : f32 to vector<16xf32>
    %select_n3A = arith.select %eq3A_2, %broadcast_in_dim3A, %broadcast_in_dim3A_4 : vector<16xi1>, vector<16xf32>
    %eq3A_5 = arith.constant 1 : i32
    %eq3A_6 = vector.broadcast %eq3A_5 : i32 to vector<16xi32>
    %eq3A_7 = arith.cmpi eq, %iota3A, %eq3A_6 : vector<16xi32>
    %jit3A_8 = arith.constant 1.000000e+00 : f32
    %jit3A_9 = arith.constant 0.000000e+00 : f32
    %broadcast_in_dim3A_10 = vector.broadcast %jit3A_8 : f32 to vector<16xf32>
    %broadcast_in_dim3A_11 = vector.broadcast %jit3A_9 : f32 to vector<16xf32>
    %select_n3A_12 = arith.select %eq3A_7, %broadcast_in_dim3A_10, %broadcast_in_dim3A_11 : vector<16xi1>, vector<16xf32>
    %broadcast_in_dim3A_13 = arith.constant 0.000000e+00 : f32
    %broadcast_in_dim3A_14 = vector.broadcast %broadcast_in_dim3A_13 : f32 to vector<16xf32>
    %scan3A = arith.constant 0 : i32
    %scan3A_15 = arith.constant 128 : i32
    %scan3A_16 = arith.addi %scan3A, %scan3A_15 : i32
    %scan3A_17 = arith.constant 1 : i32
    scf.for %scan3A_68 = %scan3A to %scan3A_16 step %scan3A_17  : i32 {
      %mul3A_69 = arith.constant 1 : i32
      %mul3A_70 = arith.muli %scan3A_68, %mul3A_69 : i32
      %add3A_71 = arith.constant 0 : i32
      %add3A_72 = arith.addi %add3A_71, %mul3A_70 : i32
      %swap3A = arith.index_cast %add3A_72 : i32 to index
      %swap3A_73 = arith.constant 0 : index
      %swap3A_74 = tpu.vector_load %arg7[%swap3A, %swap3A_73] {strides = array<i32>} : memref<128x16xf32, #tpu.memory_space<vmem>>, vector<1x16xf32>,
      %swap3A_75 = vector.shape_cast %swap3A_74 : vector<1x16xf32> to vector<16xf32>
      %swap3A_76 = vector.shape_cast %select_n3A : vector<16xf32> to vector<1x16xf32>
      tpu.vector_store %arg7[%swap3A, %swap3A_73], %swap3A_76 {strides = array<i32>} : memref<128x16xf32, #tpu.memory_space<vmem>>, vector<1x16xf32>,
      %swap3A_77 = arith.index_cast %add3A_72 : i32 to index
      %swap3A_78 = arith.constant 0 : index
      %swap3A_79 = tpu.vector_load %arg8[%swap3A_77, %swap3A_78] {strides = array<i32>} : memref<128x16xf32, #tpu.memory_space<vmem>>, vector<1x16xf32>,
      %swap3A_80 = vector.shape_cast %swap3A_79 : vector<1x16xf32> to vector<16xf32>
      %swap3A_81 = vector.shape_cast %select_n3A_12 : vector<16xf32> to vector<1x16xf32>
      tpu.vector_store %arg8[%swap3A_77, %swap3A_78], %swap3A_81 {strides = array<i32>} : memref<128x16xf32, #tpu.memory_space<vmem>>, vector<1x16xf32>,
    }
    %scan3A_18 = arith.constant 128 : i32
    %scan3A_19 = arith.constant 0 : i32
    %scan3A_20 = arith.constant 640 : i32
    %scan3A_21 = arith.addi %scan3A_19, %scan3A_20 : i32
    %scan3A_22 = arith.constant 1 : i32
    scf.for %scan3A_68 = %scan3A_19 to %scan3A_21 step %scan3A_22  : i32 {
      %mul3A_69 = arith.constant 1 : i32
      %mul3A_70 = arith.muli %scan3A_68, %mul3A_69 : i32
      %add3A_71 = arith.constant 0 : i32
      %add3A_72 = arith.addi %add3A_71, %mul3A_70 : i32
      %swap3A = arith.index_cast %add3A_72 : i32 to index
      %swap3A_73 = arith.constant 0 : index
      %swap3A_74 = tpu.vector_load %arg9[%swap3A, %swap3A_73] {strides = array<i32>} : memref<640x16xf32, #tpu.memory_space<vmem>>, vector<1x16xf32>,
      %swap3A_75 = vector.shape_cast %swap3A_74 : vector<1x16xf32> to vector<16xf32>
      %swap3A_76 = vector.shape_cast %broadcast_in_dim3A_14 : vector<16xf32> to vector<1x16xf32>
      tpu.vector_store %arg9[%swap3A, %swap3A_73], %swap3A_76 {strides = array<i32>} : memref<640x16xf32, #tpu.memory_space<vmem>>, vector<1x16xf32>,
    }
    %scan3A_23 = arith.constant 640 : i32
    %mul3A_24 = arith.constant 640 : i32
    %mul3A_25 = arith.muli %arg1, %mul3A_24 : i32
    "tpu.region"() ({
      %run_scoped3A = tpu.sem_alloc : memref<!tpu.dma_semaphore, #tpu.memory_space<semaphore_mem>>
      %dma_start3A_68 = arith.constant 0 : i32
      %dma_start3A_69 = tpu.memref_slice %arg10[%mul3A_25, %dma_start3A_68] : memref<10240x16xf32, #tpu.memory_space<vmem_shared>> -> memref<640x16xf32, #tpu.memory_space<vmem_shared>>
      %dma_start3A_70 = arith.constant 0 : i32
      %dma_start3A_71 = tpu.memref_slice %arg10[%mul3A_25, %dma_start3A_70] : memref<10240x16xf32, #tpu.memory_space<vmem_shared>> -> memref<640x16xf32, #tpu.memory_space<vmem_shared>>
      tpu.enqueue_dma source(%arg9 : memref<640x16xf32, #tpu.memory_space<vmem>>) target(%dma_start3A_71 : memref<640x16xf32, #tpu.memory_space<vmem_shared>>) target_semaphore(%run_scoped3A : memref<!tpu.dma_semaphore, #tpu.memory_space<semaphore_mem>>)
      %dma_wait3A_72 = arith.constant 0 : i32
      %dma_wait3A_73 = tpu.memref_slice %arg10[%mul3A_25, %dma_wait3A_72] : memref<10240x16xf32, #tpu.memory_space<vmem_shared>> -> memref<640x16xf32, #tpu.memory_space<vmem_shared>>
      %dma_wait3A_74 = arith.constant 0 : i32
      %dma_wait3A_75 = tpu.memref_slice %arg10[%mul3A_25, %dma_wait3A_74] : memref<10240x16xf32, #tpu.memory_space<vmem_shared>> -> memref<640x16xf32, #tpu.memory_space<vmem_shared>>
      tpu.wait_dma2 semaphore(%run_scoped3A : memref<!tpu.dma_semaphore, #tpu.memory_space<semaphore_mem>>) src(%arg9 : memref<640x16xf32, #tpu.memory_space<vmem>>) dst(%dma_wait3A_75 : memref<640x16xf32, #tpu.memory_space<vmem_shared>>)
      tpu.yield
    }) : () -> ()
    %mul3A_26 = arith.constant 79 : i32
    %mul3A_27 = arith.muli %add3A, %mul3A_26 : i32
    "tpu.region"() ({
      %run_scoped3A = tpu.sem_alloc : memref<!tpu.dma_semaphore, #tpu.memory_space<semaphore_mem>>
      %dma_start3A_68 = arith.constant 0 : i32
      %dma_start3A_69 = tpu.memref_slice %arg2[%mul3A_27, %dma_start3A_68] : memref<2528x128xi32, #tpu.memory_space<hbm>> -> memref<79x128xi32, #tpu.memory_space<hbm>>
      %dma_start3A_70 = arith.constant 0 : i32
      %dma_start3A_71 = tpu.memref_slice %arg2[%mul3A_27, %dma_start3A_70] : memref<2528x128xi32, #tpu.memory_space<hbm>> -> memref<79x128xi32, #tpu.memory_space<hbm>>
      tpu.enqueue_dma source(%dma_start3A_71 : memref<79x128xi32, #tpu.memory_space<hbm>>) target(%arg5 : memref<79x128xi32, #tpu.memory_space<vmem>>) target_semaphore(%run_scoped3A : memref<!tpu.dma_semaphore, #tpu.memory_space<semaphore_mem>>)
      %dma_wait3A_72 = arith.constant 0 : i32
      %dma_wait3A_73 = tpu.memref_slice %arg2[%mul3A_27, %dma_wait3A_72] : memref<2528x128xi32, #tpu.memory_space<hbm>> -> memref<79x128xi32, #tpu.memory_space<hbm>>
      %dma_wait3A_74 = arith.constant 0 : i32
      %dma_wait3A_75 = tpu.memref_slice %arg2[%mul3A_27, %dma_wait3A_74] : memref<2528x128xi32, #tpu.memory_space<hbm>> -> memref<79x128xi32, #tpu.memory_space<hbm>>
      tpu.wait_dma2 semaphore(%run_scoped3A : memref<!tpu.dma_semaphore, #tpu.memory_space<semaphore_mem>>) src(%dma_wait3A_75 : memref<79x128xi32, #tpu.memory_space<hbm>>) dst(%arg5 : memref<79x128xi32, #tpu.memory_space<vmem>>)
      tpu.yield
    }) : () -> ()
    "tpu.region"() ({
      %run_scoped3A = tpu.sem_alloc : memref<!tpu.dma_semaphore, #tpu.memory_space<semaphore_mem>>
      %dma_start3A_68 = arith.constant 0 : i32
      %dma_start3A_69 = tpu.memref_slice %arg3[%mul3A_27, %dma_start3A_68] : memref<2528x128xi32, #tpu.memory_space<hbm>> -> memref<79x128xi32, #tpu.memory_space<hbm>>
      %dma_start3A_70 = arith.constant 0 : i32
      %dma_start3A_71 = tpu.memref_slice %arg3[%mul3A_27, %dma_start3A_70] : memref<2528x128xi32, #tpu.memory_space<hbm>> -> memref<79x128xi32, #tpu.memory_space<hbm>>
      tpu.enqueue_dma source(%dma_start3A_71 : memref<79x128xi32, #tpu.memory_space<hbm>>) target(%arg6 : memref<79x128xi32, #tpu.memory_space<vmem>>) target_semaphore(%run_scoped3A : memref<!tpu.dma_semaphore, #tpu.memory_space<semaphore_mem>>)
      %dma_wait3A_72 = arith.constant 0 : i32
      %dma_wait3A_73 = tpu.memref_slice %arg3[%mul3A_27, %dma_wait3A_72] : memref<2528x128xi32, #tpu.memory_space<hbm>> -> memref<79x128xi32, #tpu.memory_space<hbm>>
      %dma_wait3A_74 = arith.constant 0 : i32
      %dma_wait3A_75 = tpu.memref_slice %arg3[%mul3A_27, %dma_wait3A_74] : memref<2528x128xi32, #tpu.memory_space<hbm>> -> memref<79x128xi32, #tpu.memory_space<hbm>>
      tpu.wait_dma2 semaphore(%run_scoped3A : memref<!tpu.dma_semaphore, #tpu.memory_space<semaphore_mem>>) src(%dma_wait3A_75 : memref<79x128xi32, #tpu.memory_space<hbm>>) dst(%arg6 : memref<79x128xi32, #tpu.memory_space<vmem>>)
      tpu.yield
    }) : () -> ()
    %barrier3A = arith.constant 0 : index
    tpu.barrier barrier_id(%barrier3A)
    %dma_start3A = arith.constant 0 : i32
    %dma_start3A_28 = arith.constant 0 : i32
    %dma_start3A_29 = tpu.memref_slice %arg5[%dma_start3A, %dma_start3A_28] : memref<79x128xi32, #tpu.memory_space<vmem>> -> memref<1x128xi32, #tpu.memory_space<vmem>>
    %dma_start3A_30 = tpu.memref_squeeze %dma_start3A_29 : memref<1x128xi32, #tpu.memory_space<vmem>> -> memref<128xi32, #tpu.memory_space<vmem>>
    %dma_start3A_31 = arith.constant 0 : i32
    %dma_start3A_32 = arith.constant 0 : i32
    %dma_start3A_33 = tpu.memref_slice %arg10[%dma_start3A_31, %dma_start3A_32] : memref<10240x16xf32, #tpu.memory_space<vmem_shared>> -> memref<10240x16xf32, #tpu.memory_space<vmem_shared>>
    tpu.enqueue_indirect_dma source(%arg7 : memref<128x16xf32, #tpu.memory_space<vmem>>) target(%dma_start3A_33 : memref<10240x16xf32, #tpu.memory_space<vmem_shared>>) offsets(%dma_start3A_30 : memref<128xi32, #tpu.memory_space<vmem>>) semaphore(%arg11 : memref<!tpu.dma_semaphore, #tpu.memory_space<semaphore_mem>>) {add = true}
    %dma_start3A_34 = arith.constant 0 : i32
    %dma_start3A_35 = arith.constant 0 : i32
    %dma_start3A_36 = tpu.memref_slice %arg6[%dma_start3A_34, %dma_start3A_35] : memref<79x128xi32, #tpu.memory_space<vmem>> -> memref<1x128xi32, #tpu.memory_space<vmem>>
    %dma_start3A_37 = tpu.memref_squeeze %dma_start3A_36 : memref<1x128xi32, #tpu.memory_space<vmem>> -> memref<128xi32, #tpu.memory_space<vmem>>
    %dma_start3A_38 = arith.constant 0 : i32
    %dma_start3A_39 = arith.constant 0 : i32
    %dma_start3A_40 = tpu.memref_slice %arg10[%dma_start3A_38, %dma_start3A_39] : memref<10240x16xf32, #tpu.memory_space<vmem_shared>> -> memref<10240x16xf32, #tpu.memory_space<vmem_shared>>
    tpu.enqueue_indirect_dma source(%arg8 : memref<128x16xf32, #tpu.memory_space<vmem>>) target(%dma_start3A_40 : memref<10240x16xf32, #tpu.memory_space<vmem_shared>>) offsets(%dma_start3A_37 : memref<128xi32, #tpu.memory_space<vmem>>) semaphore(%arg12 : memref<!tpu.dma_semaphore, #tpu.memory_space<semaphore_mem>>) {add = true}
    %scan3A_41 = arith.constant 0 : i32
    %scan3A_42 = arith.constant 78 : i32
    %scan3A_43 = arith.addi %scan3A_41, %scan3A_42 : i32
    %scan3A_44 = arith.constant 1 : i32
    scf.for %scan3A_68 = %scan3A_41 to %scan3A_43 step %scan3A_44  : i32 {
      %mul3A_69 = arith.constant 1 : i32
      %mul3A_70 = arith.muli %scan3A_68, %mul3A_69 : i32
      %add3A_71 = arith.constant 0 : i32
      %add3A_72 = arith.addi %add3A_71, %mul3A_70 : i32
      %add3A_73 = arith.constant 1 : i32
      %add3A_74 = arith.addi %add3A_72, %add3A_73 : i32
      %dma_start3A_75 = arith.constant 0 : i32
      %dma_start3A_76 = tpu.memref_slice %arg5[%add3A_74, %dma_start3A_75] : memref<79x128xi32, #tpu.memory_space<vmem>> -> memref<1x128xi32, #tpu.memory_space<vmem>>
      %dma_start3A_77 = tpu.memref_squeeze %dma_start3A_76 : memref<1x128xi32, #tpu.memory_space<vmem>> -> memref<128xi32, #tpu.memory_space<vmem>>
      %dma_start3A_78 = arith.constant 0 : i32
      %dma_start3A_79 = arith.constant 0 : i32
      %dma_start3A_80 = tpu.memref_slice %arg10[%dma_start3A_78, %dma_start3A_79] : memref<10240x16xf32, #tpu.memory_space<vmem_shared>> -> memref<10240x16xf32, #tpu.memory_space<vmem_shared>>
      tpu.enqueue_indirect_dma source(%arg7 : memref<128x16xf32, #tpu.memory_space<vmem>>) target(%dma_start3A_80 : memref<10240x16xf32, #tpu.memory_space<vmem_shared>>) offsets(%dma_start3A_77 : memref<128xi32, #tpu.memory_space<vmem>>) semaphore(%arg11 : memref<!tpu.dma_semaphore, #tpu.memory_space<semaphore_mem>>) {add = true}
      %add3A_81 = arith.constant 1 : i32
      %add3A_82 = arith.addi %add3A_72, %add3A_81 : i32
      %dma_start3A_83 = arith.constant 0 : i32
      %dma_start3A_84 = tpu.memref_slice %arg6[%add3A_82, %dma_start3A_83] : memref<79x128xi32, #tpu.memory_space<vmem>> -> memref<1x128xi32, #tpu.memory_space<vmem>>
      %dma_start3A_85 = tpu.memref_squeeze %dma_start3A_84 : memref<1x128xi32, #tpu.memory_space<vmem>> -> memref<128xi32, #tpu.memory_space<vmem>>
      %dma_start3A_86 = arith.constant 0 : i32
      %dma_start3A_87 = arith.constant 0 : i32
      %dma_start3A_88 = tpu.memref_slice %arg10[%dma_start3A_86, %dma_start3A_87] : memref<10240x16xf32, #tpu.memory_space<vmem_shared>> -> memref<10240x16xf32, #tpu.memory_space<vmem_shared>>
      tpu.enqueue_indirect_dma source(%arg8 : memref<128x16xf32, #tpu.memory_space<vmem>>) target(%dma_start3A_88 : memref<10240x16xf32, #tpu.memory_space<vmem_shared>>) offsets(%dma_start3A_85 : memref<128xi32, #tpu.memory_space<vmem>>) semaphore(%arg12 : memref<!tpu.dma_semaphore, #tpu.memory_space<semaphore_mem>>) {add = true}
      %dma_wait3A_89 = arith.constant 0 : i32
      %dma_wait3A_90 = tpu.memref_slice %arg5[%add3A_72, %dma_wait3A_89] : memref<79x128xi32, #tpu.memory_space<vmem>> -> memref<1x128xi32, #tpu.memory_space<vmem>>
      %dma_wait3A_91 = tpu.memref_squeeze %dma_wait3A_90 : memref<1x128xi32, #tpu.memory_space<vmem>> -> memref<128xi32, #tpu.memory_space<vmem>>
      %dma_wait3A_92 = arith.constant 0 : i32
      %dma_wait3A_93 = arith.constant 0 : i32
      %dma_wait3A_94 = tpu.memref_slice %arg10[%dma_wait3A_92, %dma_wait3A_93] : memref<10240x16xf32, #tpu.memory_space<vmem_shared>> -> memref<10240x16xf32, #tpu.memory_space<vmem_shared>>
      tpu.wait_indirect_dma semaphore(%arg11 : memref<!tpu.dma_semaphore, #tpu.memory_space<semaphore_mem>>) src(%arg7 : memref<128x16xf32, #tpu.memory_space<vmem>>) dst(%dma_wait3A_94 : memref<10240x16xf32, #tpu.memory_space<vmem_shared>>)
      %dma_wait3A_95 = arith.constant 0 : i32
      %dma_wait3A_96 = tpu.memref_slice %arg6[%add3A_72, %dma_wait3A_95] : memref<79x128xi32, #tpu.memory_space<vmem>> -> memref<1x128xi32, #tpu.memory_space<vmem>>
      %dma_wait3A_97 = tpu.memref_squeeze %dma_wait3A_96 : memref<1x128xi32, #tpu.memory_space<vmem>> -> memref<128xi32, #tpu.memory_space<vmem>>
      %dma_wait3A_98 = arith.constant 0 : i32
      %dma_wait3A_99 = arith.constant 0 : i32
      %dma_wait3A_100 = tpu.memref_slice %arg10[%dma_wait3A_98, %dma_wait3A_99] : memref<10240x16xf32, #tpu.memory_space<vmem_shared>> -> memref<10240x16xf32, #tpu.memory_space<vmem_shared>>
      tpu.wait_indirect_dma semaphore(%arg12 : memref<!tpu.dma_semaphore, #tpu.memory_space<semaphore_mem>>) src(%arg8 : memref<128x16xf32, #tpu.memory_space<vmem>>) dst(%dma_wait3A_100 : memref<10240x16xf32, #tpu.memory_space<vmem_shared>>)
    }
    %scan3A_45 = arith.constant 78 : i32
    %dma_wait3A = arith.constant 78 : i32
    %dma_wait3A_46 = arith.constant 0 : i32
    %dma_wait3A_47 = tpu.memref_slice %arg5[%dma_wait3A, %dma_wait3A_46] : memref<79x128xi32, #tpu.memory_space<vmem>> -> memref<1x128xi32, #tpu.memory_space<vmem>>
    %dma_wait3A_48 = tpu.memref_squeeze %dma_wait3A_47 : memref<1x128xi32, #tpu.memory_space<vmem>> -> memref<128xi32, #tpu.memory_space<vmem>>
    %dma_wait3A_49 = arith.constant 0 : i32
    %dma_wait3A_50 = arith.constant 0 : i32
    %dma_wait3A_51 = tpu.memref_slice %arg10[%dma_wait3A_49, %dma_wait3A_50] : memref<10240x16xf32, #tpu.memory_space<vmem_shared>> -> memref<10240x16xf32, #tpu.memory_space<vmem_shared>>
    tpu.wait_indirect_dma semaphore(%arg11 : memref<!tpu.dma_semaphore, #tpu.memory_space<semaphore_mem>>) src(%arg7 : memref<128x16xf32, #tpu.memory_space<vmem>>) dst(%dma_wait3A_51 : memref<10240x16xf32, #tpu.memory_space<vmem_shared>>)
    %dma_wait3A_52 = arith.constant 78 : i32
    %dma_wait3A_53 = arith.constant 0 : i32
    %dma_wait3A_54 = tpu.memref_slice %arg6[%dma_wait3A_52, %dma_wait3A_53] : memref<79x128xi32, #tpu.memory_space<vmem>> -> memref<1x128xi32, #tpu.memory_space<vmem>>
    %dma_wait3A_55 = tpu.memref_squeeze %dma_wait3A_54 : memref<1x128xi32, #tpu.memory_space<vmem>> -> memref<128xi32, #tpu.memory_space<vmem>>
    %dma_wait3A_56 = arith.constant 0 : i32
    %dma_wait3A_57 = arith.constant 0 : i32
    %dma_wait3A_58 = tpu.memref_slice %arg10[%dma_wait3A_56, %dma_wait3A_57] : memref<10240x16xf32, #tpu.memory_space<vmem_shared>> -> memref<10240x16xf32, #tpu.memory_space<vmem_shared>>
    tpu.wait_indirect_dma semaphore(%arg12 : memref<!tpu.dma_semaphore, #tpu.memory_space<semaphore_mem>>) src(%arg8 : memref<128x16xf32, #tpu.memory_space<vmem>>) dst(%dma_wait3A_58 : memref<10240x16xf32, #tpu.memory_space<vmem_shared>>)
    %barrier3A_59 = arith.constant 0 : index
    tpu.barrier barrier_id(%barrier3A_59)
    %eq3A_60 = arith.constant 0 : i32
    %eq3A_61 = arith.cmpi eq, %arg0, %eq3A_60 : i32
    %convert_element_type3A = arith.extui %eq3A_61 : i1 to i32
    %cond3A = arith.constant 0 : i32
    %cond3A_62 = arith.cmpi ne, %convert_element_type3A, %cond3A : i32
    scf.if %cond3A_62 {
      %run_scoped3A = arith.constant 0 : i32
      "tpu.region"() ({
        %run_scoped3A_68 = tpu.sem_alloc : memref<!tpu.dma_semaphore, #tpu.memory_space<semaphore_mem>>
        %dma_start3A_69 = arith.constant 0 : i32
        %dma_start3A_70 = tpu.memref_slice %arg4[%run_scoped3A, %mul3A_25, %dma_start3A_69] : memref<2x10240x16xf32, #tpu.memory_space<hbm>> -> memref<1x640x16xf32, #tpu.memory_space<hbm>>
        %dma_start3A_71 = tpu.memref_squeeze %dma_start3A_70 : memref<1x640x16xf32, #tpu.memory_space<hbm>> -> memref<640x16xf32, #tpu.memory_space<hbm>>
        %dma_start3A_72 = arith.constant 0 : i32
        %dma_start3A_73 = tpu.memref_slice %arg10[%mul3A_25, %dma_start3A_72] : memref<10240x16xf32, #tpu.memory_space<vmem_shared>> -> memref<640x16xf32, #tpu.memory_space<vmem_shared>>
        tpu.enqueue_dma source(%dma_start3A_73 : memref<640x16xf32, #tpu.memory_space<vmem_shared>>) target(%dma_start3A_71 : memref<640x16xf32, #tpu.memory_space<hbm>>) target_semaphore(%run_scoped3A_68 : memref<!tpu.dma_semaphore, #tpu.memory_space<semaphore_mem>>)
        %dma_wait3A_74 = arith.constant 0 : i32
        %dma_wait3A_75 = tpu.memref_slice %arg4[%run_scoped3A, %mul3A_25, %dma_wait3A_74] : memref<2x10240x16xf32, #tpu.memory_space<hbm>> -> memref<1x640x16xf32, #tpu.memory_space<hbm>>
        %dma_wait3A_76 = tpu.memref_squeeze %dma_wait3A_75 : memref<1x640x16xf32, #tpu.memory_space<hbm>> -> memref<640x16xf32, #tpu.memory_space<hbm>>
        %dma_wait3A_77 = arith.constant 0 : i32
        %dma_wait3A_78 = tpu.memref_slice %arg10[%mul3A_25, %dma_wait3A_77] : memref<10240x16xf32, #tpu.memory_space<vmem_shared>> -> memref<640x16xf32, #tpu.memory_space<vmem_shared>>
        tpu.wait_dma2 semaphore(%run_scoped3A_68 : memref<!tpu.dma_semaphore, #tpu.memory_space<semaphore_mem>>) src(%dma_wait3A_78 : memref<640x16xf32, #tpu.memory_space<vmem_shared>>) dst(%dma_wait3A_76 : memref<640x16xf32, #tpu.memory_space<hbm>>)
        tpu.yield
      }) : () -> ()
    } else {
    }
    %eq3A_63 = arith.constant 1 : i32
    %eq3A_64 = arith.cmpi eq, %arg0, %eq3A_63 : i32
    %convert_element_type3A_65 = arith.extui %eq3A_64 : i1 to i32
    %cond3A_66 = arith.constant 0 : i32
    %cond3A_67 = arith.cmpi ne, %convert_element_type3A_65, %cond3A_66 : i32
    scf.if %cond3A_67 {
      %run_scoped3A = arith.constant 1 : i32
      "tpu.region"() ({
        %run_scoped3A_68 = tpu.sem_alloc : memref<!tpu.dma_semaphore, #tpu.memory_space<semaphore_mem>>
        %dma_start3A_69 = arith.constant 0 : i32
        %dma_start3A_70 = tpu.memref_slice %arg4[%run_scoped3A, %mul3A_25, %dma_start3A_69] : memref<2x10240x16xf32, #tpu.memory_space<hbm>> -> memref<1x640x16xf32, #tpu.memory_space<hbm>>
        %dma_start3A_71 = tpu.memref_squeeze %dma_start3A_70 : memref<1x640x16xf32, #tpu.memory_space<hbm>> -> memref<640x16xf32, #tpu.memory_space<hbm>>
        %dma_start3A_72 = arith.constant 0 : i32
        %dma_start3A_73 = tpu.memref_slice %arg10[%mul3A_25, %dma_start3A_72] : memref<10240x16xf32, #tpu.memory_space<vmem_shared>> -> memref<640x16xf32, #tpu.memory_space<vmem_shared>>
        tpu.enqueue_dma source(%dma_start3A_73 : memref<640x16xf32, #tpu.memory_space<vmem_shared>>) target(%dma_start3A_71 : memref<640x16xf32, #tpu.memory_space<hbm>>) target_semaphore(%run_scoped3A_68 : memref<!tpu.dma_semaphore, #tpu.memory_space<semaphore_mem>>)
        %dma_wait3A_74 = arith.constant 0 : i32
        %dma_wait3A_75 = tpu.memref_slice %arg4[%run_scoped3A, %mul3A_25, %dma_wait3A_74] : memref<2x10240x16xf32, #tpu.memory_space<hbm>> -> memref<1x640x16xf32, #tpu.memory_space<hbm>>
        %dma_wait3A_76 = tpu.memref_squeeze %dma_wait3A_75 : memref<1x640x16xf32, #tpu.memory_space<hbm>> -> memref<640x16xf32, #tpu.memory_space<hbm>>
        %dma_wait3A_77 = arith.constant 0 : i32
        %dma_wait3A_78 = tpu.memref_slice %arg10[%mul3A_25, %dma_wait3A_77] : memref<10240x16xf32, #tpu.memory_space<vmem_shared>> -> memref<640x16xf32, #tpu.memory_space<vmem_shared>>
        tpu.wait_dma2 semaphore(%run_scoped3A_68 : memref<!tpu.dma_semaphore, #tpu.memory_space<semaphore_mem>>) src(%dma_wait3A_78 : memref<640x16xf32, #tpu.memory_space<vmem_shared>>) dst(%dma_wait3A_76 : memref<640x16xf32, #tpu.memory_space<hbm>>)
        tpu.yield
      }) : () -> ()
    } else {
    }
    return
  }
}

#map = affine_map<(d0, d1) -> (0, 0)>
#map1 = affine_map<(d0, d1) -> (0, 0, 0)>
module attributes {stable_mosaic.version = 14 : i64} {
  func.func @agg(%arg0: i32, %arg1: i32, %arg2: memref<10240x128xf32, #tpu.memory_space<hbm>>, %arg3: memref<5056x64xi32, #tpu.memory_space<hbm>>, %arg4: memref<5056x64xi32, #tpu.memory_space<hbm>>, %arg5: memref<2x10240x128xf32, #tpu.memory_space<hbm>>, %arg6: memref<222x64xi32, #tpu.memory_space<vmem>>, %arg7: memref<64xi32, #tpu.memory_space<vmem>>, %arg8: memref<64xi32, #tpu.memory_space<vmem>>, %arg9: memref<64x128xf32, #tpu.memory_space<vmem>>, %arg10: memref<64x128xf32, #tpu.memory_space<vmem>>, %arg11: memref<10240x128xf32, #tpu.memory_space<vmem_shared>>, %arg12: memref<!tpu.dma_semaphore, #tpu.memory_space<semaphore_mem>>, %arg13: memref<!tpu.dma_semaphore, #tpu.memory_space<semaphore_mem>>, %arg14: memref<!tpu.dma_semaphore, #tpu.memory_space<semaphore_mem>>, %arg15: memref<!tpu.dma_semaphore, #tpu.memory_space<semaphore_mem>>) attributes {dimension_semantics = [#tpu.dimension_semantics<core_parallel>, #tpu.dimension_semantics<subcore_parallel>], iteration_bounds = array<i64: 2, 16>, scalar_prefetch = 0 : i64, scratch_operands = 10 : i64, tpu.core_type = #tpu.core_type<sc_vector_subcore>, window_params = [{transform_indices = #map}, {transform_indices = #map}, {transform_indices = #map}, {transform_indices = #map1}]} {
    %broadcast_in_dim3A = arith.constant 0.000000e+00 : f32
    %broadcast_in_dim3A_0 = vector.broadcast %broadcast_in_dim3A : f32 to vector<16xf32>
    %scan3A = arith.constant 0 : i32
    %scan3A_1 = arith.constant 64 : i32
    %scan3A_2 = arith.addi %scan3A, %scan3A_1 : i32
    %scan3A_3 = arith.constant 1 : i32
    scf.for %scan3A_29 = %scan3A to %scan3A_2 step %scan3A_3  : i32 {
      %mul3A_30 = arith.constant 1 : i32
      %mul3A_31 = arith.muli %scan3A_29, %mul3A_30 : i32
      %add3A = arith.constant 0 : i32
      %add3A_32 = arith.addi %add3A, %mul3A_31 : i32
      %scan3A_33 = arith.constant 0 : i32
      %scan3A_34 = arith.constant 8 : i32
      %scan3A_35 = arith.addi %scan3A_33, %scan3A_34 : i32
      %scan3A_36 = arith.constant 1 : i32
      scf.for %scan3A_38 = %scan3A_33 to %scan3A_35 step %scan3A_36  : i32 {
        %mul3A_39 = arith.constant 1 : i32
        %mul3A_40 = arith.muli %scan3A_38, %mul3A_39 : i32
        %add3A_41 = arith.constant 0 : i32
        %add3A_42 = arith.addi %add3A_41, %mul3A_40 : i32
        %mul3A_43 = arith.constant 16 : i32
        %mul3A_44 = arith.muli %add3A_42, %mul3A_43 : i32
        %swap3A = arith.index_cast %add3A_32 : i32 to index
        %swap3A_45 = arith.index_cast %mul3A_44 : i32 to index
        %swap3A_46 = tpu.vector_load %arg9[%swap3A, %swap3A_45] {strides = array<i32>} : memref<64x128xf32, #tpu.memory_space<vmem>>, vector<1x16xf32>,
        %swap3A_47 = vector.shape_cast %swap3A_46 : vector<1x16xf32> to vector<16xf32>
        %swap3A_48 = vector.shape_cast %broadcast_in_dim3A_0 : vector<16xf32> to vector<1x16xf32>
        tpu.vector_store %arg9[%swap3A, %swap3A_45], %swap3A_48 {strides = array<i32>} : memref<64x128xf32, #tpu.memory_space<vmem>>, vector<1x16xf32>,
      }
      %scan3A_37 = arith.constant 8 : i32
    }
    %scan3A_4 = arith.constant 64 : i32
    %mul3A = arith.constant 640 : i32
    %mul3A_5 = arith.muli %arg1, %mul3A : i32
    %scan3A_6 = arith.constant 0 : i32
    %scan3A_7 = arith.constant 10 : i32
    %scan3A_8 = arith.addi %scan3A_6, %scan3A_7 : i32
    %scan3A_9 = arith.constant 1 : i32
    scf.for %scan3A_29 = %scan3A_6 to %scan3A_8 step %scan3A_9  : i32 {
      %mul3A_30 = arith.constant 1 : i32
      %mul3A_31 = arith.muli %scan3A_29, %mul3A_30 : i32
      %add3A = arith.constant 0 : i32
      %add3A_32 = arith.addi %add3A, %mul3A_31 : i32
      %mul3A_33 = arith.constant 64 : i32
      %mul3A_34 = arith.muli %add3A_32, %mul3A_33 : i32
      %add3A_35 = arith.addi %mul3A_5, %mul3A_34 : i32
      "tpu.region"() ({
        %run_scoped3A = tpu.sem_alloc : memref<!tpu.dma_semaphore, #tpu.memory_space<semaphore_mem>>
        %dma_start3A = arith.constant 0 : i32
        %dma_start3A_36 = tpu.memref_slice %arg11[%add3A_35, %dma_start3A] : memref<10240x128xf32, #tpu.memory_space<vmem_shared>> -> memref<64x128xf32, #tpu.memory_space<vmem_shared>>
        %dma_start3A_37 = arith.constant 0 : i32
        %dma_start3A_38 = tpu.memref_slice %arg11[%add3A_35, %dma_start3A_37] : memref<10240x128xf32, #tpu.memory_space<vmem_shared>> -> memref<64x128xf32, #tpu.memory_space<vmem_shared>>
        tpu.enqueue_dma source(%arg9 : memref<64x128xf32, #tpu.memory_space<vmem>>) target(%dma_start3A_38 : memref<64x128xf32, #tpu.memory_space<vmem_shared>>) target_semaphore(%run_scoped3A : memref<!tpu.dma_semaphore, #tpu.memory_space<semaphore_mem>>)
        %dma_wait3A = arith.constant 0 : i32
        %dma_wait3A_39 = tpu.memref_slice %arg11[%add3A_35, %dma_wait3A] : memref<10240x128xf32, #tpu.memory_space<vmem_shared>> -> memref<64x128xf32, #tpu.memory_space<vmem_shared>>
        %dma_wait3A_40 = arith.constant 0 : i32
        %dma_wait3A_41 = tpu.memref_slice %arg11[%add3A_35, %dma_wait3A_40] : memref<10240x128xf32, #tpu.memory_space<vmem_shared>> -> memref<64x128xf32, #tpu.memory_space<vmem_shared>>
        tpu.wait_dma2 semaphore(%run_scoped3A : memref<!tpu.dma_semaphore, #tpu.memory_space<semaphore_mem>>) src(%arg9 : memref<64x128xf32, #tpu.memory_space<vmem>>) dst(%dma_wait3A_41 : memref<64x128xf32, #tpu.memory_space<vmem_shared>>)
        tpu.yield
      }) : () -> ()
    }
    %scan3A_10 = arith.constant 10 : i32
    %barrier3A = arith.constant 0 : index
    tpu.barrier barrier_id(%barrier3A)
    %eq3A = arith.constant 0 : i32
    %eq3A_11 = arith.cmpi eq, %arg0, %eq3A : i32
    %convert_element_type3A = arith.extui %eq3A_11 : i1 to i32
    %cond3A = arith.constant 0 : i32
    %cond3A_12 = arith.cmpi ne, %convert_element_type3A, %cond3A : i32
    scf.if %cond3A_12 {
      %mul3A_29 = arith.constant 222 : i32
      %mul3A_30 = arith.muli %arg1, %mul3A_29 : i32
      "tpu.region"() ({
        %run_scoped3A = tpu.sem_alloc : memref<!tpu.dma_semaphore, #tpu.memory_space<semaphore_mem>>
        %dma_start3A_64 = arith.constant 0 : i32
        %dma_start3A_65 = arith.constant 0 : i32
        %dma_start3A_66 = tpu.memref_slice %arg6[%dma_start3A_64, %dma_start3A_65] : memref<222x64xi32, #tpu.memory_space<vmem>> -> memref<222x64xi32, #tpu.memory_space<vmem>>
        %dma_start3A_67 = arith.constant 0 : i32
        %dma_start3A_68 = tpu.memref_slice %arg3[%mul3A_30, %dma_start3A_67] : memref<5056x64xi32, #tpu.memory_space<hbm>> -> memref<222x64xi32, #tpu.memory_space<hbm>>
        %dma_start3A_69 = arith.constant 0 : i32
        %dma_start3A_70 = arith.constant 0 : i32
        %dma_start3A_71 = tpu.memref_slice %arg6[%dma_start3A_69, %dma_start3A_70] : memref<222x64xi32, #tpu.memory_space<vmem>> -> memref<222x64xi32, #tpu.memory_space<vmem>>
        %dma_start3A_72 = arith.constant 0 : i32
        %dma_start3A_73 = tpu.memref_slice %arg3[%mul3A_30, %dma_start3A_72] : memref<5056x64xi32, #tpu.memory_space<hbm>> -> memref<222x64xi32, #tpu.memory_space<hbm>>
        tpu.enqueue_dma source(%dma_start3A_73 : memref<222x64xi32, #tpu.memory_space<hbm>>) target(%dma_start3A_71 : memref<222x64xi32, #tpu.memory_space<vmem>>) target_semaphore(%run_scoped3A : memref<!tpu.dma_semaphore, #tpu.memory_space<semaphore_mem>>)
        %dma_wait3A = arith.constant 0 : i32
        %dma_wait3A_74 = arith.constant 0 : i32
        %dma_wait3A_75 = tpu.memref_slice %arg6[%dma_wait3A, %dma_wait3A_74] : memref<222x64xi32, #tpu.memory_space<vmem>> -> memref<222x64xi32, #tpu.memory_space<vmem>>
        %dma_wait3A_76 = arith.constant 0 : i32
        %dma_wait3A_77 = tpu.memref_slice %arg3[%mul3A_30, %dma_wait3A_76] : memref<5056x64xi32, #tpu.memory_space<hbm>> -> memref<222x64xi32, #tpu.memory_space<hbm>>
        %dma_wait3A_78 = arith.constant 0 : i32
        %dma_wait3A_79 = arith.constant 0 : i32
        %dma_wait3A_80 = tpu.memref_slice %arg6[%dma_wait3A_78, %dma_wait3A_79] : memref<222x64xi32, #tpu.memory_space<vmem>> -> memref<222x64xi32, #tpu.memory_space<vmem>>
        %dma_wait3A_81 = arith.constant 0 : i32
        %dma_wait3A_82 = tpu.memref_slice %arg3[%mul3A_30, %dma_wait3A_81] : memref<5056x64xi32, #tpu.memory_space<hbm>> -> memref<222x64xi32, #tpu.memory_space<hbm>>
        tpu.wait_dma2 semaphore(%run_scoped3A : memref<!tpu.dma_semaphore, #tpu.memory_space<semaphore_mem>>) src(%dma_wait3A_82 : memref<222x64xi32, #tpu.memory_space<hbm>>) dst(%dma_wait3A_80 : memref<222x64xi32, #tpu.memory_space<vmem>>)
        tpu.yield
      }) : () -> ()
      %add3A = arith.constant 0 : i32
      %add3A_31 = arith.addi %mul3A_30, %add3A : i32
      %dma_start3A = arith.constant 0 : i32
      %dma_start3A_32 = tpu.memref_slice %arg4[%add3A_31, %dma_start3A] : memref<5056x64xi32, #tpu.memory_space<hbm>> -> memref<1x64xi32, #tpu.memory_space<hbm>>
      %dma_start3A_33 = tpu.memref_squeeze %dma_start3A_32 : memref<1x64xi32, #tpu.memory_space<hbm>> -> memref<64xi32, #tpu.memory_space<hbm>>
      %dma_start3A_34 = arith.constant 0 : i32
      %dma_start3A_35 = tpu.memref_slice %arg4[%add3A_31, %dma_start3A_34] : memref<5056x64xi32, #tpu.memory_space<hbm>> -> memref<1x64xi32, #tpu.memory_space<hbm>>
      %dma_start3A_36 = tpu.memref_squeeze %dma_start3A_35 : memref<1x64xi32, #tpu.memory_space<hbm>> -> memref<64xi32, #tpu.memory_space<hbm>>
      tpu.enqueue_dma source(%dma_start3A_36 : memref<64xi32, #tpu.memory_space<hbm>>) target(%arg7 : memref<64xi32, #tpu.memory_space<vmem>>) target_semaphore(%arg14 : memref<!tpu.dma_semaphore, #tpu.memory_space<semaphore_mem>>)
      %dma_start3A_37 = arith.constant 0 : i32
      %dma_start3A_38 = arith.constant 0 : i32
      %dma_start3A_39 = tpu.memref_slice %arg6[%dma_start3A_37, %dma_start3A_38] : memref<222x64xi32, #tpu.memory_space<vmem>> -> memref<1x64xi32, #tpu.memory_space<vmem>>
      %dma_start3A_40 = tpu.memref_squeeze %dma_start3A_39 : memref<1x64xi32, #tpu.memory_space<vmem>> -> memref<64xi32, #tpu.memory_space<vmem>>
      %dma_start3A_41 = arith.constant 0 : i32
      %dma_start3A_42 = arith.constant 0 : i32
      %dma_start3A_43 = tpu.memref_slice %arg2[%dma_start3A_41, %dma_start3A_42] : memref<10240x128xf32, #tpu.memory_space<hbm>> -> memref<10240x128xf32, #tpu.memory_space<hbm>>
      tpu.enqueue_indirect_dma source(%dma_start3A_43 : memref<10240x128xf32, #tpu.memory_space<hbm>>) target(%arg9 : memref<64x128xf32, #tpu.memory_space<vmem>>) offsets(%dma_start3A_40 : memref<64xi32, #tpu.memory_space<vmem>>) semaphore(%arg12 : memref<!tpu.dma_semaphore, #tpu.memory_space<semaphore_mem>>)
      %add3A_44 = arith.constant 1 : i32
      %add3A_45 = arith.addi %mul3A_30, %add3A_44 : i32
      %dma_start3A_46 = arith.constant 0 : i32
      %dma_start3A_47 = tpu.memref_slice %arg4[%add3A_45, %dma_start3A_46] : memref<5056x64xi32, #tpu.memory_space<hbm>> -> memref<1x64xi32, #tpu.memory_space<hbm>>
      %dma_start3A_48 = tpu.memref_squeeze %dma_start3A_47 : memref<1x64xi32, #tpu.memory_space<hbm>> -> memref<64xi32, #tpu.memory_space<hbm>>
      %dma_start3A_49 = arith.constant 0 : i32
      %dma_start3A_50 = tpu.memref_slice %arg4[%add3A_45, %dma_start3A_49] : memref<5056x64xi32, #tpu.memory_space<hbm>> -> memref<1x64xi32, #tpu.memory_space<hbm>>
      %dma_start3A_51 = tpu.memref_squeeze %dma_start3A_50 : memref<1x64xi32, #tpu.memory_space<hbm>> -> memref<64xi32, #tpu.memory_space<hbm>>
      tpu.enqueue_dma source(%dma_start3A_51 : memref<64xi32, #tpu.memory_space<hbm>>) target(%arg8 : memref<64xi32, #tpu.memory_space<vmem>>) target_semaphore(%arg15 : memref<!tpu.dma_semaphore, #tpu.memory_space<semaphore_mem>>)
      %dma_start3A_52 = arith.constant 1 : i32
      %dma_start3A_53 = arith.constant 0 : i32
      %dma_start3A_54 = tpu.memref_slice %arg6[%dma_start3A_52, %dma_start3A_53] : memref<222x64xi32, #tpu.memory_space<vmem>> -> memref<1x64xi32, #tpu.memory_space<vmem>>
      %dma_start3A_55 = tpu.memref_squeeze %dma_start3A_54 : memref<1x64xi32, #tpu.memory_space<vmem>> -> memref<64xi32, #tpu.memory_space<vmem>>
      %dma_start3A_56 = arith.constant 0 : i32
      %dma_start3A_57 = arith.constant 0 : i32
      %dma_start3A_58 = tpu.memref_slice %arg2[%dma_start3A_56, %dma_start3A_57] : memref<10240x128xf32, #tpu.memory_space<hbm>> -> memref<10240x128xf32, #tpu.memory_space<hbm>>
      tpu.enqueue_indirect_dma source(%dma_start3A_58 : memref<10240x128xf32, #tpu.memory_space<hbm>>) target(%arg10 : memref<64x128xf32, #tpu.memory_space<vmem>>) offsets(%dma_start3A_55 : memref<64xi32, #tpu.memory_space<vmem>>) semaphore(%arg13 : memref<!tpu.dma_semaphore, #tpu.memory_space<semaphore_mem>>)
      %scan3A_59 = arith.constant 0 : i32
      %scan3A_60 = arith.constant 111 : i32
      %scan3A_61 = arith.addi %scan3A_59, %scan3A_60 : i32
      %scan3A_62 = arith.constant 1 : i32
      scf.for %scan3A_64 = %scan3A_59 to %scan3A_61 step %scan3A_62  : i32 {
        %mul3A_65 = arith.constant 1 : i32
        %mul3A_66 = arith.muli %scan3A_64, %mul3A_65 : i32
        %add3A_67 = arith.constant 0 : i32
        %add3A_68 = arith.addi %add3A_67, %mul3A_66 : i32
        %mul3A_69 = arith.constant 2 : i32
        %mul3A_70 = arith.muli %mul3A_69, %add3A_68 : i32
        %dma_wait3A = arith.constant 0 : i32
        %dma_wait3A_71 = tpu.memref_slice %arg6[%mul3A_70, %dma_wait3A] : memref<222x64xi32, #tpu.memory_space<vmem>> -> memref<1x64xi32, #tpu.memory_space<vmem>>
        %dma_wait3A_72 = tpu.memref_squeeze %dma_wait3A_71 : memref<1x64xi32, #tpu.memory_space<vmem>> -> memref<64xi32, #tpu.memory_space<vmem>>
        %dma_wait3A_73 = arith.constant 0 : i32
        %dma_wait3A_74 = arith.constant 0 : i32
        %dma_wait3A_75 = tpu.memref_slice %arg2[%dma_wait3A_73, %dma_wait3A_74] : memref<10240x128xf32, #tpu.memory_space<hbm>> -> memref<10240x128xf32, #tpu.memory_space<hbm>>
        tpu.wait_indirect_dma semaphore(%arg12 : memref<!tpu.dma_semaphore, #tpu.memory_space<semaphore_mem>>) src(%dma_wait3A_75 : memref<10240x128xf32, #tpu.memory_space<hbm>>) dst(%arg9 : memref<64x128xf32, #tpu.memory_space<vmem>>)
        %add3A_76 = arith.addi %mul3A_30, %mul3A_70 : i32
        %dma_wait3A_77 = arith.constant 0 : i32
        %dma_wait3A_78 = tpu.memref_slice %arg4[%add3A_76, %dma_wait3A_77] : memref<5056x64xi32, #tpu.memory_space<hbm>> -> memref<1x64xi32, #tpu.memory_space<hbm>>
        %dma_wait3A_79 = tpu.memref_squeeze %dma_wait3A_78 : memref<1x64xi32, #tpu.memory_space<hbm>> -> memref<64xi32, #tpu.memory_space<hbm>>
        %dma_wait3A_80 = arith.constant 0 : i32
        %dma_wait3A_81 = tpu.memref_slice %arg4[%add3A_76, %dma_wait3A_80] : memref<5056x64xi32, #tpu.memory_space<hbm>> -> memref<1x64xi32, #tpu.memory_space<hbm>>
        %dma_wait3A_82 = tpu.memref_squeeze %dma_wait3A_81 : memref<1x64xi32, #tpu.memory_space<hbm>> -> memref<64xi32, #tpu.memory_space<hbm>>
        tpu.wait_dma2 semaphore(%arg14 : memref<!tpu.dma_semaphore, #tpu.memory_space<semaphore_mem>>) src(%dma_wait3A_82 : memref<64xi32, #tpu.memory_space<hbm>>) dst(%arg7 : memref<64xi32, #tpu.memory_space<vmem>>)
        "tpu.region"() ({
          %run_scoped3A = tpu.sem_alloc : memref<!tpu.dma_semaphore, #tpu.memory_space<semaphore_mem>>
          %dma_start3A_113 = arith.constant 0 : i32
          %dma_start3A_114 = arith.constant 0 : i32
          %dma_start3A_115 = tpu.memref_slice %arg11[%dma_start3A_113, %dma_start3A_114] : memref<10240x128xf32, #tpu.memory_space<vmem_shared>> -> memref<10240x128xf32, #tpu.memory_space<vmem_shared>>
          tpu.enqueue_indirect_dma source(%arg9 : memref<64x128xf32, #tpu.memory_space<vmem>>) target(%dma_start3A_115 : memref<10240x128xf32, #tpu.memory_space<vmem_shared>>) offsets(%arg7 : memref<64xi32, #tpu.memory_space<vmem>>) semaphore(%run_scoped3A : memref<!tpu.dma_semaphore, #tpu.memory_space<semaphore_mem>>) {add = true}
          %dma_wait3A_116 = arith.constant 0 : i32
          %dma_wait3A_117 = arith.constant 0 : i32
          %dma_wait3A_118 = tpu.memref_slice %arg11[%dma_wait3A_116, %dma_wait3A_117] : memref<10240x128xf32, #tpu.memory_space<vmem_shared>> -> memref<10240x128xf32, #tpu.memory_space<vmem_shared>>
          tpu.wait_indirect_dma semaphore(%run_scoped3A : memref<!tpu.dma_semaphore, #tpu.memory_space<semaphore_mem>>) src(%arg9 : memref<64x128xf32, #tpu.memory_space<vmem>>) dst(%dma_wait3A_118 : memref<10240x128xf32, #tpu.memory_space<vmem_shared>>)
          tpu.yield
        }) : () -> ()
        %add3A_83 = arith.constant 2 : i32
        %add3A_84 = arith.addi %mul3A_70, %add3A_83 : i32
        %lt3A = arith.constant 222 : i32
        %lt3A_85 = arith.cmpi slt, %add3A_84, %lt3A : i32
        %convert_element_type3A_86 = arith.extui %lt3A_85 : i1 to i32
        %cond3A_87 = arith.constant 0 : i32
        %cond3A_88 = arith.cmpi ne, %convert_element_type3A_86, %cond3A_87 : i32
        scf.if %cond3A_88 {
          %add3A_113 = arith.constant 2 : i32
          %add3A_114 = arith.addi %mul3A_70, %add3A_113 : i32
          %add3A_115 = arith.addi %mul3A_30, %add3A_114 : i32
          %dma_start3A_116 = arith.constant 0 : i32
          %dma_start3A_117 = tpu.memref_slice %arg4[%add3A_115, %dma_start3A_116] : memref<5056x64xi32, #tpu.memory_space<hbm>> -> memref<1x64xi32, #tpu.memory_space<hbm>>
          %dma_start3A_118 = tpu.memref_squeeze %dma_start3A_117 : memref<1x64xi32, #tpu.memory_space<hbm>> -> memref<64xi32, #tpu.memory_space<hbm>>
          %dma_start3A_119 = arith.constant 0 : i32
          %dma_start3A_120 = tpu.memref_slice %arg4[%add3A_115, %dma_start3A_119] : memref<5056x64xi32, #tpu.memory_space<hbm>> -> memref<1x64xi32, #tpu.memory_space<hbm>>
          %dma_start3A_121 = tpu.memref_squeeze %dma_start3A_120 : memref<1x64xi32, #tpu.memory_space<hbm>> -> memref<64xi32, #tpu.memory_space<hbm>>
          tpu.enqueue_dma source(%dma_start3A_121 : memref<64xi32, #tpu.memory_space<hbm>>) target(%arg7 : memref<64xi32, #tpu.memory_space<vmem>>) target_semaphore(%arg14 : memref<!tpu.dma_semaphore, #tpu.memory_space<semaphore_mem>>)
          %add3A_122 = arith.constant 2 : i32
          %add3A_123 = arith.addi %mul3A_70, %add3A_122 : i32
          %dma_start3A_124 = arith.constant 0 : i32
          %dma_start3A_125 = tpu.memref_slice %arg6[%add3A_123, %dma_start3A_124] : memref<222x64xi32, #tpu.memory_space<vmem>> -> memref<1x64xi32, #tpu.memory_space<vmem>>
          %dma_start3A_126 = tpu.memref_squeeze %dma_start3A_125 : memref<1x64xi32, #tpu.memory_space<vmem>> -> memref<64xi32, #tpu.memory_space<vmem>>
          %dma_start3A_127 = arith.constant 0 : i32
          %dma_start3A_128 = arith.constant 0 : i32
          %dma_start3A_129 = tpu.memref_slice %arg2[%dma_start3A_127, %dma_start3A_128] : memref<10240x128xf32, #tpu.memory_space<hbm>> -> memref<10240x128xf32, #tpu.memory_space<hbm>>
          tpu.enqueue_indirect_dma source(%dma_start3A_129 : memref<10240x128xf32, #tpu.memory_space<hbm>>) target(%arg9 : memref<64x128xf32, #tpu.memory_space<vmem>>) offsets(%dma_start3A_126 : memref<64xi32, #tpu.memory_space<vmem>>) semaphore(%arg12 : memref<!tpu.dma_semaphore, #tpu.memory_space<semaphore_mem>>)
        } else {
        }
        %add3A_89 = arith.constant 1 : i32
        %add3A_90 = arith.addi %mul3A_70, %add3A_89 : i32
        %dma_wait3A_91 = arith.constant 0 : i32
        %dma_wait3A_92 = tpu.memref_slice %arg6[%add3A_90, %dma_wait3A_91] : memref<222x64xi32, #tpu.memory_space<vmem>> -> memref<1x64xi32, #tpu.memory_space<vmem>>
        %dma_wait3A_93 = tpu.memref_squeeze %dma_wait3A_92 : memref<1x64xi32, #tpu.memory_space<vmem>> -> memref<64xi32, #tpu.memory_space<vmem>>
        %dma_wait3A_94 = arith.constant 0 : i32
        %dma_wait3A_95 = arith.constant 0 : i32
        %dma_wait3A_96 = tpu.memref_slice %arg2[%dma_wait3A_94, %dma_wait3A_95] : memref<10240x128xf32, #tpu.memory_space<hbm>> -> memref<10240x128xf32, #tpu.memory_space<hbm>>
        tpu.wait_indirect_dma semaphore(%arg13 : memref<!tpu.dma_semaphore, #tpu.memory_space<semaphore_mem>>) src(%dma_wait3A_96 : memref<10240x128xf32, #tpu.memory_space<hbm>>) dst(%arg10 : memref<64x128xf32, #tpu.memory_space<vmem>>)
        %add3A_97 = arith.constant 1 : i32
        %add3A_98 = arith.addi %mul3A_70, %add3A_97 : i32
        %add3A_99 = arith.addi %mul3A_30, %add3A_98 : i32
        %dma_wait3A_100 = arith.constant 0 : i32
        %dma_wait3A_101 = tpu.memref_slice %arg4[%add3A_99, %dma_wait3A_100] : memref<5056x64xi32, #tpu.memory_space<hbm>> -> memref<1x64xi32, #tpu.memory_space<hbm>>
        %dma_wait3A_102 = tpu.memref_squeeze %dma_wait3A_101 : memref<1x64xi32, #tpu.memory_space<hbm>> -> memref<64xi32, #tpu.memory_space<hbm>>
        %dma_wait3A_103 = arith.constant 0 : i32
        %dma_wait3A_104 = tpu.memref_slice %arg4[%add3A_99, %dma_wait3A_103] : memref<5056x64xi32, #tpu.memory_space<hbm>> -> memref<1x64xi32, #tpu.memory_space<hbm>>
        %dma_wait3A_105 = tpu.memref_squeeze %dma_wait3A_104 : memref<1x64xi32, #tpu.memory_space<hbm>> -> memref<64xi32, #tpu.memory_space<hbm>>
        tpu.wait_dma2 semaphore(%arg15 : memref<!tpu.dma_semaphore, #tpu.memory_space<semaphore_mem>>) src(%dma_wait3A_105 : memref<64xi32, #tpu.memory_space<hbm>>) dst(%arg8 : memref<64xi32, #tpu.memory_space<vmem>>)
        "tpu.region"() ({
          %run_scoped3A = tpu.sem_alloc : memref<!tpu.dma_semaphore, #tpu.memory_space<semaphore_mem>>
          %dma_start3A_113 = arith.constant 0 : i32
          %dma_start3A_114 = arith.constant 0 : i32
          %dma_start3A_115 = tpu.memref_slice %arg11[%dma_start3A_113, %dma_start3A_114] : memref<10240x128xf32, #tpu.memory_space<vmem_shared>> -> memref<10240x128xf32, #tpu.memory_space<vmem_shared>>
          tpu.enqueue_indirect_dma source(%arg10 : memref<64x128xf32, #tpu.memory_space<vmem>>) target(%dma_start3A_115 : memref<10240x128xf32, #tpu.memory_space<vmem_shared>>) offsets(%arg8 : memref<64xi32, #tpu.memory_space<vmem>>) semaphore(%run_scoped3A : memref<!tpu.dma_semaphore, #tpu.memory_space<semaphore_mem>>) {add = true}
          %dma_wait3A_116 = arith.constant 0 : i32
          %dma_wait3A_117 = arith.constant 0 : i32
          %dma_wait3A_118 = tpu.memref_slice %arg11[%dma_wait3A_116, %dma_wait3A_117] : memref<10240x128xf32, #tpu.memory_space<vmem_shared>> -> memref<10240x128xf32, #tpu.memory_space<vmem_shared>>
          tpu.wait_indirect_dma semaphore(%run_scoped3A : memref<!tpu.dma_semaphore, #tpu.memory_space<semaphore_mem>>) src(%arg10 : memref<64x128xf32, #tpu.memory_space<vmem>>) dst(%dma_wait3A_118 : memref<10240x128xf32, #tpu.memory_space<vmem_shared>>)
          tpu.yield
        }) : () -> ()
        %add3A_106 = arith.constant 3 : i32
        %add3A_107 = arith.addi %mul3A_70, %add3A_106 : i32
        %lt3A_108 = arith.constant 222 : i32
        %lt3A_109 = arith.cmpi slt, %add3A_107, %lt3A_108 : i32
        %convert_element_type3A_110 = arith.extui %lt3A_109 : i1 to i32
        %cond3A_111 = arith.constant 0 : i32
        %cond3A_112 = arith.cmpi ne, %convert_element_type3A_110, %cond3A_111 : i32
        scf.if %cond3A_112 {
          %add3A_113 = arith.constant 3 : i32
          %add3A_114 = arith.addi %mul3A_70, %add3A_113 : i32
          %add3A_115 = arith.addi %mul3A_30, %add3A_114 : i32
          %dma_start3A_116 = arith.constant 0 : i32
          %dma_start3A_117 = tpu.memref_slice %arg4[%add3A_115, %dma_start3A_116] : memref<5056x64xi32, #tpu.memory_space<hbm>> -> memref<1x64xi32, #tpu.memory_space<hbm>>
          %dma_start3A_118 = tpu.memref_squeeze %dma_start3A_117 : memref<1x64xi32, #tpu.memory_space<hbm>> -> memref<64xi32, #tpu.memory_space<hbm>>
          %dma_start3A_119 = arith.constant 0 : i32
          %dma_start3A_120 = tpu.memref_slice %arg4[%add3A_115, %dma_start3A_119] : memref<5056x64xi32, #tpu.memory_space<hbm>> -> memref<1x64xi32, #tpu.memory_space<hbm>>
          %dma_start3A_121 = tpu.memref_squeeze %dma_start3A_120 : memref<1x64xi32, #tpu.memory_space<hbm>> -> memref<64xi32, #tpu.memory_space<hbm>>
          tpu.enqueue_dma source(%dma_start3A_121 : memref<64xi32, #tpu.memory_space<hbm>>) target(%arg8 : memref<64xi32, #tpu.memory_space<vmem>>) target_semaphore(%arg15 : memref<!tpu.dma_semaphore, #tpu.memory_space<semaphore_mem>>)
          %add3A_122 = arith.constant 3 : i32
          %add3A_123 = arith.addi %mul3A_70, %add3A_122 : i32
          %dma_start3A_124 = arith.constant 0 : i32
          %dma_start3A_125 = tpu.memref_slice %arg6[%add3A_123, %dma_start3A_124] : memref<222x64xi32, #tpu.memory_space<vmem>> -> memref<1x64xi32, #tpu.memory_space<vmem>>
          %dma_start3A_126 = tpu.memref_squeeze %dma_start3A_125 : memref<1x64xi32, #tpu.memory_space<vmem>> -> memref<64xi32, #tpu.memory_space<vmem>>
          %dma_start3A_127 = arith.constant 0 : i32
          %dma_start3A_128 = arith.constant 0 : i32
          %dma_start3A_129 = tpu.memref_slice %arg2[%dma_start3A_127, %dma_start3A_128] : memref<10240x128xf32, #tpu.memory_space<hbm>> -> memref<10240x128xf32, #tpu.memory_space<hbm>>
          tpu.enqueue_indirect_dma source(%dma_start3A_129 : memref<10240x128xf32, #tpu.memory_space<hbm>>) target(%arg10 : memref<64x128xf32, #tpu.memory_space<vmem>>) offsets(%dma_start3A_126 : memref<64xi32, #tpu.memory_space<vmem>>) semaphore(%arg13 : memref<!tpu.dma_semaphore, #tpu.memory_space<semaphore_mem>>)
        } else {
        }
      }
      %scan3A_63 = arith.constant 111 : i32
    } else {
    }
    %eq3A_13 = arith.constant 1 : i32
    %eq3A_14 = arith.cmpi eq, %arg0, %eq3A_13 : i32
    %convert_element_type3A_15 = arith.extui %eq3A_14 : i1 to i32
    %cond3A_16 = arith.constant 0 : i32
    %cond3A_17 = arith.cmpi ne, %convert_element_type3A_15, %cond3A_16 : i32
    scf.if %cond3A_17 {
      %mul3A_29 = arith.constant 94 : i32
      %mul3A_30 = arith.muli %arg1, %mul3A_29 : i32
      %add3A = arith.constant 3552 : i32
      %add3A_31 = arith.addi %add3A, %mul3A_30 : i32
      "tpu.region"() ({
        %run_scoped3A = tpu.sem_alloc : memref<!tpu.dma_semaphore, #tpu.memory_space<semaphore_mem>>
        %dma_start3A_66 = arith.constant 0 : i32
        %dma_start3A_67 = arith.constant 0 : i32
        %dma_start3A_68 = tpu.memref_slice %arg6[%dma_start3A_66, %dma_start3A_67] : memref<222x64xi32, #tpu.memory_space<vmem>> -> memref<94x64xi32, #tpu.memory_space<vmem>>
        %dma_start3A_69 = arith.constant 0 : i32
        %dma_start3A_70 = tpu.memref_slice %arg3[%add3A_31, %dma_start3A_69] : memref<5056x64xi32, #tpu.memory_space<hbm>> -> memref<94x64xi32, #tpu.memory_space<hbm>>
        %dma_start3A_71 = arith.constant 0 : i32
        %dma_start3A_72 = arith.constant 0 : i32
        %dma_start3A_73 = tpu.memref_slice %arg6[%dma_start3A_71, %dma_start3A_72] : memref<222x64xi32, #tpu.memory_space<vmem>> -> memref<94x64xi32, #tpu.memory_space<vmem>>
        %dma_start3A_74 = arith.constant 0 : i32
        %dma_start3A_75 = tpu.memref_slice %arg3[%add3A_31, %dma_start3A_74] : memref<5056x64xi32, #tpu.memory_space<hbm>> -> memref<94x64xi32, #tpu.memory_space<hbm>>
        tpu.enqueue_dma source(%dma_start3A_75 : memref<94x64xi32, #tpu.memory_space<hbm>>) target(%dma_start3A_73 : memref<94x64xi32, #tpu.memory_space<vmem>>) target_semaphore(%run_scoped3A : memref<!tpu.dma_semaphore, #tpu.memory_space<semaphore_mem>>)
        %dma_wait3A = arith.constant 0 : i32
        %dma_wait3A_76 = arith.constant 0 : i32
        %dma_wait3A_77 = tpu.memref_slice %arg6[%dma_wait3A, %dma_wait3A_76] : memref<222x64xi32, #tpu.memory_space<vmem>> -> memref<94x64xi32, #tpu.memory_space<vmem>>
        %dma_wait3A_78 = arith.constant 0 : i32
        %dma_wait3A_79 = tpu.memref_slice %arg3[%add3A_31, %dma_wait3A_78] : memref<5056x64xi32, #tpu.memory_space<hbm>> -> memref<94x64xi32, #tpu.memory_space<hbm>>
        %dma_wait3A_80 = arith.constant 0 : i32
        %dma_wait3A_81 = arith.constant 0 : i32
        %dma_wait3A_82 = tpu.memref_slice %arg6[%dma_wait3A_80, %dma_wait3A_81] : memref<222x64xi32, #tpu.memory_space<vmem>> -> memref<94x64xi32, #tpu.memory_space<vmem>>
        %dma_wait3A_83 = arith.constant 0 : i32
        %dma_wait3A_84 = tpu.memref_slice %arg3[%add3A_31, %dma_wait3A_83] : memref<5056x64xi32, #tpu.memory_space<hbm>> -> memref<94x64xi32, #tpu.memory_space<hbm>>
        tpu.wait_dma2 semaphore(%run_scoped3A : memref<!tpu.dma_semaphore, #tpu.memory_space<semaphore_mem>>) src(%dma_wait3A_84 : memref<94x64xi32, #tpu.memory_space<hbm>>) dst(%dma_wait3A_82 : memref<94x64xi32, #tpu.memory_space<vmem>>)
        tpu.yield
      }) : () -> ()
      %add3A_32 = arith.constant 0 : i32
      %add3A_33 = arith.addi %add3A_31, %add3A_32 : i32
      %dma_start3A = arith.constant 0 : i32
      %dma_start3A_34 = tpu.memref_slice %arg4[%add3A_33, %dma_start3A] : memref<5056x64xi32, #tpu.memory_space<hbm>> -> memref<1x64xi32, #tpu.memory_space<hbm>>
      %dma_start3A_35 = tpu.memref_squeeze %dma_start3A_34 : memref<1x64xi32, #tpu.memory_space<hbm>> -> memref<64xi32, #tpu.memory_space<hbm>>
      %dma_start3A_36 = arith.constant 0 : i32
      %dma_start3A_37 = tpu.memref_slice %arg4[%add3A_33, %dma_start3A_36] : memref<5056x64xi32, #tpu.memory_space<hbm>> -> memref<1x64xi32, #tpu.memory_space<hbm>>
      %dma_start3A_38 = tpu.memref_squeeze %dma_start3A_37 : memref<1x64xi32, #tpu.memory_space<hbm>> -> memref<64xi32, #tpu.memory_space<hbm>>
      tpu.enqueue_dma source(%dma_start3A_38 : memref<64xi32, #tpu.memory_space<hbm>>) target(%arg7 : memref<64xi32, #tpu.memory_space<vmem>>) target_semaphore(%arg14 : memref<!tpu.dma_semaphore, #tpu.memory_space<semaphore_mem>>)
      %dma_start3A_39 = arith.constant 0 : i32
      %dma_start3A_40 = arith.constant 0 : i32
      %dma_start3A_41 = tpu.memref_slice %arg6[%dma_start3A_39, %dma_start3A_40] : memref<222x64xi32, #tpu.memory_space<vmem>> -> memref<1x64xi32, #tpu.memory_space<vmem>>
      %dma_start3A_42 = tpu.memref_squeeze %dma_start3A_41 : memref<1x64xi32, #tpu.memory_space<vmem>> -> memref<64xi32, #tpu.memory_space<vmem>>
      %dma_start3A_43 = arith.constant 0 : i32
      %dma_start3A_44 = arith.constant 0 : i32
      %dma_start3A_45 = tpu.memref_slice %arg2[%dma_start3A_43, %dma_start3A_44] : memref<10240x128xf32, #tpu.memory_space<hbm>> -> memref<10240x128xf32, #tpu.memory_space<hbm>>
      tpu.enqueue_indirect_dma source(%dma_start3A_45 : memref<10240x128xf32, #tpu.memory_space<hbm>>) target(%arg9 : memref<64x128xf32, #tpu.memory_space<vmem>>) offsets(%dma_start3A_42 : memref<64xi32, #tpu.memory_space<vmem>>) semaphore(%arg12 : memref<!tpu.dma_semaphore, #tpu.memory_space<semaphore_mem>>)
      %add3A_46 = arith.constant 1 : i32
      %add3A_47 = arith.addi %add3A_31, %add3A_46 : i32
      %dma_start3A_48 = arith.constant 0 : i32
      %dma_start3A_49 = tpu.memref_slice %arg4[%add3A_47, %dma_start3A_48] : memref<5056x64xi32, #tpu.memory_space<hbm>> -> memref<1x64xi32, #tpu.memory_space<hbm>>
      %dma_start3A_50 = tpu.memref_squeeze %dma_start3A_49 : memref<1x64xi32, #tpu.memory_space<hbm>> -> memref<64xi32, #tpu.memory_space<hbm>>
      %dma_start3A_51 = arith.constant 0 : i32
      %dma_start3A_52 = tpu.memref_slice %arg4[%add3A_47, %dma_start3A_51] : memref<5056x64xi32, #tpu.memory_space<hbm>> -> memref<1x64xi32, #tpu.memory_space<hbm>>
      %dma_start3A_53 = tpu.memref_squeeze %dma_start3A_52 : memref<1x64xi32, #tpu.memory_space<hbm>> -> memref<64xi32, #tpu.memory_space<hbm>>
      tpu.enqueue_dma source(%dma_start3A_53 : memref<64xi32, #tpu.memory_space<hbm>>) target(%arg8 : memref<64xi32, #tpu.memory_space<vmem>>) target_semaphore(%arg15 : memref<!tpu.dma_semaphore, #tpu.memory_space<semaphore_mem>>)
      %dma_start3A_54 = arith.constant 1 : i32
      %dma_start3A_55 = arith.constant 0 : i32
      %dma_start3A_56 = tpu.memref_slice %arg6[%dma_start3A_54, %dma_start3A_55] : memref<222x64xi32, #tpu.memory_space<vmem>> -> memref<1x64xi32, #tpu.memory_space<vmem>>
      %dma_start3A_57 = tpu.memref_squeeze %dma_start3A_56 : memref<1x64xi32, #tpu.memory_space<vmem>> -> memref<64xi32, #tpu.memory_space<vmem>>
      %dma_start3A_58 = arith.constant 0 : i32
      %dma_start3A_59 = arith.constant 0 : i32
      %dma_start3A_60 = tpu.memref_slice %arg2[%dma_start3A_58, %dma_start3A_59] : memref<10240x128xf32, #tpu.memory_space<hbm>> -> memref<10240x128xf32, #tpu.memory_space<hbm>>
      tpu.enqueue_indirect_dma source(%dma_start3A_60 : memref<10240x128xf32, #tpu.memory_space<hbm>>) target(%arg10 : memref<64x128xf32, #tpu.memory_space<vmem>>) offsets(%dma_start3A_57 : memref<64xi32, #tpu.memory_space<vmem>>) semaphore(%arg13 : memref<!tpu.dma_semaphore, #tpu.memory_space<semaphore_mem>>)
      %scan3A_61 = arith.constant 0 : i32
      %scan3A_62 = arith.constant 47 : i32
      %scan3A_63 = arith.addi %scan3A_61, %scan3A_62 : i32
      %scan3A_64 = arith.constant 1 : i32
      scf.for %scan3A_66 = %scan3A_61 to %scan3A_63 step %scan3A_64  : i32 {
        %mul3A_67 = arith.constant 1 : i32
        %mul3A_68 = arith.muli %scan3A_66, %mul3A_67 : i32
        %add3A_69 = arith.constant 0 : i32
        %add3A_70 = arith.addi %add3A_69, %mul3A_68 : i32
        %mul3A_71 = arith.constant 2 : i32
        %mul3A_72 = arith.muli %mul3A_71, %add3A_70 : i32
        %dma_wait3A = arith.constant 0 : i32
        %dma_wait3A_73 = tpu.memref_slice %arg6[%mul3A_72, %dma_wait3A] : memref<222x64xi32, #tpu.memory_space<vmem>> -> memref<1x64xi32, #tpu.memory_space<vmem>>
        %dma_wait3A_74 = tpu.memref_squeeze %dma_wait3A_73 : memref<1x64xi32, #tpu.memory_space<vmem>> -> memref<64xi32, #tpu.memory_space<vmem>>
        %dma_wait3A_75 = arith.constant 0 : i32
        %dma_wait3A_76 = arith.constant 0 : i32
        %dma_wait3A_77 = tpu.memref_slice %arg2[%dma_wait3A_75, %dma_wait3A_76] : memref<10240x128xf32, #tpu.memory_space<hbm>> -> memref<10240x128xf32, #tpu.memory_space<hbm>>
        tpu.wait_indirect_dma semaphore(%arg12 : memref<!tpu.dma_semaphore, #tpu.memory_space<semaphore_mem>>) src(%dma_wait3A_77 : memref<10240x128xf32, #tpu.memory_space<hbm>>) dst(%arg9 : memref<64x128xf32, #tpu.memory_space<vmem>>)
        %add3A_78 = arith.addi %add3A_31, %mul3A_72 : i32
        %dma_wait3A_79 = arith.constant 0 : i32
        %dma_wait3A_80 = tpu.memref_slice %arg4[%add3A_78, %dma_wait3A_79] : memref<5056x64xi32, #tpu.memory_space<hbm>> -> memref<1x64xi32, #tpu.memory_space<hbm>>
        %dma_wait3A_81 = tpu.memref_squeeze %dma_wait3A_80 : memref<1x64xi32, #tpu.memory_space<hbm>> -> memref<64xi32, #tpu.memory_space<hbm>>
        %dma_wait3A_82 = arith.constant 0 : i32
        %dma_wait3A_83 = tpu.memref_slice %arg4[%add3A_78, %dma_wait3A_82] : memref<5056x64xi32, #tpu.memory_space<hbm>> -> memref<1x64xi32, #tpu.memory_space<hbm>>
        %dma_wait3A_84 = tpu.memref_squeeze %dma_wait3A_83 : memref<1x64xi32, #tpu.memory_space<hbm>> -> memref<64xi32, #tpu.memory_space<hbm>>
        tpu.wait_dma2 semaphore(%arg14 : memref<!tpu.dma_semaphore, #tpu.memory_space<semaphore_mem>>) src(%dma_wait3A_84 : memref<64xi32, #tpu.memory_space<hbm>>) dst(%arg7 : memref<64xi32, #tpu.memory_space<vmem>>)
        "tpu.region"() ({
          %run_scoped3A = tpu.sem_alloc : memref<!tpu.dma_semaphore, #tpu.memory_space<semaphore_mem>>
          %dma_start3A_115 = arith.constant 0 : i32
          %dma_start3A_116 = arith.constant 0 : i32
          %dma_start3A_117 = tpu.memref_slice %arg11[%dma_start3A_115, %dma_start3A_116] : memref<10240x128xf32, #tpu.memory_space<vmem_shared>> -> memref<10240x128xf32, #tpu.memory_space<vmem_shared>>
          tpu.enqueue_indirect_dma source(%arg9 : memref<64x128xf32, #tpu.memory_space<vmem>>) target(%dma_start3A_117 : memref<10240x128xf32, #tpu.memory_space<vmem_shared>>) offsets(%arg7 : memref<64xi32, #tpu.memory_space<vmem>>) semaphore(%run_scoped3A : memref<!tpu.dma_semaphore, #tpu.memory_space<semaphore_mem>>) {add = true}
          %dma_wait3A_118 = arith.constant 0 : i32
          %dma_wait3A_119 = arith.constant 0 : i32
          %dma_wait3A_120 = tpu.memref_slice %arg11[%dma_wait3A_118, %dma_wait3A_119] : memref<10240x128xf32, #tpu.memory_space<vmem_shared>> -> memref<10240x128xf32, #tpu.memory_space<vmem_shared>>
          tpu.wait_indirect_dma semaphore(%run_scoped3A : memref<!tpu.dma_semaphore, #tpu.memory_space<semaphore_mem>>) src(%arg9 : memref<64x128xf32, #tpu.memory_space<vmem>>) dst(%dma_wait3A_120 : memref<10240x128xf32, #tpu.memory_space<vmem_shared>>)
          tpu.yield
        }) : () -> ()
        %add3A_85 = arith.constant 2 : i32
        %add3A_86 = arith.addi %mul3A_72, %add3A_85 : i32
        %lt3A = arith.constant 94 : i32
        %lt3A_87 = arith.cmpi slt, %add3A_86, %lt3A : i32
        %convert_element_type3A_88 = arith.extui %lt3A_87 : i1 to i32
        %cond3A_89 = arith.constant 0 : i32
        %cond3A_90 = arith.cmpi ne, %convert_element_type3A_88, %cond3A_89 : i32
        scf.if %cond3A_90 {
          %add3A_115 = arith.constant 2 : i32
          %add3A_116 = arith.addi %mul3A_72, %add3A_115 : i32
          %add3A_117 = arith.addi %add3A_31, %add3A_116 : i32
          %dma_start3A_118 = arith.constant 0 : i32
          %dma_start3A_119 = tpu.memref_slice %arg4[%add3A_117, %dma_start3A_118] : memref<5056x64xi32, #tpu.memory_space<hbm>> -> memref<1x64xi32, #tpu.memory_space<hbm>>
          %dma_start3A_120 = tpu.memref_squeeze %dma_start3A_119 : memref<1x64xi32, #tpu.memory_space<hbm>> -> memref<64xi32, #tpu.memory_space<hbm>>
          %dma_start3A_121 = arith.constant 0 : i32
          %dma_start3A_122 = tpu.memref_slice %arg4[%add3A_117, %dma_start3A_121] : memref<5056x64xi32, #tpu.memory_space<hbm>> -> memref<1x64xi32, #tpu.memory_space<hbm>>
          %dma_start3A_123 = tpu.memref_squeeze %dma_start3A_122 : memref<1x64xi32, #tpu.memory_space<hbm>> -> memref<64xi32, #tpu.memory_space<hbm>>
          tpu.enqueue_dma source(%dma_start3A_123 : memref<64xi32, #tpu.memory_space<hbm>>) target(%arg7 : memref<64xi32, #tpu.memory_space<vmem>>) target_semaphore(%arg14 : memref<!tpu.dma_semaphore, #tpu.memory_space<semaphore_mem>>)
          %add3A_124 = arith.constant 2 : i32
          %add3A_125 = arith.addi %mul3A_72, %add3A_124 : i32
          %dma_start3A_126 = arith.constant 0 : i32
          %dma_start3A_127 = tpu.memref_slice %arg6[%add3A_125, %dma_start3A_126] : memref<222x64xi32, #tpu.memory_space<vmem>> -> memref<1x64xi32, #tpu.memory_space<vmem>>
          %dma_start3A_128 = tpu.memref_squeeze %dma_start3A_127 : memref<1x64xi32, #tpu.memory_space<vmem>> -> memref<64xi32, #tpu.memory_space<vmem>>
          %dma_start3A_129 = arith.constant 0 : i32
          %dma_start3A_130 = arith.constant 0 : i32
          %dma_start3A_131 = tpu.memref_slice %arg2[%dma_start3A_129, %dma_start3A_130] : memref<10240x128xf32, #tpu.memory_space<hbm>> -> memref<10240x128xf32, #tpu.memory_space<hbm>>
          tpu.enqueue_indirect_dma source(%dma_start3A_131 : memref<10240x128xf32, #tpu.memory_space<hbm>>) target(%arg9 : memref<64x128xf32, #tpu.memory_space<vmem>>) offsets(%dma_start3A_128 : memref<64xi32, #tpu.memory_space<vmem>>) semaphore(%arg12 : memref<!tpu.dma_semaphore, #tpu.memory_space<semaphore_mem>>)
        } else {
        }
        %add3A_91 = arith.constant 1 : i32
        %add3A_92 = arith.addi %mul3A_72, %add3A_91 : i32
        %dma_wait3A_93 = arith.constant 0 : i32
        %dma_wait3A_94 = tpu.memref_slice %arg6[%add3A_92, %dma_wait3A_93] : memref<222x64xi32, #tpu.memory_space<vmem>> -> memref<1x64xi32, #tpu.memory_space<vmem>>
        %dma_wait3A_95 = tpu.memref_squeeze %dma_wait3A_94 : memref<1x64xi32, #tpu.memory_space<vmem>> -> memref<64xi32, #tpu.memory_space<vmem>>
        %dma_wait3A_96 = arith.constant 0 : i32
        %dma_wait3A_97 = arith.constant 0 : i32
        %dma_wait3A_98 = tpu.memref_slice %arg2[%dma_wait3A_96, %dma_wait3A_97] : memref<10240x128xf32, #tpu.memory_space<hbm>> -> memref<10240x128xf32, #tpu.memory_space<hbm>>
        tpu.wait_indirect_dma semaphore(%arg13 : memref<!tpu.dma_semaphore, #tpu.memory_space<semaphore_mem>>) src(%dma_wait3A_98 : memref<10240x128xf32, #tpu.memory_space<hbm>>) dst(%arg10 : memref<64x128xf32, #tpu.memory_space<vmem>>)
        %add3A_99 = arith.constant 1 : i32
        %add3A_100 = arith.addi %mul3A_72, %add3A_99 : i32
        %add3A_101 = arith.addi %add3A_31, %add3A_100 : i32
        %dma_wait3A_102 = arith.constant 0 : i32
        %dma_wait3A_103 = tpu.memref_slice %arg4[%add3A_101, %dma_wait3A_102] : memref<5056x64xi32, #tpu.memory_space<hbm>> -> memref<1x64xi32, #tpu.memory_space<hbm>>
        %dma_wait3A_104 = tpu.memref_squeeze %dma_wait3A_103 : memref<1x64xi32, #tpu.memory_space<hbm>> -> memref<64xi32, #tpu.memory_space<hbm>>
        %dma_wait3A_105 = arith.constant 0 : i32
        %dma_wait3A_106 = tpu.memref_slice %arg4[%add3A_101, %dma_wait3A_105] : memref<5056x64xi32, #tpu.memory_space<hbm>> -> memref<1x64xi32, #tpu.memory_space<hbm>>
        %dma_wait3A_107 = tpu.memref_squeeze %dma_wait3A_106 : memref<1x64xi32, #tpu.memory_space<hbm>> -> memref<64xi32, #tpu.memory_space<hbm>>
        tpu.wait_dma2 semaphore(%arg15 : memref<!tpu.dma_semaphore, #tpu.memory_space<semaphore_mem>>) src(%dma_wait3A_107 : memref<64xi32, #tpu.memory_space<hbm>>) dst(%arg8 : memref<64xi32, #tpu.memory_space<vmem>>)
        "tpu.region"() ({
          %run_scoped3A = tpu.sem_alloc : memref<!tpu.dma_semaphore, #tpu.memory_space<semaphore_mem>>
          %dma_start3A_115 = arith.constant 0 : i32
          %dma_start3A_116 = arith.constant 0 : i32
          %dma_start3A_117 = tpu.memref_slice %arg11[%dma_start3A_115, %dma_start3A_116] : memref<10240x128xf32, #tpu.memory_space<vmem_shared>> -> memref<10240x128xf32, #tpu.memory_space<vmem_shared>>
          tpu.enqueue_indirect_dma source(%arg10 : memref<64x128xf32, #tpu.memory_space<vmem>>) target(%dma_start3A_117 : memref<10240x128xf32, #tpu.memory_space<vmem_shared>>) offsets(%arg8 : memref<64xi32, #tpu.memory_space<vmem>>) semaphore(%run_scoped3A : memref<!tpu.dma_semaphore, #tpu.memory_space<semaphore_mem>>) {add = true}
          %dma_wait3A_118 = arith.constant 0 : i32
          %dma_wait3A_119 = arith.constant 0 : i32
          %dma_wait3A_120 = tpu.memref_slice %arg11[%dma_wait3A_118, %dma_wait3A_119] : memref<10240x128xf32, #tpu.memory_space<vmem_shared>> -> memref<10240x128xf32, #tpu.memory_space<vmem_shared>>
          tpu.wait_indirect_dma semaphore(%run_scoped3A : memref<!tpu.dma_semaphore, #tpu.memory_space<semaphore_mem>>) src(%arg10 : memref<64x128xf32, #tpu.memory_space<vmem>>) dst(%dma_wait3A_120 : memref<10240x128xf32, #tpu.memory_space<vmem_shared>>)
          tpu.yield
        }) : () -> ()
        %add3A_108 = arith.constant 3 : i32
        %add3A_109 = arith.addi %mul3A_72, %add3A_108 : i32
        %lt3A_110 = arith.constant 94 : i32
        %lt3A_111 = arith.cmpi slt, %add3A_109, %lt3A_110 : i32
        %convert_element_type3A_112 = arith.extui %lt3A_111 : i1 to i32
        %cond3A_113 = arith.constant 0 : i32
        %cond3A_114 = arith.cmpi ne, %convert_element_type3A_112, %cond3A_113 : i32
        scf.if %cond3A_114 {
          %add3A_115 = arith.constant 3 : i32
          %add3A_116 = arith.addi %mul3A_72, %add3A_115 : i32
          %add3A_117 = arith.addi %add3A_31, %add3A_116 : i32
          %dma_start3A_118 = arith.constant 0 : i32
          %dma_start3A_119 = tpu.memref_slice %arg4[%add3A_117, %dma_start3A_118] : memref<5056x64xi32, #tpu.memory_space<hbm>> -> memref<1x64xi32, #tpu.memory_space<hbm>>
          %dma_start3A_120 = tpu.memref_squeeze %dma_start3A_119 : memref<1x64xi32, #tpu.memory_space<hbm>> -> memref<64xi32, #tpu.memory_space<hbm>>
          %dma_start3A_121 = arith.constant 0 : i32
          %dma_start3A_122 = tpu.memref_slice %arg4[%add3A_117, %dma_start3A_121] : memref<5056x64xi32, #tpu.memory_space<hbm>> -> memref<1x64xi32, #tpu.memory_space<hbm>>
          %dma_start3A_123 = tpu.memref_squeeze %dma_start3A_122 : memref<1x64xi32, #tpu.memory_space<hbm>> -> memref<64xi32, #tpu.memory_space<hbm>>
          tpu.enqueue_dma source(%dma_start3A_123 : memref<64xi32, #tpu.memory_space<hbm>>) target(%arg8 : memref<64xi32, #tpu.memory_space<vmem>>) target_semaphore(%arg15 : memref<!tpu.dma_semaphore, #tpu.memory_space<semaphore_mem>>)
          %add3A_124 = arith.constant 3 : i32
          %add3A_125 = arith.addi %mul3A_72, %add3A_124 : i32
          %dma_start3A_126 = arith.constant 0 : i32
          %dma_start3A_127 = tpu.memref_slice %arg6[%add3A_125, %dma_start3A_126] : memref<222x64xi32, #tpu.memory_space<vmem>> -> memref<1x64xi32, #tpu.memory_space<vmem>>
          %dma_start3A_128 = tpu.memref_squeeze %dma_start3A_127 : memref<1x64xi32, #tpu.memory_space<vmem>> -> memref<64xi32, #tpu.memory_space<vmem>>
          %dma_start3A_129 = arith.constant 0 : i32
          %dma_start3A_130 = arith.constant 0 : i32
          %dma_start3A_131 = tpu.memref_slice %arg2[%dma_start3A_129, %dma_start3A_130] : memref<10240x128xf32, #tpu.memory_space<hbm>> -> memref<10240x128xf32, #tpu.memory_space<hbm>>
          tpu.enqueue_indirect_dma source(%dma_start3A_131 : memref<10240x128xf32, #tpu.memory_space<hbm>>) target(%arg10 : memref<64x128xf32, #tpu.memory_space<vmem>>) offsets(%dma_start3A_128 : memref<64xi32, #tpu.memory_space<vmem>>) semaphore(%arg13 : memref<!tpu.dma_semaphore, #tpu.memory_space<semaphore_mem>>)
        } else {
        }
      }
      %scan3A_65 = arith.constant 47 : i32
    } else {
    }
    %barrier3A_18 = arith.constant 0 : index
    tpu.barrier barrier_id(%barrier3A_18)
    %eq3A_19 = arith.constant 0 : i32
    %eq3A_20 = arith.cmpi eq, %arg0, %eq3A_19 : i32
    %convert_element_type3A_21 = arith.extui %eq3A_20 : i1 to i32
    %cond3A_22 = arith.constant 0 : i32
    %cond3A_23 = arith.cmpi ne, %convert_element_type3A_21, %cond3A_22 : i32
    scf.if %cond3A_23 {
      %run_scoped3A = arith.constant 0 : i32
      "tpu.region"() ({
        %run_scoped3A_29 = tpu.sem_alloc : memref<!tpu.dma_semaphore, #tpu.memory_space<semaphore_mem>>
        %dma_start3A = arith.constant 0 : i32
        %dma_start3A_30 = tpu.memref_slice %arg5[%run_scoped3A, %mul3A_5, %dma_start3A] : memref<2x10240x128xf32, #tpu.memory_space<hbm>> -> memref<1x640x128xf32, #tpu.memory_space<hbm>>
        %dma_start3A_31 = tpu.memref_squeeze %dma_start3A_30 : memref<1x640x128xf32, #tpu.memory_space<hbm>> -> memref<640x128xf32, #tpu.memory_space<hbm>>
        %dma_start3A_32 = arith.constant 0 : i32
        %dma_start3A_33 = tpu.memref_slice %arg11[%mul3A_5, %dma_start3A_32] : memref<10240x128xf32, #tpu.memory_space<vmem_shared>> -> memref<640x128xf32, #tpu.memory_space<vmem_shared>>
        tpu.enqueue_dma source(%dma_start3A_33 : memref<640x128xf32, #tpu.memory_space<vmem_shared>>) target(%dma_start3A_31 : memref<640x128xf32, #tpu.memory_space<hbm>>) target_semaphore(%run_scoped3A_29 : memref<!tpu.dma_semaphore, #tpu.memory_space<semaphore_mem>>)
        %dma_wait3A = arith.constant 0 : i32
        %dma_wait3A_34 = tpu.memref_slice %arg5[%run_scoped3A, %mul3A_5, %dma_wait3A] : memref<2x10240x128xf32, #tpu.memory_space<hbm>> -> memref<1x640x128xf32, #tpu.memory_space<hbm>>
        %dma_wait3A_35 = tpu.memref_squeeze %dma_wait3A_34 : memref<1x640x128xf32, #tpu.memory_space<hbm>> -> memref<640x128xf32, #tpu.memory_space<hbm>>
        %dma_wait3A_36 = arith.constant 0 : i32
        %dma_wait3A_37 = tpu.memref_slice %arg11[%mul3A_5, %dma_wait3A_36] : memref<10240x128xf32, #tpu.memory_space<vmem_shared>> -> memref<640x128xf32, #tpu.memory_space<vmem_shared>>
        tpu.wait_dma2 semaphore(%run_scoped3A_29 : memref<!tpu.dma_semaphore, #tpu.memory_space<semaphore_mem>>) src(%dma_wait3A_37 : memref<640x128xf32, #tpu.memory_space<vmem_shared>>) dst(%dma_wait3A_35 : memref<640x128xf32, #tpu.memory_space<hbm>>)
        tpu.yield
      }) : () -> ()
    } else {
    }
    %eq3A_24 = arith.constant 1 : i32
    %eq3A_25 = arith.cmpi eq, %arg0, %eq3A_24 : i32
    %convert_element_type3A_26 = arith.extui %eq3A_25 : i1 to i32
    %cond3A_27 = arith.constant 0 : i32
    %cond3A_28 = arith.cmpi ne, %convert_element_type3A_26, %cond3A_27 : i32
    scf.if %cond3A_28 {
      %run_scoped3A = arith.constant 1 : i32
      "tpu.region"() ({
        %run_scoped3A_29 = tpu.sem_alloc : memref<!tpu.dma_semaphore, #tpu.memory_space<semaphore_mem>>
        %dma_start3A = arith.constant 0 : i32
        %dma_start3A_30 = tpu.memref_slice %arg5[%run_scoped3A, %mul3A_5, %dma_start3A] : memref<2x10240x128xf32, #tpu.memory_space<hbm>> -> memref<1x640x128xf32, #tpu.memory_space<hbm>>
        %dma_start3A_31 = tpu.memref_squeeze %dma_start3A_30 : memref<1x640x128xf32, #tpu.memory_space<hbm>> -> memref<640x128xf32, #tpu.memory_space<hbm>>
        %dma_start3A_32 = arith.constant 0 : i32
        %dma_start3A_33 = tpu.memref_slice %arg11[%mul3A_5, %dma_start3A_32] : memref<10240x128xf32, #tpu.memory_space<vmem_shared>> -> memref<640x128xf32, #tpu.memory_space<vmem_shared>>
        tpu.enqueue_dma source(%dma_start3A_33 : memref<640x128xf32, #tpu.memory_space<vmem_shared>>) target(%dma_start3A_31 : memref<640x128xf32, #tpu.memory_space<hbm>>) target_semaphore(%run_scoped3A_29 : memref<!tpu.dma_semaphore, #tpu.memory_space<semaphore_mem>>)
        %dma_wait3A = arith.constant 0 : i32
        %dma_wait3A_34 = tpu.memref_slice %arg5[%run_scoped3A, %mul3A_5, %dma_wait3A] : memref<2x10240x128xf32, #tpu.memory_space<hbm>> -> memref<1x640x128xf32, #tpu.memory_space<hbm>>
        %dma_wait3A_35 = tpu.memref_squeeze %dma_wait3A_34 : memref<1x640x128xf32, #tpu.memory_space<hbm>> -> memref<640x128xf32, #tpu.memory_space<hbm>>
        %dma_wait3A_36 = arith.constant 0 : i32
        %dma_wait3A_37 = tpu.memref_slice %arg11[%mul3A_5, %dma_wait3A_36] : memref<10240x128xf32, #tpu.memory_space<vmem_shared>> -> memref<640x128xf32, #tpu.memory_space<vmem_shared>>
        tpu.wait_dma2 semaphore(%run_scoped3A_29 : memref<!tpu.dma_semaphore, #tpu.memory_space<semaphore_mem>>) src(%dma_wait3A_37 : memref<640x128xf32, #tpu.memory_space<vmem_shared>>) dst(%dma_wait3A_35 : memref<640x128xf32, #tpu.memory_space<hbm>>)
        tpu.yield
      }) : () -> ()
    } else {
    }
    return
  }
}

#map = affine_map<(d0, d1) -> (0, 0)>
#map1 = affine_map<(d0, d1) -> (0, 0, 0)>
module attributes {stable_mosaic.version = 14 : i64} {
  func.func @agg(%arg0: i32, %arg1: i32, %arg2: memref<10240x128xf32, #tpu.memory_space<hbm>>, %arg3: memref<5056x64xi32, #tpu.memory_space<hbm>>, %arg4: memref<5056x64xi32, #tpu.memory_space<hbm>>, %arg5: memref<2x10240x128xf32, #tpu.memory_space<hbm>>, %arg6: memref<222x64xi32, #tpu.memory_space<vmem>>, %arg7: memref<64xi32, #tpu.memory_space<vmem>>, %arg8: memref<64xi32, #tpu.memory_space<vmem>>, %arg9: memref<64x128xf32, #tpu.memory_space<vmem>>, %arg10: memref<64x128xf32, #tpu.memory_space<vmem>>, %arg11: memref<10240x128xf32, #tpu.memory_space<vmem_shared>>, %arg12: memref<!tpu.dma_semaphore, #tpu.memory_space<semaphore_mem>>, %arg13: memref<!tpu.dma_semaphore, #tpu.memory_space<semaphore_mem>>, %arg14: memref<!tpu.dma_semaphore, #tpu.memory_space<semaphore_mem>>, %arg15: memref<!tpu.dma_semaphore, #tpu.memory_space<semaphore_mem>>) attributes {dimension_semantics = [#tpu.dimension_semantics<core_parallel>, #tpu.dimension_semantics<subcore_parallel>], iteration_bounds = array<i64: 2, 16>, scalar_prefetch = 0 : i64, scratch_operands = 10 : i64, tpu.core_type = #tpu.core_type<sc_vector_subcore>, window_params = [{transform_indices = #map}, {transform_indices = #map}, {transform_indices = #map}, {transform_indices = #map1}]} {
    %broadcast_in_dim3A = arith.constant 0.000000e+00 : f32
    %broadcast_in_dim3A_0 = vector.broadcast %broadcast_in_dim3A : f32 to vector<16xf32>
    %scan3A = arith.constant 0 : i32
    %scan3A_1 = arith.constant 64 : i32
    %scan3A_2 = arith.addi %scan3A, %scan3A_1 : i32
    %scan3A_3 = arith.constant 1 : i32
    scf.for %scan3A_29 = %scan3A to %scan3A_2 step %scan3A_3  : i32 {
      %mul3A_30 = arith.constant 1 : i32
      %mul3A_31 = arith.muli %scan3A_29, %mul3A_30 : i32
      %add3A = arith.constant 0 : i32
      %add3A_32 = arith.addi %add3A, %mul3A_31 : i32
      %scan3A_33 = arith.constant 0 : i32
      %scan3A_34 = arith.constant 8 : i32
      %scan3A_35 = arith.addi %scan3A_33, %scan3A_34 : i32
      %scan3A_36 = arith.constant 1 : i32
      scf.for %scan3A_38 = %scan3A_33 to %scan3A_35 step %scan3A_36  : i32 {
        %mul3A_39 = arith.constant 1 : i32
        %mul3A_40 = arith.muli %scan3A_38, %mul3A_39 : i32
        %add3A_41 = arith.constant 0 : i32
        %add3A_42 = arith.addi %add3A_41, %mul3A_40 : i32
        %mul3A_43 = arith.constant 16 : i32
        %mul3A_44 = arith.muli %add3A_42, %mul3A_43 : i32
        %swap3A = arith.index_cast %add3A_32 : i32 to index
        %swap3A_45 = arith.index_cast %mul3A_44 : i32 to index
        %swap3A_46 = tpu.vector_load %arg9[%swap3A, %swap3A_45] {strides = array<i32>} : memref<64x128xf32, #tpu.memory_space<vmem>>, vector<1x16xf32>,
        %swap3A_47 = vector.shape_cast %swap3A_46 : vector<1x16xf32> to vector<16xf32>
        %swap3A_48 = vector.shape_cast %broadcast_in_dim3A_0 : vector<16xf32> to vector<1x16xf32>
        tpu.vector_store %arg9[%swap3A, %swap3A_45], %swap3A_48 {strides = array<i32>} : memref<64x128xf32, #tpu.memory_space<vmem>>, vector<1x16xf32>,
      }
      %scan3A_37 = arith.constant 8 : i32
    }
    %scan3A_4 = arith.constant 64 : i32
    %mul3A = arith.constant 640 : i32
    %mul3A_5 = arith.muli %arg1, %mul3A : i32
    %scan3A_6 = arith.constant 0 : i32
    %scan3A_7 = arith.constant 10 : i32
    %scan3A_8 = arith.addi %scan3A_6, %scan3A_7 : i32
    %scan3A_9 = arith.constant 1 : i32
    scf.for %scan3A_29 = %scan3A_6 to %scan3A_8 step %scan3A_9  : i32 {
      %mul3A_30 = arith.constant 1 : i32
      %mul3A_31 = arith.muli %scan3A_29, %mul3A_30 : i32
      %add3A = arith.constant 0 : i32
      %add3A_32 = arith.addi %add3A, %mul3A_31 : i32
      %mul3A_33 = arith.constant 64 : i32
      %mul3A_34 = arith.muli %add3A_32, %mul3A_33 : i32
      %add3A_35 = arith.addi %mul3A_5, %mul3A_34 : i32
      "tpu.region"() ({
        %run_scoped3A = tpu.sem_alloc : memref<!tpu.dma_semaphore, #tpu.memory_space<semaphore_mem>>
        %dma_start3A = arith.constant 0 : i32
        %dma_start3A_36 = tpu.memref_slice %arg11[%add3A_35, %dma_start3A] : memref<10240x128xf32, #tpu.memory_space<vmem_shared>> -> memref<64x128xf32, #tpu.memory_space<vmem_shared>>
        %dma_start3A_37 = arith.constant 0 : i32
        %dma_start3A_38 = tpu.memref_slice %arg11[%add3A_35, %dma_start3A_37] : memref<10240x128xf32, #tpu.memory_space<vmem_shared>> -> memref<64x128xf32, #tpu.memory_space<vmem_shared>>
        tpu.enqueue_dma source(%arg9 : memref<64x128xf32, #tpu.memory_space<vmem>>) target(%dma_start3A_38 : memref<64x128xf32, #tpu.memory_space<vmem_shared>>) target_semaphore(%run_scoped3A : memref<!tpu.dma_semaphore, #tpu.memory_space<semaphore_mem>>)
        %dma_wait3A = arith.constant 0 : i32
        %dma_wait3A_39 = tpu.memref_slice %arg11[%add3A_35, %dma_wait3A] : memref<10240x128xf32, #tpu.memory_space<vmem_shared>> -> memref<64x128xf32, #tpu.memory_space<vmem_shared>>
        %dma_wait3A_40 = arith.constant 0 : i32
        %dma_wait3A_41 = tpu.memref_slice %arg11[%add3A_35, %dma_wait3A_40] : memref<10240x128xf32, #tpu.memory_space<vmem_shared>> -> memref<64x128xf32, #tpu.memory_space<vmem_shared>>
        tpu.wait_dma2 semaphore(%run_scoped3A : memref<!tpu.dma_semaphore, #tpu.memory_space<semaphore_mem>>) src(%arg9 : memref<64x128xf32, #tpu.memory_space<vmem>>) dst(%dma_wait3A_41 : memref<64x128xf32, #tpu.memory_space<vmem_shared>>)
        tpu.yield
      }) : () -> ()
    }
    %scan3A_10 = arith.constant 10 : i32
    %barrier3A = arith.constant 0 : index
    tpu.barrier barrier_id(%barrier3A)
    %eq3A = arith.constant 0 : i32
    %eq3A_11 = arith.cmpi eq, %arg0, %eq3A : i32
    %convert_element_type3A = arith.extui %eq3A_11 : i1 to i32
    %cond3A = arith.constant 0 : i32
    %cond3A_12 = arith.cmpi ne, %convert_element_type3A, %cond3A : i32
    scf.if %cond3A_12 {
      %mul3A_29 = arith.constant 222 : i32
      %mul3A_30 = arith.muli %arg1, %mul3A_29 : i32
      "tpu.region"() ({
        %run_scoped3A = tpu.sem_alloc : memref<!tpu.dma_semaphore, #tpu.memory_space<semaphore_mem>>
        %dma_start3A_64 = arith.constant 0 : i32
        %dma_start3A_65 = arith.constant 0 : i32
        %dma_start3A_66 = tpu.memref_slice %arg6[%dma_start3A_64, %dma_start3A_65] : memref<222x64xi32, #tpu.memory_space<vmem>> -> memref<222x64xi32, #tpu.memory_space<vmem>>
        %dma_start3A_67 = arith.constant 0 : i32
        %dma_start3A_68 = tpu.memref_slice %arg3[%mul3A_30, %dma_start3A_67] : memref<5056x64xi32, #tpu.memory_space<hbm>> -> memref<222x64xi32, #tpu.memory_space<hbm>>
        %dma_start3A_69 = arith.constant 0 : i32
        %dma_start3A_70 = arith.constant 0 : i32
        %dma_start3A_71 = tpu.memref_slice %arg6[%dma_start3A_69, %dma_start3A_70] : memref<222x64xi32, #tpu.memory_space<vmem>> -> memref<222x64xi32, #tpu.memory_space<vmem>>
        %dma_start3A_72 = arith.constant 0 : i32
        %dma_start3A_73 = tpu.memref_slice %arg3[%mul3A_30, %dma_start3A_72] : memref<5056x64xi32, #tpu.memory_space<hbm>> -> memref<222x64xi32, #tpu.memory_space<hbm>>
        tpu.enqueue_dma source(%dma_start3A_73 : memref<222x64xi32, #tpu.memory_space<hbm>>) target(%dma_start3A_71 : memref<222x64xi32, #tpu.memory_space<vmem>>) target_semaphore(%run_scoped3A : memref<!tpu.dma_semaphore, #tpu.memory_space<semaphore_mem>>)
        %dma_wait3A = arith.constant 0 : i32
        %dma_wait3A_74 = arith.constant 0 : i32
        %dma_wait3A_75 = tpu.memref_slice %arg6[%dma_wait3A, %dma_wait3A_74] : memref<222x64xi32, #tpu.memory_space<vmem>> -> memref<222x64xi32, #tpu.memory_space<vmem>>
        %dma_wait3A_76 = arith.constant 0 : i32
        %dma_wait3A_77 = tpu.memref_slice %arg3[%mul3A_30, %dma_wait3A_76] : memref<5056x64xi32, #tpu.memory_space<hbm>> -> memref<222x64xi32, #tpu.memory_space<hbm>>
        %dma_wait3A_78 = arith.constant 0 : i32
        %dma_wait3A_79 = arith.constant 0 : i32
        %dma_wait3A_80 = tpu.memref_slice %arg6[%dma_wait3A_78, %dma_wait3A_79] : memref<222x64xi32, #tpu.memory_space<vmem>> -> memref<222x64xi32, #tpu.memory_space<vmem>>
        %dma_wait3A_81 = arith.constant 0 : i32
        %dma_wait3A_82 = tpu.memref_slice %arg3[%mul3A_30, %dma_wait3A_81] : memref<5056x64xi32, #tpu.memory_space<hbm>> -> memref<222x64xi32, #tpu.memory_space<hbm>>
        tpu.wait_dma2 semaphore(%run_scoped3A : memref<!tpu.dma_semaphore, #tpu.memory_space<semaphore_mem>>) src(%dma_wait3A_82 : memref<222x64xi32, #tpu.memory_space<hbm>>) dst(%dma_wait3A_80 : memref<222x64xi32, #tpu.memory_space<vmem>>)
        tpu.yield
      }) : () -> ()
      %add3A = arith.constant 0 : i32
      %add3A_31 = arith.addi %mul3A_30, %add3A : i32
      %dma_start3A = arith.constant 0 : i32
      %dma_start3A_32 = tpu.memref_slice %arg4[%add3A_31, %dma_start3A] : memref<5056x64xi32, #tpu.memory_space<hbm>> -> memref<1x64xi32, #tpu.memory_space<hbm>>
      %dma_start3A_33 = tpu.memref_squeeze %dma_start3A_32 : memref<1x64xi32, #tpu.memory_space<hbm>> -> memref<64xi32, #tpu.memory_space<hbm>>
      %dma_start3A_34 = arith.constant 0 : i32
      %dma_start3A_35 = tpu.memref_slice %arg4[%add3A_31, %dma_start3A_34] : memref<5056x64xi32, #tpu.memory_space<hbm>> -> memref<1x64xi32, #tpu.memory_space<hbm>>
      %dma_start3A_36 = tpu.memref_squeeze %dma_start3A_35 : memref<1x64xi32, #tpu.memory_space<hbm>> -> memref<64xi32, #tpu.memory_space<hbm>>
      tpu.enqueue_dma source(%dma_start3A_36 : memref<64xi32, #tpu.memory_space<hbm>>) target(%arg7 : memref<64xi32, #tpu.memory_space<vmem>>) target_semaphore(%arg14 : memref<!tpu.dma_semaphore, #tpu.memory_space<semaphore_mem>>)
      %dma_start3A_37 = arith.constant 0 : i32
      %dma_start3A_38 = arith.constant 0 : i32
      %dma_start3A_39 = tpu.memref_slice %arg6[%dma_start3A_37, %dma_start3A_38] : memref<222x64xi32, #tpu.memory_space<vmem>> -> memref<1x64xi32, #tpu.memory_space<vmem>>
      %dma_start3A_40 = tpu.memref_squeeze %dma_start3A_39 : memref<1x64xi32, #tpu.memory_space<vmem>> -> memref<64xi32, #tpu.memory_space<vmem>>
      %dma_start3A_41 = arith.constant 0 : i32
      %dma_start3A_42 = arith.constant 0 : i32
      %dma_start3A_43 = tpu.memref_slice %arg2[%dma_start3A_41, %dma_start3A_42] : memref<10240x128xf32, #tpu.memory_space<hbm>> -> memref<10240x128xf32, #tpu.memory_space<hbm>>
      tpu.enqueue_indirect_dma source(%dma_start3A_43 : memref<10240x128xf32, #tpu.memory_space<hbm>>) target(%arg9 : memref<64x128xf32, #tpu.memory_space<vmem>>) offsets(%dma_start3A_40 : memref<64xi32, #tpu.memory_space<vmem>>) semaphore(%arg12 : memref<!tpu.dma_semaphore, #tpu.memory_space<semaphore_mem>>)
      %add3A_44 = arith.constant 1 : i32
      %add3A_45 = arith.addi %mul3A_30, %add3A_44 : i32
      %dma_start3A_46 = arith.constant 0 : i32
      %dma_start3A_47 = tpu.memref_slice %arg4[%add3A_45, %dma_start3A_46] : memref<5056x64xi32, #tpu.memory_space<hbm>> -> memref<1x64xi32, #tpu.memory_space<hbm>>
      %dma_start3A_48 = tpu.memref_squeeze %dma_start3A_47 : memref<1x64xi32, #tpu.memory_space<hbm>> -> memref<64xi32, #tpu.memory_space<hbm>>
      %dma_start3A_49 = arith.constant 0 : i32
      %dma_start3A_50 = tpu.memref_slice %arg4[%add3A_45, %dma_start3A_49] : memref<5056x64xi32, #tpu.memory_space<hbm>> -> memref<1x64xi32, #tpu.memory_space<hbm>>
      %dma_start3A_51 = tpu.memref_squeeze %dma_start3A_50 : memref<1x64xi32, #tpu.memory_space<hbm>> -> memref<64xi32, #tpu.memory_space<hbm>>
      tpu.enqueue_dma source(%dma_start3A_51 : memref<64xi32, #tpu.memory_space<hbm>>) target(%arg8 : memref<64xi32, #tpu.memory_space<vmem>>) target_semaphore(%arg15 : memref<!tpu.dma_semaphore, #tpu.memory_space<semaphore_mem>>)
      %dma_start3A_52 = arith.constant 1 : i32
      %dma_start3A_53 = arith.constant 0 : i32
      %dma_start3A_54 = tpu.memref_slice %arg6[%dma_start3A_52, %dma_start3A_53] : memref<222x64xi32, #tpu.memory_space<vmem>> -> memref<1x64xi32, #tpu.memory_space<vmem>>
      %dma_start3A_55 = tpu.memref_squeeze %dma_start3A_54 : memref<1x64xi32, #tpu.memory_space<vmem>> -> memref<64xi32, #tpu.memory_space<vmem>>
      %dma_start3A_56 = arith.constant 0 : i32
      %dma_start3A_57 = arith.constant 0 : i32
      %dma_start3A_58 = tpu.memref_slice %arg2[%dma_start3A_56, %dma_start3A_57] : memref<10240x128xf32, #tpu.memory_space<hbm>> -> memref<10240x128xf32, #tpu.memory_space<hbm>>
      tpu.enqueue_indirect_dma source(%dma_start3A_58 : memref<10240x128xf32, #tpu.memory_space<hbm>>) target(%arg10 : memref<64x128xf32, #tpu.memory_space<vmem>>) offsets(%dma_start3A_55 : memref<64xi32, #tpu.memory_space<vmem>>) semaphore(%arg13 : memref<!tpu.dma_semaphore, #tpu.memory_space<semaphore_mem>>)
      %scan3A_59 = arith.constant 0 : i32
      %scan3A_60 = arith.constant 111 : i32
      %scan3A_61 = arith.addi %scan3A_59, %scan3A_60 : i32
      %scan3A_62 = arith.constant 1 : i32
      scf.for %scan3A_64 = %scan3A_59 to %scan3A_61 step %scan3A_62  : i32 {
        %mul3A_65 = arith.constant 1 : i32
        %mul3A_66 = arith.muli %scan3A_64, %mul3A_65 : i32
        %add3A_67 = arith.constant 0 : i32
        %add3A_68 = arith.addi %add3A_67, %mul3A_66 : i32
        %mul3A_69 = arith.constant 2 : i32
        %mul3A_70 = arith.muli %mul3A_69, %add3A_68 : i32
        %dma_wait3A = arith.constant 0 : i32
        %dma_wait3A_71 = tpu.memref_slice %arg6[%mul3A_70, %dma_wait3A] : memref<222x64xi32, #tpu.memory_space<vmem>> -> memref<1x64xi32, #tpu.memory_space<vmem>>
        %dma_wait3A_72 = tpu.memref_squeeze %dma_wait3A_71 : memref<1x64xi32, #tpu.memory_space<vmem>> -> memref<64xi32, #tpu.memory_space<vmem>>
        %dma_wait3A_73 = arith.constant 0 : i32
        %dma_wait3A_74 = arith.constant 0 : i32
        %dma_wait3A_75 = tpu.memref_slice %arg2[%dma_wait3A_73, %dma_wait3A_74] : memref<10240x128xf32, #tpu.memory_space<hbm>> -> memref<10240x128xf32, #tpu.memory_space<hbm>>
        tpu.wait_indirect_dma semaphore(%arg12 : memref<!tpu.dma_semaphore, #tpu.memory_space<semaphore_mem>>) src(%dma_wait3A_75 : memref<10240x128xf32, #tpu.memory_space<hbm>>) dst(%arg9 : memref<64x128xf32, #tpu.memory_space<vmem>>)
        %add3A_76 = arith.addi %mul3A_30, %mul3A_70 : i32
        %dma_wait3A_77 = arith.constant 0 : i32
        %dma_wait3A_78 = tpu.memref_slice %arg4[%add3A_76, %dma_wait3A_77] : memref<5056x64xi32, #tpu.memory_space<hbm>> -> memref<1x64xi32, #tpu.memory_space<hbm>>
        %dma_wait3A_79 = tpu.memref_squeeze %dma_wait3A_78 : memref<1x64xi32, #tpu.memory_space<hbm>> -> memref<64xi32, #tpu.memory_space<hbm>>
        %dma_wait3A_80 = arith.constant 0 : i32
        %dma_wait3A_81 = tpu.memref_slice %arg4[%add3A_76, %dma_wait3A_80] : memref<5056x64xi32, #tpu.memory_space<hbm>> -> memref<1x64xi32, #tpu.memory_space<hbm>>
        %dma_wait3A_82 = tpu.memref_squeeze %dma_wait3A_81 : memref<1x64xi32, #tpu.memory_space<hbm>> -> memref<64xi32, #tpu.memory_space<hbm>>
        tpu.wait_dma2 semaphore(%arg14 : memref<!tpu.dma_semaphore, #tpu.memory_space<semaphore_mem>>) src(%dma_wait3A_82 : memref<64xi32, #tpu.memory_space<hbm>>) dst(%arg7 : memref<64xi32, #tpu.memory_space<vmem>>)
        "tpu.region"() ({
          %run_scoped3A = tpu.sem_alloc : memref<!tpu.dma_semaphore, #tpu.memory_space<semaphore_mem>>
          %dma_start3A_113 = arith.constant 0 : i32
          %dma_start3A_114 = arith.constant 0 : i32
          %dma_start3A_115 = tpu.memref_slice %arg11[%dma_start3A_113, %dma_start3A_114] : memref<10240x128xf32, #tpu.memory_space<vmem_shared>> -> memref<10240x128xf32, #tpu.memory_space<vmem_shared>>
          tpu.enqueue_indirect_dma source(%arg9 : memref<64x128xf32, #tpu.memory_space<vmem>>) target(%dma_start3A_115 : memref<10240x128xf32, #tpu.memory_space<vmem_shared>>) offsets(%arg7 : memref<64xi32, #tpu.memory_space<vmem>>) semaphore(%run_scoped3A : memref<!tpu.dma_semaphore, #tpu.memory_space<semaphore_mem>>) {add = true}
          %dma_wait3A_116 = arith.constant 0 : i32
          %dma_wait3A_117 = arith.constant 0 : i32
          %dma_wait3A_118 = tpu.memref_slice %arg11[%dma_wait3A_116, %dma_wait3A_117] : memref<10240x128xf32, #tpu.memory_space<vmem_shared>> -> memref<10240x128xf32, #tpu.memory_space<vmem_shared>>
          tpu.wait_indirect_dma semaphore(%run_scoped3A : memref<!tpu.dma_semaphore, #tpu.memory_space<semaphore_mem>>) src(%arg9 : memref<64x128xf32, #tpu.memory_space<vmem>>) dst(%dma_wait3A_118 : memref<10240x128xf32, #tpu.memory_space<vmem_shared>>)
          tpu.yield
        }) : () -> ()
        %add3A_83 = arith.constant 2 : i32
        %add3A_84 = arith.addi %mul3A_70, %add3A_83 : i32
        %lt3A = arith.constant 222 : i32
        %lt3A_85 = arith.cmpi slt, %add3A_84, %lt3A : i32
        %convert_element_type3A_86 = arith.extui %lt3A_85 : i1 to i32
        %cond3A_87 = arith.constant 0 : i32
        %cond3A_88 = arith.cmpi ne, %convert_element_type3A_86, %cond3A_87 : i32
        scf.if %cond3A_88 {
          %add3A_113 = arith.constant 2 : i32
          %add3A_114 = arith.addi %mul3A_70, %add3A_113 : i32
          %add3A_115 = arith.addi %mul3A_30, %add3A_114 : i32
          %dma_start3A_116 = arith.constant 0 : i32
          %dma_start3A_117 = tpu.memref_slice %arg4[%add3A_115, %dma_start3A_116] : memref<5056x64xi32, #tpu.memory_space<hbm>> -> memref<1x64xi32, #tpu.memory_space<hbm>>
          %dma_start3A_118 = tpu.memref_squeeze %dma_start3A_117 : memref<1x64xi32, #tpu.memory_space<hbm>> -> memref<64xi32, #tpu.memory_space<hbm>>
          %dma_start3A_119 = arith.constant 0 : i32
          %dma_start3A_120 = tpu.memref_slice %arg4[%add3A_115, %dma_start3A_119] : memref<5056x64xi32, #tpu.memory_space<hbm>> -> memref<1x64xi32, #tpu.memory_space<hbm>>
          %dma_start3A_121 = tpu.memref_squeeze %dma_start3A_120 : memref<1x64xi32, #tpu.memory_space<hbm>> -> memref<64xi32, #tpu.memory_space<hbm>>
          tpu.enqueue_dma source(%dma_start3A_121 : memref<64xi32, #tpu.memory_space<hbm>>) target(%arg7 : memref<64xi32, #tpu.memory_space<vmem>>) target_semaphore(%arg14 : memref<!tpu.dma_semaphore, #tpu.memory_space<semaphore_mem>>)
          %add3A_122 = arith.constant 2 : i32
          %add3A_123 = arith.addi %mul3A_70, %add3A_122 : i32
          %dma_start3A_124 = arith.constant 0 : i32
          %dma_start3A_125 = tpu.memref_slice %arg6[%add3A_123, %dma_start3A_124] : memref<222x64xi32, #tpu.memory_space<vmem>> -> memref<1x64xi32, #tpu.memory_space<vmem>>
          %dma_start3A_126 = tpu.memref_squeeze %dma_start3A_125 : memref<1x64xi32, #tpu.memory_space<vmem>> -> memref<64xi32, #tpu.memory_space<vmem>>
          %dma_start3A_127 = arith.constant 0 : i32
          %dma_start3A_128 = arith.constant 0 : i32
          %dma_start3A_129 = tpu.memref_slice %arg2[%dma_start3A_127, %dma_start3A_128] : memref<10240x128xf32, #tpu.memory_space<hbm>> -> memref<10240x128xf32, #tpu.memory_space<hbm>>
          tpu.enqueue_indirect_dma source(%dma_start3A_129 : memref<10240x128xf32, #tpu.memory_space<hbm>>) target(%arg9 : memref<64x128xf32, #tpu.memory_space<vmem>>) offsets(%dma_start3A_126 : memref<64xi32, #tpu.memory_space<vmem>>) semaphore(%arg12 : memref<!tpu.dma_semaphore, #tpu.memory_space<semaphore_mem>>)
        } else {
        }
        %add3A_89 = arith.constant 1 : i32
        %add3A_90 = arith.addi %mul3A_70, %add3A_89 : i32
        %dma_wait3A_91 = arith.constant 0 : i32
        %dma_wait3A_92 = tpu.memref_slice %arg6[%add3A_90, %dma_wait3A_91] : memref<222x64xi32, #tpu.memory_space<vmem>> -> memref<1x64xi32, #tpu.memory_space<vmem>>
        %dma_wait3A_93 = tpu.memref_squeeze %dma_wait3A_92 : memref<1x64xi32, #tpu.memory_space<vmem>> -> memref<64xi32, #tpu.memory_space<vmem>>
        %dma_wait3A_94 = arith.constant 0 : i32
        %dma_wait3A_95 = arith.constant 0 : i32
        %dma_wait3A_96 = tpu.memref_slice %arg2[%dma_wait3A_94, %dma_wait3A_95] : memref<10240x128xf32, #tpu.memory_space<hbm>> -> memref<10240x128xf32, #tpu.memory_space<hbm>>
        tpu.wait_indirect_dma semaphore(%arg13 : memref<!tpu.dma_semaphore, #tpu.memory_space<semaphore_mem>>) src(%dma_wait3A_96 : memref<10240x128xf32, #tpu.memory_space<hbm>>) dst(%arg10 : memref<64x128xf32, #tpu.memory_space<vmem>>)
        %add3A_97 = arith.constant 1 : i32
        %add3A_98 = arith.addi %mul3A_70, %add3A_97 : i32
        %add3A_99 = arith.addi %mul3A_30, %add3A_98 : i32
        %dma_wait3A_100 = arith.constant 0 : i32
        %dma_wait3A_101 = tpu.memref_slice %arg4[%add3A_99, %dma_wait3A_100] : memref<5056x64xi32, #tpu.memory_space<hbm>> -> memref<1x64xi32, #tpu.memory_space<hbm>>
        %dma_wait3A_102 = tpu.memref_squeeze %dma_wait3A_101 : memref<1x64xi32, #tpu.memory_space<hbm>> -> memref<64xi32, #tpu.memory_space<hbm>>
        %dma_wait3A_103 = arith.constant 0 : i32
        %dma_wait3A_104 = tpu.memref_slice %arg4[%add3A_99, %dma_wait3A_103] : memref<5056x64xi32, #tpu.memory_space<hbm>> -> memref<1x64xi32, #tpu.memory_space<hbm>>
        %dma_wait3A_105 = tpu.memref_squeeze %dma_wait3A_104 : memref<1x64xi32, #tpu.memory_space<hbm>> -> memref<64xi32, #tpu.memory_space<hbm>>
        tpu.wait_dma2 semaphore(%arg15 : memref<!tpu.dma_semaphore, #tpu.memory_space<semaphore_mem>>) src(%dma_wait3A_105 : memref<64xi32, #tpu.memory_space<hbm>>) dst(%arg8 : memref<64xi32, #tpu.memory_space<vmem>>)
        "tpu.region"() ({
          %run_scoped3A = tpu.sem_alloc : memref<!tpu.dma_semaphore, #tpu.memory_space<semaphore_mem>>
          %dma_start3A_113 = arith.constant 0 : i32
          %dma_start3A_114 = arith.constant 0 : i32
          %dma_start3A_115 = tpu.memref_slice %arg11[%dma_start3A_113, %dma_start3A_114] : memref<10240x128xf32, #tpu.memory_space<vmem_shared>> -> memref<10240x128xf32, #tpu.memory_space<vmem_shared>>
          tpu.enqueue_indirect_dma source(%arg10 : memref<64x128xf32, #tpu.memory_space<vmem>>) target(%dma_start3A_115 : memref<10240x128xf32, #tpu.memory_space<vmem_shared>>) offsets(%arg8 : memref<64xi32, #tpu.memory_space<vmem>>) semaphore(%run_scoped3A : memref<!tpu.dma_semaphore, #tpu.memory_space<semaphore_mem>>) {add = true}
          %dma_wait3A_116 = arith.constant 0 : i32
          %dma_wait3A_117 = arith.constant 0 : i32
          %dma_wait3A_118 = tpu.memref_slice %arg11[%dma_wait3A_116, %dma_wait3A_117] : memref<10240x128xf32, #tpu.memory_space<vmem_shared>> -> memref<10240x128xf32, #tpu.memory_space<vmem_shared>>
          tpu.wait_indirect_dma semaphore(%run_scoped3A : memref<!tpu.dma_semaphore, #tpu.memory_space<semaphore_mem>>) src(%arg10 : memref<64x128xf32, #tpu.memory_space<vmem>>) dst(%dma_wait3A_118 : memref<10240x128xf32, #tpu.memory_space<vmem_shared>>)
          tpu.yield
        }) : () -> ()
        %add3A_106 = arith.constant 3 : i32
        %add3A_107 = arith.addi %mul3A_70, %add3A_106 : i32
        %lt3A_108 = arith.constant 222 : i32
        %lt3A_109 = arith.cmpi slt, %add3A_107, %lt3A_108 : i32
        %convert_element_type3A_110 = arith.extui %lt3A_109 : i1 to i32
        %cond3A_111 = arith.constant 0 : i32
        %cond3A_112 = arith.cmpi ne, %convert_element_type3A_110, %cond3A_111 : i32
        scf.if %cond3A_112 {
          %add3A_113 = arith.constant 3 : i32
          %add3A_114 = arith.addi %mul3A_70, %add3A_113 : i32
          %add3A_115 = arith.addi %mul3A_30, %add3A_114 : i32
          %dma_start3A_116 = arith.constant 0 : i32
          %dma_start3A_117 = tpu.memref_slice %arg4[%add3A_115, %dma_start3A_116] : memref<5056x64xi32, #tpu.memory_space<hbm>> -> memref<1x64xi32, #tpu.memory_space<hbm>>
          %dma_start3A_118 = tpu.memref_squeeze %dma_start3A_117 : memref<1x64xi32, #tpu.memory_space<hbm>> -> memref<64xi32, #tpu.memory_space<hbm>>
          %dma_start3A_119 = arith.constant 0 : i32
          %dma_start3A_120 = tpu.memref_slice %arg4[%add3A_115, %dma_start3A_119] : memref<5056x64xi32, #tpu.memory_space<hbm>> -> memref<1x64xi32, #tpu.memory_space<hbm>>
          %dma_start3A_121 = tpu.memref_squeeze %dma_start3A_120 : memref<1x64xi32, #tpu.memory_space<hbm>> -> memref<64xi32, #tpu.memory_space<hbm>>
          tpu.enqueue_dma source(%dma_start3A_121 : memref<64xi32, #tpu.memory_space<hbm>>) target(%arg8 : memref<64xi32, #tpu.memory_space<vmem>>) target_semaphore(%arg15 : memref<!tpu.dma_semaphore, #tpu.memory_space<semaphore_mem>>)
          %add3A_122 = arith.constant 3 : i32
          %add3A_123 = arith.addi %mul3A_70, %add3A_122 : i32
          %dma_start3A_124 = arith.constant 0 : i32
          %dma_start3A_125 = tpu.memref_slice %arg6[%add3A_123, %dma_start3A_124] : memref<222x64xi32, #tpu.memory_space<vmem>> -> memref<1x64xi32, #tpu.memory_space<vmem>>
          %dma_start3A_126 = tpu.memref_squeeze %dma_start3A_125 : memref<1x64xi32, #tpu.memory_space<vmem>> -> memref<64xi32, #tpu.memory_space<vmem>>
          %dma_start3A_127 = arith.constant 0 : i32
          %dma_start3A_128 = arith.constant 0 : i32
          %dma_start3A_129 = tpu.memref_slice %arg2[%dma_start3A_127, %dma_start3A_128] : memref<10240x128xf32, #tpu.memory_space<hbm>> -> memref<10240x128xf32, #tpu.memory_space<hbm>>
          tpu.enqueue_indirect_dma source(%dma_start3A_129 : memref<10240x128xf32, #tpu.memory_space<hbm>>) target(%arg10 : memref<64x128xf32, #tpu.memory_space<vmem>>) offsets(%dma_start3A_126 : memref<64xi32, #tpu.memory_space<vmem>>) semaphore(%arg13 : memref<!tpu.dma_semaphore, #tpu.memory_space<semaphore_mem>>)
        } else {
        }
      }
      %scan3A_63 = arith.constant 111 : i32
    } else {
    }
    %eq3A_13 = arith.constant 1 : i32
    %eq3A_14 = arith.cmpi eq, %arg0, %eq3A_13 : i32
    %convert_element_type3A_15 = arith.extui %eq3A_14 : i1 to i32
    %cond3A_16 = arith.constant 0 : i32
    %cond3A_17 = arith.cmpi ne, %convert_element_type3A_15, %cond3A_16 : i32
    scf.if %cond3A_17 {
      %mul3A_29 = arith.constant 94 : i32
      %mul3A_30 = arith.muli %arg1, %mul3A_29 : i32
      %add3A = arith.constant 3552 : i32
      %add3A_31 = arith.addi %add3A, %mul3A_30 : i32
      "tpu.region"() ({
        %run_scoped3A = tpu.sem_alloc : memref<!tpu.dma_semaphore, #tpu.memory_space<semaphore_mem>>
        %dma_start3A_66 = arith.constant 0 : i32
        %dma_start3A_67 = arith.constant 0 : i32
        %dma_start3A_68 = tpu.memref_slice %arg6[%dma_start3A_66, %dma_start3A_67] : memref<222x64xi32, #tpu.memory_space<vmem>> -> memref<94x64xi32, #tpu.memory_space<vmem>>
        %dma_start3A_69 = arith.constant 0 : i32
        %dma_start3A_70 = tpu.memref_slice %arg3[%add3A_31, %dma_start3A_69] : memref<5056x64xi32, #tpu.memory_space<hbm>> -> memref<94x64xi32, #tpu.memory_space<hbm>>
        %dma_start3A_71 = arith.constant 0 : i32
        %dma_start3A_72 = arith.constant 0 : i32
        %dma_start3A_73 = tpu.memref_slice %arg6[%dma_start3A_71, %dma_start3A_72] : memref<222x64xi32, #tpu.memory_space<vmem>> -> memref<94x64xi32, #tpu.memory_space<vmem>>
        %dma_start3A_74 = arith.constant 0 : i32
        %dma_start3A_75 = tpu.memref_slice %arg3[%add3A_31, %dma_start3A_74] : memref<5056x64xi32, #tpu.memory_space<hbm>> -> memref<94x64xi32, #tpu.memory_space<hbm>>
        tpu.enqueue_dma source(%dma_start3A_75 : memref<94x64xi32, #tpu.memory_space<hbm>>) target(%dma_start3A_73 : memref<94x64xi32, #tpu.memory_space<vmem>>) target_semaphore(%run_scoped3A : memref<!tpu.dma_semaphore, #tpu.memory_space<semaphore_mem>>)
        %dma_wait3A = arith.constant 0 : i32
        %dma_wait3A_76 = arith.constant 0 : i32
        %dma_wait3A_77 = tpu.memref_slice %arg6[%dma_wait3A, %dma_wait3A_76] : memref<222x64xi32, #tpu.memory_space<vmem>> -> memref<94x64xi32, #tpu.memory_space<vmem>>
        %dma_wait3A_78 = arith.constant 0 : i32
        %dma_wait3A_79 = tpu.memref_slice %arg3[%add3A_31, %dma_wait3A_78] : memref<5056x64xi32, #tpu.memory_space<hbm>> -> memref<94x64xi32, #tpu.memory_space<hbm>>
        %dma_wait3A_80 = arith.constant 0 : i32
        %dma_wait3A_81 = arith.constant 0 : i32
        %dma_wait3A_82 = tpu.memref_slice %arg6[%dma_wait3A_80, %dma_wait3A_81] : memref<222x64xi32, #tpu.memory_space<vmem>> -> memref<94x64xi32, #tpu.memory_space<vmem>>
        %dma_wait3A_83 = arith.constant 0 : i32
        %dma_wait3A_84 = tpu.memref_slice %arg3[%add3A_31, %dma_wait3A_83] : memref<5056x64xi32, #tpu.memory_space<hbm>> -> memref<94x64xi32, #tpu.memory_space<hbm>>
        tpu.wait_dma2 semaphore(%run_scoped3A : memref<!tpu.dma_semaphore, #tpu.memory_space<semaphore_mem>>) src(%dma_wait3A_84 : memref<94x64xi32, #tpu.memory_space<hbm>>) dst(%dma_wait3A_82 : memref<94x64xi32, #tpu.memory_space<vmem>>)
        tpu.yield
      }) : () -> ()
      %add3A_32 = arith.constant 0 : i32
      %add3A_33 = arith.addi %add3A_31, %add3A_32 : i32
      %dma_start3A = arith.constant 0 : i32
      %dma_start3A_34 = tpu.memref_slice %arg4[%add3A_33, %dma_start3A] : memref<5056x64xi32, #tpu.memory_space<hbm>> -> memref<1x64xi32, #tpu.memory_space<hbm>>
      %dma_start3A_35 = tpu.memref_squeeze %dma_start3A_34 : memref<1x64xi32, #tpu.memory_space<hbm>> -> memref<64xi32, #tpu.memory_space<hbm>>
      %dma_start3A_36 = arith.constant 0 : i32
      %dma_start3A_37 = tpu.memref_slice %arg4[%add3A_33, %dma_start3A_36] : memref<5056x64xi32, #tpu.memory_space<hbm>> -> memref<1x64xi32, #tpu.memory_space<hbm>>
      %dma_start3A_38 = tpu.memref_squeeze %dma_start3A_37 : memref<1x64xi32, #tpu.memory_space<hbm>> -> memref<64xi32, #tpu.memory_space<hbm>>
      tpu.enqueue_dma source(%dma_start3A_38 : memref<64xi32, #tpu.memory_space<hbm>>) target(%arg7 : memref<64xi32, #tpu.memory_space<vmem>>) target_semaphore(%arg14 : memref<!tpu.dma_semaphore, #tpu.memory_space<semaphore_mem>>)
      %dma_start3A_39 = arith.constant 0 : i32
      %dma_start3A_40 = arith.constant 0 : i32
      %dma_start3A_41 = tpu.memref_slice %arg6[%dma_start3A_39, %dma_start3A_40] : memref<222x64xi32, #tpu.memory_space<vmem>> -> memref<1x64xi32, #tpu.memory_space<vmem>>
      %dma_start3A_42 = tpu.memref_squeeze %dma_start3A_41 : memref<1x64xi32, #tpu.memory_space<vmem>> -> memref<64xi32, #tpu.memory_space<vmem>>
      %dma_start3A_43 = arith.constant 0 : i32
      %dma_start3A_44 = arith.constant 0 : i32
      %dma_start3A_45 = tpu.memref_slice %arg2[%dma_start3A_43, %dma_start3A_44] : memref<10240x128xf32, #tpu.memory_space<hbm>> -> memref<10240x128xf32, #tpu.memory_space<hbm>>
      tpu.enqueue_indirect_dma source(%dma_start3A_45 : memref<10240x128xf32, #tpu.memory_space<hbm>>) target(%arg9 : memref<64x128xf32, #tpu.memory_space<vmem>>) offsets(%dma_start3A_42 : memref<64xi32, #tpu.memory_space<vmem>>) semaphore(%arg12 : memref<!tpu.dma_semaphore, #tpu.memory_space<semaphore_mem>>)
      %add3A_46 = arith.constant 1 : i32
      %add3A_47 = arith.addi %add3A_31, %add3A_46 : i32
      %dma_start3A_48 = arith.constant 0 : i32
      %dma_start3A_49 = tpu.memref_slice %arg4[%add3A_47, %dma_start3A_48] : memref<5056x64xi32, #tpu.memory_space<hbm>> -> memref<1x64xi32, #tpu.memory_space<hbm>>
      %dma_start3A_50 = tpu.memref_squeeze %dma_start3A_49 : memref<1x64xi32, #tpu.memory_space<hbm>> -> memref<64xi32, #tpu.memory_space<hbm>>
      %dma_start3A_51 = arith.constant 0 : i32
      %dma_start3A_52 = tpu.memref_slice %arg4[%add3A_47, %dma_start3A_51] : memref<5056x64xi32, #tpu.memory_space<hbm>> -> memref<1x64xi32, #tpu.memory_space<hbm>>
      %dma_start3A_53 = tpu.memref_squeeze %dma_start3A_52 : memref<1x64xi32, #tpu.memory_space<hbm>> -> memref<64xi32, #tpu.memory_space<hbm>>
      tpu.enqueue_dma source(%dma_start3A_53 : memref<64xi32, #tpu.memory_space<hbm>>) target(%arg8 : memref<64xi32, #tpu.memory_space<vmem>>) target_semaphore(%arg15 : memref<!tpu.dma_semaphore, #tpu.memory_space<semaphore_mem>>)
      %dma_start3A_54 = arith.constant 1 : i32
      %dma_start3A_55 = arith.constant 0 : i32
      %dma_start3A_56 = tpu.memref_slice %arg6[%dma_start3A_54, %dma_start3A_55] : memref<222x64xi32, #tpu.memory_space<vmem>> -> memref<1x64xi32, #tpu.memory_space<vmem>>
      %dma_start3A_57 = tpu.memref_squeeze %dma_start3A_56 : memref<1x64xi32, #tpu.memory_space<vmem>> -> memref<64xi32, #tpu.memory_space<vmem>>
      %dma_start3A_58 = arith.constant 0 : i32
      %dma_start3A_59 = arith.constant 0 : i32
      %dma_start3A_60 = tpu.memref_slice %arg2[%dma_start3A_58, %dma_start3A_59] : memref<10240x128xf32, #tpu.memory_space<hbm>> -> memref<10240x128xf32, #tpu.memory_space<hbm>>
      tpu.enqueue_indirect_dma source(%dma_start3A_60 : memref<10240x128xf32, #tpu.memory_space<hbm>>) target(%arg10 : memref<64x128xf32, #tpu.memory_space<vmem>>) offsets(%dma_start3A_57 : memref<64xi32, #tpu.memory_space<vmem>>) semaphore(%arg13 : memref<!tpu.dma_semaphore, #tpu.memory_space<semaphore_mem>>)
      %scan3A_61 = arith.constant 0 : i32
      %scan3A_62 = arith.constant 47 : i32
      %scan3A_63 = arith.addi %scan3A_61, %scan3A_62 : i32
      %scan3A_64 = arith.constant 1 : i32
      scf.for %scan3A_66 = %scan3A_61 to %scan3A_63 step %scan3A_64  : i32 {
        %mul3A_67 = arith.constant 1 : i32
        %mul3A_68 = arith.muli %scan3A_66, %mul3A_67 : i32
        %add3A_69 = arith.constant 0 : i32
        %add3A_70 = arith.addi %add3A_69, %mul3A_68 : i32
        %mul3A_71 = arith.constant 2 : i32
        %mul3A_72 = arith.muli %mul3A_71, %add3A_70 : i32
        %dma_wait3A = arith.constant 0 : i32
        %dma_wait3A_73 = tpu.memref_slice %arg6[%mul3A_72, %dma_wait3A] : memref<222x64xi32, #tpu.memory_space<vmem>> -> memref<1x64xi32, #tpu.memory_space<vmem>>
        %dma_wait3A_74 = tpu.memref_squeeze %dma_wait3A_73 : memref<1x64xi32, #tpu.memory_space<vmem>> -> memref<64xi32, #tpu.memory_space<vmem>>
        %dma_wait3A_75 = arith.constant 0 : i32
        %dma_wait3A_76 = arith.constant 0 : i32
        %dma_wait3A_77 = tpu.memref_slice %arg2[%dma_wait3A_75, %dma_wait3A_76] : memref<10240x128xf32, #tpu.memory_space<hbm>> -> memref<10240x128xf32, #tpu.memory_space<hbm>>
        tpu.wait_indirect_dma semaphore(%arg12 : memref<!tpu.dma_semaphore, #tpu.memory_space<semaphore_mem>>) src(%dma_wait3A_77 : memref<10240x128xf32, #tpu.memory_space<hbm>>) dst(%arg9 : memref<64x128xf32, #tpu.memory_space<vmem>>)
        %add3A_78 = arith.addi %add3A_31, %mul3A_72 : i32
        %dma_wait3A_79 = arith.constant 0 : i32
        %dma_wait3A_80 = tpu.memref_slice %arg4[%add3A_78, %dma_wait3A_79] : memref<5056x64xi32, #tpu.memory_space<hbm>> -> memref<1x64xi32, #tpu.memory_space<hbm>>
        %dma_wait3A_81 = tpu.memref_squeeze %dma_wait3A_80 : memref<1x64xi32, #tpu.memory_space<hbm>> -> memref<64xi32, #tpu.memory_space<hbm>>
        %dma_wait3A_82 = arith.constant 0 : i32
        %dma_wait3A_83 = tpu.memref_slice %arg4[%add3A_78, %dma_wait3A_82] : memref<5056x64xi32, #tpu.memory_space<hbm>> -> memref<1x64xi32, #tpu.memory_space<hbm>>
        %dma_wait3A_84 = tpu.memref_squeeze %dma_wait3A_83 : memref<1x64xi32, #tpu.memory_space<hbm>> -> memref<64xi32, #tpu.memory_space<hbm>>
        tpu.wait_dma2 semaphore(%arg14 : memref<!tpu.dma_semaphore, #tpu.memory_space<semaphore_mem>>) src(%dma_wait3A_84 : memref<64xi32, #tpu.memory_space<hbm>>) dst(%arg7 : memref<64xi32, #tpu.memory_space<vmem>>)
        "tpu.region"() ({
          %run_scoped3A = tpu.sem_alloc : memref<!tpu.dma_semaphore, #tpu.memory_space<semaphore_mem>>
          %dma_start3A_115 = arith.constant 0 : i32
          %dma_start3A_116 = arith.constant 0 : i32
          %dma_start3A_117 = tpu.memref_slice %arg11[%dma_start3A_115, %dma_start3A_116] : memref<10240x128xf32, #tpu.memory_space<vmem_shared>> -> memref<10240x128xf32, #tpu.memory_space<vmem_shared>>
          tpu.enqueue_indirect_dma source(%arg9 : memref<64x128xf32, #tpu.memory_space<vmem>>) target(%dma_start3A_117 : memref<10240x128xf32, #tpu.memory_space<vmem_shared>>) offsets(%arg7 : memref<64xi32, #tpu.memory_space<vmem>>) semaphore(%run_scoped3A : memref<!tpu.dma_semaphore, #tpu.memory_space<semaphore_mem>>) {add = true}
          %dma_wait3A_118 = arith.constant 0 : i32
          %dma_wait3A_119 = arith.constant 0 : i32
          %dma_wait3A_120 = tpu.memref_slice %arg11[%dma_wait3A_118, %dma_wait3A_119] : memref<10240x128xf32, #tpu.memory_space<vmem_shared>> -> memref<10240x128xf32, #tpu.memory_space<vmem_shared>>
          tpu.wait_indirect_dma semaphore(%run_scoped3A : memref<!tpu.dma_semaphore, #tpu.memory_space<semaphore_mem>>) src(%arg9 : memref<64x128xf32, #tpu.memory_space<vmem>>) dst(%dma_wait3A_120 : memref<10240x128xf32, #tpu.memory_space<vmem_shared>>)
          tpu.yield
        }) : () -> ()
        %add3A_85 = arith.constant 2 : i32
        %add3A_86 = arith.addi %mul3A_72, %add3A_85 : i32
        %lt3A = arith.constant 94 : i32
        %lt3A_87 = arith.cmpi slt, %add3A_86, %lt3A : i32
        %convert_element_type3A_88 = arith.extui %lt3A_87 : i1 to i32
        %cond3A_89 = arith.constant 0 : i32
        %cond3A_90 = arith.cmpi ne, %convert_element_type3A_88, %cond3A_89 : i32
        scf.if %cond3A_90 {
          %add3A_115 = arith.constant 2 : i32
          %add3A_116 = arith.addi %mul3A_72, %add3A_115 : i32
          %add3A_117 = arith.addi %add3A_31, %add3A_116 : i32
          %dma_start3A_118 = arith.constant 0 : i32
          %dma_start3A_119 = tpu.memref_slice %arg4[%add3A_117, %dma_start3A_118] : memref<5056x64xi32, #tpu.memory_space<hbm>> -> memref<1x64xi32, #tpu.memory_space<hbm>>
          %dma_start3A_120 = tpu.memref_squeeze %dma_start3A_119 : memref<1x64xi32, #tpu.memory_space<hbm>> -> memref<64xi32, #tpu.memory_space<hbm>>
          %dma_start3A_121 = arith.constant 0 : i32
          %dma_start3A_122 = tpu.memref_slice %arg4[%add3A_117, %dma_start3A_121] : memref<5056x64xi32, #tpu.memory_space<hbm>> -> memref<1x64xi32, #tpu.memory_space<hbm>>
          %dma_start3A_123 = tpu.memref_squeeze %dma_start3A_122 : memref<1x64xi32, #tpu.memory_space<hbm>> -> memref<64xi32, #tpu.memory_space<hbm>>
          tpu.enqueue_dma source(%dma_start3A_123 : memref<64xi32, #tpu.memory_space<hbm>>) target(%arg7 : memref<64xi32, #tpu.memory_space<vmem>>) target_semaphore(%arg14 : memref<!tpu.dma_semaphore, #tpu.memory_space<semaphore_mem>>)
          %add3A_124 = arith.constant 2 : i32
          %add3A_125 = arith.addi %mul3A_72, %add3A_124 : i32
          %dma_start3A_126 = arith.constant 0 : i32
          %dma_start3A_127 = tpu.memref_slice %arg6[%add3A_125, %dma_start3A_126] : memref<222x64xi32, #tpu.memory_space<vmem>> -> memref<1x64xi32, #tpu.memory_space<vmem>>
          %dma_start3A_128 = tpu.memref_squeeze %dma_start3A_127 : memref<1x64xi32, #tpu.memory_space<vmem>> -> memref<64xi32, #tpu.memory_space<vmem>>
          %dma_start3A_129 = arith.constant 0 : i32
          %dma_start3A_130 = arith.constant 0 : i32
          %dma_start3A_131 = tpu.memref_slice %arg2[%dma_start3A_129, %dma_start3A_130] : memref<10240x128xf32, #tpu.memory_space<hbm>> -> memref<10240x128xf32, #tpu.memory_space<hbm>>
          tpu.enqueue_indirect_dma source(%dma_start3A_131 : memref<10240x128xf32, #tpu.memory_space<hbm>>) target(%arg9 : memref<64x128xf32, #tpu.memory_space<vmem>>) offsets(%dma_start3A_128 : memref<64xi32, #tpu.memory_space<vmem>>) semaphore(%arg12 : memref<!tpu.dma_semaphore, #tpu.memory_space<semaphore_mem>>)
        } else {
        }
        %add3A_91 = arith.constant 1 : i32
        %add3A_92 = arith.addi %mul3A_72, %add3A_91 : i32
        %dma_wait3A_93 = arith.constant 0 : i32
        %dma_wait3A_94 = tpu.memref_slice %arg6[%add3A_92, %dma_wait3A_93] : memref<222x64xi32, #tpu.memory_space<vmem>> -> memref<1x64xi32, #tpu.memory_space<vmem>>
        %dma_wait3A_95 = tpu.memref_squeeze %dma_wait3A_94 : memref<1x64xi32, #tpu.memory_space<vmem>> -> memref<64xi32, #tpu.memory_space<vmem>>
        %dma_wait3A_96 = arith.constant 0 : i32
        %dma_wait3A_97 = arith.constant 0 : i32
        %dma_wait3A_98 = tpu.memref_slice %arg2[%dma_wait3A_96, %dma_wait3A_97] : memref<10240x128xf32, #tpu.memory_space<hbm>> -> memref<10240x128xf32, #tpu.memory_space<hbm>>
        tpu.wait_indirect_dma semaphore(%arg13 : memref<!tpu.dma_semaphore, #tpu.memory_space<semaphore_mem>>) src(%dma_wait3A_98 : memref<10240x128xf32, #tpu.memory_space<hbm>>) dst(%arg10 : memref<64x128xf32, #tpu.memory_space<vmem>>)
        %add3A_99 = arith.constant 1 : i32
        %add3A_100 = arith.addi %mul3A_72, %add3A_99 : i32
        %add3A_101 = arith.addi %add3A_31, %add3A_100 : i32
        %dma_wait3A_102 = arith.constant 0 : i32
        %dma_wait3A_103 = tpu.memref_slice %arg4[%add3A_101, %dma_wait3A_102] : memref<5056x64xi32, #tpu.memory_space<hbm>> -> memref<1x64xi32, #tpu.memory_space<hbm>>
        %dma_wait3A_104 = tpu.memref_squeeze %dma_wait3A_103 : memref<1x64xi32, #tpu.memory_space<hbm>> -> memref<64xi32, #tpu.memory_space<hbm>>
        %dma_wait3A_105 = arith.constant 0 : i32
        %dma_wait3A_106 = tpu.memref_slice %arg4[%add3A_101, %dma_wait3A_105] : memref<5056x64xi32, #tpu.memory_space<hbm>> -> memref<1x64xi32, #tpu.memory_space<hbm>>
        %dma_wait3A_107 = tpu.memref_squeeze %dma_wait3A_106 : memref<1x64xi32, #tpu.memory_space<hbm>> -> memref<64xi32, #tpu.memory_space<hbm>>
        tpu.wait_dma2 semaphore(%arg15 : memref<!tpu.dma_semaphore, #tpu.memory_space<semaphore_mem>>) src(%dma_wait3A_107 : memref<64xi32, #tpu.memory_space<hbm>>) dst(%arg8 : memref<64xi32, #tpu.memory_space<vmem>>)
        "tpu.region"() ({
          %run_scoped3A = tpu.sem_alloc : memref<!tpu.dma_semaphore, #tpu.memory_space<semaphore_mem>>
          %dma_start3A_115 = arith.constant 0 : i32
          %dma_start3A_116 = arith.constant 0 : i32
          %dma_start3A_117 = tpu.memref_slice %arg11[%dma_start3A_115, %dma_start3A_116] : memref<10240x128xf32, #tpu.memory_space<vmem_shared>> -> memref<10240x128xf32, #tpu.memory_space<vmem_shared>>
          tpu.enqueue_indirect_dma source(%arg10 : memref<64x128xf32, #tpu.memory_space<vmem>>) target(%dma_start3A_117 : memref<10240x128xf32, #tpu.memory_space<vmem_shared>>) offsets(%arg8 : memref<64xi32, #tpu.memory_space<vmem>>) semaphore(%run_scoped3A : memref<!tpu.dma_semaphore, #tpu.memory_space<semaphore_mem>>) {add = true}
          %dma_wait3A_118 = arith.constant 0 : i32
          %dma_wait3A_119 = arith.constant 0 : i32
          %dma_wait3A_120 = tpu.memref_slice %arg11[%dma_wait3A_118, %dma_wait3A_119] : memref<10240x128xf32, #tpu.memory_space<vmem_shared>> -> memref<10240x128xf32, #tpu.memory_space<vmem_shared>>
          tpu.wait_indirect_dma semaphore(%run_scoped3A : memref<!tpu.dma_semaphore, #tpu.memory_space<semaphore_mem>>) src(%arg10 : memref<64x128xf32, #tpu.memory_space<vmem>>) dst(%dma_wait3A_120 : memref<10240x128xf32, #tpu.memory_space<vmem_shared>>)
          tpu.yield
        }) : () -> ()
        %add3A_108 = arith.constant 3 : i32
        %add3A_109 = arith.addi %mul3A_72, %add3A_108 : i32
        %lt3A_110 = arith.constant 94 : i32
        %lt3A_111 = arith.cmpi slt, %add3A_109, %lt3A_110 : i32
        %convert_element_type3A_112 = arith.extui %lt3A_111 : i1 to i32
        %cond3A_113 = arith.constant 0 : i32
        %cond3A_114 = arith.cmpi ne, %convert_element_type3A_112, %cond3A_113 : i32
        scf.if %cond3A_114 {
          %add3A_115 = arith.constant 3 : i32
          %add3A_116 = arith.addi %mul3A_72, %add3A_115 : i32
          %add3A_117 = arith.addi %add3A_31, %add3A_116 : i32
          %dma_start3A_118 = arith.constant 0 : i32
          %dma_start3A_119 = tpu.memref_slice %arg4[%add3A_117, %dma_start3A_118] : memref<5056x64xi32, #tpu.memory_space<hbm>> -> memref<1x64xi32, #tpu.memory_space<hbm>>
          %dma_start3A_120 = tpu.memref_squeeze %dma_start3A_119 : memref<1x64xi32, #tpu.memory_space<hbm>> -> memref<64xi32, #tpu.memory_space<hbm>>
          %dma_start3A_121 = arith.constant 0 : i32
          %dma_start3A_122 = tpu.memref_slice %arg4[%add3A_117, %dma_start3A_121] : memref<5056x64xi32, #tpu.memory_space<hbm>> -> memref<1x64xi32, #tpu.memory_space<hbm>>
          %dma_start3A_123 = tpu.memref_squeeze %dma_start3A_122 : memref<1x64xi32, #tpu.memory_space<hbm>> -> memref<64xi32, #tpu.memory_space<hbm>>
          tpu.enqueue_dma source(%dma_start3A_123 : memref<64xi32, #tpu.memory_space<hbm>>) target(%arg8 : memref<64xi32, #tpu.memory_space<vmem>>) target_semaphore(%arg15 : memref<!tpu.dma_semaphore, #tpu.memory_space<semaphore_mem>>)
          %add3A_124 = arith.constant 3 : i32
          %add3A_125 = arith.addi %mul3A_72, %add3A_124 : i32
          %dma_start3A_126 = arith.constant 0 : i32
          %dma_start3A_127 = tpu.memref_slice %arg6[%add3A_125, %dma_start3A_126] : memref<222x64xi32, #tpu.memory_space<vmem>> -> memref<1x64xi32, #tpu.memory_space<vmem>>
          %dma_start3A_128 = tpu.memref_squeeze %dma_start3A_127 : memref<1x64xi32, #tpu.memory_space<vmem>> -> memref<64xi32, #tpu.memory_space<vmem>>
          %dma_start3A_129 = arith.constant 0 : i32
          %dma_start3A_130 = arith.constant 0 : i32
          %dma_start3A_131 = tpu.memref_slice %arg2[%dma_start3A_129, %dma_start3A_130] : memref<10240x128xf32, #tpu.memory_space<hbm>> -> memref<10240x128xf32, #tpu.memory_space<hbm>>
          tpu.enqueue_indirect_dma source(%dma_start3A_131 : memref<10240x128xf32, #tpu.memory_space<hbm>>) target(%arg10 : memref<64x128xf32, #tpu.memory_space<vmem>>) offsets(%dma_start3A_128 : memref<64xi32, #tpu.memory_space<vmem>>) semaphore(%arg13 : memref<!tpu.dma_semaphore, #tpu.memory_space<semaphore_mem>>)
        } else {
        }
      }
      %scan3A_65 = arith.constant 47 : i32
    } else {
    }
    %barrier3A_18 = arith.constant 0 : index
    tpu.barrier barrier_id(%barrier3A_18)
    %eq3A_19 = arith.constant 0 : i32
    %eq3A_20 = arith.cmpi eq, %arg0, %eq3A_19 : i32
    %convert_element_type3A_21 = arith.extui %eq3A_20 : i1 to i32
    %cond3A_22 = arith.constant 0 : i32
    %cond3A_23 = arith.cmpi ne, %convert_element_type3A_21, %cond3A_22 : i32
    scf.if %cond3A_23 {
      %run_scoped3A = arith.constant 0 : i32
      "tpu.region"() ({
        %run_scoped3A_29 = tpu.sem_alloc : memref<!tpu.dma_semaphore, #tpu.memory_space<semaphore_mem>>
        %dma_start3A = arith.constant 0 : i32
        %dma_start3A_30 = tpu.memref_slice %arg5[%run_scoped3A, %mul3A_5, %dma_start3A] : memref<2x10240x128xf32, #tpu.memory_space<hbm>> -> memref<1x640x128xf32, #tpu.memory_space<hbm>>
        %dma_start3A_31 = tpu.memref_squeeze %dma_start3A_30 : memref<1x640x128xf32, #tpu.memory_space<hbm>> -> memref<640x128xf32, #tpu.memory_space<hbm>>
        %dma_start3A_32 = arith.constant 0 : i32
        %dma_start3A_33 = tpu.memref_slice %arg11[%mul3A_5, %dma_start3A_32] : memref<10240x128xf32, #tpu.memory_space<vmem_shared>> -> memref<640x128xf32, #tpu.memory_space<vmem_shared>>
        tpu.enqueue_dma source(%dma_start3A_33 : memref<640x128xf32, #tpu.memory_space<vmem_shared>>) target(%dma_start3A_31 : memref<640x128xf32, #tpu.memory_space<hbm>>) target_semaphore(%run_scoped3A_29 : memref<!tpu.dma_semaphore, #tpu.memory_space<semaphore_mem>>)
        %dma_wait3A = arith.constant 0 : i32
        %dma_wait3A_34 = tpu.memref_slice %arg5[%run_scoped3A, %mul3A_5, %dma_wait3A] : memref<2x10240x128xf32, #tpu.memory_space<hbm>> -> memref<1x640x128xf32, #tpu.memory_space<hbm>>
        %dma_wait3A_35 = tpu.memref_squeeze %dma_wait3A_34 : memref<1x640x128xf32, #tpu.memory_space<hbm>> -> memref<640x128xf32, #tpu.memory_space<hbm>>
        %dma_wait3A_36 = arith.constant 0 : i32
        %dma_wait3A_37 = tpu.memref_slice %arg11[%mul3A_5, %dma_wait3A_36] : memref<10240x128xf32, #tpu.memory_space<vmem_shared>> -> memref<640x128xf32, #tpu.memory_space<vmem_shared>>
        tpu.wait_dma2 semaphore(%run_scoped3A_29 : memref<!tpu.dma_semaphore, #tpu.memory_space<semaphore_mem>>) src(%dma_wait3A_37 : memref<640x128xf32, #tpu.memory_space<vmem_shared>>) dst(%dma_wait3A_35 : memref<640x128xf32, #tpu.memory_space<hbm>>)
        tpu.yield
      }) : () -> ()
    } else {
    }
    %eq3A_24 = arith.constant 1 : i32
    %eq3A_25 = arith.cmpi eq, %arg0, %eq3A_24 : i32
    %convert_element_type3A_26 = arith.extui %eq3A_25 : i1 to i32
    %cond3A_27 = arith.constant 0 : i32
    %cond3A_28 = arith.cmpi ne, %convert_element_type3A_26, %cond3A_27 : i32
    scf.if %cond3A_28 {
      %run_scoped3A = arith.constant 1 : i32
      "tpu.region"() ({
        %run_scoped3A_29 = tpu.sem_alloc : memref<!tpu.dma_semaphore, #tpu.memory_space<semaphore_mem>>
        %dma_start3A = arith.constant 0 : i32
        %dma_start3A_30 = tpu.memref_slice %arg5[%run_scoped3A, %mul3A_5, %dma_start3A] : memref<2x10240x128xf32, #tpu.memory_space<hbm>> -> memref<1x640x128xf32, #tpu.memory_space<hbm>>
        %dma_start3A_31 = tpu.memref_squeeze %dma_start3A_30 : memref<1x640x128xf32, #tpu.memory_space<hbm>> -> memref<640x128xf32, #tpu.memory_space<hbm>>
        %dma_start3A_32 = arith.constant 0 : i32
        %dma_start3A_33 = tpu.memref_slice %arg11[%mul3A_5, %dma_start3A_32] : memref<10240x128xf32, #tpu.memory_space<vmem_shared>> -> memref<640x128xf32, #tpu.memory_space<vmem_shared>>
        tpu.enqueue_dma source(%dma_start3A_33 : memref<640x128xf32, #tpu.memory_space<vmem_shared>>) target(%dma_start3A_31 : memref<640x128xf32, #tpu.memory_space<hbm>>) target_semaphore(%run_scoped3A_29 : memref<!tpu.dma_semaphore, #tpu.memory_space<semaphore_mem>>)
        %dma_wait3A = arith.constant 0 : i32
        %dma_wait3A_34 = tpu.memref_slice %arg5[%run_scoped3A, %mul3A_5, %dma_wait3A] : memref<2x10240x128xf32, #tpu.memory_space<hbm>> -> memref<1x640x128xf32, #tpu.memory_space<hbm>>
        %dma_wait3A_35 = tpu.memref_squeeze %dma_wait3A_34 : memref<1x640x128xf32, #tpu.memory_space<hbm>> -> memref<640x128xf32, #tpu.memory_space<hbm>>
        %dma_wait3A_36 = arith.constant 0 : i32
        %dma_wait3A_37 = tpu.memref_slice %arg11[%mul3A_5, %dma_wait3A_36] : memref<10240x128xf32, #tpu.memory_space<vmem_shared>> -> memref<640x128xf32, #tpu.memory_space<vmem_shared>>
        tpu.wait_dma2 semaphore(%run_scoped3A_29 : memref<!tpu.dma_semaphore, #tpu.memory_space<semaphore_mem>>) src(%dma_wait3A_37 : memref<640x128xf32, #tpu.memory_space<vmem_shared>>) dst(%dma_wait3A_35 : memref<640x128xf32, #tpu.memory_space<hbm>>)
        tpu.yield
      }) : () -> ()
    } else {
    }
    return
  }
}

#map = affine_map<(d0, d1) -> (0, 0)>
#map1 = affine_map<(d0, d1) -> (0, 0, 0)>
module attributes {stable_mosaic.version = 14 : i64} {
  func.func @agg(%arg0: i32, %arg1: i32, %arg2: memref<10240x64xf32, #tpu.memory_space<hbm>>, %arg3: memref<2528x128xi32, #tpu.memory_space<hbm>>, %arg4: memref<2528x128xi32, #tpu.memory_space<hbm>>, %arg5: memref<2x10240x64xf32, #tpu.memory_space<hbm>>, %arg6: memref<111x128xi32, #tpu.memory_space<vmem>>, %arg7: memref<128xi32, #tpu.memory_space<vmem>>, %arg8: memref<128xi32, #tpu.memory_space<vmem>>, %arg9: memref<128x64xf32, #tpu.memory_space<vmem>>, %arg10: memref<128x64xf32, #tpu.memory_space<vmem>>, %arg11: memref<10240x64xf32, #tpu.memory_space<vmem_shared>>, %arg12: memref<!tpu.dma_semaphore, #tpu.memory_space<semaphore_mem>>, %arg13: memref<!tpu.dma_semaphore, #tpu.memory_space<semaphore_mem>>, %arg14: memref<!tpu.dma_semaphore, #tpu.memory_space<semaphore_mem>>, %arg15: memref<!tpu.dma_semaphore, #tpu.memory_space<semaphore_mem>>) attributes {dimension_semantics = [#tpu.dimension_semantics<core_parallel>, #tpu.dimension_semantics<subcore_parallel>], iteration_bounds = array<i64: 2, 16>, scalar_prefetch = 0 : i64, scratch_operands = 10 : i64, tpu.core_type = #tpu.core_type<sc_vector_subcore>, window_params = [{transform_indices = #map}, {transform_indices = #map}, {transform_indices = #map}, {transform_indices = #map1}]} {
    %broadcast_in_dim3A = arith.constant 0.000000e+00 : f32
    %broadcast_in_dim3A_0 = vector.broadcast %broadcast_in_dim3A : f32 to vector<16xf32>
    %scan3A = arith.constant 0 : i32
    %scan3A_1 = arith.constant 128 : i32
    %scan3A_2 = arith.addi %scan3A, %scan3A_1 : i32
    %scan3A_3 = arith.constant 1 : i32
    scf.for %scan3A_29 = %scan3A to %scan3A_2 step %scan3A_3  : i32 {
      %mul3A_30 = arith.constant 1 : i32
      %mul3A_31 = arith.muli %scan3A_29, %mul3A_30 : i32
      %add3A = arith.constant 0 : i32
      %add3A_32 = arith.addi %add3A, %mul3A_31 : i32
      %scan3A_33 = arith.constant 0 : i32
      %scan3A_34 = arith.constant 4 : i32
      %scan3A_35 = arith.addi %scan3A_33, %scan3A_34 : i32
      %scan3A_36 = arith.constant 1 : i32
      scf.for %scan3A_38 = %scan3A_33 to %scan3A_35 step %scan3A_36  : i32 {
        %mul3A_39 = arith.constant 1 : i32
        %mul3A_40 = arith.muli %scan3A_38, %mul3A_39 : i32
        %add3A_41 = arith.constant 0 : i32
        %add3A_42 = arith.addi %add3A_41, %mul3A_40 : i32
        %mul3A_43 = arith.constant 16 : i32
        %mul3A_44 = arith.muli %add3A_42, %mul3A_43 : i32
        %swap3A = arith.index_cast %add3A_32 : i32 to index
        %swap3A_45 = arith.index_cast %mul3A_44 : i32 to index
        %swap3A_46 = tpu.vector_load %arg9[%swap3A, %swap3A_45] {strides = array<i32>} : memref<128x64xf32, #tpu.memory_space<vmem>>, vector<1x16xf32>,
        %swap3A_47 = vector.shape_cast %swap3A_46 : vector<1x16xf32> to vector<16xf32>
        %swap3A_48 = vector.shape_cast %broadcast_in_dim3A_0 : vector<16xf32> to vector<1x16xf32>
        tpu.vector_store %arg9[%swap3A, %swap3A_45], %swap3A_48 {strides = array<i32>} : memref<128x64xf32, #tpu.memory_space<vmem>>, vector<1x16xf32>,
      }
      %scan3A_37 = arith.constant 4 : i32
    }
    %scan3A_4 = arith.constant 128 : i32
    %mul3A = arith.constant 640 : i32
    %mul3A_5 = arith.muli %arg1, %mul3A : i32
    %scan3A_6 = arith.constant 0 : i32
    %scan3A_7 = arith.constant 5 : i32
    %scan3A_8 = arith.addi %scan3A_6, %scan3A_7 : i32
    %scan3A_9 = arith.constant 1 : i32
    scf.for %scan3A_29 = %scan3A_6 to %scan3A_8 step %scan3A_9  : i32 {
      %mul3A_30 = arith.constant 1 : i32
      %mul3A_31 = arith.muli %scan3A_29, %mul3A_30 : i32
      %add3A = arith.constant 0 : i32
      %add3A_32 = arith.addi %add3A, %mul3A_31 : i32
      %mul3A_33 = arith.constant 128 : i32
      %mul3A_34 = arith.muli %add3A_32, %mul3A_33 : i32
      %add3A_35 = arith.addi %mul3A_5, %mul3A_34 : i32
      "tpu.region"() ({
        %run_scoped3A = tpu.sem_alloc : memref<!tpu.dma_semaphore, #tpu.memory_space<semaphore_mem>>
        %dma_start3A = arith.constant 0 : i32
        %dma_start3A_36 = tpu.memref_slice %arg11[%add3A_35, %dma_start3A] : memref<10240x64xf32, #tpu.memory_space<vmem_shared>> -> memref<128x64xf32, #tpu.memory_space<vmem_shared>>
        %dma_start3A_37 = arith.constant 0 : i32
        %dma_start3A_38 = tpu.memref_slice %arg11[%add3A_35, %dma_start3A_37] : memref<10240x64xf32, #tpu.memory_space<vmem_shared>> -> memref<128x64xf32, #tpu.memory_space<vmem_shared>>
        tpu.enqueue_dma source(%arg9 : memref<128x64xf32, #tpu.memory_space<vmem>>) target(%dma_start3A_38 : memref<128x64xf32, #tpu.memory_space<vmem_shared>>) target_semaphore(%run_scoped3A : memref<!tpu.dma_semaphore, #tpu.memory_space<semaphore_mem>>)
        %dma_wait3A = arith.constant 0 : i32
        %dma_wait3A_39 = tpu.memref_slice %arg11[%add3A_35, %dma_wait3A] : memref<10240x64xf32, #tpu.memory_space<vmem_shared>> -> memref<128x64xf32, #tpu.memory_space<vmem_shared>>
        %dma_wait3A_40 = arith.constant 0 : i32
        %dma_wait3A_41 = tpu.memref_slice %arg11[%add3A_35, %dma_wait3A_40] : memref<10240x64xf32, #tpu.memory_space<vmem_shared>> -> memref<128x64xf32, #tpu.memory_space<vmem_shared>>
        tpu.wait_dma2 semaphore(%run_scoped3A : memref<!tpu.dma_semaphore, #tpu.memory_space<semaphore_mem>>) src(%arg9 : memref<128x64xf32, #tpu.memory_space<vmem>>) dst(%dma_wait3A_41 : memref<128x64xf32, #tpu.memory_space<vmem_shared>>)
        tpu.yield
      }) : () -> ()
    }
    %scan3A_10 = arith.constant 5 : i32
    %barrier3A = arith.constant 0 : index
    tpu.barrier barrier_id(%barrier3A)
    %eq3A = arith.constant 0 : i32
    %eq3A_11 = arith.cmpi eq, %arg0, %eq3A : i32
    %convert_element_type3A = arith.extui %eq3A_11 : i1 to i32
    %cond3A = arith.constant 0 : i32
    %cond3A_12 = arith.cmpi ne, %convert_element_type3A, %cond3A : i32
    scf.if %cond3A_12 {
      %mul3A_29 = arith.constant 111 : i32
      %mul3A_30 = arith.muli %arg1, %mul3A_29 : i32
      "tpu.region"() ({
        %run_scoped3A = tpu.sem_alloc : memref<!tpu.dma_semaphore, #tpu.memory_space<semaphore_mem>>
        %dma_start3A_78 = arith.constant 0 : i32
        %dma_start3A_79 = arith.constant 0 : i32
        %dma_start3A_80 = tpu.memref_slice %arg6[%dma_start3A_78, %dma_start3A_79] : memref<111x128xi32, #tpu.memory_space<vmem>> -> memref<111x128xi32, #tpu.memory_space<vmem>>
        %dma_start3A_81 = arith.constant 0 : i32
        %dma_start3A_82 = tpu.memref_slice %arg3[%mul3A_30, %dma_start3A_81] : memref<2528x128xi32, #tpu.memory_space<hbm>> -> memref<111x128xi32, #tpu.memory_space<hbm>>
        %dma_start3A_83 = arith.constant 0 : i32
        %dma_start3A_84 = arith.constant 0 : i32
        %dma_start3A_85 = tpu.memref_slice %arg6[%dma_start3A_83, %dma_start3A_84] : memref<111x128xi32, #tpu.memory_space<vmem>> -> memref<111x128xi32, #tpu.memory_space<vmem>>
        %dma_start3A_86 = arith.constant 0 : i32
        %dma_start3A_87 = tpu.memref_slice %arg3[%mul3A_30, %dma_start3A_86] : memref<2528x128xi32, #tpu.memory_space<hbm>> -> memref<111x128xi32, #tpu.memory_space<hbm>>
        tpu.enqueue_dma source(%dma_start3A_87 : memref<111x128xi32, #tpu.memory_space<hbm>>) target(%dma_start3A_85 : memref<111x128xi32, #tpu.memory_space<vmem>>) target_semaphore(%run_scoped3A : memref<!tpu.dma_semaphore, #tpu.memory_space<semaphore_mem>>)
        %dma_wait3A_88 = arith.constant 0 : i32
        %dma_wait3A_89 = arith.constant 0 : i32
        %dma_wait3A_90 = tpu.memref_slice %arg6[%dma_wait3A_88, %dma_wait3A_89] : memref<111x128xi32, #tpu.memory_space<vmem>> -> memref<111x128xi32, #tpu.memory_space<vmem>>
        %dma_wait3A_91 = arith.constant 0 : i32
        %dma_wait3A_92 = tpu.memref_slice %arg3[%mul3A_30, %dma_wait3A_91] : memref<2528x128xi32, #tpu.memory_space<hbm>> -> memref<111x128xi32, #tpu.memory_space<hbm>>
        %dma_wait3A_93 = arith.constant 0 : i32
        %dma_wait3A_94 = arith.constant 0 : i32
        %dma_wait3A_95 = tpu.memref_slice %arg6[%dma_wait3A_93, %dma_wait3A_94] : memref<111x128xi32, #tpu.memory_space<vmem>> -> memref<111x128xi32, #tpu.memory_space<vmem>>
        %dma_wait3A_96 = arith.constant 0 : i32
        %dma_wait3A_97 = tpu.memref_slice %arg3[%mul3A_30, %dma_wait3A_96] : memref<2528x128xi32, #tpu.memory_space<hbm>> -> memref<111x128xi32, #tpu.memory_space<hbm>>
        tpu.wait_dma2 semaphore(%run_scoped3A : memref<!tpu.dma_semaphore, #tpu.memory_space<semaphore_mem>>) src(%dma_wait3A_97 : memref<111x128xi32, #tpu.memory_space<hbm>>) dst(%dma_wait3A_95 : memref<111x128xi32, #tpu.memory_space<vmem>>)
        tpu.yield
      }) : () -> ()
      %add3A = arith.constant 0 : i32
      %add3A_31 = arith.addi %mul3A_30, %add3A : i32
      %dma_start3A = arith.constant 0 : i32
      %dma_start3A_32 = tpu.memref_slice %arg4[%add3A_31, %dma_start3A] : memref<2528x128xi32, #tpu.memory_space<hbm>> -> memref<1x128xi32, #tpu.memory_space<hbm>>
      %dma_start3A_33 = tpu.memref_squeeze %dma_start3A_32 : memref<1x128xi32, #tpu.memory_space<hbm>> -> memref<128xi32, #tpu.memory_space<hbm>>
      %dma_start3A_34 = arith.constant 0 : i32
      %dma_start3A_35 = tpu.memref_slice %arg4[%add3A_31, %dma_start3A_34] : memref<2528x128xi32, #tpu.memory_space<hbm>> -> memref<1x128xi32, #tpu.memory_space<hbm>>
      %dma_start3A_36 = tpu.memref_squeeze %dma_start3A_35 : memref<1x128xi32, #tpu.memory_space<hbm>> -> memref<128xi32, #tpu.memory_space<hbm>>
      tpu.enqueue_dma source(%dma_start3A_36 : memref<128xi32, #tpu.memory_space<hbm>>) target(%arg7 : memref<128xi32, #tpu.memory_space<vmem>>) target_semaphore(%arg14 : memref<!tpu.dma_semaphore, #tpu.memory_space<semaphore_mem>>)
      %dma_start3A_37 = arith.constant 0 : i32
      %dma_start3A_38 = arith.constant 0 : i32
      %dma_start3A_39 = tpu.memref_slice %arg6[%dma_start3A_37, %dma_start3A_38] : memref<111x128xi32, #tpu.memory_space<vmem>> -> memref<1x128xi32, #tpu.memory_space<vmem>>
      %dma_start3A_40 = tpu.memref_squeeze %dma_start3A_39 : memref<1x128xi32, #tpu.memory_space<vmem>> -> memref<128xi32, #tpu.memory_space<vmem>>
      %dma_start3A_41 = arith.constant 0 : i32
      %dma_start3A_42 = arith.constant 0 : i32
      %dma_start3A_43 = tpu.memref_slice %arg2[%dma_start3A_41, %dma_start3A_42] : memref<10240x64xf32, #tpu.memory_space<hbm>> -> memref<10240x64xf32, #tpu.memory_space<hbm>>
      tpu.enqueue_indirect_dma source(%dma_start3A_43 : memref<10240x64xf32, #tpu.memory_space<hbm>>) target(%arg9 : memref<128x64xf32, #tpu.memory_space<vmem>>) offsets(%dma_start3A_40 : memref<128xi32, #tpu.memory_space<vmem>>) semaphore(%arg12 : memref<!tpu.dma_semaphore, #tpu.memory_space<semaphore_mem>>)
      %add3A_44 = arith.constant 1 : i32
      %add3A_45 = arith.addi %mul3A_30, %add3A_44 : i32
      %dma_start3A_46 = arith.constant 0 : i32
      %dma_start3A_47 = tpu.memref_slice %arg4[%add3A_45, %dma_start3A_46] : memref<2528x128xi32, #tpu.memory_space<hbm>> -> memref<1x128xi32, #tpu.memory_space<hbm>>
      %dma_start3A_48 = tpu.memref_squeeze %dma_start3A_47 : memref<1x128xi32, #tpu.memory_space<hbm>> -> memref<128xi32, #tpu.memory_space<hbm>>
      %dma_start3A_49 = arith.constant 0 : i32
      %dma_start3A_50 = tpu.memref_slice %arg4[%add3A_45, %dma_start3A_49] : memref<2528x128xi32, #tpu.memory_space<hbm>> -> memref<1x128xi32, #tpu.memory_space<hbm>>
      %dma_start3A_51 = tpu.memref_squeeze %dma_start3A_50 : memref<1x128xi32, #tpu.memory_space<hbm>> -> memref<128xi32, #tpu.memory_space<hbm>>
      tpu.enqueue_dma source(%dma_start3A_51 : memref<128xi32, #tpu.memory_space<hbm>>) target(%arg8 : memref<128xi32, #tpu.memory_space<vmem>>) target_semaphore(%arg15 : memref<!tpu.dma_semaphore, #tpu.memory_space<semaphore_mem>>)
      %dma_start3A_52 = arith.constant 1 : i32
      %dma_start3A_53 = arith.constant 0 : i32
      %dma_start3A_54 = tpu.memref_slice %arg6[%dma_start3A_52, %dma_start3A_53] : memref<111x128xi32, #tpu.memory_space<vmem>> -> memref<1x128xi32, #tpu.memory_space<vmem>>
      %dma_start3A_55 = tpu.memref_squeeze %dma_start3A_54 : memref<1x128xi32, #tpu.memory_space<vmem>> -> memref<128xi32, #tpu.memory_space<vmem>>
      %dma_start3A_56 = arith.constant 0 : i32
      %dma_start3A_57 = arith.constant 0 : i32
      %dma_start3A_58 = tpu.memref_slice %arg2[%dma_start3A_56, %dma_start3A_57] : memref<10240x64xf32, #tpu.memory_space<hbm>> -> memref<10240x64xf32, #tpu.memory_space<hbm>>
      tpu.enqueue_indirect_dma source(%dma_start3A_58 : memref<10240x64xf32, #tpu.memory_space<hbm>>) target(%arg10 : memref<128x64xf32, #tpu.memory_space<vmem>>) offsets(%dma_start3A_55 : memref<128xi32, #tpu.memory_space<vmem>>) semaphore(%arg13 : memref<!tpu.dma_semaphore, #tpu.memory_space<semaphore_mem>>)
      %scan3A_59 = arith.constant 0 : i32
      %scan3A_60 = arith.constant 55 : i32
      %scan3A_61 = arith.addi %scan3A_59, %scan3A_60 : i32
      %scan3A_62 = arith.constant 1 : i32
      scf.for %scan3A_78 = %scan3A_59 to %scan3A_61 step %scan3A_62  : i32 {
        %mul3A_79 = arith.constant 1 : i32
        %mul3A_80 = arith.muli %scan3A_78, %mul3A_79 : i32
        %add3A_81 = arith.constant 0 : i32
        %add3A_82 = arith.addi %add3A_81, %mul3A_80 : i32
        %mul3A_83 = arith.constant 2 : i32
        %mul3A_84 = arith.muli %mul3A_83, %add3A_82 : i32
        %dma_wait3A_85 = arith.constant 0 : i32
        %dma_wait3A_86 = tpu.memref_slice %arg6[%mul3A_84, %dma_wait3A_85] : memref<111x128xi32, #tpu.memory_space<vmem>> -> memref<1x128xi32, #tpu.memory_space<vmem>>
        %dma_wait3A_87 = tpu.memref_squeeze %dma_wait3A_86 : memref<1x128xi32, #tpu.memory_space<vmem>> -> memref<128xi32, #tpu.memory_space<vmem>>
        %dma_wait3A_88 = arith.constant 0 : i32
        %dma_wait3A_89 = arith.constant 0 : i32
        %dma_wait3A_90 = tpu.memref_slice %arg2[%dma_wait3A_88, %dma_wait3A_89] : memref<10240x64xf32, #tpu.memory_space<hbm>> -> memref<10240x64xf32, #tpu.memory_space<hbm>>
        tpu.wait_indirect_dma semaphore(%arg12 : memref<!tpu.dma_semaphore, #tpu.memory_space<semaphore_mem>>) src(%dma_wait3A_90 : memref<10240x64xf32, #tpu.memory_space<hbm>>) dst(%arg9 : memref<128x64xf32, #tpu.memory_space<vmem>>)
        %add3A_91 = arith.addi %mul3A_30, %mul3A_84 : i32
        %dma_wait3A_92 = arith.constant 0 : i32
        %dma_wait3A_93 = tpu.memref_slice %arg4[%add3A_91, %dma_wait3A_92] : memref<2528x128xi32, #tpu.memory_space<hbm>> -> memref<1x128xi32, #tpu.memory_space<hbm>>
        %dma_wait3A_94 = tpu.memref_squeeze %dma_wait3A_93 : memref<1x128xi32, #tpu.memory_space<hbm>> -> memref<128xi32, #tpu.memory_space<hbm>>
        %dma_wait3A_95 = arith.constant 0 : i32
        %dma_wait3A_96 = tpu.memref_slice %arg4[%add3A_91, %dma_wait3A_95] : memref<2528x128xi32, #tpu.memory_space<hbm>> -> memref<1x128xi32, #tpu.memory_space<hbm>>
        %dma_wait3A_97 = tpu.memref_squeeze %dma_wait3A_96 : memref<1x128xi32, #tpu.memory_space<hbm>> -> memref<128xi32, #tpu.memory_space<hbm>>
        tpu.wait_dma2 semaphore(%arg14 : memref<!tpu.dma_semaphore, #tpu.memory_space<semaphore_mem>>) src(%dma_wait3A_97 : memref<128xi32, #tpu.memory_space<hbm>>) dst(%arg7 : memref<128xi32, #tpu.memory_space<vmem>>)
        "tpu.region"() ({
          %run_scoped3A = tpu.sem_alloc : memref<!tpu.dma_semaphore, #tpu.memory_space<semaphore_mem>>
          %dma_start3A_128 = arith.constant 0 : i32
          %dma_start3A_129 = arith.constant 0 : i32
          %dma_start3A_130 = tpu.memref_slice %arg11[%dma_start3A_128, %dma_start3A_129] : memref<10240x64xf32, #tpu.memory_space<vmem_shared>> -> memref<10240x64xf32, #tpu.memory_space<vmem_shared>>
          tpu.enqueue_indirect_dma source(%arg9 : memref<128x64xf32, #tpu.memory_space<vmem>>) target(%dma_start3A_130 : memref<10240x64xf32, #tpu.memory_space<vmem_shared>>) offsets(%arg7 : memref<128xi32, #tpu.memory_space<vmem>>) semaphore(%run_scoped3A : memref<!tpu.dma_semaphore, #tpu.memory_space<semaphore_mem>>) {add = true}
          %dma_wait3A_131 = arith.constant 0 : i32
          %dma_wait3A_132 = arith.constant 0 : i32
          %dma_wait3A_133 = tpu.memref_slice %arg11[%dma_wait3A_131, %dma_wait3A_132] : memref<10240x64xf32, #tpu.memory_space<vmem_shared>> -> memref<10240x64xf32, #tpu.memory_space<vmem_shared>>
          tpu.wait_indirect_dma semaphore(%run_scoped3A : memref<!tpu.dma_semaphore, #tpu.memory_space<semaphore_mem>>) src(%arg9 : memref<128x64xf32, #tpu.memory_space<vmem>>) dst(%dma_wait3A_133 : memref<10240x64xf32, #tpu.memory_space<vmem_shared>>)
          tpu.yield
        }) : () -> ()
        %add3A_98 = arith.constant 2 : i32
        %add3A_99 = arith.addi %mul3A_84, %add3A_98 : i32
        %lt3A = arith.constant 111 : i32
        %lt3A_100 = arith.cmpi slt, %add3A_99, %lt3A : i32
        %convert_element_type3A_101 = arith.extui %lt3A_100 : i1 to i32
        %cond3A_102 = arith.constant 0 : i32
        %cond3A_103 = arith.cmpi ne, %convert_element_type3A_101, %cond3A_102 : i32
        scf.if %cond3A_103 {
          %add3A_128 = arith.constant 2 : i32
          %add3A_129 = arith.addi %mul3A_84, %add3A_128 : i32
          %add3A_130 = arith.addi %mul3A_30, %add3A_129 : i32
          %dma_start3A_131 = arith.constant 0 : i32
          %dma_start3A_132 = tpu.memref_slice %arg4[%add3A_130, %dma_start3A_131] : memref<2528x128xi32, #tpu.memory_space<hbm>> -> memref<1x128xi32, #tpu.memory_space<hbm>>
          %dma_start3A_133 = tpu.memref_squeeze %dma_start3A_132 : memref<1x128xi32, #tpu.memory_space<hbm>> -> memref<128xi32, #tpu.memory_space<hbm>>
          %dma_start3A_134 = arith.constant 0 : i32
          %dma_start3A_135 = tpu.memref_slice %arg4[%add3A_130, %dma_start3A_134] : memref<2528x128xi32, #tpu.memory_space<hbm>> -> memref<1x128xi32, #tpu.memory_space<hbm>>
          %dma_start3A_136 = tpu.memref_squeeze %dma_start3A_135 : memref<1x128xi32, #tpu.memory_space<hbm>> -> memref<128xi32, #tpu.memory_space<hbm>>
          tpu.enqueue_dma source(%dma_start3A_136 : memref<128xi32, #tpu.memory_space<hbm>>) target(%arg7 : memref<128xi32, #tpu.memory_space<vmem>>) target_semaphore(%arg14 : memref<!tpu.dma_semaphore, #tpu.memory_space<semaphore_mem>>)
          %add3A_137 = arith.constant 2 : i32
          %add3A_138 = arith.addi %mul3A_84, %add3A_137 : i32
          %dma_start3A_139 = arith.constant 0 : i32
          %dma_start3A_140 = tpu.memref_slice %arg6[%add3A_138, %dma_start3A_139] : memref<111x128xi32, #tpu.memory_space<vmem>> -> memref<1x128xi32, #tpu.memory_space<vmem>>
          %dma_start3A_141 = tpu.memref_squeeze %dma_start3A_140 : memref<1x128xi32, #tpu.memory_space<vmem>> -> memref<128xi32, #tpu.memory_space<vmem>>
          %dma_start3A_142 = arith.constant 0 : i32
          %dma_start3A_143 = arith.constant 0 : i32
          %dma_start3A_144 = tpu.memref_slice %arg2[%dma_start3A_142, %dma_start3A_143] : memref<10240x64xf32, #tpu.memory_space<hbm>> -> memref<10240x64xf32, #tpu.memory_space<hbm>>
          tpu.enqueue_indirect_dma source(%dma_start3A_144 : memref<10240x64xf32, #tpu.memory_space<hbm>>) target(%arg9 : memref<128x64xf32, #tpu.memory_space<vmem>>) offsets(%dma_start3A_141 : memref<128xi32, #tpu.memory_space<vmem>>) semaphore(%arg12 : memref<!tpu.dma_semaphore, #tpu.memory_space<semaphore_mem>>)
        } else {
        }
        %add3A_104 = arith.constant 1 : i32
        %add3A_105 = arith.addi %mul3A_84, %add3A_104 : i32
        %dma_wait3A_106 = arith.constant 0 : i32
        %dma_wait3A_107 = tpu.memref_slice %arg6[%add3A_105, %dma_wait3A_106] : memref<111x128xi32, #tpu.memory_space<vmem>> -> memref<1x128xi32, #tpu.memory_space<vmem>>
        %dma_wait3A_108 = tpu.memref_squeeze %dma_wait3A_107 : memref<1x128xi32, #tpu.memory_space<vmem>> -> memref<128xi32, #tpu.memory_space<vmem>>
        %dma_wait3A_109 = arith.constant 0 : i32
        %dma_wait3A_110 = arith.constant 0 : i32
        %dma_wait3A_111 = tpu.memref_slice %arg2[%dma_wait3A_109, %dma_wait3A_110] : memref<10240x64xf32, #tpu.memory_space<hbm>> -> memref<10240x64xf32, #tpu.memory_space<hbm>>
        tpu.wait_indirect_dma semaphore(%arg13 : memref<!tpu.dma_semaphore, #tpu.memory_space<semaphore_mem>>) src(%dma_wait3A_111 : memref<10240x64xf32, #tpu.memory_space<hbm>>) dst(%arg10 : memref<128x64xf32, #tpu.memory_space<vmem>>)
        %add3A_112 = arith.constant 1 : i32
        %add3A_113 = arith.addi %mul3A_84, %add3A_112 : i32
        %add3A_114 = arith.addi %mul3A_30, %add3A_113 : i32
        %dma_wait3A_115 = arith.constant 0 : i32
        %dma_wait3A_116 = tpu.memref_slice %arg4[%add3A_114, %dma_wait3A_115] : memref<2528x128xi32, #tpu.memory_space<hbm>> -> memref<1x128xi32, #tpu.memory_space<hbm>>
        %dma_wait3A_117 = tpu.memref_squeeze %dma_wait3A_116 : memref<1x128xi32, #tpu.memory_space<hbm>> -> memref<128xi32, #tpu.memory_space<hbm>>
        %dma_wait3A_118 = arith.constant 0 : i32
        %dma_wait3A_119 = tpu.memref_slice %arg4[%add3A_114, %dma_wait3A_118] : memref<2528x128xi32, #tpu.memory_space<hbm>> -> memref<1x128xi32, #tpu.memory_space<hbm>>
        %dma_wait3A_120 = tpu.memref_squeeze %dma_wait3A_119 : memref<1x128xi32, #tpu.memory_space<hbm>> -> memref<128xi32, #tpu.memory_space<hbm>>
        tpu.wait_dma2 semaphore(%arg15 : memref<!tpu.dma_semaphore, #tpu.memory_space<semaphore_mem>>) src(%dma_wait3A_120 : memref<128xi32, #tpu.memory_space<hbm>>) dst(%arg8 : memref<128xi32, #tpu.memory_space<vmem>>)
        "tpu.region"() ({
          %run_scoped3A = tpu.sem_alloc : memref<!tpu.dma_semaphore, #tpu.memory_space<semaphore_mem>>
          %dma_start3A_128 = arith.constant 0 : i32
          %dma_start3A_129 = arith.constant 0 : i32
          %dma_start3A_130 = tpu.memref_slice %arg11[%dma_start3A_128, %dma_start3A_129] : memref<10240x64xf32, #tpu.memory_space<vmem_shared>> -> memref<10240x64xf32, #tpu.memory_space<vmem_shared>>
          tpu.enqueue_indirect_dma source(%arg10 : memref<128x64xf32, #tpu.memory_space<vmem>>) target(%dma_start3A_130 : memref<10240x64xf32, #tpu.memory_space<vmem_shared>>) offsets(%arg8 : memref<128xi32, #tpu.memory_space<vmem>>) semaphore(%run_scoped3A : memref<!tpu.dma_semaphore, #tpu.memory_space<semaphore_mem>>) {add = true}
          %dma_wait3A_131 = arith.constant 0 : i32
          %dma_wait3A_132 = arith.constant 0 : i32
          %dma_wait3A_133 = tpu.memref_slice %arg11[%dma_wait3A_131, %dma_wait3A_132] : memref<10240x64xf32, #tpu.memory_space<vmem_shared>> -> memref<10240x64xf32, #tpu.memory_space<vmem_shared>>
          tpu.wait_indirect_dma semaphore(%run_scoped3A : memref<!tpu.dma_semaphore, #tpu.memory_space<semaphore_mem>>) src(%arg10 : memref<128x64xf32, #tpu.memory_space<vmem>>) dst(%dma_wait3A_133 : memref<10240x64xf32, #tpu.memory_space<vmem_shared>>)
          tpu.yield
        }) : () -> ()
        %add3A_121 = arith.constant 3 : i32
        %add3A_122 = arith.addi %mul3A_84, %add3A_121 : i32
        %lt3A_123 = arith.constant 111 : i32
        %lt3A_124 = arith.cmpi slt, %add3A_122, %lt3A_123 : i32
        %convert_element_type3A_125 = arith.extui %lt3A_124 : i1 to i32
        %cond3A_126 = arith.constant 0 : i32
        %cond3A_127 = arith.cmpi ne, %convert_element_type3A_125, %cond3A_126 : i32
        scf.if %cond3A_127 {
          %add3A_128 = arith.constant 3 : i32
          %add3A_129 = arith.addi %mul3A_84, %add3A_128 : i32
          %add3A_130 = arith.addi %mul3A_30, %add3A_129 : i32
          %dma_start3A_131 = arith.constant 0 : i32
          %dma_start3A_132 = tpu.memref_slice %arg4[%add3A_130, %dma_start3A_131] : memref<2528x128xi32, #tpu.memory_space<hbm>> -> memref<1x128xi32, #tpu.memory_space<hbm>>
          %dma_start3A_133 = tpu.memref_squeeze %dma_start3A_132 : memref<1x128xi32, #tpu.memory_space<hbm>> -> memref<128xi32, #tpu.memory_space<hbm>>
          %dma_start3A_134 = arith.constant 0 : i32
          %dma_start3A_135 = tpu.memref_slice %arg4[%add3A_130, %dma_start3A_134] : memref<2528x128xi32, #tpu.memory_space<hbm>> -> memref<1x128xi32, #tpu.memory_space<hbm>>
          %dma_start3A_136 = tpu.memref_squeeze %dma_start3A_135 : memref<1x128xi32, #tpu.memory_space<hbm>> -> memref<128xi32, #tpu.memory_space<hbm>>
          tpu.enqueue_dma source(%dma_start3A_136 : memref<128xi32, #tpu.memory_space<hbm>>) target(%arg8 : memref<128xi32, #tpu.memory_space<vmem>>) target_semaphore(%arg15 : memref<!tpu.dma_semaphore, #tpu.memory_space<semaphore_mem>>)
          %add3A_137 = arith.constant 3 : i32
          %add3A_138 = arith.addi %mul3A_84, %add3A_137 : i32
          %dma_start3A_139 = arith.constant 0 : i32
          %dma_start3A_140 = tpu.memref_slice %arg6[%add3A_138, %dma_start3A_139] : memref<111x128xi32, #tpu.memory_space<vmem>> -> memref<1x128xi32, #tpu.memory_space<vmem>>
          %dma_start3A_141 = tpu.memref_squeeze %dma_start3A_140 : memref<1x128xi32, #tpu.memory_space<vmem>> -> memref<128xi32, #tpu.memory_space<vmem>>
          %dma_start3A_142 = arith.constant 0 : i32
          %dma_start3A_143 = arith.constant 0 : i32
          %dma_start3A_144 = tpu.memref_slice %arg2[%dma_start3A_142, %dma_start3A_143] : memref<10240x64xf32, #tpu.memory_space<hbm>> -> memref<10240x64xf32, #tpu.memory_space<hbm>>
          tpu.enqueue_indirect_dma source(%dma_start3A_144 : memref<10240x64xf32, #tpu.memory_space<hbm>>) target(%arg10 : memref<128x64xf32, #tpu.memory_space<vmem>>) offsets(%dma_start3A_141 : memref<128xi32, #tpu.memory_space<vmem>>) semaphore(%arg13 : memref<!tpu.dma_semaphore, #tpu.memory_space<semaphore_mem>>)
        } else {
        }
      }
      %scan3A_63 = arith.constant 55 : i32
      %dma_wait3A = arith.constant 110 : i32
      %dma_wait3A_64 = arith.constant 0 : i32
      %dma_wait3A_65 = tpu.memref_slice %arg6[%dma_wait3A, %dma_wait3A_64] : memref<111x128xi32, #tpu.memory_space<vmem>> -> memref<1x128xi32, #tpu.memory_space<vmem>>
      %dma_wait3A_66 = tpu.memref_squeeze %dma_wait3A_65 : memref<1x128xi32, #tpu.memory_space<vmem>> -> memref<128xi32, #tpu.memory_space<vmem>>
      %dma_wait3A_67 = arith.constant 0 : i32
      %dma_wait3A_68 = arith.constant 0 : i32
      %dma_wait3A_69 = tpu.memref_slice %arg2[%dma_wait3A_67, %dma_wait3A_68] : memref<10240x64xf32, #tpu.memory_space<hbm>> -> memref<10240x64xf32, #tpu.memory_space<hbm>>
      tpu.wait_indirect_dma semaphore(%arg12 : memref<!tpu.dma_semaphore, #tpu.memory_space<semaphore_mem>>) src(%dma_wait3A_69 : memref<10240x64xf32, #tpu.memory_space<hbm>>) dst(%arg9 : memref<128x64xf32, #tpu.memory_space<vmem>>)
      %add3A_70 = arith.constant 110 : i32
      %add3A_71 = arith.addi %mul3A_30, %add3A_70 : i32
      %dma_wait3A_72 = arith.constant 0 : i32
      %dma_wait3A_73 = tpu.memref_slice %arg4[%add3A_71, %dma_wait3A_72] : memref<2528x128xi32, #tpu.memory_space<hbm>> -> memref<1x128xi32, #tpu.memory_space<hbm>>
      %dma_wait3A_74 = tpu.memref_squeeze %dma_wait3A_73 : memref<1x128xi32, #tpu.memory_space<hbm>> -> memref<128xi32, #tpu.memory_space<hbm>>
      %dma_wait3A_75 = arith.constant 0 : i32
      %dma_wait3A_76 = tpu.memref_slice %arg4[%add3A_71, %dma_wait3A_75] : memref<2528x128xi32, #tpu.memory_space<hbm>> -> memref<1x128xi32, #tpu.memory_space<hbm>>
      %dma_wait3A_77 = tpu.memref_squeeze %dma_wait3A_76 : memref<1x128xi32, #tpu.memory_space<hbm>> -> memref<128xi32, #tpu.memory_space<hbm>>
      tpu.wait_dma2 semaphore(%arg14 : memref<!tpu.dma_semaphore, #tpu.memory_space<semaphore_mem>>) src(%dma_wait3A_77 : memref<128xi32, #tpu.memory_space<hbm>>) dst(%arg7 : memref<128xi32, #tpu.memory_space<vmem>>)
      "tpu.region"() ({
        %run_scoped3A = tpu.sem_alloc : memref<!tpu.dma_semaphore, #tpu.memory_space<semaphore_mem>>
        %dma_start3A_78 = arith.constant 0 : i32
        %dma_start3A_79 = arith.constant 0 : i32
        %dma_start3A_80 = tpu.memref_slice %arg11[%dma_start3A_78, %dma_start3A_79] : memref<10240x64xf32, #tpu.memory_space<vmem_shared>> -> memref<10240x64xf32, #tpu.memory_space<vmem_shared>>
        tpu.enqueue_indirect_dma source(%arg9 : memref<128x64xf32, #tpu.memory_space<vmem>>) target(%dma_start3A_80 : memref<10240x64xf32, #tpu.memory_space<vmem_shared>>) offsets(%arg7 : memref<128xi32, #tpu.memory_space<vmem>>) semaphore(%run_scoped3A : memref<!tpu.dma_semaphore, #tpu.memory_space<semaphore_mem>>) {add = true}
        %dma_wait3A_81 = arith.constant 0 : i32
        %dma_wait3A_82 = arith.constant 0 : i32
        %dma_wait3A_83 = tpu.memref_slice %arg11[%dma_wait3A_81, %dma_wait3A_82] : memref<10240x64xf32, #tpu.memory_space<vmem_shared>> -> memref<10240x64xf32, #tpu.memory_space<vmem_shared>>
        tpu.wait_indirect_dma semaphore(%run_scoped3A : memref<!tpu.dma_semaphore, #tpu.memory_space<semaphore_mem>>) src(%arg9 : memref<128x64xf32, #tpu.memory_space<vmem>>) dst(%dma_wait3A_83 : memref<10240x64xf32, #tpu.memory_space<vmem_shared>>)
        tpu.yield
      }) : () -> ()
    } else {
    }
    %eq3A_13 = arith.constant 1 : i32
    %eq3A_14 = arith.cmpi eq, %arg0, %eq3A_13 : i32
    %convert_element_type3A_15 = arith.extui %eq3A_14 : i1 to i32
    %cond3A_16 = arith.constant 0 : i32
    %cond3A_17 = arith.cmpi ne, %convert_element_type3A_15, %cond3A_16 : i32
    scf.if %cond3A_17 {
      %mul3A_29 = arith.constant 47 : i32
      %mul3A_30 = arith.muli %arg1, %mul3A_29 : i32
      %add3A = arith.constant 1776 : i32
      %add3A_31 = arith.addi %add3A, %mul3A_30 : i32
      "tpu.region"() ({
        %run_scoped3A = tpu.sem_alloc : memref<!tpu.dma_semaphore, #tpu.memory_space<semaphore_mem>>
        %dma_start3A_80 = arith.constant 0 : i32
        %dma_start3A_81 = arith.constant 0 : i32
        %dma_start3A_82 = tpu.memref_slice %arg6[%dma_start3A_80, %dma_start3A_81] : memref<111x128xi32, #tpu.memory_space<vmem>> -> memref<47x128xi32, #tpu.memory_space<vmem>>
        %dma_start3A_83 = arith.constant 0 : i32
        %dma_start3A_84 = tpu.memref_slice %arg3[%add3A_31, %dma_start3A_83] : memref<2528x128xi32, #tpu.memory_space<hbm>> -> memref<47x128xi32, #tpu.memory_space<hbm>>
        %dma_start3A_85 = arith.constant 0 : i32
        %dma_start3A_86 = arith.constant 0 : i32
        %dma_start3A_87 = tpu.memref_slice %arg6[%dma_start3A_85, %dma_start3A_86] : memref<111x128xi32, #tpu.memory_space<vmem>> -> memref<47x128xi32, #tpu.memory_space<vmem>>
        %dma_start3A_88 = arith.constant 0 : i32
        %dma_start3A_89 = tpu.memref_slice %arg3[%add3A_31, %dma_start3A_88] : memref<2528x128xi32, #tpu.memory_space<hbm>> -> memref<47x128xi32, #tpu.memory_space<hbm>>
        tpu.enqueue_dma source(%dma_start3A_89 : memref<47x128xi32, #tpu.memory_space<hbm>>) target(%dma_start3A_87 : memref<47x128xi32, #tpu.memory_space<vmem>>) target_semaphore(%run_scoped3A : memref<!tpu.dma_semaphore, #tpu.memory_space<semaphore_mem>>)
        %dma_wait3A_90 = arith.constant 0 : i32
        %dma_wait3A_91 = arith.constant 0 : i32
        %dma_wait3A_92 = tpu.memref_slice %arg6[%dma_wait3A_90, %dma_wait3A_91] : memref<111x128xi32, #tpu.memory_space<vmem>> -> memref<47x128xi32, #tpu.memory_space<vmem>>
        %dma_wait3A_93 = arith.constant 0 : i32
        %dma_wait3A_94 = tpu.memref_slice %arg3[%add3A_31, %dma_wait3A_93] : memref<2528x128xi32, #tpu.memory_space<hbm>> -> memref<47x128xi32, #tpu.memory_space<hbm>>
        %dma_wait3A_95 = arith.constant 0 : i32
        %dma_wait3A_96 = arith.constant 0 : i32
        %dma_wait3A_97 = tpu.memref_slice %arg6[%dma_wait3A_95, %dma_wait3A_96] : memref<111x128xi32, #tpu.memory_space<vmem>> -> memref<47x128xi32, #tpu.memory_space<vmem>>
        %dma_wait3A_98 = arith.constant 0 : i32
        %dma_wait3A_99 = tpu.memref_slice %arg3[%add3A_31, %dma_wait3A_98] : memref<2528x128xi32, #tpu.memory_space<hbm>> -> memref<47x128xi32, #tpu.memory_space<hbm>>
        tpu.wait_dma2 semaphore(%run_scoped3A : memref<!tpu.dma_semaphore, #tpu.memory_space<semaphore_mem>>) src(%dma_wait3A_99 : memref<47x128xi32, #tpu.memory_space<hbm>>) dst(%dma_wait3A_97 : memref<47x128xi32, #tpu.memory_space<vmem>>)
        tpu.yield
      }) : () -> ()
      %add3A_32 = arith.constant 0 : i32
      %add3A_33 = arith.addi %add3A_31, %add3A_32 : i32
      %dma_start3A = arith.constant 0 : i32
      %dma_start3A_34 = tpu.memref_slice %arg4[%add3A_33, %dma_start3A] : memref<2528x128xi32, #tpu.memory_space<hbm>> -> memref<1x128xi32, #tpu.memory_space<hbm>>
      %dma_start3A_35 = tpu.memref_squeeze %dma_start3A_34 : memref<1x128xi32, #tpu.memory_space<hbm>> -> memref<128xi32, #tpu.memory_space<hbm>>
      %dma_start3A_36 = arith.constant 0 : i32
      %dma_start3A_37 = tpu.memref_slice %arg4[%add3A_33, %dma_start3A_36] : memref<2528x128xi32, #tpu.memory_space<hbm>> -> memref<1x128xi32, #tpu.memory_space<hbm>>
      %dma_start3A_38 = tpu.memref_squeeze %dma_start3A_37 : memref<1x128xi32, #tpu.memory_space<hbm>> -> memref<128xi32, #tpu.memory_space<hbm>>
      tpu.enqueue_dma source(%dma_start3A_38 : memref<128xi32, #tpu.memory_space<hbm>>) target(%arg7 : memref<128xi32, #tpu.memory_space<vmem>>) target_semaphore(%arg14 : memref<!tpu.dma_semaphore, #tpu.memory_space<semaphore_mem>>)
      %dma_start3A_39 = arith.constant 0 : i32
      %dma_start3A_40 = arith.constant 0 : i32
      %dma_start3A_41 = tpu.memref_slice %arg6[%dma_start3A_39, %dma_start3A_40] : memref<111x128xi32, #tpu.memory_space<vmem>> -> memref<1x128xi32, #tpu.memory_space<vmem>>
      %dma_start3A_42 = tpu.memref_squeeze %dma_start3A_41 : memref<1x128xi32, #tpu.memory_space<vmem>> -> memref<128xi32, #tpu.memory_space<vmem>>
      %dma_start3A_43 = arith.constant 0 : i32
      %dma_start3A_44 = arith.constant 0 : i32
      %dma_start3A_45 = tpu.memref_slice %arg2[%dma_start3A_43, %dma_start3A_44] : memref<10240x64xf32, #tpu.memory_space<hbm>> -> memref<10240x64xf32, #tpu.memory_space<hbm>>
      tpu.enqueue_indirect_dma source(%dma_start3A_45 : memref<10240x64xf32, #tpu.memory_space<hbm>>) target(%arg9 : memref<128x64xf32, #tpu.memory_space<vmem>>) offsets(%dma_start3A_42 : memref<128xi32, #tpu.memory_space<vmem>>) semaphore(%arg12 : memref<!tpu.dma_semaphore, #tpu.memory_space<semaphore_mem>>)
      %add3A_46 = arith.constant 1 : i32
      %add3A_47 = arith.addi %add3A_31, %add3A_46 : i32
      %dma_start3A_48 = arith.constant 0 : i32
      %dma_start3A_49 = tpu.memref_slice %arg4[%add3A_47, %dma_start3A_48] : memref<2528x128xi32, #tpu.memory_space<hbm>> -> memref<1x128xi32, #tpu.memory_space<hbm>>
      %dma_start3A_50 = tpu.memref_squeeze %dma_start3A_49 : memref<1x128xi32, #tpu.memory_space<hbm>> -> memref<128xi32, #tpu.memory_space<hbm>>
      %dma_start3A_51 = arith.constant 0 : i32
      %dma_start3A_52 = tpu.memref_slice %arg4[%add3A_47, %dma_start3A_51] : memref<2528x128xi32, #tpu.memory_space<hbm>> -> memref<1x128xi32, #tpu.memory_space<hbm>>
      %dma_start3A_53 = tpu.memref_squeeze %dma_start3A_52 : memref<1x128xi32, #tpu.memory_space<hbm>> -> memref<128xi32, #tpu.memory_space<hbm>>
      tpu.enqueue_dma source(%dma_start3A_53 : memref<128xi32, #tpu.memory_space<hbm>>) target(%arg8 : memref<128xi32, #tpu.memory_space<vmem>>) target_semaphore(%arg15 : memref<!tpu.dma_semaphore, #tpu.memory_space<semaphore_mem>>)
      %dma_start3A_54 = arith.constant 1 : i32
      %dma_start3A_55 = arith.constant 0 : i32
      %dma_start3A_56 = tpu.memref_slice %arg6[%dma_start3A_54, %dma_start3A_55] : memref<111x128xi32, #tpu.memory_space<vmem>> -> memref<1x128xi32, #tpu.memory_space<vmem>>
      %dma_start3A_57 = tpu.memref_squeeze %dma_start3A_56 : memref<1x128xi32, #tpu.memory_space<vmem>> -> memref<128xi32, #tpu.memory_space<vmem>>
      %dma_start3A_58 = arith.constant 0 : i32
      %dma_start3A_59 = arith.constant 0 : i32
      %dma_start3A_60 = tpu.memref_slice %arg2[%dma_start3A_58, %dma_start3A_59] : memref<10240x64xf32, #tpu.memory_space<hbm>> -> memref<10240x64xf32, #tpu.memory_space<hbm>>
      tpu.enqueue_indirect_dma source(%dma_start3A_60 : memref<10240x64xf32, #tpu.memory_space<hbm>>) target(%arg10 : memref<128x64xf32, #tpu.memory_space<vmem>>) offsets(%dma_start3A_57 : memref<128xi32, #tpu.memory_space<vmem>>) semaphore(%arg13 : memref<!tpu.dma_semaphore, #tpu.memory_space<semaphore_mem>>)
      %scan3A_61 = arith.constant 0 : i32
      %scan3A_62 = arith.constant 23 : i32
      %scan3A_63 = arith.addi %scan3A_61, %scan3A_62 : i32
      %scan3A_64 = arith.constant 1 : i32
      scf.for %scan3A_80 = %scan3A_61 to %scan3A_63 step %scan3A_64  : i32 {
        %mul3A_81 = arith.constant 1 : i32
        %mul3A_82 = arith.muli %scan3A_80, %mul3A_81 : i32
        %add3A_83 = arith.constant 0 : i32
        %add3A_84 = arith.addi %add3A_83, %mul3A_82 : i32
        %mul3A_85 = arith.constant 2 : i32
        %mul3A_86 = arith.muli %mul3A_85, %add3A_84 : i32
        %dma_wait3A_87 = arith.constant 0 : i32
        %dma_wait3A_88 = tpu.memref_slice %arg6[%mul3A_86, %dma_wait3A_87] : memref<111x128xi32, #tpu.memory_space<vmem>> -> memref<1x128xi32, #tpu.memory_space<vmem>>
        %dma_wait3A_89 = tpu.memref_squeeze %dma_wait3A_88 : memref<1x128xi32, #tpu.memory_space<vmem>> -> memref<128xi32, #tpu.memory_space<vmem>>
        %dma_wait3A_90 = arith.constant 0 : i32
        %dma_wait3A_91 = arith.constant 0 : i32
        %dma_wait3A_92 = tpu.memref_slice %arg2[%dma_wait3A_90, %dma_wait3A_91] : memref<10240x64xf32, #tpu.memory_space<hbm>> -> memref<10240x64xf32, #tpu.memory_space<hbm>>
        tpu.wait_indirect_dma semaphore(%arg12 : memref<!tpu.dma_semaphore, #tpu.memory_space<semaphore_mem>>) src(%dma_wait3A_92 : memref<10240x64xf32, #tpu.memory_space<hbm>>) dst(%arg9 : memref<128x64xf32, #tpu.memory_space<vmem>>)
        %add3A_93 = arith.addi %add3A_31, %mul3A_86 : i32
        %dma_wait3A_94 = arith.constant 0 : i32
        %dma_wait3A_95 = tpu.memref_slice %arg4[%add3A_93, %dma_wait3A_94] : memref<2528x128xi32, #tpu.memory_space<hbm>> -> memref<1x128xi32, #tpu.memory_space<hbm>>
        %dma_wait3A_96 = tpu.memref_squeeze %dma_wait3A_95 : memref<1x128xi32, #tpu.memory_space<hbm>> -> memref<128xi32, #tpu.memory_space<hbm>>
        %dma_wait3A_97 = arith.constant 0 : i32
        %dma_wait3A_98 = tpu.memref_slice %arg4[%add3A_93, %dma_wait3A_97] : memref<2528x128xi32, #tpu.memory_space<hbm>> -> memref<1x128xi32, #tpu.memory_space<hbm>>
        %dma_wait3A_99 = tpu.memref_squeeze %dma_wait3A_98 : memref<1x128xi32, #tpu.memory_space<hbm>> -> memref<128xi32, #tpu.memory_space<hbm>>
        tpu.wait_dma2 semaphore(%arg14 : memref<!tpu.dma_semaphore, #tpu.memory_space<semaphore_mem>>) src(%dma_wait3A_99 : memref<128xi32, #tpu.memory_space<hbm>>) dst(%arg7 : memref<128xi32, #tpu.memory_space<vmem>>)
        "tpu.region"() ({
          %run_scoped3A = tpu.sem_alloc : memref<!tpu.dma_semaphore, #tpu.memory_space<semaphore_mem>>
          %dma_start3A_130 = arith.constant 0 : i32
          %dma_start3A_131 = arith.constant 0 : i32
          %dma_start3A_132 = tpu.memref_slice %arg11[%dma_start3A_130, %dma_start3A_131] : memref<10240x64xf32, #tpu.memory_space<vmem_shared>> -> memref<10240x64xf32, #tpu.memory_space<vmem_shared>>
          tpu.enqueue_indirect_dma source(%arg9 : memref<128x64xf32, #tpu.memory_space<vmem>>) target(%dma_start3A_132 : memref<10240x64xf32, #tpu.memory_space<vmem_shared>>) offsets(%arg7 : memref<128xi32, #tpu.memory_space<vmem>>) semaphore(%run_scoped3A : memref<!tpu.dma_semaphore, #tpu.memory_space<semaphore_mem>>) {add = true}
          %dma_wait3A_133 = arith.constant 0 : i32
          %dma_wait3A_134 = arith.constant 0 : i32
          %dma_wait3A_135 = tpu.memref_slice %arg11[%dma_wait3A_133, %dma_wait3A_134] : memref<10240x64xf32, #tpu.memory_space<vmem_shared>> -> memref<10240x64xf32, #tpu.memory_space<vmem_shared>>
          tpu.wait_indirect_dma semaphore(%run_scoped3A : memref<!tpu.dma_semaphore, #tpu.memory_space<semaphore_mem>>) src(%arg9 : memref<128x64xf32, #tpu.memory_space<vmem>>) dst(%dma_wait3A_135 : memref<10240x64xf32, #tpu.memory_space<vmem_shared>>)
          tpu.yield
        }) : () -> ()
        %add3A_100 = arith.constant 2 : i32
        %add3A_101 = arith.addi %mul3A_86, %add3A_100 : i32
        %lt3A = arith.constant 47 : i32
        %lt3A_102 = arith.cmpi slt, %add3A_101, %lt3A : i32
        %convert_element_type3A_103 = arith.extui %lt3A_102 : i1 to i32
        %cond3A_104 = arith.constant 0 : i32
        %cond3A_105 = arith.cmpi ne, %convert_element_type3A_103, %cond3A_104 : i32
        scf.if %cond3A_105 {
          %add3A_130 = arith.constant 2 : i32
          %add3A_131 = arith.addi %mul3A_86, %add3A_130 : i32
          %add3A_132 = arith.addi %add3A_31, %add3A_131 : i32
          %dma_start3A_133 = arith.constant 0 : i32
          %dma_start3A_134 = tpu.memref_slice %arg4[%add3A_132, %dma_start3A_133] : memref<2528x128xi32, #tpu.memory_space<hbm>> -> memref<1x128xi32, #tpu.memory_space<hbm>>
          %dma_start3A_135 = tpu.memref_squeeze %dma_start3A_134 : memref<1x128xi32, #tpu.memory_space<hbm>> -> memref<128xi32, #tpu.memory_space<hbm>>
          %dma_start3A_136 = arith.constant 0 : i32
          %dma_start3A_137 = tpu.memref_slice %arg4[%add3A_132, %dma_start3A_136] : memref<2528x128xi32, #tpu.memory_space<hbm>> -> memref<1x128xi32, #tpu.memory_space<hbm>>
          %dma_start3A_138 = tpu.memref_squeeze %dma_start3A_137 : memref<1x128xi32, #tpu.memory_space<hbm>> -> memref<128xi32, #tpu.memory_space<hbm>>
          tpu.enqueue_dma source(%dma_start3A_138 : memref<128xi32, #tpu.memory_space<hbm>>) target(%arg7 : memref<128xi32, #tpu.memory_space<vmem>>) target_semaphore(%arg14 : memref<!tpu.dma_semaphore, #tpu.memory_space<semaphore_mem>>)
          %add3A_139 = arith.constant 2 : i32
          %add3A_140 = arith.addi %mul3A_86, %add3A_139 : i32
          %dma_start3A_141 = arith.constant 0 : i32
          %dma_start3A_142 = tpu.memref_slice %arg6[%add3A_140, %dma_start3A_141] : memref<111x128xi32, #tpu.memory_space<vmem>> -> memref<1x128xi32, #tpu.memory_space<vmem>>
          %dma_start3A_143 = tpu.memref_squeeze %dma_start3A_142 : memref<1x128xi32, #tpu.memory_space<vmem>> -> memref<128xi32, #tpu.memory_space<vmem>>
          %dma_start3A_144 = arith.constant 0 : i32
          %dma_start3A_145 = arith.constant 0 : i32
          %dma_start3A_146 = tpu.memref_slice %arg2[%dma_start3A_144, %dma_start3A_145] : memref<10240x64xf32, #tpu.memory_space<hbm>> -> memref<10240x64xf32, #tpu.memory_space<hbm>>
          tpu.enqueue_indirect_dma source(%dma_start3A_146 : memref<10240x64xf32, #tpu.memory_space<hbm>>) target(%arg9 : memref<128x64xf32, #tpu.memory_space<vmem>>) offsets(%dma_start3A_143 : memref<128xi32, #tpu.memory_space<vmem>>) semaphore(%arg12 : memref<!tpu.dma_semaphore, #tpu.memory_space<semaphore_mem>>)
        } else {
        }
        %add3A_106 = arith.constant 1 : i32
        %add3A_107 = arith.addi %mul3A_86, %add3A_106 : i32
        %dma_wait3A_108 = arith.constant 0 : i32
        %dma_wait3A_109 = tpu.memref_slice %arg6[%add3A_107, %dma_wait3A_108] : memref<111x128xi32, #tpu.memory_space<vmem>> -> memref<1x128xi32, #tpu.memory_space<vmem>>
        %dma_wait3A_110 = tpu.memref_squeeze %dma_wait3A_109 : memref<1x128xi32, #tpu.memory_space<vmem>> -> memref<128xi32, #tpu.memory_space<vmem>>
        %dma_wait3A_111 = arith.constant 0 : i32
        %dma_wait3A_112 = arith.constant 0 : i32
        %dma_wait3A_113 = tpu.memref_slice %arg2[%dma_wait3A_111, %dma_wait3A_112] : memref<10240x64xf32, #tpu.memory_space<hbm>> -> memref<10240x64xf32, #tpu.memory_space<hbm>>
        tpu.wait_indirect_dma semaphore(%arg13 : memref<!tpu.dma_semaphore, #tpu.memory_space<semaphore_mem>>) src(%dma_wait3A_113 : memref<10240x64xf32, #tpu.memory_space<hbm>>) dst(%arg10 : memref<128x64xf32, #tpu.memory_space<vmem>>)
        %add3A_114 = arith.constant 1 : i32
        %add3A_115 = arith.addi %mul3A_86, %add3A_114 : i32
        %add3A_116 = arith.addi %add3A_31, %add3A_115 : i32
        %dma_wait3A_117 = arith.constant 0 : i32
        %dma_wait3A_118 = tpu.memref_slice %arg4[%add3A_116, %dma_wait3A_117] : memref<2528x128xi32, #tpu.memory_space<hbm>> -> memref<1x128xi32, #tpu.memory_space<hbm>>
        %dma_wait3A_119 = tpu.memref_squeeze %dma_wait3A_118 : memref<1x128xi32, #tpu.memory_space<hbm>> -> memref<128xi32, #tpu.memory_space<hbm>>
        %dma_wait3A_120 = arith.constant 0 : i32
        %dma_wait3A_121 = tpu.memref_slice %arg4[%add3A_116, %dma_wait3A_120] : memref<2528x128xi32, #tpu.memory_space<hbm>> -> memref<1x128xi32, #tpu.memory_space<hbm>>
        %dma_wait3A_122 = tpu.memref_squeeze %dma_wait3A_121 : memref<1x128xi32, #tpu.memory_space<hbm>> -> memref<128xi32, #tpu.memory_space<hbm>>
        tpu.wait_dma2 semaphore(%arg15 : memref<!tpu.dma_semaphore, #tpu.memory_space<semaphore_mem>>) src(%dma_wait3A_122 : memref<128xi32, #tpu.memory_space<hbm>>) dst(%arg8 : memref<128xi32, #tpu.memory_space<vmem>>)
        "tpu.region"() ({
          %run_scoped3A = tpu.sem_alloc : memref<!tpu.dma_semaphore, #tpu.memory_space<semaphore_mem>>
          %dma_start3A_130 = arith.constant 0 : i32
          %dma_start3A_131 = arith.constant 0 : i32
          %dma_start3A_132 = tpu.memref_slice %arg11[%dma_start3A_130, %dma_start3A_131] : memref<10240x64xf32, #tpu.memory_space<vmem_shared>> -> memref<10240x64xf32, #tpu.memory_space<vmem_shared>>
          tpu.enqueue_indirect_dma source(%arg10 : memref<128x64xf32, #tpu.memory_space<vmem>>) target(%dma_start3A_132 : memref<10240x64xf32, #tpu.memory_space<vmem_shared>>) offsets(%arg8 : memref<128xi32, #tpu.memory_space<vmem>>) semaphore(%run_scoped3A : memref<!tpu.dma_semaphore, #tpu.memory_space<semaphore_mem>>) {add = true}
          %dma_wait3A_133 = arith.constant 0 : i32
          %dma_wait3A_134 = arith.constant 0 : i32
          %dma_wait3A_135 = tpu.memref_slice %arg11[%dma_wait3A_133, %dma_wait3A_134] : memref<10240x64xf32, #tpu.memory_space<vmem_shared>> -> memref<10240x64xf32, #tpu.memory_space<vmem_shared>>
          tpu.wait_indirect_dma semaphore(%run_scoped3A : memref<!tpu.dma_semaphore, #tpu.memory_space<semaphore_mem>>) src(%arg10 : memref<128x64xf32, #tpu.memory_space<vmem>>) dst(%dma_wait3A_135 : memref<10240x64xf32, #tpu.memory_space<vmem_shared>>)
          tpu.yield
        }) : () -> ()
        %add3A_123 = arith.constant 3 : i32
        %add3A_124 = arith.addi %mul3A_86, %add3A_123 : i32
        %lt3A_125 = arith.constant 47 : i32
        %lt3A_126 = arith.cmpi slt, %add3A_124, %lt3A_125 : i32
        %convert_element_type3A_127 = arith.extui %lt3A_126 : i1 to i32
        %cond3A_128 = arith.constant 0 : i32
        %cond3A_129 = arith.cmpi ne, %convert_element_type3A_127, %cond3A_128 : i32
        scf.if %cond3A_129 {
          %add3A_130 = arith.constant 3 : i32
          %add3A_131 = arith.addi %mul3A_86, %add3A_130 : i32
          %add3A_132 = arith.addi %add3A_31, %add3A_131 : i32
          %dma_start3A_133 = arith.constant 0 : i32
          %dma_start3A_134 = tpu.memref_slice %arg4[%add3A_132, %dma_start3A_133] : memref<2528x128xi32, #tpu.memory_space<hbm>> -> memref<1x128xi32, #tpu.memory_space<hbm>>
          %dma_start3A_135 = tpu.memref_squeeze %dma_start3A_134 : memref<1x128xi32, #tpu.memory_space<hbm>> -> memref<128xi32, #tpu.memory_space<hbm>>
          %dma_start3A_136 = arith.constant 0 : i32
          %dma_start3A_137 = tpu.memref_slice %arg4[%add3A_132, %dma_start3A_136] : memref<2528x128xi32, #tpu.memory_space<hbm>> -> memref<1x128xi32, #tpu.memory_space<hbm>>
          %dma_start3A_138 = tpu.memref_squeeze %dma_start3A_137 : memref<1x128xi32, #tpu.memory_space<hbm>> -> memref<128xi32, #tpu.memory_space<hbm>>
          tpu.enqueue_dma source(%dma_start3A_138 : memref<128xi32, #tpu.memory_space<hbm>>) target(%arg8 : memref<128xi32, #tpu.memory_space<vmem>>) target_semaphore(%arg15 : memref<!tpu.dma_semaphore, #tpu.memory_space<semaphore_mem>>)
          %add3A_139 = arith.constant 3 : i32
          %add3A_140 = arith.addi %mul3A_86, %add3A_139 : i32
          %dma_start3A_141 = arith.constant 0 : i32
          %dma_start3A_142 = tpu.memref_slice %arg6[%add3A_140, %dma_start3A_141] : memref<111x128xi32, #tpu.memory_space<vmem>> -> memref<1x128xi32, #tpu.memory_space<vmem>>
          %dma_start3A_143 = tpu.memref_squeeze %dma_start3A_142 : memref<1x128xi32, #tpu.memory_space<vmem>> -> memref<128xi32, #tpu.memory_space<vmem>>
          %dma_start3A_144 = arith.constant 0 : i32
          %dma_start3A_145 = arith.constant 0 : i32
          %dma_start3A_146 = tpu.memref_slice %arg2[%dma_start3A_144, %dma_start3A_145] : memref<10240x64xf32, #tpu.memory_space<hbm>> -> memref<10240x64xf32, #tpu.memory_space<hbm>>
          tpu.enqueue_indirect_dma source(%dma_start3A_146 : memref<10240x64xf32, #tpu.memory_space<hbm>>) target(%arg10 : memref<128x64xf32, #tpu.memory_space<vmem>>) offsets(%dma_start3A_143 : memref<128xi32, #tpu.memory_space<vmem>>) semaphore(%arg13 : memref<!tpu.dma_semaphore, #tpu.memory_space<semaphore_mem>>)
        } else {
        }
      }
      %scan3A_65 = arith.constant 23 : i32
      %dma_wait3A = arith.constant 46 : i32
      %dma_wait3A_66 = arith.constant 0 : i32
      %dma_wait3A_67 = tpu.memref_slice %arg6[%dma_wait3A, %dma_wait3A_66] : memref<111x128xi32, #tpu.memory_space<vmem>> -> memref<1x128xi32, #tpu.memory_space<vmem>>
      %dma_wait3A_68 = tpu.memref_squeeze %dma_wait3A_67 : memref<1x128xi32, #tpu.memory_space<vmem>> -> memref<128xi32, #tpu.memory_space<vmem>>
      %dma_wait3A_69 = arith.constant 0 : i32
      %dma_wait3A_70 = arith.constant 0 : i32
      %dma_wait3A_71 = tpu.memref_slice %arg2[%dma_wait3A_69, %dma_wait3A_70] : memref<10240x64xf32, #tpu.memory_space<hbm>> -> memref<10240x64xf32, #tpu.memory_space<hbm>>
      tpu.wait_indirect_dma semaphore(%arg12 : memref<!tpu.dma_semaphore, #tpu.memory_space<semaphore_mem>>) src(%dma_wait3A_71 : memref<10240x64xf32, #tpu.memory_space<hbm>>) dst(%arg9 : memref<128x64xf32, #tpu.memory_space<vmem>>)
      %add3A_72 = arith.constant 46 : i32
      %add3A_73 = arith.addi %add3A_31, %add3A_72 : i32
      %dma_wait3A_74 = arith.constant 0 : i32
      %dma_wait3A_75 = tpu.memref_slice %arg4[%add3A_73, %dma_wait3A_74] : memref<2528x128xi32, #tpu.memory_space<hbm>> -> memref<1x128xi32, #tpu.memory_space<hbm>>
      %dma_wait3A_76 = tpu.memref_squeeze %dma_wait3A_75 : memref<1x128xi32, #tpu.memory_space<hbm>> -> memref<128xi32, #tpu.memory_space<hbm>>
      %dma_wait3A_77 = arith.constant 0 : i32
      %dma_wait3A_78 = tpu.memref_slice %arg4[%add3A_73, %dma_wait3A_77] : memref<2528x128xi32, #tpu.memory_space<hbm>> -> memref<1x128xi32, #tpu.memory_space<hbm>>
      %dma_wait3A_79 = tpu.memref_squeeze %dma_wait3A_78 : memref<1x128xi32, #tpu.memory_space<hbm>> -> memref<128xi32, #tpu.memory_space<hbm>>
      tpu.wait_dma2 semaphore(%arg14 : memref<!tpu.dma_semaphore, #tpu.memory_space<semaphore_mem>>) src(%dma_wait3A_79 : memref<128xi32, #tpu.memory_space<hbm>>) dst(%arg7 : memref<128xi32, #tpu.memory_space<vmem>>)
      "tpu.region"() ({
        %run_scoped3A = tpu.sem_alloc : memref<!tpu.dma_semaphore, #tpu.memory_space<semaphore_mem>>
        %dma_start3A_80 = arith.constant 0 : i32
        %dma_start3A_81 = arith.constant 0 : i32
        %dma_start3A_82 = tpu.memref_slice %arg11[%dma_start3A_80, %dma_start3A_81] : memref<10240x64xf32, #tpu.memory_space<vmem_shared>> -> memref<10240x64xf32, #tpu.memory_space<vmem_shared>>
        tpu.enqueue_indirect_dma source(%arg9 : memref<128x64xf32, #tpu.memory_space<vmem>>) target(%dma_start3A_82 : memref<10240x64xf32, #tpu.memory_space<vmem_shared>>) offsets(%arg7 : memref<128xi32, #tpu.memory_space<vmem>>) semaphore(%run_scoped3A : memref<!tpu.dma_semaphore, #tpu.memory_space<semaphore_mem>>) {add = true}
        %dma_wait3A_83 = arith.constant 0 : i32
        %dma_wait3A_84 = arith.constant 0 : i32
        %dma_wait3A_85 = tpu.memref_slice %arg11[%dma_wait3A_83, %dma_wait3A_84] : memref<10240x64xf32, #tpu.memory_space<vmem_shared>> -> memref<10240x64xf32, #tpu.memory_space<vmem_shared>>
        tpu.wait_indirect_dma semaphore(%run_scoped3A : memref<!tpu.dma_semaphore, #tpu.memory_space<semaphore_mem>>) src(%arg9 : memref<128x64xf32, #tpu.memory_space<vmem>>) dst(%dma_wait3A_85 : memref<10240x64xf32, #tpu.memory_space<vmem_shared>>)
        tpu.yield
      }) : () -> ()
    } else {
    }
    %barrier3A_18 = arith.constant 0 : index
    tpu.barrier barrier_id(%barrier3A_18)
    %eq3A_19 = arith.constant 0 : i32
    %eq3A_20 = arith.cmpi eq, %arg0, %eq3A_19 : i32
    %convert_element_type3A_21 = arith.extui %eq3A_20 : i1 to i32
    %cond3A_22 = arith.constant 0 : i32
    %cond3A_23 = arith.cmpi ne, %convert_element_type3A_21, %cond3A_22 : i32
    scf.if %cond3A_23 {
      %run_scoped3A = arith.constant 0 : i32
      "tpu.region"() ({
        %run_scoped3A_29 = tpu.sem_alloc : memref<!tpu.dma_semaphore, #tpu.memory_space<semaphore_mem>>
        %dma_start3A = arith.constant 0 : i32
        %dma_start3A_30 = tpu.memref_slice %arg5[%run_scoped3A, %mul3A_5, %dma_start3A] : memref<2x10240x64xf32, #tpu.memory_space<hbm>> -> memref<1x640x64xf32, #tpu.memory_space<hbm>>
        %dma_start3A_31 = tpu.memref_squeeze %dma_start3A_30 : memref<1x640x64xf32, #tpu.memory_space<hbm>> -> memref<640x64xf32, #tpu.memory_space<hbm>>
        %dma_start3A_32 = arith.constant 0 : i32
        %dma_start3A_33 = tpu.memref_slice %arg11[%mul3A_5, %dma_start3A_32] : memref<10240x64xf32, #tpu.memory_space<vmem_shared>> -> memref<640x64xf32, #tpu.memory_space<vmem_shared>>
        tpu.enqueue_dma source(%dma_start3A_33 : memref<640x64xf32, #tpu.memory_space<vmem_shared>>) target(%dma_start3A_31 : memref<640x64xf32, #tpu.memory_space<hbm>>) target_semaphore(%run_scoped3A_29 : memref<!tpu.dma_semaphore, #tpu.memory_space<semaphore_mem>>)
        %dma_wait3A = arith.constant 0 : i32
        %dma_wait3A_34 = tpu.memref_slice %arg5[%run_scoped3A, %mul3A_5, %dma_wait3A] : memref<2x10240x64xf32, #tpu.memory_space<hbm>> -> memref<1x640x64xf32, #tpu.memory_space<hbm>>
        %dma_wait3A_35 = tpu.memref_squeeze %dma_wait3A_34 : memref<1x640x64xf32, #tpu.memory_space<hbm>> -> memref<640x64xf32, #tpu.memory_space<hbm>>
        %dma_wait3A_36 = arith.constant 0 : i32
        %dma_wait3A_37 = tpu.memref_slice %arg11[%mul3A_5, %dma_wait3A_36] : memref<10240x64xf32, #tpu.memory_space<vmem_shared>> -> memref<640x64xf32, #tpu.memory_space<vmem_shared>>
        tpu.wait_dma2 semaphore(%run_scoped3A_29 : memref<!tpu.dma_semaphore, #tpu.memory_space<semaphore_mem>>) src(%dma_wait3A_37 : memref<640x64xf32, #tpu.memory_space<vmem_shared>>) dst(%dma_wait3A_35 : memref<640x64xf32, #tpu.memory_space<hbm>>)
        tpu.yield
      }) : () -> ()
    } else {
    }
    %eq3A_24 = arith.constant 1 : i32
    %eq3A_25 = arith.cmpi eq, %arg0, %eq3A_24 : i32
    %convert_element_type3A_26 = arith.extui %eq3A_25 : i1 to i32
    %cond3A_27 = arith.constant 0 : i32
    %cond3A_28 = arith.cmpi ne, %convert_element_type3A_26, %cond3A_27 : i32
    scf.if %cond3A_28 {
      %run_scoped3A = arith.constant 1 : i32
      "tpu.region"() ({
        %run_scoped3A_29 = tpu.sem_alloc : memref<!tpu.dma_semaphore, #tpu.memory_space<semaphore_mem>>
        %dma_start3A = arith.constant 0 : i32
        %dma_start3A_30 = tpu.memref_slice %arg5[%run_scoped3A, %mul3A_5, %dma_start3A] : memref<2x10240x64xf32, #tpu.memory_space<hbm>> -> memref<1x640x64xf32, #tpu.memory_space<hbm>>
        %dma_start3A_31 = tpu.memref_squeeze %dma_start3A_30 : memref<1x640x64xf32, #tpu.memory_space<hbm>> -> memref<640x64xf32, #tpu.memory_space<hbm>>
        %dma_start3A_32 = arith.constant 0 : i32
        %dma_start3A_33 = tpu.memref_slice %arg11[%mul3A_5, %dma_start3A_32] : memref<10240x64xf32, #tpu.memory_space<vmem_shared>> -> memref<640x64xf32, #tpu.memory_space<vmem_shared>>
        tpu.enqueue_dma source(%dma_start3A_33 : memref<640x64xf32, #tpu.memory_space<vmem_shared>>) target(%dma_start3A_31 : memref<640x64xf32, #tpu.memory_space<hbm>>) target_semaphore(%run_scoped3A_29 : memref<!tpu.dma_semaphore, #tpu.memory_space<semaphore_mem>>)
        %dma_wait3A = arith.constant 0 : i32
        %dma_wait3A_34 = tpu.memref_slice %arg5[%run_scoped3A, %mul3A_5, %dma_wait3A] : memref<2x10240x64xf32, #tpu.memory_space<hbm>> -> memref<1x640x64xf32, #tpu.memory_space<hbm>>
        %dma_wait3A_35 = tpu.memref_squeeze %dma_wait3A_34 : memref<1x640x64xf32, #tpu.memory_space<hbm>> -> memref<640x64xf32, #tpu.memory_space<hbm>>
        %dma_wait3A_36 = arith.constant 0 : i32
        %dma_wait3A_37 = tpu.memref_slice %arg11[%mul3A_5, %dma_wait3A_36] : memref<10240x64xf32, #tpu.memory_space<vmem_shared>> -> memref<640x64xf32, #tpu.memory_space<vmem_shared>>
        tpu.wait_dma2 semaphore(%run_scoped3A_29 : memref<!tpu.dma_semaphore, #tpu.memory_space<semaphore_mem>>) src(%dma_wait3A_37 : memref<640x64xf32, #tpu.memory_space<vmem_shared>>) dst(%dma_wait3A_35 : memref<640x64xf32, #tpu.memory_space<hbm>>)
        tpu.yield
      }) : () -> ()
    } else {
    }
    return
  }
}

module attributes {stable_mosaic.version = 14 : i64} {
  func.func @_mm_first_body(%arg0: i32, %arg1: memref<512x128xf32, #tpu.memory_space<vmem>>, %arg2: memref<2x512x16xf32, #tpu.memory_space<vmem>>, %arg3: memref<128x128xf32, #tpu.memory_space<vmem>>, %arg4: memref<512x128xf32, #tpu.memory_space<vmem>>, %arg5: memref<512x1xf32, #tpu.memory_space<vmem>>, %arg6: memref<512x1xf32, #tpu.memory_space<vmem>>) attributes {dimension_semantics = [#tpu.dimension_semantics<arbitrary>], iteration_bounds = array<i64: 20>, scalar_prefetch = 0 : i64, scratch_operands = 0 : i64, tpu.core_type = #tpu.core_type<tc>, window_params = [{transform_indices = @transform_0, window_bounds = array<i64: 512, 128>}, {transform_indices = @transform_1, window_bounds = array<i64: 2, 512, 16>}, {pipeline_mode = #tpu.pipeline_mode<synchronous>, transform_indices = @transform_2, window_bounds = array<i64: 128, 128>}, {transform_indices = @transform_3, window_bounds = array<i64: 512, 128>}, {transform_indices = @transform_4, window_bounds = array<i64: 512, 1>}, {transform_indices = @transform_5, window_bounds = array<i64: 512, 1>}]} {
    %get3A = arith.constant 0 : index
    %get3A_0 = arith.constant 0 : index
    %get3A_1 = arith.constant 0 : index
    %get3A_2 = vector.load %arg2[%get3A, %get3A_0, %get3A_1] : memref<2x512x16xf32, #tpu.memory_space<vmem>>, vector<1x512x16xf32>
    %get3A_3 = vector.shape_cast %get3A_2 : vector<1x512x16xf32> to vector<512x16xf32>
    %get3A_4 = arith.constant 1 : index
    %get3A_5 = arith.constant 0 : index
    %get3A_6 = arith.constant 0 : index
    %get3A_7 = vector.load %arg2[%get3A_4, %get3A_5, %get3A_6] : memref<2x512x16xf32, #tpu.memory_space<vmem>>, vector<1x512x16xf32>
    %get3A_8 = vector.shape_cast %get3A_7 : vector<1x512x16xf32> to vector<512x16xf32>
    %add3A = arith.addf %get3A_3, %get3A_8 : vector<512x16xf32>
    %slice3A = vector.extract_strided_slice %add3A {offsets = [0, 0], sizes = [512, 1], strides = [1, 1]} : vector<512x16xf32> to vector<512x1xf32>
    %slice3A_9 = vector.extract_strided_slice %add3A {offsets = [0, 1], sizes = [512, 1], strides = [1, 1]} : vector<512x16xf32> to vector<512x1xf32>
    %gt3A = arith.constant 0.000000e+00 : f32
    %gt3A_10 = vector.broadcast %gt3A : f32 to vector<512x1xf32>
    %gt3A_11 = arith.cmpf ogt, %slice3A, %gt3A_10 : vector<512x1xf32>
    %rsqrt3A = math.rsqrt %slice3A : vector<512x1xf32>
    %jit3A = arith.constant 0.000000e+00 : f32
    %broadcast_in_dim3A = vector.broadcast %jit3A : f32 to vector<512x1xf32>
    %select_n3A = arith.select %gt3A_11, %rsqrt3A, %broadcast_in_dim3A : vector<512x1xi1>, vector<512x1xf32>
    %swap3A = arith.constant 0 : index
    %swap3A_12 = arith.constant 0 : index
    %swap3A_13 = vector.load %arg5[%swap3A, %swap3A_12] : memref<512x1xf32, #tpu.memory_space<vmem>>, vector<512x1xf32>
    tpu.vector_store %arg5[%swap3A, %swap3A_12], %select_n3A {strides = array<i32>} : memref<512x1xf32, #tpu.memory_space<vmem>>, vector<512x1xf32>,
    %gt3A_14 = arith.constant 0.000000e+00 : f32
    %gt3A_15 = vector.broadcast %gt3A_14 : f32 to vector<512x1xf32>
    %gt3A_16 = arith.cmpf ogt, %slice3A_9, %gt3A_15 : vector<512x1xf32>
    %rsqrt3A_17 = math.rsqrt %slice3A_9 : vector<512x1xf32>
    %jit3A_18 = arith.constant 0.000000e+00 : f32
    %broadcast_in_dim3A_19 = vector.broadcast %jit3A_18 : f32 to vector<512x1xf32>
    %select_n3A_20 = arith.select %gt3A_16, %rsqrt3A_17, %broadcast_in_dim3A_19 : vector<512x1xi1>, vector<512x1xf32>
    %swap3A_21 = arith.constant 0 : index
    %swap3A_22 = arith.constant 0 : index
    %swap3A_23 = vector.load %arg6[%swap3A_21, %swap3A_22] : memref<512x1xf32, #tpu.memory_space<vmem>>, vector<512x1xf32>
    tpu.vector_store %arg6[%swap3A_21, %swap3A_22], %select_n3A_20 {strides = array<i32>} : memref<512x1xf32, #tpu.memory_space<vmem>>, vector<512x1xf32>,
    %get3A_24 = arith.constant 0 : index
    %get3A_25 = arith.constant 0 : index
    %get3A_26 = vector.load %arg1[%get3A_24, %get3A_25] : memref<512x128xf32, #tpu.memory_space<vmem>>, vector<512x128xf32>
    %mul3A = vector.broadcast %select_n3A : vector<512x1xf32> to vector<512x128xf32>
    %mul3A_27 = arith.mulf %get3A_26, %mul3A : vector<512x128xf32>
    %get3A_28 = arith.constant 0 : index
    %get3A_29 = arith.constant 0 : index
    %get3A_30 = vector.load %arg3[%get3A_28, %get3A_29] : memref<128x128xf32, #tpu.memory_space<vmem>>, vector<128x128xf32>
    %dot_general3A = arith.constant dense<0.000000e+00> : vector<512x128xf32>
    %dot_general3A_31 = tpu.matmul %mul3A_27, %get3A_30, %dot_general3A {dimension_numbers = #tpu.dot_dimension_numbers<[1], [0], [0], [1], [0, 0, 1, 1], [], []>, transpose_lhs_hint = false} : vector<512x128xf32>, vector<128x128xf32>, vector<512x128xf32> -> vector<512x128xf32>
    %swap3A_32 = arith.constant 0 : index
    %swap3A_33 = arith.constant 0 : index
    %swap3A_34 = vector.load %arg4[%swap3A_32, %swap3A_33] : memref<512x128xf32, #tpu.memory_space<vmem>>, vector<512x128xf32>
    tpu.vector_store %arg4[%swap3A_32, %swap3A_33], %dot_general3A_31 {strides = array<i32>} : memref<512x128xf32, #tpu.memory_space<vmem>>, vector<512x128xf32>,
    return
  }
  func.func @transform_0(%arg0: i32) -> (i32, i32) {
    %c0_i32 = arith.constant 0 : i32
    %c0_i32_0 = arith.constant 0 : i32
    return %arg0, %c0_i32 : i32, i32
  }
  func.func @transform_1(%arg0: i32) -> (i32, i32, i32) {
    %c0_i32 = arith.constant 0 : i32
    %c0_i32_0 = arith.constant 0 : i32
    %c0_i32_1 = arith.constant 0 : i32
    return %c0_i32, %arg0, %c0_i32_0 : i32, i32, i32
  }
  func.func @transform_2(%arg0: i32) -> (i32, i32) {
    %c0_i32 = arith.constant 0 : i32
    %c0_i32_0 = arith.constant 0 : i32
    %c0_i32_1 = arith.constant 0 : i32
    return %c0_i32, %c0_i32_0 : i32, i32
  }
  func.func @transform_3(%arg0: i32) -> (i32, i32) {
    %c0_i32 = arith.constant 0 : i32
    %c0_i32_0 = arith.constant 0 : i32
    return %arg0, %c0_i32 : i32, i32
  }
  func.func @transform_4(%arg0: i32) -> (i32, i32) {
    %c0_i32 = arith.constant 0 : i32
    %c0_i32_0 = arith.constant 0 : i32
    return %arg0, %c0_i32 : i32, i32
  }
  func.func @transform_5(%arg0: i32) -> (i32, i32) {
    %c0_i32 = arith.constant 0 : i32
    %c0_i32_0 = arith.constant 0 : i32
    return %arg0, %c0_i32 : i32, i32
  }
}

module attributes {stable_mosaic.version = 14 : i64} {
  func.func @_mm_mid_body(%arg0: i32, %arg1: memref<2x512x128xf32, #tpu.memory_space<vmem>>, %arg2: memref<512x1xf32, #tpu.memory_space<vmem>>, %arg3: memref<1x128xf32, #tpu.memory_space<vmem>>, %arg4: memref<512x1xf32, #tpu.memory_space<vmem>>, %arg5: memref<128x128xf32, #tpu.memory_space<vmem>>, %arg6: memref<512x128xf32, #tpu.memory_space<vmem>>) attributes {dimension_semantics = [#tpu.dimension_semantics<arbitrary>], iteration_bounds = array<i64: 20>, scalar_prefetch = 0 : i64, scratch_operands = 0 : i64, tpu.core_type = #tpu.core_type<tc>, window_params = [{transform_indices = @transform_0, window_bounds = array<i64: 2, 512, 128>}, {transform_indices = @transform_1, window_bounds = array<i64: 512, 1>}, {pipeline_mode = #tpu.pipeline_mode<synchronous>, transform_indices = @transform_2, window_bounds = array<i64: 1, 128>}, {transform_indices = @transform_3, window_bounds = array<i64: 512, 1>}, {pipeline_mode = #tpu.pipeline_mode<synchronous>, transform_indices = @transform_4, window_bounds = array<i64: 128, 128>}, {transform_indices = @transform_5, window_bounds = array<i64: 512, 128>}]} {
    %get3A = arith.constant 0 : index
    %get3A_0 = arith.constant 0 : index
    %get3A_1 = arith.constant 0 : index
    %get3A_2 = vector.load %arg1[%get3A, %get3A_0, %get3A_1] : memref<2x512x128xf32, #tpu.memory_space<vmem>>, vector<1x512x128xf32>
    %get3A_3 = vector.shape_cast %get3A_2 : vector<1x512x128xf32> to vector<512x128xf32>
    %get3A_4 = arith.constant 1 : index
    %get3A_5 = arith.constant 0 : index
    %get3A_6 = arith.constant 0 : index
    %get3A_7 = vector.load %arg1[%get3A_4, %get3A_5, %get3A_6] : memref<2x512x128xf32, #tpu.memory_space<vmem>>, vector<1x512x128xf32>
    %get3A_8 = vector.shape_cast %get3A_7 : vector<1x512x128xf32> to vector<512x128xf32>
    %add3A = arith.addf %get3A_3, %get3A_8 : vector<512x128xf32>
    %get3A_9 = arith.constant 0 : index
    %get3A_10 = arith.constant 0 : index
    %get3A_11 = vector.load %arg2[%get3A_9, %get3A_10] : memref<512x1xf32, #tpu.memory_space<vmem>>, vector<512x1xf32>
    %mul3A = vector.broadcast %get3A_11 : vector<512x1xf32> to vector<512x128xf32>
    %mul3A_12 = arith.mulf %add3A, %mul3A : vector<512x128xf32>
    %get3A_13 = arith.constant 0 : index
    %get3A_14 = arith.constant 0 : index
    %get3A_15 = vector.load %arg3[%get3A_13, %get3A_14] : memref<1x128xf32, #tpu.memory_space<vmem>>, vector<1x128xf32>
    %add3A_16 = vector.broadcast %get3A_15 : vector<1x128xf32> to vector<512x128xf32>
    %add3A_17 = arith.addf %mul3A_12, %add3A_16 : vector<512x128xf32>
    %max3A = arith.constant 0.000000e+00 : f32
    %max3A_18 = vector.broadcast %max3A : f32 to vector<512x128xf32>
    %max3A_19 = arith.maximumf %add3A_17, %max3A_18 : vector<512x128xf32>
    %get3A_20 = arith.constant 0 : index
    %get3A_21 = arith.constant 0 : index
    %get3A_22 = vector.load %arg4[%get3A_20, %get3A_21] : memref<512x1xf32, #tpu.memory_space<vmem>>, vector<512x1xf32>
    %mul3A_23 = vector.broadcast %get3A_22 : vector<512x1xf32> to vector<512x128xf32>
    %mul3A_24 = arith.mulf %max3A_19, %mul3A_23 : vector<512x128xf32>
    %get3A_25 = arith.constant 0 : index
    %get3A_26 = arith.constant 0 : index
    %get3A_27 = vector.load %arg5[%get3A_25, %get3A_26] : memref<128x128xf32, #tpu.memory_space<vmem>>, vector<128x128xf32>
    %dot_general3A = arith.constant dense<0.000000e+00> : vector<512x128xf32>
    %dot_general3A_28 = tpu.matmul %mul3A_24, %get3A_27, %dot_general3A {dimension_numbers = #tpu.dot_dimension_numbers<[1], [0], [0], [1], [0, 0, 1, 1], [], []>, transpose_lhs_hint = false} : vector<512x128xf32>, vector<128x128xf32>, vector<512x128xf32> -> vector<512x128xf32>
    %swap3A = arith.constant 0 : index
    %swap3A_29 = arith.constant 0 : index
    %swap3A_30 = vector.load %arg6[%swap3A, %swap3A_29] : memref<512x128xf32, #tpu.memory_space<vmem>>, vector<512x128xf32>
    tpu.vector_store %arg6[%swap3A, %swap3A_29], %dot_general3A_28 {strides = array<i32>} : memref<512x128xf32, #tpu.memory_space<vmem>>, vector<512x128xf32>,
    return
  }
  func.func @transform_0(%arg0: i32) -> (i32, i32, i32) {
    %c0_i32 = arith.constant 0 : i32
    %c0_i32_0 = arith.constant 0 : i32
    %c0_i32_1 = arith.constant 0 : i32
    return %c0_i32, %arg0, %c0_i32_0 : i32, i32, i32
  }
  func.func @transform_1(%arg0: i32) -> (i32, i32) {
    %c0_i32 = arith.constant 0 : i32
    %c0_i32_0 = arith.constant 0 : i32
    return %arg0, %c0_i32 : i32, i32
  }
  func.func @transform_2(%arg0: i32) -> (i32, i32) {
    %c0_i32 = arith.constant 0 : i32
    %c0_i32_0 = arith.constant 0 : i32
    %c0_i32_1 = arith.constant 0 : i32
    return %c0_i32, %c0_i32_0 : i32, i32
  }
  func.func @transform_3(%arg0: i32) -> (i32, i32) {
    %c0_i32 = arith.constant 0 : i32
    %c0_i32_0 = arith.constant 0 : i32
    return %arg0, %c0_i32 : i32, i32
  }
  func.func @transform_4(%arg0: i32) -> (i32, i32) {
    %c0_i32 = arith.constant 0 : i32
    %c0_i32_0 = arith.constant 0 : i32
    %c0_i32_1 = arith.constant 0 : i32
    return %c0_i32, %c0_i32_0 : i32, i32
  }
  func.func @transform_5(%arg0: i32) -> (i32, i32) {
    %c0_i32 = arith.constant 0 : i32
    %c0_i32_0 = arith.constant 0 : i32
    return %arg0, %c0_i32 : i32, i32
  }
}

module attributes {stable_mosaic.version = 14 : i64} {
  func.func @_mm_mid_body(%arg0: i32, %arg1: memref<2x512x128xf32, #tpu.memory_space<vmem>>, %arg2: memref<512x1xf32, #tpu.memory_space<vmem>>, %arg3: memref<1x128xf32, #tpu.memory_space<vmem>>, %arg4: memref<512x1xf32, #tpu.memory_space<vmem>>, %arg5: memref<128x64xf32, #tpu.memory_space<vmem>>, %arg6: memref<512x64xf32, #tpu.memory_space<vmem>>) attributes {dimension_semantics = [#tpu.dimension_semantics<arbitrary>], iteration_bounds = array<i64: 20>, scalar_prefetch = 0 : i64, scratch_operands = 0 : i64, tpu.core_type = #tpu.core_type<tc>, window_params = [{transform_indices = @transform_0, window_bounds = array<i64: 2, 512, 128>}, {transform_indices = @transform_1, window_bounds = array<i64: 512, 1>}, {pipeline_mode = #tpu.pipeline_mode<synchronous>, transform_indices = @transform_2, window_bounds = array<i64: 1, 128>}, {transform_indices = @transform_3, window_bounds = array<i64: 512, 1>}, {pipeline_mode = #tpu.pipeline_mode<synchronous>, transform_indices = @transform_4, window_bounds = array<i64: 128, 64>}, {transform_indices = @transform_5, window_bounds = array<i64: 512, 64>}]} {
    %get3A = arith.constant 0 : index
    %get3A_0 = arith.constant 0 : index
    %get3A_1 = arith.constant 0 : index
    %get3A_2 = vector.load %arg1[%get3A, %get3A_0, %get3A_1] : memref<2x512x128xf32, #tpu.memory_space<vmem>>, vector<1x512x128xf32>
    %get3A_3 = vector.shape_cast %get3A_2 : vector<1x512x128xf32> to vector<512x128xf32>
    %get3A_4 = arith.constant 1 : index
    %get3A_5 = arith.constant 0 : index
    %get3A_6 = arith.constant 0 : index
    %get3A_7 = vector.load %arg1[%get3A_4, %get3A_5, %get3A_6] : memref<2x512x128xf32, #tpu.memory_space<vmem>>, vector<1x512x128xf32>
    %get3A_8 = vector.shape_cast %get3A_7 : vector<1x512x128xf32> to vector<512x128xf32>
    %add3A = arith.addf %get3A_3, %get3A_8 : vector<512x128xf32>
    %get3A_9 = arith.constant 0 : index
    %get3A_10 = arith.constant 0 : index
    %get3A_11 = vector.load %arg2[%get3A_9, %get3A_10] : memref<512x1xf32, #tpu.memory_space<vmem>>, vector<512x1xf32>
    %mul3A = vector.broadcast %get3A_11 : vector<512x1xf32> to vector<512x128xf32>
    %mul3A_12 = arith.mulf %add3A, %mul3A : vector<512x128xf32>
    %get3A_13 = arith.constant 0 : index
    %get3A_14 = arith.constant 0 : index
    %get3A_15 = vector.load %arg3[%get3A_13, %get3A_14] : memref<1x128xf32, #tpu.memory_space<vmem>>, vector<1x128xf32>
    %add3A_16 = vector.broadcast %get3A_15 : vector<1x128xf32> to vector<512x128xf32>
    %add3A_17 = arith.addf %mul3A_12, %add3A_16 : vector<512x128xf32>
    %max3A = arith.constant 0.000000e+00 : f32
    %max3A_18 = vector.broadcast %max3A : f32 to vector<512x128xf32>
    %max3A_19 = arith.maximumf %add3A_17, %max3A_18 : vector<512x128xf32>
    %get3A_20 = arith.constant 0 : index
    %get3A_21 = arith.constant 0 : index
    %get3A_22 = vector.load %arg4[%get3A_20, %get3A_21] : memref<512x1xf32, #tpu.memory_space<vmem>>, vector<512x1xf32>
    %mul3A_23 = vector.broadcast %get3A_22 : vector<512x1xf32> to vector<512x128xf32>
    %mul3A_24 = arith.mulf %max3A_19, %mul3A_23 : vector<512x128xf32>
    %get3A_25 = arith.constant 0 : index
    %get3A_26 = arith.constant 0 : index
    %get3A_27 = vector.load %arg5[%get3A_25, %get3A_26] : memref<128x64xf32, #tpu.memory_space<vmem>>, vector<128x64xf32>
    %dot_general3A = arith.constant dense<0.000000e+00> : vector<512x64xf32>
    %dot_general3A_28 = tpu.matmul %mul3A_24, %get3A_27, %dot_general3A {dimension_numbers = #tpu.dot_dimension_numbers<[1], [0], [0], [1], [0, 0, 1, 1], [], []>, transpose_lhs_hint = false} : vector<512x128xf32>, vector<128x64xf32>, vector<512x64xf32> -> vector<512x64xf32>
    %swap3A = arith.constant 0 : index
    %swap3A_29 = arith.constant 0 : index
    %swap3A_30 = vector.load %arg6[%swap3A, %swap3A_29] : memref<512x64xf32, #tpu.memory_space<vmem>>, vector<512x64xf32>
    tpu.vector_store %arg6[%swap3A, %swap3A_29], %dot_general3A_28 {strides = array<i32>} : memref<512x64xf32, #tpu.memory_space<vmem>>, vector<512x64xf32>,
    return
  }
  func.func @transform_0(%arg0: i32) -> (i32, i32, i32) {
    %c0_i32 = arith.constant 0 : i32
    %c0_i32_0 = arith.constant 0 : i32
    %c0_i32_1 = arith.constant 0 : i32
    return %c0_i32, %arg0, %c0_i32_0 : i32, i32, i32
  }
  func.func @transform_1(%arg0: i32) -> (i32, i32) {
    %c0_i32 = arith.constant 0 : i32
    %c0_i32_0 = arith.constant 0 : i32
    return %arg0, %c0_i32 : i32, i32
  }
  func.func @transform_2(%arg0: i32) -> (i32, i32) {
    %c0_i32 = arith.constant 0 : i32
    %c0_i32_0 = arith.constant 0 : i32
    %c0_i32_1 = arith.constant 0 : i32
    return %c0_i32, %c0_i32_0 : i32, i32
  }
  func.func @transform_3(%arg0: i32) -> (i32, i32) {
    %c0_i32 = arith.constant 0 : i32
    %c0_i32_0 = arith.constant 0 : i32
    return %arg0, %c0_i32 : i32, i32
  }
  func.func @transform_4(%arg0: i32) -> (i32, i32) {
    %c0_i32 = arith.constant 0 : i32
    %c0_i32_0 = arith.constant 0 : i32
    %c0_i32_1 = arith.constant 0 : i32
    return %c0_i32, %c0_i32_0 : i32, i32
  }
  func.func @transform_5(%arg0: i32) -> (i32, i32) {
    %c0_i32 = arith.constant 0 : i32
    %c0_i32_0 = arith.constant 0 : i32
    return %arg0, %c0_i32 : i32, i32
  }
}

module attributes {stable_mosaic.version = 14 : i64} {
  func.func @_final_body(%arg0: i32, %arg1: memref<2x400x64xf32, #tpu.memory_space<vmem>>, %arg2: memref<400x1xf32, #tpu.memory_space<vmem>>, %arg3: memref<1x64xf32, #tpu.memory_space<vmem>>, %arg4: memref<400x64xf32, #tpu.memory_space<vmem>>) attributes {dimension_semantics = [#tpu.dimension_semantics<arbitrary>], iteration_bounds = array<i64: 25>, scalar_prefetch = 0 : i64, scratch_operands = 0 : i64, tpu.core_type = #tpu.core_type<tc>, window_params = [{transform_indices = @transform_0, window_bounds = array<i64: 2, 400, 64>}, {transform_indices = @transform_1, window_bounds = array<i64: 400, 1>}, {pipeline_mode = #tpu.pipeline_mode<synchronous>, transform_indices = @transform_2, window_bounds = array<i64: 1, 64>}, {transform_indices = @transform_3, window_bounds = array<i64: 400, 64>}]} {
    %get3A = arith.constant 0 : index
    %get3A_0 = arith.constant 0 : index
    %get3A_1 = arith.constant 0 : index
    %get3A_2 = vector.load %arg1[%get3A, %get3A_0, %get3A_1] : memref<2x400x64xf32, #tpu.memory_space<vmem>>, vector<1x400x64xf32>
    %get3A_3 = vector.shape_cast %get3A_2 : vector<1x400x64xf32> to vector<400x64xf32>
    %get3A_4 = arith.constant 1 : index
    %get3A_5 = arith.constant 0 : index
    %get3A_6 = arith.constant 0 : index
    %get3A_7 = vector.load %arg1[%get3A_4, %get3A_5, %get3A_6] : memref<2x400x64xf32, #tpu.memory_space<vmem>>, vector<1x400x64xf32>
    %get3A_8 = vector.shape_cast %get3A_7 : vector<1x400x64xf32> to vector<400x64xf32>
    %add3A = arith.addf %get3A_3, %get3A_8 : vector<400x64xf32>
    %get3A_9 = arith.constant 0 : index
    %get3A_10 = arith.constant 0 : index
    %get3A_11 = vector.load %arg2[%get3A_9, %get3A_10] : memref<400x1xf32, #tpu.memory_space<vmem>>, vector<400x1xf32>
    %mul3A = vector.broadcast %get3A_11 : vector<400x1xf32> to vector<400x64xf32>
    %mul3A_12 = arith.mulf %add3A, %mul3A : vector<400x64xf32>
    %get3A_13 = arith.constant 0 : index
    %get3A_14 = arith.constant 0 : index
    %get3A_15 = vector.load %arg3[%get3A_13, %get3A_14] : memref<1x64xf32, #tpu.memory_space<vmem>>, vector<1x64xf32>
    %add3A_16 = vector.broadcast %get3A_15 : vector<1x64xf32> to vector<400x64xf32>
    %add3A_17 = arith.addf %mul3A_12, %add3A_16 : vector<400x64xf32>
    %swap3A = arith.constant 0 : index
    %swap3A_18 = arith.constant 0 : index
    %swap3A_19 = vector.load %arg4[%swap3A, %swap3A_18] : memref<400x64xf32, #tpu.memory_space<vmem>>, vector<400x64xf32>
    tpu.vector_store %arg4[%swap3A, %swap3A_18], %add3A_17 {strides = array<i32>} : memref<400x64xf32, #tpu.memory_space<vmem>>, vector<400x64xf32>,
    return
  }
  func.func @transform_0(%arg0: i32) -> (i32, i32, i32) {
    %c0_i32 = arith.constant 0 : i32
    %c0_i32_0 = arith.constant 0 : i32
    %c0_i32_1 = arith.constant 0 : i32
    return %c0_i32, %arg0, %c0_i32_0 : i32, i32, i32
  }
  func.func @transform_1(%arg0: i32) -> (i32, i32) {
    %c0_i32 = arith.constant 0 : i32
    %c0_i32_0 = arith.constant 0 : i32
    return %arg0, %c0_i32 : i32, i32
  }
  func.func @transform_2(%arg0: i32) -> (i32, i32) {
    %c0_i32 = arith.constant 0 : i32
    %c0_i32_0 = arith.constant 0 : i32
    %c0_i32_1 = arith.constant 0 : i32
    return %c0_i32, %c0_i32_0 : i32, i32
  }
  func.func @transform_3(%arg0: i32) -> (i32, i32) {
    %c0_i32 = arith.constant 0 : i32
    %c0_i32_0 = arith.constant 0 : i32
    return %arg0, %c0_i32 : i32, i32
  }
}

</mosaic_0001>

<sc_bundles>
// kernel: kernel.10.cloned.1.call-start
scs
__scs_entry_jumppad:
0x0: {  	(pc) =	sbr.rel $0x88, $3  }
0x1: {  	(tag) =	ssettag $0x0;
	lr =	simm.s32 $0x1  }
0x2: {  	[smem:$0x3F99] =	sst lr;
	_ =	strace $0xD0000000  }
0x3: {  	_ = 	snop  }
0x4: {  	_ = 	snop  }
0x5: {  	_ = 	snop  }
0x6: {  	_ = 	snop  }
0x7: {  	_ = 	snop  }
__scs_overlays_trampoline_lowered:
0x8: {  	[smem:$0x3FA8] =	sst s0  }
0x9: {  	[smem:$0x3FA9] =	sst s1  }
0xa: {  	[smem:$0x3FAA] =	sst s2  }
0xb: {  	[smem:$0x3FAB] =	sst s3  }
0xc: {  	[smem:$0x3FAC] =	sst s4  }
0xd: {  	[smem:$0x3FAD] =	sst s5  }
0xe: {  	[smem:$0x3FAE] =	sst s6  }
0xf: {  	[smem:$0x3FAF] =	sst s7  }
0x10: {  	[smem:$0x3FB0] =	sst s8  }
0x11: {  	[smem:$0x3FB1] =	sst s9;
	s0 =	simm.s32 @!p0 $0x0  }
0x12: {  	s1 =	sld [smem:$0x3F97];
	s0 =	simm.s32 @p0 $0x1  }
0x13: {  	[smem:$0x3FB2] =	sst s0;
	s0 =	simm.s32 @!p1 $0x0  }
0x14: {  	s2 =	sld [smem:$0x3F96];
	s0 =	simm.s32 @p1 $0x1  }
0x15: {  	[smem:$0x3FB3] =	sst s0;
	s0 =	simm.s32 @!p2 $0x0  }
0x16: {  	s3 =	sld [smem:$0x3FDB];
	s0 =	simm.s32 @p2 $0x1  }
0x17: {  	s4 =	simm.s32 $0x1BF5;
	[smem:$0x3FB5] =	sst s0  }
0x18: {  	s0 =	sld [smem:$0x3F98];
	_ =	swait.ge [sflag:s4], $0x0  }
0x19: {  	s7 =	sld [smem:$0x3F99]  }
0x1a: {  	s8 =	sadd.s32 $0xFFFFE003, lr  }
0x1b: {  	s9 =	sadd.s32 $0xFFFFFEF7, lr;
	s5 =	simm.s32 $0xFFFFFFFF;
	p2 =	slt.u32 s8, $0xFFFFF086  }
0x1c: {  	p1 =	slt.u32 s9, $0xF7A;
	s5 =	simm.s32 @!p2 $0x0  }
0x1d: {  	s5 =	simm.s32 @p1 $0x1;
	p0 =	seq.s32 s7, s2  }
0x1e: {  	s7 =	smul.u32 @!p0 $0xF7A, s2;
	p2 =	seq.s32 @!p0 s5, $0x0  }
0x1f: {  	s9 =	smul.u32 $0xF7A, s1;
	s8 =	simm.s32 @!p0 $0x1BF5;
	p2 =	por !p2, p0  }
0x20: {  	[sflag:s8] =	ssyncset.s32 @!p0 $0xFFFFF086;
	s6 =	sadd.s32 @!p0 s3, s7;
	s7 =	simm.s32 @!p0 $0x108  }
0x21: {  	s3 =	sadd.s32 s3, s9;
	s6 =	sadd.s32 @!p0 $0x88, s6;
	s7 =	simm.s32 @p2 $0x1082  }
0x22: {  	[simem:s7], [sflag:s8] =	dma.local @!p0 [hbm:s6], $0xF7A  }
0x23: {  	s9 =	sor.u32 $0xD0000000, s2;
	s6 =	simm.s32 $0x108;
	_ =	swait.ge @!p0 [sflag:s8], $0x0  }
0x24: {  	s3 =	sadd.s32 $0x88, s3;
	s6 =	simm.s32 @!p1 $0x1082;
	[sflag:s4] =	ssyncset.s32 $0xFFFFF086  }
0x25: {  	[simem:s6], [sflag:s4] =	dma.local [hbm:s3], $0xF7A  }
0x26: {  	[smem:$0x3F99] =	sst s1;
	(tag) =	ssettag s2;
	_ =	strace s9  }
0x27: {  	s1 =	sld [smem:$0x3FA9]  }
0x28: {  	s2 =	sld [smem:$0x3FAA]  }
0x29: {  	s4 =	sld [smem:$0x3FAC]  }
0x2a: {  	p0 =	seq.s32 s5, $0x0;
	s5 =	sld [smem:$0x3FAD]  }
0x2b: {  	s6 =	sld [smem:$0x3FAE]  }
0x2c: {  	s7 =	sld [smem:$0x3FAF]  }
0x2d: {  	s3 =	simm.s32 $0x108;
	s8 =	sld [smem:$0x3FB0]  }
0x2e: {  	s3 =	simm.s32 @!p0 $0x1082;
	s9 =	sld [smem:$0x3FB1]  }
0x2f: {  	lr =	sadd.s32 s0, s3;
	s0 =	sld [smem:$0x3FA8]  }
0x30: {  	s3 =	sld [smem:$0x3FAB]  }
0x31: {  	[smem:$0x3FB4] =	sst s10  }
0x32: {  	s10 =	sld [smem:$0x3FB2];
	_ =	sdelay $0x3  }
0x33: {  	p0 =	seq.s32 s10, $0x1;
	s10 =	sld [smem:$0x3FB4];
	_ =	sdelay $0x3  }
0x34: {  	[smem:$0x3FB4] =	sst s10  }
0x35: {  	s10 =	sld [smem:$0x3FB3];
	_ =	sdelay $0x3  }
0x36: {  	p1 =	seq.s32 s10, $0x1;
	s10 =	sld [smem:$0x3FB4];
	_ =	sdelay $0x3  }
0x37: {  	[smem:$0x3FB4] =	sst s10  }
0x38: {  	s10 =	sld [smem:$0x3FB5]  }
0x39: {  	_ = 	snop;
	(pc) =	sbr.ind lr, $3  }
0x3a: {  	_ = 	snop  }
0x3b: {  	_ = 	snop  }
0x3c: {  	p2 =	seq.s32 s10, $0x1;
	s10 =	sld [smem:$0x3FB4]  }
0x3d: {  	_ =	shalt  }
0x3e: {  	_ =	shalt  }
0x3f: {  	_ =	shalt  }
0x40: {  	_ =	shalt  }
0x41: {  	_ =	shalt  }
0x42: {  	_ =	shalt  }
0x43: {  	_ =	shalt  }
0x44: {  	_ =	shalt  }
0x45: {  	_ =	shalt  }
0x46: {  	_ =	shalt  }
0x47: {  	_ =	shalt  }
0x48: {  	_ =	shalt  }
0x49: {  	_ =	shalt  }
0x4a: {  	_ =	shalt  }
0x4b: {  	_ =	shalt  }
0x4c: {  	_ =	shalt  }
0x4d: {  	_ =	shalt  }
0x4e: {  	_ =	shalt  }
0x4f: {  	_ =	shalt  }
0x50: {  	_ =	shalt  }
0x51: {  	_ =	shalt  }
0x52: {  	_ =	shalt  }
0x53: {  	_ =	shalt  }
0x54: {  	_ =	shalt  }
0x55: {  	_ =	shalt  }
0x56: {  	_ =	shalt  }
0x57: {  	_ =	shalt  }
0x58: {  	_ =	shalt  }
0x59: {  	_ =	shalt  }
0x5a: {  	_ =	shalt  }
0x5b: {  	_ =	shalt  }
0x5c: {  	_ =	shalt  }
0x5d: {  	_ =	shalt  }
0x5e: {  	_ =	shalt  }
0x5f: {  	_ =	shalt  }
0x60: {  	_ =	shalt  }
0x61: {  	_ =	shalt  }
0x62: {  	_ =	shalt  }
0x63: {  	_ =	shalt  }
0x64: {  	_ =	shalt  }
0x65: {  	_ =	shalt  }
0x66: {  	_ =	shalt  }
0x67: {  	_ =	shalt  }
0x68: {  	_ =	shalt  }
0x69: {  	_ =	shalt  }
0x6a: {  	_ =	shalt  }
0x6b: {  	_ =	shalt  }
0x6c: {  	_ =	shalt  }
0x6d: {  	_ =	shalt  }
0x6e: {  	_ =	shalt  }
0x6f: {  	_ =	shalt  }
0x70: {  	_ =	shalt  }
0x71: {  	_ =	shalt  }
0x72: {  	_ =	shalt  }
0x73: {  	_ =	shalt  }
0x74: {  	_ =	shalt  }
0x75: {  	_ =	shalt  }
0x76: {  	_ =	shalt  }
0x77: {  	_ =	shalt  }
0x78: {  	_ =	shalt  }
0x79: {  	_ =	shalt  }
0x7a: {  	_ =	shalt  }
0x7b: {  	_ =	shalt  }
0x7c: {  	_ =	shalt  }
0x7d: {  	_ =	shalt  }
0x7e: {  	_ =	shalt  }
0x7f: {  	_ =	shalt  }
0x80: {  	_ =	shalt  }
0x81: {  	_ =	shalt  }
0x82: {  	_ =	shalt  }
0x83: {  	_ =	shalt  }
0x84: {  	_ =	shalt  }
0x85: {  	_ =	shalt  }
0x86: {  	_ =	shalt  }
0x87: {  	_ =	shalt  }
.Lfunc_end0:
.L_simem_size_0:
called_computation_lowered:
.L_overlay_start_0:
0x88: {  	s2 =	sld [smem:$0x3FD9]  }
0x89: {  	s3 =	sld [smem:$0x3FFE];
	_ =	sdelay $0x1  }
0x8a: {  	s1 =	srdreg.scid  }
0x8b: {  	s0 =	sand.u32 $0x1, s1  }
0x8c: {  	s17 =	sshll.u32 s0, $0xA;
	s2 =	sadd.s32 s3, s2  }
0x8d: {  	s2 =	sadd.s32 s2, s17  }
0x8e: {  	[smem:$0x3FC0] =	sst s2  }
0x8f: {  	_ = 	snop  }
0x90: {  	s2 =	sld [smem:$0x3FD0];
	(tm) =	ssettm $0x1  }
0x91: {  	s18 =	sld [smem:$0x3FFB];
	_ =	sdelay $0x3  }
0x92: {  	_ =	strace s18  }
0x93: {  	s3 =	sld [smem:$0x3FFC];
	_ =	sdelay $0x3  }
0x94: {  	_ =	strace s3  }
0x95: {  	s3 =	sld [smem:$0x3FFD];
	_ =	sdelay $0x3  }
0x96: {  	_ =	strace s3  }
0x97: {  	_ =	strace $0x8FFFFFFF  }
0x98: {  	s19 =	sld [smem:$0x3FDB];
	_ =	sdelay $0x1  }
0x99: {  	s4 =	simm.s32 $_scs_section_size  }
0x9a: {  	s5 =	simm.s32 $_size__tile_overlayer_lowered;
	s6 =	simm.s32 $_tile_overlayer_lowered  }
0x9b: {  	s22 =	simm.s32 $0x1BFF;
	s21 =	sshll.u32 s6, $0x1;
	s3 =	sadd.s32 s4, s19  }
0x9c: {  	s7 =	simm.s32 $0x0;
	s20 =	sshll.u32 s5, $0x1;
	s5 =	sadd.s32 s21, s3  }
0x9d: {  	[timem:s7], [sflag:s22] =	dma.local [hbm:s5], s20  }
0x9e: {  	_ =	swait.ge [sflag:s22], s20  }
0x9f: {  	s4 =	ssub.s32 $0x0, s20;
	[sflag:s22] =	ssyncset.done $0x0  }
0xa0: {  	[sflag:s22] =	ssyncadd.s32 s4;
	_ =	sdelay $0x1  }
0xa1: {  	s23 =	simm.s32 $0x1B8B  }
0xa2: {  	_ =	swait.ge [sflag:s23], $0x1  }
0xa3: {  	[sflag:s23] =	ssyncset.done $0x0  }
0xa4: {  	s25 =	simm.s32 $0x1B8E;
	s24 =	sld [smem:$0x3FFE];
	[sflag:s23] =	ssyncadd.s32 $0xFFFFFFFF  }
0xa5: {  	s26 =	simm.s32 $execute0_lowered;
	[smem:$0x3FD2] =	sst s25  }
0xa6: {  	s5 =	sshll.u32 s26, $0x1;
	_ =	strace $0x80000046;
	[dreg:$0x1] =	wrdreg $0xFFFFFFFF  }
0xa7: {  	s28 =	simm.s32 $_size_execute0_lowered;
	s3 =	sadd.s32 s3, s5;
	[dreg:$0x0] =	wrdreg $0x0  }
0xa8: {  	s5 =	sshll.u32 s28, $0x1;
	[dreg:$0x2] =	wrdreg s3  }
0xa9: {  	[dreg:$0x3] =	wrdreg s5  }
0xaa: {  	[dreg:$0x4] =	wrdreg $0xC0  }
0xab: {  	_ =	task [dreg:s7], $0x5FFFF  }
0xac: {  	[dreg:$0x1] =	wrdreg $0xFFFFFFFF  }
0xad: {  	[dreg:$0x0] =	wrdreg $0x60  }
0xae: {  	[dreg:$0x2] =	wrdreg s24  }
0xaf: {  	[dreg:$0x3] =	wrdreg s2  }
0xb0: {  	[dreg:$0x4] =	wrdreg $0x87000  }
0xb1: {  	[dreg:$0x5] =	wrdreg $0x9  }
0xb2: {  	_ =	task.clear_ibuf [dreg:s7], $0x6FFFF;
	_ =	strace $0x90000046  }
0xb3: {  	s29 =	simm.s32 $0x9;
	_ =	strace $0x80000048  }
0xb4: {  	_ =	swait.ge [sflag:s29], $0x1  }
0xb5: {  	[sflag:s29] =	ssyncadd.s32 $0xFFFFFFFF  }
0xb6: {  	_ =	strace $0x90000048  }
0xb7: {  	_ =	sfence  }
0xb8: {  	s30 =	sld [smem:$0x0];
	_ =	sdelay $0x2  }
0xb9: {  	s31 =	sshll.u32 s1, $0xD;
	s1 =	sshrl.u32 s1, $0x2  }
0xba: {  	s3 =	sand.u32 $0x4000, s31;
	s1 =	sadd.s32 s1, s30  }
0xbb: {  	s0 =	sor.u32 s3, s0;
	s1 =	sshll.u32 s1, $0x11  }
0xbc: {  	s0 =	sor.u32 s1, s0  }
0xbd: {  	s0 =	sadd.s32 $0x8F2B, s0  }
0xbe: {  	[sflag:s0] =	ssyncadd.remote.s32 $0x1  }
0xbf: {  	_ =	sfence.sel $0xFFFF  }
0xc0: {  	[dreg:$0x0] =	wrdreg $0xFFFFFFFF;
	(pc) =	sbr.abs _section_cstart, $3  }
0xc1: {  	[dreg:$0x1] =	wrdreg $0xFFFFFFFF  }
0xc2: {  	_ =	task.clear_ibuf [dreg:s7], $0x2FFFF;
	_ =	strace $0x9FFFFFFF  }
0xc3: {  	(tm) =	ssettm $0x7FFFFFFF  }
tec
execute0_lowered:
.L_overlay_start_1:
0x0: {  	(tag) =	ssettag $0x1  }
0x1: {  	s4 =	rddreg [dreg:$0x0]  }
0x2: {  	s1 =	srdreg.scid;
	s8 =	rddreg [dreg:$0x1]  }
0x3: {  	s0 =	stileid.u32;
	s2 =	rddreg [dreg:$0x2]  }
0x4: {  	s3 =	simm.s32 $0x0;
	s12 =	simm.s32 $0x80;
	s13 =	simm.s32 $0x4F00  }
0x5: {  	s14 =	simm.s32 $0x5700;
	s15 =	simm.s32 $0x1;
	s16 =	simm.s32 $0x2  }
0x6: {  	s18 =	simm.s32 $0x0;
	s5 =	sand.u32 $0x1, s1;
	s1 =	rddreg [dreg:$0x3]  }
0x7: {  	s31 =	sshll.u32 s0, $0x1;
	[smem:$0x7FF] =	sst s3;
	s9 =	smul.u32 $0x2800, s0  }
0x8: {  	s17 =	sshll.u32 s0, $0x6;
	s6 =	sor.u32 s5, s31;
	s7 =	ssub.s32 $0x2, s5  }
0x9: {  	_ =	strace $0x80000047;
	p0 =	seq.s32 s5, $0x1;
	s6 =	smul.u32 $0x4F0, s6  }
0xa: {  	s17 =	sor.u32 $0x1C03, s17;
	s10 =	sshrl.u32 s7, $0x1;
	s11 =	sadd.s32 $0x28000, s9  }
0xb: {  	s7 =	ssub.s32 s7, s10;
	s10 =	simm.s32 $0x3;
	s6 =	sadd.s32 s6, s4  }
0xc: {  	s4 =	sadd.s32 s9, s2;
	s9 =	smov.u32 @p0 s11;
	s7 =	smax.u32 s7, $0x1  }
0xd: {  	vm0 =	vcmask $0x300;
	v0 =	vimm.f32 $0.0e+00;
	vm1 =	vcmask $0x704;
	s11 =	simm.s32 $0x2780;
	s5 =	sadd.s32 $0xCA00, s6;
	s9 =	sshrl.u32 s9, $0x3  }
0xe: {  	v1 =	vsel vm0, $0x3F800000, v0;
	v2 =	vsel vm1, $0x3F800000, v0;
	s6 =	sadd.s32 $0x2C00, s6;
	s8 =	sadd.s32 s8, s9;
	s9 =	simm.s32 $0x5F00  }
.LBB2_1:
0xf: {  	s19 =	simm.s32 $0x0  }
.LBB2_2:
0x10: {  	p0 =	sne.s32 s19, $0x1FC0  }
.Ltmp0:
0x11: {  	_ = 	snop;
	(pc) =	sbr.rel @p0 .LBB2_2-.Ltmp0, $4  }
0x12: {  	_ = 	snop  }
0x13: {  	s20 =	sshra.s32 s19, $0x2  }
0x14: {  	[tilespmem:s20+$0x4F00] =	vst v1  }
0x15: {  	s19 =	sadd.s32 $0x40, s19;
	[tilespmem:s20+$0x5700] =	vst v2  }
0x16: {  	s19 =	simm.s32 $0x40;
	s20 =	simm.s32 $0x0  }
.LBB2_4:
0x17: {  	p0 =	sne.s32 s19, $0x9FC0;
	[tilespmem:s20+$0x5F00] =	vst v0;
	s20 =	smov.u32 s19;
	s19 =	sadd.s32 $0x40, s19  }
.Ltmp1:
0x18: {  	(pc) =	sbr.rel @p0 .LBB2_4-.Ltmp1, $2  }
0x19: {  	_ =	sdelay $0x2  }
0x1a: {  	s20 =	sshra.s32 s20, $0x2  }
0x1b: {  	[tilespmem:s20+$0x5F00] =	vst v0  }
0x1c: {  	[spmem:s4] =	stream.linear.scatter [tilespmem:s9], [sflag:$0x3], $0x2800, $0x38;
	[tilespmem:$0xAF00] =	vst v63  }
0x1d: {  	_ =	swait.ge [sflag:s10], $0x2800  }
0x1e: {  	[sflag:s10] =	ssyncset.done $0x0  }
0x1f: {  	[sflag:s10] =	ssyncadd.s32 $0xFFFFD800  }
0x20: {  	[tilespmem:s3], [sflag:$0x3] =	stream.linear.gather [hbm4b:s5+s3], $0x2780, $0x38;
	[tilespmem:$0xAF00] =	vst v63  }
0x21: {  	_ =	swait.ge [sflag:s10], $0x2780  }
0x22: {  	[sflag:s10] =	ssyncset.done $0x0  }
0x23: {  	[sflag:s10] =	ssyncadd.s32 $0xFFFFD880  }
0x24: {  	[tilespmem:s11], [sflag:$0x3] =	stream.linear.gather [hbm4b:s6+s3], $0x2780, $0x38;
	[tilespmem:$0xAF00] =	vst v63  }
0x25: {  	_ =	swait.ge [sflag:s10], $0x2780  }
0x26: {  	[sflag:s10] =	ssyncset.done $0x0  }
0x27: {  	[sflag:s10] =	ssyncadd.s32 $0xFFFFD880  }
0x28: {  	[bflag:$0x0] =	sbarrier.arrive $0xFFFF  }
0x29: {  	[spmem:s2] =	stream.indirect.scatter.add.f32 [tilespmem:s13], [sflag:$0x1], $0x10, s3, s12, $0xb8;
	[tilespmem:$0xAF00] =	vst v63  }
0x2a: {  	_ = 	snop  }
0x2b: {  	[spmem:s2] =	stream.indirect.scatter.add.f32 [tilespmem:s14], [sflag:$0x2], $0x10, s11, s12, $0xb8;
	[tilespmem:$0xAF00] =	vst v63  }
0x2c: {  	s19 =	simm.s32 $0x80  }
0x2d: {  	[spmem:s2] =	stream.indirect.scatter.add.f32 [tilespmem:s13], [sflag:$0x1], $0x10, s19, s12, $0xb8;
	[tilespmem:$0xAF00] =	vst v63  }
0x2e: {  	s31 =	simm.s32 $0x2800  }
0x2f: {  	[spmem:s2] =	stream.indirect.scatter.add.f32 [tilespmem:s14], [sflag:$0x2], $0x10, s31, s12, $0xb8;
	[tilespmem:$0xAF00] =	vst v63  }
0x30: {  	_ =	swait.ge [sflag:s15], $0x800  }
0x31: {  	[sflag:s15] =	ssyncset.done $0x0  }
0x32: {  	[sflag:s15] =	ssyncadd.s32 $0xFFFFF800  }
0x33: {  	_ =	swait.ge [sflag:s16], $0x800  }
0x34: {  	s20 =	simm.s32 $0x600;
	s19 =	simm.s32 $0x400;
	[sflag:s16] =	ssyncset.done $0x0  }
.LBB2_6:
0x35: {  	s21 =	sshra.s32 s19, $0x2  }
0x36: {  	[sflag:s16] =	ssyncadd.s32 $0xFFFFF800;
	s19 =	smov.u32 s20;
	s22 =	sadd.s32 $0x200, s20  }
0x37: {  	[spmem:s2] =	stream.indirect.scatter.add.f32 [tilespmem:s13], [sflag:$0x1], $0x10, s21, s12, $0xb8;
	[tilespmem:$0xAF00] =	vst v63  }
0x38: {  	p0 =	sne.s32 s20, $0x9C00;
	s20 =	sadd.s32 $0x2780, s21  }
0x39: {  	[spmem:s2] =	stream.indirect.scatter.add.f32 [tilespmem:s14], [sflag:$0x2], $0x10, s20, s12, $0xb8;
	[tilespmem:$0xAF00] =	vst v63  }
.Ltmp2:
0x3a: {  	_ =	swait.ge [sflag:s15], $0x800;
	(pc) =	sbr.rel @p0 .LBB2_6-.Ltmp2, $4  }
0x3b: {  	[sflag:s15] =	ssyncset.done $0x0  }
0x3c: {  	[sflag:s15] =	ssyncadd.s32 $0xFFFFF800  }
0x3d: {  	_ =	swait.ge [sflag:s16], $0x800  }
0x3e: {  	s20 =	smov.u32 s22;
	[sflag:s16] =	ssyncset.done $0x0  }
0x3f: {  	s19 =	sshra.s32 s19, $0x2;
	[sflag:s16] =	ssyncadd.s32 $0xFFFFF800  }
0x40: {  	[spmem:s2] =	stream.indirect.scatter.add.f32 [tilespmem:s13], [sflag:$0x1], $0x10, s19, s12, $0xb8;
	[tilespmem:$0xAF00] =	vst v63  }
0x41: {  	s19 =	sadd.s32 $0x2780, s19  }
0x42: {  	[spmem:s2] =	stream.indirect.scatter.add.f32 [tilespmem:s14], [sflag:$0x2], $0x10, s19, s12, $0xb8;
	[tilespmem:$0xAF00] =	vst v63  }
0x43: {  	_ =	swait.ge [sflag:s15], $0x800  }
0x44: {  	[sflag:s15] =	ssyncset.done $0x0  }
0x45: {  	[sflag:s15] =	ssyncadd.s32 $0xFFFFF800  }
0x46: {  	_ =	swait.ge [sflag:s16], $0x800  }
0x47: {  	[sflag:s16] =	ssyncset.done $0x0  }
0x48: {  	[sflag:s16] =	ssyncadd.s32 $0xFFFFF800  }
0x49: {  	_ =	swait.ge [sflag:s15], $0x800  }
0x4a: {  	[sflag:s15] =	ssyncset.done $0x0  }
0x4b: {  	[sflag:s15] =	ssyncadd.s32 $0xFFFFF800  }
0x4c: {  	_ =	swait.ge [sflag:s16], $0x800  }
0x4d: {  	s18 =	sadd.s32 $0x1, s18;
	[sflag:s16] =	ssyncset.done $0x0  }
0x4e: {  	p0 =	sne.s32 s18, s7;
	[sflag:s16] =	ssyncadd.s32 $0xFFFFF800  }
.Ltmp3:
0x4f: {  	s31 =	sshrl.u32 s4, $0x3;
	[bflag:$0x0] =	sbarrier.arrive $0xFFFF;
	(pc) =	sbr.rel @p0 .LBB2_1-.Ltmp3, $4  }
0x50: {  	[hbm:s8], [sflag:s17] =	dma.local [spmem:s31], $0x500  }
0x51: {  	_ =	swait.ge [sflag:s10], $0x500  }
0x52: {  	[sflag:s10] =	ssyncset.done $0x0  }
0x53: {  	[sflag:s10] =	ssyncadd.s32 $0xFFFFFB00  }
0x54: {  	_ =	sfence.sel $0x180000  }
0x55: {  	[bflag:$0x0] =	sbarrier.arrive $0xFFFF  }
0x56: {  	p0 =	sne.s32 s0, $0x0;
	_ =	strace $0x90000047  }
0x57: {  	s0 =	sadd.s32 @!p0 $0x100000, s1;
	[bflag:$0x2] =	sbarrier.arrive $0xFFFF  }
0x58: {  	[sflag:s0] =	ssyncadd.tile.s32 @!p0 $0x1;
	_ =	shalt  }
.Lfunc_end2:
_tile_overlayer_lowered:
.L_overlay_start_2:
0x59: {  	(tag) =	ssettag $0x2  }
0x5a: {  	s0 =	rddreg [dreg:$0x0];
	s2 =	stileid.u32  }
0x5b: {  	s1 =	rddreg [dreg:$0x1];
	p0 =	sne.s32 s2, $0x0  }
0x5c: {  	s3 =	rddreg [dreg:$0x2];
	[bflag:$0x3] =	sbarrier.arrive $0xFFFF;
	s2 =	simm.s32 @!p0 $0x1C03  }
0x5d: {  	[timem:s3], [sflag:s2] =	dma.local @!p0 [hbm:s0], s1  }
0x5e: {  	s0 =	simm.s32 @!p0 $0x3  }
0x5f: {  	_ =	swait.ge @!p0 [sflag:s0], s1  }
0x60: {  	s1 =	ssub.s32 @!p0 $0x0, s1;
	[sflag:s0] =	ssyncset.done @!p0 $0x0  }
0x61: {  	[sflag:s0] =	ssyncadd.s32 @!p0 s1  }
0x62: {  	[bflag:$0x3] =	sbarrier.arrive $0xFFFF  }
0x63: {  	_ =	shalt  }

// kernel: kernel.13.cloned.1.call-start
scs
__scs_entry_jumppad:
0x0: {  	(pc) =	sbr.rel $0x88, $3  }
0x1: {  	(tag) =	ssettag $0x0;
	lr =	simm.s32 $0x1  }
0x2: {  	[smem:$0x3F99] =	sst lr;
	_ =	strace $0xD0000000  }
0x3: {  	_ = 	snop  }
0x4: {  	_ = 	snop  }
0x5: {  	_ = 	snop  }
0x6: {  	_ = 	snop  }
0x7: {  	_ = 	snop  }
__scs_overlays_trampoline_lowered:
0x8: {  	[smem:$0x3FA8] =	sst s0  }
0x9: {  	[smem:$0x3FA9] =	sst s1  }
0xa: {  	[smem:$0x3FAA] =	sst s2  }
0xb: {  	[smem:$0x3FAB] =	sst s3  }
0xc: {  	[smem:$0x3FAC] =	sst s4  }
0xd: {  	[smem:$0x3FAD] =	sst s5  }
0xe: {  	[smem:$0x3FAE] =	sst s6  }
0xf: {  	[smem:$0x3FAF] =	sst s7  }
0x10: {  	[smem:$0x3FB0] =	sst s8  }
0x11: {  	[smem:$0x3FB1] =	sst s9;
	s0 =	simm.s32 @!p0 $0x0  }
0x12: {  	s1 =	sld [smem:$0x3F97];
	s0 =	simm.s32 @p0 $0x1  }
0x13: {  	[smem:$0x3FB2] =	sst s0;
	s0 =	simm.s32 @!p1 $0x0  }
0x14: {  	s2 =	sld [smem:$0x3F96];
	s0 =	simm.s32 @p1 $0x1  }
0x15: {  	[smem:$0x3FB3] =	sst s0;
	s0 =	simm.s32 @!p2 $0x0  }
0x16: {  	s3 =	sld [smem:$0x3FDB];
	s0 =	simm.s32 @p2 $0x1  }
0x17: {  	s4 =	simm.s32 $0x1BF5;
	[smem:$0x3FB5] =	sst s0  }
0x18: {  	s0 =	sld [smem:$0x3F98];
	_ =	swait.ge [sflag:s4], $0x0  }
0x19: {  	s7 =	sld [smem:$0x3F99]  }
0x1a: {  	s8 =	sadd.s32 $0xFFFFE003, lr  }
0x1b: {  	s9 =	sadd.s32 $0xFFFFFEF7, lr;
	s5 =	simm.s32 $0xFFFFFFFF;
	p2 =	slt.u32 s8, $0xFFFFF086  }
0x1c: {  	p1 =	slt.u32 s9, $0xF7A;
	s5 =	simm.s32 @!p2 $0x0  }
0x1d: {  	s5 =	simm.s32 @p1 $0x1;
	p0 =	seq.s32 s7, s2  }
0x1e: {  	s7 =	smul.u32 @!p0 $0xF7A, s2;
	p2 =	seq.s32 @!p0 s5, $0x0  }
0x1f: {  	s9 =	smul.u32 $0xF7A, s1;
	s8 =	simm.s32 @!p0 $0x1BF5;
	p2 =	por !p2, p0  }
0x20: {  	[sflag:s8] =	ssyncset.s32 @!p0 $0xFFFFF086;
	s6 =	sadd.s32 @!p0 s3, s7;
	s7 =	simm.s32 @!p0 $0x108  }
0x21: {  	s3 =	sadd.s32 s3, s9;
	s6 =	sadd.s32 @!p0 $0x88, s6;
	s7 =	simm.s32 @p2 $0x1082  }
0x22: {  	[simem:s7], [sflag:s8] =	dma.local @!p0 [hbm:s6], $0xF7A  }
0x23: {  	s9 =	sor.u32 $0xD0000000, s2;
	s6 =	simm.s32 $0x108;
	_ =	swait.ge @!p0 [sflag:s8], $0x0  }
0x24: {  	s3 =	sadd.s32 $0x88, s3;
	s6 =	simm.s32 @!p1 $0x1082;
	[sflag:s4] =	ssyncset.s32 $0xFFFFF086  }
0x25: {  	[simem:s6], [sflag:s4] =	dma.local [hbm:s3], $0xF7A  }
0x26: {  	[smem:$0x3F99] =	sst s1;
	(tag) =	ssettag s2;
	_ =	strace s9  }
0x27: {  	s1 =	sld [smem:$0x3FA9]  }
0x28: {  	s2 =	sld [smem:$0x3FAA]  }
0x29: {  	s4 =	sld [smem:$0x3FAC]  }
0x2a: {  	p0 =	seq.s32 s5, $0x0;
	s5 =	sld [smem:$0x3FAD]  }
0x2b: {  	s6 =	sld [smem:$0x3FAE]  }
0x2c: {  	s7 =	sld [smem:$0x3FAF]  }
0x2d: {  	s3 =	simm.s32 $0x108;
	s8 =	sld [smem:$0x3FB0]  }
0x2e: {  	s3 =	simm.s32 @!p0 $0x1082;
	s9 =	sld [smem:$0x3FB1]  }
0x2f: {  	lr =	sadd.s32 s0, s3;
	s0 =	sld [smem:$0x3FA8]  }
0x30: {  	s3 =	sld [smem:$0x3FAB]  }
0x31: {  	[smem:$0x3FB4] =	sst s10  }
0x32: {  	s10 =	sld [smem:$0x3FB2];
	_ =	sdelay $0x3  }
0x33: {  	p0 =	seq.s32 s10, $0x1;
	s10 =	sld [smem:$0x3FB4];
	_ =	sdelay $0x3  }
0x34: {  	[smem:$0x3FB4] =	sst s10  }
0x35: {  	s10 =	sld [smem:$0x3FB3];
	_ =	sdelay $0x3  }
0x36: {  	p1 =	seq.s32 s10, $0x1;
	s10 =	sld [smem:$0x3FB4];
	_ =	sdelay $0x3  }
0x37: {  	[smem:$0x3FB4] =	sst s10  }
0x38: {  	s10 =	sld [smem:$0x3FB5]  }
0x39: {  	_ = 	snop;
	(pc) =	sbr.ind lr, $3  }
0x3a: {  	_ = 	snop  }
0x3b: {  	_ = 	snop  }
0x3c: {  	p2 =	seq.s32 s10, $0x1;
	s10 =	sld [smem:$0x3FB4]  }
0x3d: {  	_ =	shalt  }
0x3e: {  	_ =	shalt  }
0x3f: {  	_ =	shalt  }
0x40: {  	_ =	shalt  }
0x41: {  	_ =	shalt  }
0x42: {  	_ =	shalt  }
0x43: {  	_ =	shalt  }
0x44: {  	_ =	shalt  }
0x45: {  	_ =	shalt  }
0x46: {  	_ =	shalt  }
0x47: {  	_ =	shalt  }
0x48: {  	_ =	shalt  }
0x49: {  	_ =	shalt  }
0x4a: {  	_ =	shalt  }
0x4b: {  	_ =	shalt  }
0x4c: {  	_ =	shalt  }
0x4d: {  	_ =	shalt  }
0x4e: {  	_ =	shalt  }
0x4f: {  	_ =	shalt  }
0x50: {  	_ =	shalt  }
0x51: {  	_ =	shalt  }
0x52: {  	_ =	shalt  }
0x53: {  	_ =	shalt  }
0x54: {  	_ =	shalt  }
0x55: {  	_ =	shalt  }
0x56: {  	_ =	shalt  }
0x57: {  	_ =	shalt  }
0x58: {  	_ =	shalt  }
0x59: {  	_ =	shalt  }
0x5a: {  	_ =	shalt  }
0x5b: {  	_ =	shalt  }
0x5c: {  	_ =	shalt  }
0x5d: {  	_ =	shalt  }
0x5e: {  	_ =	shalt  }
0x5f: {  	_ =	shalt  }
0x60: {  	_ =	shalt  }
0x61: {  	_ =	shalt  }
0x62: {  	_ =	shalt  }
0x63: {  	_ =	shalt  }
0x64: {  	_ =	shalt  }
0x65: {  	_ =	shalt  }
0x66: {  	_ =	shalt  }
0x67: {  	_ =	shalt  }
0x68: {  	_ =	shalt  }
0x69: {  	_ =	shalt  }
0x6a: {  	_ =	shalt  }
0x6b: {  	_ =	shalt  }
0x6c: {  	_ =	shalt  }
0x6d: {  	_ =	shalt  }
0x6e: {  	_ =	shalt  }
0x6f: {  	_ =	shalt  }
0x70: {  	_ =	shalt  }
0x71: {  	_ =	shalt  }
0x72: {  	_ =	shalt  }
0x73: {  	_ =	shalt  }
0x74: {  	_ =	shalt  }
0x75: {  	_ =	shalt  }
0x76: {  	_ =	shalt  }
0x77: {  	_ =	shalt  }
0x78: {  	_ =	shalt  }
0x79: {  	_ =	shalt  }
0x7a: {  	_ =	shalt  }
0x7b: {  	_ =	shalt  }
0x7c: {  	_ =	shalt  }
0x7d: {  	_ =	shalt  }
0x7e: {  	_ =	shalt  }
0x7f: {  	_ =	shalt  }
0x80: {  	_ =	shalt  }
0x81: {  	_ =	shalt  }
0x82: {  	_ =	shalt  }
0x83: {  	_ =	shalt  }
0x84: {  	_ =	shalt  }
0x85: {  	_ =	shalt  }
0x86: {  	_ =	shalt  }
0x87: {  	_ =	shalt  }
.Lfunc_end0:
.L_simem_size_0:
called_computation.1_lowered:
.L_overlay_start_0:
0x88: {  	s2 =	sld [smem:$0x3FD9]  }
0x89: {  	s3 =	sld [smem:$0x3FFE];
	_ =	sdelay $0x1  }
0x8a: {  	s1 =	srdreg.scid  }
0x8b: {  	s0 =	sand.u32 $0x1, s1  }
0x8c: {  	s16 =	sshll.u32 s0, $0xA;
	s2 =	sadd.s32 s3, s2  }
0x8d: {  	s2 =	sadd.s32 s2, s16  }
0x8e: {  	[smem:$0x3FC0] =	sst s2  }
0x8f: {  	_ = 	snop  }
0x90: {  	(tm) =	ssettm $0x1  }
0x91: {  	s17 =	sld [smem:$0x3FFB];
	_ =	sdelay $0x3  }
0x92: {  	_ =	strace s17  }
0x93: {  	s2 =	sld [smem:$0x3FFC];
	_ =	sdelay $0x3  }
0x94: {  	_ =	strace s2  }
0x95: {  	s2 =	sld [smem:$0x3FFD];
	_ =	sdelay $0x3  }
0x96: {  	_ =	strace s2  }
0x97: {  	_ =	strace $0x8FFFFFFF  }
0x98: {  	s18 =	sld [smem:$0x3FDB];
	_ =	sdelay $0x1  }
0x99: {  	s19 =	simm.s32 $_scs_section_size  }
0x9a: {  	s4 =	simm.s32 $_size__tile_overlayer_lowered;
	s5 =	simm.s32 $_tile_overlayer_lowered  }
0x9b: {  	s22 =	simm.s32 $0x1BFF;
	s21 =	sshll.u32 s5, $0x1;
	s2 =	sadd.s32 s19, s18  }
0x9c: {  	s6 =	simm.s32 $0x0;
	s20 =	sshll.u32 s4, $0x1;
	s4 =	sadd.s32 s21, s2  }
0x9d: {  	[timem:s6], [sflag:s22] =	dma.local [hbm:s4], s20  }
0x9e: {  	_ =	swait.ge [sflag:s22], s20  }
0x9f: {  	s3 =	ssub.s32 $0x0, s20;
	[sflag:s22] =	ssyncset.done $0x0  }
0xa0: {  	[sflag:s22] =	ssyncadd.s32 s3;
	_ =	sdelay $0x1  }
0xa1: {  	s23 =	simm.s32 $0x1B8B  }
0xa2: {  	_ =	swait.ge [sflag:s23], $0x1  }
0xa3: {  	[sflag:s23] =	ssyncset.done $0x0  }
0xa4: {  	s25 =	simm.s32 $0x1B8E;
	s24 =	sld [smem:$0x3FFE];
	[sflag:s23] =	ssyncadd.s32 $0xFFFFFFFF  }
0xa5: {  	s26 =	simm.s32 $execute0_lowered;
	[smem:$0x3FD2] =	sst s25  }
0xa6: {  	s4 =	sshll.u32 s26, $0x1;
	_ =	strace $0x80000049;
	[dreg:$0x1] =	wrdreg $0xFFFFFFFF  }
0xa7: {  	s28 =	simm.s32 $_size_execute0_lowered;
	s2 =	sadd.s32 s2, s4;
	[dreg:$0x0] =	wrdreg $0x0  }
0xa8: {  	s4 =	sshll.u32 s28, $0x1;
	[dreg:$0x2] =	wrdreg s2  }
0xa9: {  	[dreg:$0x3] =	wrdreg s4  }
0xaa: {  	[dreg:$0x4] =	wrdreg $0xC0  }
0xab: {  	_ =	task [dreg:s6], $0x5FFFF  }
0xac: {  	[dreg:$0x1] =	wrdreg $0xFFFFFFFF  }
0xad: {  	[dreg:$0x0] =	wrdreg $0x60  }
0xae: {  	[dreg:$0x2] =	wrdreg s24  }
0xaf: {  	[dreg:$0x3] =	wrdreg $0x78000  }
0xb0: {  	[dreg:$0x4] =	wrdreg $0x9  }
0xb1: {  	_ =	task.clear_ibuf [dreg:s6], $0x5FFFF;
	_ =	strace $0x90000049  }
0xb2: {  	s29 =	simm.s32 $0x9;
	_ =	strace $0x8000004B  }
0xb3: {  	_ =	swait.ge [sflag:s29], $0x1  }
0xb4: {  	[sflag:s29] =	ssyncadd.s32 $0xFFFFFFFF  }
0xb5: {  	_ =	strace $0x9000004B  }
0xb6: {  	_ =	sfence  }
0xb7: {  	s30 =	sld [smem:$0x0];
	_ =	sdelay $0x2  }
0xb8: {  	s31 =	sshll.u32 s1, $0xD;
	s1 =	sshrl.u32 s1, $0x2  }
0xb9: {  	s3 =	sand.u32 $0x4000, s31;
	s1 =	sadd.s32 s1, s30  }
0xba: {  	s0 =	sor.u32 s3, s0;
	s1 =	sshll.u32 s1, $0x11  }
0xbb: {  	s0 =	sor.u32 s1, s0  }
0xbc: {  	s0 =	sadd.s32 $0x8F2B, s0  }
0xbd: {  	[sflag:s0] =	ssyncadd.remote.s32 $0x1  }
0xbe: {  	_ =	sfence.sel $0xFFFF  }
0xbf: {  	[dreg:$0x0] =	wrdreg $0xFFFFFFFF;
	(pc) =	sbr.abs _section_cstart, $3  }
0xc0: {  	[dreg:$0x1] =	wrdreg $0xFFFFFFFF  }
0xc1: {  	_ =	task.clear_ibuf [dreg:s6], $0x2FFFF;
	_ =	strace $0x9FFFFFFF  }
0xc2: {  	(tm) =	ssettm $0x7FFFFFFF  }
0xc3: {  	_ =	shalt  }
tec
execute0_lowered:
.L_overlay_start_1:
0x0: {  	(tag) =	ssettag $0x1  }
0x1: {  	s0 =	rddreg [dreg:$0x0]  }
0x2: {  	s1 =	rddreg [dreg:$0x1];
	s2 =	simm.s32 $0x0;
	s5 =	srdreg.scid  }
0x3: {  	s11 =	stileid.u32;
	s28 =	simm.s32 $0x3800;
	s29 =	simm.s32 $0x5  }
0x4: {  	s30 =	simm.s32 $0x3780;
	s31 =	simm.s32 $0x40;
	s6 =	smul.u32 $0x50000, s11  }
0x5: {  	s14 =	simm.s32 $0x0;
	[smem:$0x7FF] =	sst s2;
	s8 =	smul.u32 $0x2F0, s11  }
0x6: {  	s4 =	sadd.s32 $0x16800, s0;
	s3 =	sadd.s32 $0xCA00, s0;
	s10 =	smul.u32 $0x1780, s11  }
0x7: {  	s7 =	sadd.s32 $0x2C00, s0;
	s5 =	sand.u32 $0x1, s5;
	s13 =	smul.u32 $0x14000, s11  }
0x8: {  	s0 =	sadd.s32 $0x3E800, s0;
	s11 =	smul.u32 $0x6F0, s11;
	_ =	strace $0x8000004A  }
0x9: {  	[dreg:$0x3] =	wrdreg s0;
	s21 =	ssub.s32 $0x2, s5;
	p0 =	sne.s32 s5, $0x0  }
0xa: {  	s9 =	sshrl.u32 s21, $0x1;
	s6 =	sshrl.u32 s6, $0x2;
	s22 =	sadd.s32 $0x6F00, s8  }
0xb: {  	s10 =	sshrl.u32 s10, $0x3;
	s24 =	sadd.s32 $0x140000, s13;
	[dreg:$0x4] =	wrdreg s13  }
0xc: {  	s25 =	sadd.s32 s13, s1;
	s13 =	simm.s32 $0x2;
	s0 =	ssub.s32 s21, s9  }
0xd: {  	s6 =	sadd.s32 s6, s1;
	s12 =	sadd.s32 s3, s22;
	s9 =	sadd.s32 s7, s22  }
0xe: {  	s23 =	sadd.s32 s7, s10;
	[dreg:$0x8] =	wrdreg s24;
	s3 =	sadd.s32 s3, s11  }
0xf: {  	s22 =	sadd.s32 s8, s7;
	s25 =	sshrl.u32 s25, $0x3;
	[dreg:$0x5] =	wrdreg s12  }
0x10: {  	s8 =	simm.s32 $0x5800;
	s10 =	simm.s32 $0x3;
	[dreg:$0x6] =	wrdreg s9  }
0x11: {  	s9 =	sadd.s32 $0x6F08, s23;
	s12 =	sadd.s32 s7, s11;
	[dreg:$0x9] =	wrdreg s3  }
0x12: {  	s0 =	smax.u32 s0, $0x1;
	s16 =	sadd.s32 $0x2000, s6;
	s17 =	sadd.s32 $0x4000, s6  }
.Ltmp0:
0x13: {  	s18 =	sadd.s32 $0x6000, s6;
	s19 =	sadd.s32 $0x8000, s6;
	(pc) =	sbr.rel .LBB2_1-.Ltmp0, $4  }
0x14: {  	s20 =	sadd.s32 $0xA000, s6;
	s21 =	sadd.s32 $0xC000, s6;
	s23 =	sadd.s32 $0xE000, s6  }
0x15: {  	s24 =	sadd.s32 $0x10000, s6;
	s11 =	simm.s32 $0x4;
	[dreg:$0x7] =	wrdreg s9  }
0x16: {  	s26 =	sadd.s32 $0x8, s12;
	[dreg:$0xb] =	wrdreg s0;
	s0 =	simm.s32 $0x37C0  }
0x17: {  	v0 =	vimm.f32 $0.0e+00;
	s9 =	simm.s32 $0x1;
	[dreg:$0xa] =	wrdreg s26;
	s26 =	sadd.s32 $0x12000, s6  }
.LBB2_9:
0x18: {  	[tilespmem:s8], [sflag:$0x2] =	stream.indirect.gather [hbm4b:s4+s31], $0x80, s5, s31, $0xb8;
	[tilespmem:$0x1B800] =	vst v63  }
0x19: {  	s3 =	rddreg [dreg:$0x8]  }
.LBB2_10:
0x1a: {  	_ =	swait.ge [sflag:s9], $0x2000  }
0x1b: {  	[sflag:s9] =	ssyncset.done $0x0  }
0x1c: {  	[sflag:s9] =	ssyncadd.s32 $0xFFFFE000  }
0x1d: {  	_ =	swait.ge [sflag:s10], $0x40  }
0x1e: {  	[sflag:s10] =	ssyncset.done $0x0  }
0x1f: {  	[sflag:s10] =	ssyncadd.s32 $0xFFFFFFC0  }
0x20: {  	[spmem:s1] =	stream.indirect.scatter.add.f32 [tilespmem:s28], [sflag:$0x5], $0x80, s30, s31, $0xb8;
	[tilespmem:$0x1B800] =	vst v63  }
0x21: {  	_ =	swait.ge [sflag:s29], $0x2000  }
0x22: {  	[sflag:s29] =	ssyncset.done $0x0  }
0x23: {  	[sflag:s29] =	ssyncadd.s32 $0xFFFFE000  }
0x24: {  	_ =	swait.ge [sflag:s13], $0x2000  }
0x25: {  	[sflag:s13] =	ssyncset.done $0x0  }
0x26: {  	[sflag:s13] =	ssyncadd.s32 $0xFFFFE000  }
0x27: {  	_ =	swait.ge [sflag:s11], $0x40  }
0x28: {  	[sflag:s11] =	ssyncset.done $0x0  }
0x29: {  	[sflag:s11] =	ssyncadd.s32 $0xFFFFFFC0  }
0x2a: {  	[spmem:s1] =	stream.indirect.scatter.add.f32 [tilespmem:s8], [sflag:$0x5], $0x80, s0, s31, $0xb8;
	[tilespmem:$0x1B800] =	vst v63  }
0x2b: {  	_ =	swait.ge [sflag:s29], $0x2000  }
0x2c: {  	s3 =	sshrl.u32 s3, $0x3;
	s5 =	stileid.u32;
	[sflag:s29] =	ssyncset.done $0x0  }
0x2d: {  	s5 =	sshll.u32 s5, $0x6;
	s7 =	rddreg [dreg:$0x3];
	[sflag:s29] =	ssyncadd.s32 $0xFFFFE000  }
0x2e: {  	s5 =	sor.u32 $0x1C05, s5;
	s3 =	sadd.s32 s7, s3;
	[bflag:$0x0] =	sbarrier.arrive $0xFFFF  }
0x2f: {  	[hbm:s3], [sflag:s5] =	dma.local [spmem:s25], $0x2800  }
0x30: {  	_ =	swait.ge [sflag:s29], $0x2800  }
0x31: {  	s14 =	sadd.s32 $0x1, s14;
	s15 =	rddreg [dreg:$0xb]  }
0x32: {  	p1 =	sne.s32 s14, s15  }
.Ltmp1:
0x33: {  	_ = 	snop;
	(pc) =	sbr.rel @!p1 .LBB2_11-.Ltmp1, $3  }
0x34: {  	_ =	sdelay $0x1  }
0x35: {  	[sflag:s29] =	ssyncset.done $0x0  }
0x36: {  	[sflag:s29] =	ssyncadd.s32 $0xFFFFD800  }
.LBB2_1:
0x37: {  	s3 =	simm.s32 $0x0;
	s7 =	simm.s32 $0x200  }
.LBB2_2:
0x38: {  	p1 =	sne.s32 s7, $0x7E00;
	[tilespmem:s3+$0x3870] =	vst v0  }
0x39: {  	[tilespmem:s3+$0x3800] =	vst v0  }
0x3a: {  	[tilespmem:s3+$0x3810] =	vst v0  }
.Ltmp2:
0x3b: {  	[tilespmem:s3+$0x3820] =	vst v0;
	(pc) =	sbr.rel @p1 .LBB2_2-.Ltmp2, $4  }
0x3c: {  	[tilespmem:s3+$0x3830] =	vst v0  }
0x3d: {  	[tilespmem:s3+$0x3840] =	vst v0  }
0x3e: {  	[tilespmem:s3+$0x3850] =	vst v0  }
0x3f: {  	[tilespmem:s3+$0x3860] =	vst v0;
	s3 =	sshra.s32 s7, $0x2;
	s7 =	sadd.s32 $0x200, s7  }
0x40: {  	[tilespmem:s3+$0x3870] =	vst v0  }
0x41: {  	[tilespmem:s3+$0x3800] =	vst v0  }
0x42: {  	[tilespmem:s3+$0x3810] =	vst v0  }
0x43: {  	[tilespmem:s3+$0x3820] =	vst v0  }
0x44: {  	[tilespmem:s3+$0x3830] =	vst v0  }
0x45: {  	[tilespmem:s3+$0x3840] =	vst v0  }
0x46: {  	[tilespmem:s3+$0x3850] =	vst v0  }
0x47: {  	[tilespmem:s3+$0x3860] =	vst v0  }
0x48: {  	[spmem:s6] =	stream.linear.scatter [tilespmem:s28], [sflag:$0x5], $0x2000, $0x38;
	[tilespmem:$0x1B800] =	vst v63  }
0x49: {  	_ =	swait.ge [sflag:s29], $0x2000  }
0x4a: {  	[sflag:s29] =	ssyncset.done $0x0  }
0x4b: {  	[sflag:s29] =	ssyncadd.s32 $0xFFFFE000  }
0x4c: {  	[spmem:s16] =	stream.linear.scatter [tilespmem:s28], [sflag:$0x5], $0x2000, $0x38;
	[tilespmem:$0x1B800] =	vst v63  }
0x4d: {  	_ =	swait.ge [sflag:s29], $0x2000  }
0x4e: {  	[sflag:s29] =	ssyncset.done $0x0  }
0x4f: {  	[sflag:s29] =	ssyncadd.s32 $0xFFFFE000  }
0x50: {  	[spmem:s17] =	stream.linear.scatter [tilespmem:s28], [sflag:$0x5], $0x2000, $0x38;
	[tilespmem:$0x1B800] =	vst v63  }
0x51: {  	_ =	swait.ge [sflag:s29], $0x2000  }
0x52: {  	[sflag:s29] =	ssyncset.done $0x0  }
0x53: {  	[sflag:s29] =	ssyncadd.s32 $0xFFFFE000  }
0x54: {  	[spmem:s18] =	stream.linear.scatter [tilespmem:s28], [sflag:$0x5], $0x2000, $0x38;
	[tilespmem:$0x1B800] =	vst v63  }
0x55: {  	_ =	swait.ge [sflag:s29], $0x2000  }
0x56: {  	[sflag:s29] =	ssyncset.done $0x0  }
0x57: {  	[sflag:s29] =	ssyncadd.s32 $0xFFFFE000  }
0x58: {  	[spmem:s19] =	stream.linear.scatter [tilespmem:s28], [sflag:$0x5], $0x2000, $0x38;
	[tilespmem:$0x1B800] =	vst v63  }
0x59: {  	_ =	swait.ge [sflag:s29], $0x2000  }
0x5a: {  	[sflag:s29] =	ssyncset.done $0x0  }
0x5b: {  	[sflag:s29] =	ssyncadd.s32 $0xFFFFE000  }
0x5c: {  	[spmem:s20] =	stream.linear.scatter [tilespmem:s28], [sflag:$0x5], $0x2000, $0x38;
	[tilespmem:$0x1B800] =	vst v63  }
0x5d: {  	_ =	swait.ge [sflag:s29], $0x2000  }
0x5e: {  	[sflag:s29] =	ssyncset.done $0x0  }
0x5f: {  	[sflag:s29] =	ssyncadd.s32 $0xFFFFE000  }
0x60: {  	[spmem:s21] =	stream.linear.scatter [tilespmem:s28], [sflag:$0x5], $0x2000, $0x38;
	[tilespmem:$0x1B800] =	vst v63  }
0x61: {  	_ =	swait.ge [sflag:s29], $0x2000  }
0x62: {  	[sflag:s29] =	ssyncset.done $0x0  }
0x63: {  	[sflag:s29] =	ssyncadd.s32 $0xFFFFE000  }
0x64: {  	[spmem:s23] =	stream.linear.scatter [tilespmem:s28], [sflag:$0x5], $0x2000, $0x38;
	[tilespmem:$0x1B800] =	vst v63  }
0x65: {  	_ =	swait.ge [sflag:s29], $0x2000  }
0x66: {  	[sflag:s29] =	ssyncset.done $0x0  }
0x67: {  	[sflag:s29] =	ssyncadd.s32 $0xFFFFE000  }
0x68: {  	[spmem:s24] =	stream.linear.scatter [tilespmem:s28], [sflag:$0x5], $0x2000, $0x38;
	[tilespmem:$0x1B800] =	vst v63  }
0x69: {  	_ =	swait.ge [sflag:s29], $0x2000  }
0x6a: {  	[sflag:s29] =	ssyncset.done $0x0  }
0x6b: {  	[sflag:s29] =	ssyncadd.s32 $0xFFFFE000  }
0x6c: {  	[spmem:s26] =	stream.linear.scatter [tilespmem:s28], [sflag:$0x5], $0x2000, $0x38;
	[tilespmem:$0x1B800] =	vst v63  }
.Ltmp3:
0x6d: {  	_ =	swait.ge [sflag:s29], $0x2000;
	(pc) =	sbr.rel @p0 .LBB2_7-.Ltmp3, $3  }
0x6e: {  	[sflag:s29] =	ssyncset.done $0x0  }
0x6f: {  	[sflag:s29] =	ssyncadd.s32 $0xFFFFE000  }
0x70: {  	[bflag:$0x0] =	sbarrier.arrive $0xFFFF;
	_ =	sdelay $0x1  }
0x71: {  	s3 =	rddreg [dreg:$0x9]  }
0x72: {  	[tilespmem:s2], [sflag:$0x5] =	stream.linear.gather [hbm4b:s3+s2], $0x3780, $0x38;
	[tilespmem:$0x1B800] =	vst v63  }
0x73: {  	_ =	swait.ge [sflag:s29], $0x3780  }
0x74: {  	[sflag:s29] =	ssyncset.done $0x0  }
0x75: {  	[sflag:s29] =	ssyncadd.s32 $0xFFFFC880  }
0x76: {  	[tilespmem:s30], [sflag:$0x3] =	stream.linear.gather [hbm4b:s12+s2], $0x40, $0x38;
	[tilespmem:$0x1B800] =	vst v63  }
0x77: {  	_ = 	snop  }
0x78: {  	[tilespmem:s28], [sflag:$0x1] =	stream.indirect.gather [hbm4b:s4+s31], $0x80, s2, s31, $0xb8;
	[tilespmem:$0x1B800] =	vst v63  }
0x79: {  	s5 =	rddreg [dreg:$0xa]  }
0x7a: {  	[tilespmem:s0], [sflag:$0x4] =	stream.linear.gather [hbm4b:s5+s2], $0x40, $0x38;
	[tilespmem:$0x1B800] =	vst v63  }
0x7b: {  	_ = 	snop  }
0x7c: {  	[tilespmem:s8], [sflag:$0x2] =	stream.indirect.gather [hbm4b:s4+s31], $0x80, s31, s31, $0xb8;
	[tilespmem:$0x1B800] =	vst v63  }
0x7d: {  	_ =	swait.ge [sflag:s9], $0x2000  }
0x7e: {  	[sflag:s9] =	ssyncset.done $0x0  }
0x7f: {  	[sflag:s9] =	ssyncadd.s32 $0xFFFFE000  }
0x80: {  	_ =	swait.ge [sflag:s10], $0x40  }
0x81: {  	[sflag:s10] =	ssyncset.done $0x0  }
0x82: {  	[sflag:s10] =	ssyncadd.s32 $0xFFFFFFC0  }
0x83: {  	[spmem:s1] =	stream.indirect.scatter.add.f32 [tilespmem:s28], [sflag:$0x5], $0x80, s30, s31, $0xb8;
	[tilespmem:$0x1B800] =	vst v63  }
0x84: {  	_ =	swait.ge [sflag:s29], $0x2000  }
0x85: {  	s7 =	sadd.s32 $0xFFFFF920, s12;
	[sflag:s29] =	ssyncset.done $0x0  }
0x86: {  	s5 =	sadd.s32 $0x6F0, s7;
	[sflag:s29] =	ssyncadd.s32 $0xFFFFE000  }
0x87: {  	[tilespmem:s30], [sflag:$0x3] =	stream.linear.gather [hbm4b:s5+s2], $0x40, $0x38;
	[tilespmem:$0x1B800] =	vst v63  }
0x88: {  	s15 =	simm.s32 $0x80  }
0x89: {  	[tilespmem:s28], [sflag:$0x1] =	stream.indirect.gather [hbm4b:s4+s31], $0x80, s15, s31, $0xb8;
	[tilespmem:$0x1B800] =	vst v63  }
0x8a: {  	_ =	swait.ge [sflag:s13], $0x2000  }
0x8b: {  	[sflag:s13] =	ssyncset.done $0x0  }
0x8c: {  	[sflag:s13] =	ssyncadd.s32 $0xFFFFE000  }
0x8d: {  	_ =	swait.ge [sflag:s11], $0x40  }
0x8e: {  	[sflag:s11] =	ssyncset.done $0x0  }
0x8f: {  	[sflag:s11] =	ssyncadd.s32 $0xFFFFFFC0  }
0x90: {  	[spmem:s1] =	stream.indirect.scatter.add.f32 [tilespmem:s8], [sflag:$0x5], $0x80, s0, s31, $0xb8;
	[tilespmem:$0x1B800] =	vst v63  }
0x91: {  	_ =	swait.ge [sflag:s29], $0x2000  }
0x92: {  	[sflag:s29] =	ssyncset.done $0x0  }
0x93: {  	s3 =	sadd.s32 $0x6F8, s7;
	[sflag:s29] =	ssyncadd.s32 $0xFFFFE000  }
0x94: {  	[tilespmem:s0], [sflag:$0x4] =	stream.linear.gather [hbm4b:s3+s2], $0x40, $0x38;
	[tilespmem:$0x1B800] =	vst v63  }
0x95: {  	s7 =	simm.s32 $0x100;
	s5 =	simm.s32 $0xC0;
	s3 =	simm.s32 $0xFFFFF930  }
.LBB2_5:
0x96: {  	[tilespmem:s8], [sflag:$0x2] =	stream.indirect.gather [hbm4b:s4+s31], $0x80, s5, s31, $0xb8;
	[tilespmem:$0x1B800] =	vst v63  }
0x97: {  	s5 =	smov.u32 s3  }
0x98: {  	p1 =	seq.s32 s3, $0xFFFFFFF0;
	s3 =	sadd.s32 $0x10, s3;
	_ =	swait.ge [sflag:s9], $0x2000  }
0x99: {  	[sflag:s9] =	ssyncset.done $0x0  }
0x9a: {  	[sflag:s9] =	ssyncadd.s32 $0xFFFFE000  }
0x9b: {  	_ =	swait.ge [sflag:s10], $0x40  }
0x9c: {  	[sflag:s10] =	ssyncset.done $0x0  }
0x9d: {  	[sflag:s10] =	ssyncadd.s32 $0xFFFFFFC0  }
0x9e: {  	[spmem:s1] =	stream.indirect.scatter.add.f32 [tilespmem:s28], [sflag:$0x5], $0x80, s30, s31, $0xb8;
	[tilespmem:$0x1B800] =	vst v63  }
0x9f: {  	_ =	swait.ge [sflag:s29], $0x2000  }
0xa0: {  	s5 =	sadd.s32 s5, s12;
	[sflag:s29] =	ssyncset.done $0x0  }
0xa1: {  	s15 =	sadd.s32 $0x6F0, s5;
	[sflag:s29] =	ssyncadd.s32 $0xFFFFE000  }
0xa2: {  	[tilespmem:s30], [sflag:$0x3] =	stream.linear.gather [hbm4b:s15+s2], $0x40, $0x38;
	[tilespmem:$0x1B800] =	vst v63  }
0xa3: {  	_ = 	snop  }
0xa4: {  	[tilespmem:s28], [sflag:$0x1] =	stream.indirect.gather [hbm4b:s4+s31], $0x80, s7, s31, $0xb8;
	[tilespmem:$0x1B800] =	vst v63  }
0xa5: {  	_ =	swait.ge [sflag:s13], $0x2000  }
0xa6: {  	[sflag:s13] =	ssyncset.done $0x0  }
0xa7: {  	[sflag:s13] =	ssyncadd.s32 $0xFFFFE000  }
0xa8: {  	_ =	swait.ge [sflag:s11], $0x40  }
0xa9: {  	[sflag:s11] =	ssyncset.done $0x0  }
0xaa: {  	[sflag:s11] =	ssyncadd.s32 $0xFFFFFFC0  }
0xab: {  	[spmem:s1] =	stream.indirect.scatter.add.f32 [tilespmem:s8], [sflag:$0x5], $0x80, s0, s31, $0xb8;
	[tilespmem:$0x1B800] =	vst v63  }
.Ltmp4:
0xac: {  	_ =	swait.ge [sflag:s29], $0x2000;
	(pc) =	sbr.rel @!p1 .LBB2_5-.Ltmp4, $4  }
0xad: {  	[sflag:s29] =	ssyncset.done $0x0  }
0xae: {  	s5 =	sadd.s32 $0x6F8, s5;
	[sflag:s29] =	ssyncadd.s32 $0xFFFFE000  }
0xaf: {  	[tilespmem:s0], [sflag:$0x4] =	stream.linear.gather [hbm4b:s5+s2], $0x40, $0x38;
	[tilespmem:$0x1B800] =	vst v63  }
0xb0: {  	s5 =	sadd.s32 $0x40, s7;
	s7 =	sadd.s32 $0x80, s7  }
.Ltmp5:
0xb1: {  	(pc) =	sbr.rel .LBB2_10-.Ltmp5, $3  }
0xb2: {  	_ =	sdelay $0x1  }
0xb3: {  	[tilespmem:s8], [sflag:$0x2] =	stream.indirect.gather [hbm4b:s4+s31], $0x80, s5, s31, $0xb8;
	[tilespmem:$0x1B800] =	vst v63  }
0xb4: {  	s3 =	rddreg [dreg:$0x4]  }
.LBB2_7:
0xb5: {  	s3 =	rddreg [dreg:$0x5]  }
0xb6: {  	[tilespmem:s2], [sflag:$0x5] =	stream.linear.gather [hbm4b:s3+s2], $0x1780, $0x38;
	[tilespmem:$0x1B800] =	vst v63  }
0xb7: {  	_ =	swait.ge [sflag:s29], $0x1780  }
0xb8: {  	[sflag:s29] =	ssyncset.done $0x0  }
0xb9: {  	s15 =	rddreg [dreg:$0x6];
	[sflag:s29] =	ssyncadd.s32 $0xFFFFE880  }
0xba: {  	[tilespmem:s30], [sflag:$0x3] =	stream.linear.gather [hbm4b:s15+s2], $0x40, $0x38;
	[tilespmem:$0x1B800] =	vst v63  }
0xbb: {  	_ = 	snop  }
0xbc: {  	[tilespmem:s28], [sflag:$0x1] =	stream.indirect.gather [hbm4b:s4+s31], $0x80, s2, s31, $0xb8;
	[tilespmem:$0x1B800] =	vst v63  }
0xbd: {  	s5 =	rddreg [dreg:$0x7]  }
0xbe: {  	[tilespmem:s0], [sflag:$0x4] =	stream.linear.gather [hbm4b:s5+s2], $0x40, $0x38;
	[tilespmem:$0x1B800] =	vst v63  }
0xbf: {  	_ = 	snop  }
0xc0: {  	[tilespmem:s8], [sflag:$0x2] =	stream.indirect.gather [hbm4b:s4+s31], $0x80, s31, s31, $0xb8;
	[tilespmem:$0x1B800] =	vst v63  }
0xc1: {  	_ =	swait.ge [sflag:s9], $0x2000  }
0xc2: {  	[sflag:s9] =	ssyncset.done $0x0  }
0xc3: {  	[sflag:s9] =	ssyncadd.s32 $0xFFFFE000  }
0xc4: {  	_ =	swait.ge [sflag:s10], $0x40  }
0xc5: {  	[sflag:s10] =	ssyncset.done $0x0  }
0xc6: {  	[sflag:s10] =	ssyncadd.s32 $0xFFFFFFC0  }
0xc7: {  	[spmem:s1] =	stream.indirect.scatter.add.f32 [tilespmem:s28], [sflag:$0x5], $0x80, s30, s31, $0xb8;
	[tilespmem:$0x1B800] =	vst v63  }
0xc8: {  	_ =	swait.ge [sflag:s29], $0x2000  }
0xc9: {  	s7 =	sadd.s32 $0xFFFFFD20, s22;
	[sflag:s29] =	ssyncset.done $0x0  }
0xca: {  	s5 =	sadd.s32 $0x71F0, s7;
	[sflag:s29] =	ssyncadd.s32 $0xFFFFE000  }
0xcb: {  	[tilespmem:s30], [sflag:$0x3] =	stream.linear.gather [hbm4b:s5+s2], $0x40, $0x38;
	[tilespmem:$0x1B800] =	vst v63  }
0xcc: {  	s15 =	simm.s32 $0x80  }
0xcd: {  	[tilespmem:s28], [sflag:$0x1] =	stream.indirect.gather [hbm4b:s4+s31], $0x80, s15, s31, $0xb8;
	[tilespmem:$0x1B800] =	vst v63  }
0xce: {  	_ =	swait.ge [sflag:s13], $0x2000  }
0xcf: {  	[sflag:s13] =	ssyncset.done $0x0  }
0xd0: {  	[sflag:s13] =	ssyncadd.s32 $0xFFFFE000  }
0xd1: {  	_ =	swait.ge [sflag:s11], $0x40  }
0xd2: {  	[sflag:s11] =	ssyncset.done $0x0  }
0xd3: {  	[sflag:s11] =	ssyncadd.s32 $0xFFFFFFC0  }
0xd4: {  	[spmem:s1] =	stream.indirect.scatter.add.f32 [tilespmem:s8], [sflag:$0x5], $0x80, s0, s31, $0xb8;
	[tilespmem:$0x1B800] =	vst v63  }
0xd5: {  	_ =	swait.ge [sflag:s29], $0x2000  }
0xd6: {  	[sflag:s29] =	ssyncset.done $0x0  }
0xd7: {  	s3 =	sadd.s32 $0x71F8, s7;
	[sflag:s29] =	ssyncadd.s32 $0xFFFFE000  }
0xd8: {  	[tilespmem:s0], [sflag:$0x4] =	stream.linear.gather [hbm4b:s3+s2], $0x40, $0x38;
	[tilespmem:$0x1B800] =	vst v63  }
0xd9: {  	s7 =	simm.s32 $0x100;
	s5 =	simm.s32 $0xC0;
	s3 =	simm.s32 $0xFFFFFD30  }
.LBB2_8:
0xda: {  	[tilespmem:s8], [sflag:$0x2] =	stream.indirect.gather [hbm4b:s4+s31], $0x80, s5, s31, $0xb8;
	[tilespmem:$0x1B800] =	vst v63  }
0xdb: {  	s5 =	smov.u32 s3  }
0xdc: {  	p1 =	sne.s32 s3, $0xFFFFFFF0;
	s3 =	sadd.s32 $0x10, s3;
	_ =	swait.ge [sflag:s9], $0x2000  }
0xdd: {  	[sflag:s9] =	ssyncset.done $0x0  }
0xde: {  	[sflag:s9] =	ssyncadd.s32 $0xFFFFE000  }
0xdf: {  	_ =	swait.ge [sflag:s10], $0x40  }
0xe0: {  	[sflag:s10] =	ssyncset.done $0x0  }
0xe1: {  	[sflag:s10] =	ssyncadd.s32 $0xFFFFFFC0  }
0xe2: {  	[spmem:s1] =	stream.indirect.scatter.add.f32 [tilespmem:s28], [sflag:$0x5], $0x80, s30, s31, $0xb8;
	[tilespmem:$0x1B800] =	vst v63  }
0xe3: {  	_ =	swait.ge [sflag:s29], $0x2000  }
0xe4: {  	s5 =	sadd.s32 s5, s22;
	[sflag:s29] =	ssyncset.done $0x0  }
0xe5: {  	s15 =	sadd.s32 $0x71F0, s5;
	[sflag:s29] =	ssyncadd.s32 $0xFFFFE000  }
0xe6: {  	[tilespmem:s30], [sflag:$0x3] =	stream.linear.gather [hbm4b:s15+s2], $0x40, $0x38;
	[tilespmem:$0x1B800] =	vst v63  }
0xe7: {  	_ = 	snop  }
0xe8: {  	[tilespmem:s28], [sflag:$0x1] =	stream.indirect.gather [hbm4b:s4+s31], $0x80, s7, s31, $0xb8;
	[tilespmem:$0x1B800] =	vst v63  }
0xe9: {  	_ =	swait.ge [sflag:s13], $0x2000  }
0xea: {  	[sflag:s13] =	ssyncset.done $0x0  }
0xeb: {  	[sflag:s13] =	ssyncadd.s32 $0xFFFFE000  }
0xec: {  	_ =	swait.ge [sflag:s11], $0x40  }
0xed: {  	[sflag:s11] =	ssyncset.done $0x0  }
0xee: {  	[sflag:s11] =	ssyncadd.s32 $0xFFFFFFC0  }
0xef: {  	[spmem:s1] =	stream.indirect.scatter.add.f32 [tilespmem:s8], [sflag:$0x5], $0x80, s0, s31, $0xb8;
	[tilespmem:$0x1B800] =	vst v63  }
.Ltmp6:
0xf0: {  	_ =	swait.ge [sflag:s29], $0x2000;
	(pc) =	sbr.rel @p1 .LBB2_8-.Ltmp6, $4  }
0xf1: {  	[sflag:s29] =	ssyncset.done $0x0  }
0xf2: {  	s5 =	sadd.s32 $0x71F8, s5;
	[sflag:s29] =	ssyncadd.s32 $0xFFFFE000  }
0xf3: {  	[tilespmem:s0], [sflag:$0x4] =	stream.linear.gather [hbm4b:s5+s2], $0x40, $0x38;
	[tilespmem:$0x1B800] =	vst v63  }
0xf4: {  	s5 =	sadd.s32 $0x40, s7;
	s7 =	sadd.s32 $0x80, s7  }
.Ltmp7:
0xf5: {  	_ = 	snop;
	(pc) =	sbr.rel .LBB2_9-.Ltmp7, $1  }
0xf6: {  	_ =	sdelay $0x3  }
.LBB2_11:
0xf7: {  	_ =	sfence.sel $0x180000  }
0xf8: {  	[bflag:$0x0] =	sbarrier.arrive $0xFFFF  }
0xf9: {  	_ =	strace $0x9000004A  }
0xfa: {  	s0 =	stileid.u32;
	[bflag:$0x2] =	sbarrier.arrive $0xFFFF  }
0xfb: {  	p0 =	sne.s32 s0, $0x0;
	s0 =	rddreg [dreg:$0x2]  }
0xfc: {  	s0 =	sadd.s32 @!p0 $0x100000, s0  }
0xfd: {  	[sflag:s0] =	ssyncadd.tile.s32 @!p0 $0x1;
	_ =	shalt  }
.Lfunc_end2:
_tile_overlayer_lowered:
.L_overlay_start_2:
0xfe: {  	(tag) =	ssettag $0x2  }
0xff: {  	s0 =	rddreg [dreg:$0x0];
	s2 =	stileid.u32  }
0x100: {  	s1 =	rddreg [dreg:$0x1];
	p0 =	sne.s32 s2, $0x0  }
0x101: {  	s3 =	rddreg [dreg:$0x2];
	[bflag:$0x3] =	sbarrier.arrive $0xFFFF;
	s2 =	simm.s32 @!p0 $0x1C05  }
0x102: {  	[timem:s3], [sflag:s2] =	dma.local @!p0 [hbm:s0], s1  }
0x103: {  	s0 =	simm.s32 @!p0 $0x5  }
0x104: {  	_ =	swait.ge @!p0 [sflag:s0], s1  }
0x105: {  	s1 =	ssub.s32 @!p0 $0x0, s1;
	[sflag:s0] =	ssyncset.done @!p0 $0x0  }
0x106: {  	[sflag:s0] =	ssyncadd.s32 @!p0 s1  }
0x107: {  	[bflag:$0x3] =	sbarrier.arrive $0xFFFF  }
0x108: {  	_ =	shalt  }

// kernel: kernel.16.cloned.1.call-start
scs
__scs_entry_jumppad:
0x0: {  	(pc) =	sbr.rel $0x88, $3  }
0x1: {  	(tag) =	ssettag $0x0;
	lr =	simm.s32 $0x1  }
0x2: {  	[smem:$0x3F99] =	sst lr;
	_ =	strace $0xD0000000  }
0x3: {  	_ = 	snop  }
0x4: {  	_ = 	snop  }
0x5: {  	_ = 	snop  }
0x6: {  	_ = 	snop  }
0x7: {  	_ = 	snop  }
__scs_overlays_trampoline_lowered:
0x8: {  	[smem:$0x3FA8] =	sst s0  }
0x9: {  	[smem:$0x3FA9] =	sst s1  }
0xa: {  	[smem:$0x3FAA] =	sst s2  }
0xb: {  	[smem:$0x3FAB] =	sst s3  }
0xc: {  	[smem:$0x3FAC] =	sst s4  }
0xd: {  	[smem:$0x3FAD] =	sst s5  }
0xe: {  	[smem:$0x3FAE] =	sst s6  }
0xf: {  	[smem:$0x3FAF] =	sst s7  }
0x10: {  	[smem:$0x3FB0] =	sst s8  }
0x11: {  	[smem:$0x3FB1] =	sst s9;
	s0 =	simm.s32 @!p0 $0x0  }
0x12: {  	s1 =	sld [smem:$0x3F97];
	s0 =	simm.s32 @p0 $0x1  }
0x13: {  	[smem:$0x3FB2] =	sst s0;
	s0 =	simm.s32 @!p1 $0x0  }
0x14: {  	s2 =	sld [smem:$0x3F96];
	s0 =	simm.s32 @p1 $0x1  }
0x15: {  	[smem:$0x3FB3] =	sst s0;
	s0 =	simm.s32 @!p2 $0x0  }
0x16: {  	s3 =	sld [smem:$0x3FDB];
	s0 =	simm.s32 @p2 $0x1  }
0x17: {  	s4 =	simm.s32 $0x1BF5;
	[smem:$0x3FB5] =	sst s0  }
0x18: {  	s0 =	sld [smem:$0x3F98];
	_ =	swait.ge [sflag:s4], $0x0  }
0x19: {  	s7 =	sld [smem:$0x3F99]  }
0x1a: {  	s8 =	sadd.s32 $0xFFFFE003, lr  }
0x1b: {  	s9 =	sadd.s32 $0xFFFFFEF7, lr;
	s5 =	simm.s32 $0xFFFFFFFF;
	p2 =	slt.u32 s8, $0xFFFFF086  }
0x1c: {  	p1 =	slt.u32 s9, $0xF7A;
	s5 =	simm.s32 @!p2 $0x0  }
0x1d: {  	s5 =	simm.s32 @p1 $0x1;
	p0 =	seq.s32 s7, s2  }
0x1e: {  	s7 =	smul.u32 @!p0 $0xF7A, s2;
	p2 =	seq.s32 @!p0 s5, $0x0  }
0x1f: {  	s9 =	smul.u32 $0xF7A, s1;
	s8 =	simm.s32 @!p0 $0x1BF5;
	p2 =	por !p2, p0  }
0x20: {  	[sflag:s8] =	ssyncset.s32 @!p0 $0xFFFFF086;
	s6 =	sadd.s32 @!p0 s3, s7;
	s7 =	simm.s32 @!p0 $0x108  }
0x21: {  	s3 =	sadd.s32 s3, s9;
	s6 =	sadd.s32 @!p0 $0x88, s6;
	s7 =	simm.s32 @p2 $0x1082  }
0x22: {  	[simem:s7], [sflag:s8] =	dma.local @!p0 [hbm:s6], $0xF7A  }
0x23: {  	s9 =	sor.u32 $0xD0000000, s2;
	s6 =	simm.s32 $0x108;
	_ =	swait.ge @!p0 [sflag:s8], $0x0  }
0x24: {  	s3 =	sadd.s32 $0x88, s3;
	s6 =	simm.s32 @!p1 $0x1082;
	[sflag:s4] =	ssyncset.s32 $0xFFFFF086  }
0x25: {  	[simem:s6], [sflag:s4] =	dma.local [hbm:s3], $0xF7A  }
0x26: {  	[smem:$0x3F99] =	sst s1;
	(tag) =	ssettag s2;
	_ =	strace s9  }
0x27: {  	s1 =	sld [smem:$0x3FA9]  }
0x28: {  	s2 =	sld [smem:$0x3FAA]  }
0x29: {  	s4 =	sld [smem:$0x3FAC]  }
0x2a: {  	p0 =	seq.s32 s5, $0x0;
	s5 =	sld [smem:$0x3FAD]  }
0x2b: {  	s6 =	sld [smem:$0x3FAE]  }
0x2c: {  	s7 =	sld [smem:$0x3FAF]  }
0x2d: {  	s3 =	simm.s32 $0x108;
	s8 =	sld [smem:$0x3FB0]  }
0x2e: {  	s3 =	simm.s32 @!p0 $0x1082;
	s9 =	sld [smem:$0x3FB1]  }
0x2f: {  	lr =	sadd.s32 s0, s3;
	s0 =	sld [smem:$0x3FA8]  }
0x30: {  	s3 =	sld [smem:$0x3FAB]  }
0x31: {  	[smem:$0x3FB4] =	sst s10  }
0x32: {  	s10 =	sld [smem:$0x3FB2];
	_ =	sdelay $0x3  }
0x33: {  	p0 =	seq.s32 s10, $0x1;
	s10 =	sld [smem:$0x3FB4];
	_ =	sdelay $0x3  }
0x34: {  	[smem:$0x3FB4] =	sst s10  }
0x35: {  	s10 =	sld [smem:$0x3FB3];
	_ =	sdelay $0x3  }
0x36: {  	p1 =	seq.s32 s10, $0x1;
	s10 =	sld [smem:$0x3FB4];
	_ =	sdelay $0x3  }
0x37: {  	[smem:$0x3FB4] =	sst s10  }
0x38: {  	s10 =	sld [smem:$0x3FB5]  }
0x39: {  	_ = 	snop;
	(pc) =	sbr.ind lr, $3  }
0x3a: {  	_ = 	snop  }
0x3b: {  	_ = 	snop  }
0x3c: {  	p2 =	seq.s32 s10, $0x1;
	s10 =	sld [smem:$0x3FB4]  }
0x3d: {  	_ =	shalt  }
0x3e: {  	_ =	shalt  }
0x3f: {  	_ =	shalt  }
0x40: {  	_ =	shalt  }
0x41: {  	_ =	shalt  }
0x42: {  	_ =	shalt  }
0x43: {  	_ =	shalt  }
0x44: {  	_ =	shalt  }
0x45: {  	_ =	shalt  }
0x46: {  	_ =	shalt  }
0x47: {  	_ =	shalt  }
0x48: {  	_ =	shalt  }
0x49: {  	_ =	shalt  }
0x4a: {  	_ =	shalt  }
0x4b: {  	_ =	shalt  }
0x4c: {  	_ =	shalt  }
0x4d: {  	_ =	shalt  }
0x4e: {  	_ =	shalt  }
0x4f: {  	_ =	shalt  }
0x50: {  	_ =	shalt  }
0x51: {  	_ =	shalt  }
0x52: {  	_ =	shalt  }
0x53: {  	_ =	shalt  }
0x54: {  	_ =	shalt  }
0x55: {  	_ =	shalt  }
0x56: {  	_ =	shalt  }
0x57: {  	_ =	shalt  }
0x58: {  	_ =	shalt  }
0x59: {  	_ =	shalt  }
0x5a: {  	_ =	shalt  }
0x5b: {  	_ =	shalt  }
0x5c: {  	_ =	shalt  }
0x5d: {  	_ =	shalt  }
0x5e: {  	_ =	shalt  }
0x5f: {  	_ =	shalt  }
0x60: {  	_ =	shalt  }
0x61: {  	_ =	shalt  }
0x62: {  	_ =	shalt  }
0x63: {  	_ =	shalt  }
0x64: {  	_ =	shalt  }
0x65: {  	_ =	shalt  }
0x66: {  	_ =	shalt  }
0x67: {  	_ =	shalt  }
0x68: {  	_ =	shalt  }
0x69: {  	_ =	shalt  }
0x6a: {  	_ =	shalt  }
0x6b: {  	_ =	shalt  }
0x6c: {  	_ =	shalt  }
0x6d: {  	_ =	shalt  }
0x6e: {  	_ =	shalt  }
0x6f: {  	_ =	shalt  }
0x70: {  	_ =	shalt  }
0x71: {  	_ =	shalt  }
0x72: {  	_ =	shalt  }
0x73: {  	_ =	shalt  }
0x74: {  	_ =	shalt  }
0x75: {  	_ =	shalt  }
0x76: {  	_ =	shalt  }
0x77: {  	_ =	shalt  }
0x78: {  	_ =	shalt  }
0x79: {  	_ =	shalt  }
0x7a: {  	_ =	shalt  }
0x7b: {  	_ =	shalt  }
0x7c: {  	_ =	shalt  }
0x7d: {  	_ =	shalt  }
0x7e: {  	_ =	shalt  }
0x7f: {  	_ =	shalt  }
0x80: {  	_ =	shalt  }
0x81: {  	_ =	shalt  }
0x82: {  	_ =	shalt  }
0x83: {  	_ =	shalt  }
0x84: {  	_ =	shalt  }
0x85: {  	_ =	shalt  }
0x86: {  	_ =	shalt  }
0x87: {  	_ =	shalt  }
.Lfunc_end0:
.L_simem_size_0:
called_computation.2_lowered:
.L_overlay_start_0:
0x88: {  	s2 =	sld [smem:$0x3FD9]  }
0x89: {  	s3 =	sld [smem:$0x3FFE];
	_ =	sdelay $0x1  }
0x8a: {  	s1 =	srdreg.scid  }
0x8b: {  	s0 =	sand.u32 $0x1, s1  }
0x8c: {  	s16 =	sshll.u32 s0, $0xA;
	s2 =	sadd.s32 s3, s2  }
0x8d: {  	s2 =	sadd.s32 s2, s16  }
0x8e: {  	[smem:$0x3FC0] =	sst s2  }
0x8f: {  	_ = 	snop  }
0x90: {  	(tm) =	ssettm $0x1  }
0x91: {  	s17 =	sld [smem:$0x3FFB];
	_ =	sdelay $0x3  }
0x92: {  	_ =	strace s17  }
0x93: {  	s2 =	sld [smem:$0x3FFC];
	_ =	sdelay $0x3  }
0x94: {  	_ =	strace s2  }
0x95: {  	s2 =	sld [smem:$0x3FFD];
	_ =	sdelay $0x3  }
0x96: {  	_ =	strace s2  }
0x97: {  	_ =	strace $0x8FFFFFFF  }
0x98: {  	s18 =	sld [smem:$0x3FDB];
	_ =	sdelay $0x1  }
0x99: {  	s19 =	simm.s32 $_scs_section_size  }
0x9a: {  	s4 =	simm.s32 $_size__tile_overlayer_lowered;
	s5 =	simm.s32 $_tile_overlayer_lowered  }
0x9b: {  	s22 =	simm.s32 $0x1BFF;
	s21 =	sshll.u32 s5, $0x1;
	s2 =	sadd.s32 s19, s18  }
0x9c: {  	s6 =	simm.s32 $0x0;
	s20 =	sshll.u32 s4, $0x1;
	s4 =	sadd.s32 s21, s2  }
0x9d: {  	[timem:s6], [sflag:s22] =	dma.local [hbm:s4], s20  }
0x9e: {  	_ =	swait.ge [sflag:s22], s20  }
0x9f: {  	s3 =	ssub.s32 $0x0, s20;
	[sflag:s22] =	ssyncset.done $0x0  }
0xa0: {  	[sflag:s22] =	ssyncadd.s32 s3;
	_ =	sdelay $0x1  }
0xa1: {  	s23 =	simm.s32 $0x1B8B  }
0xa2: {  	_ =	swait.ge [sflag:s23], $0x1  }
0xa3: {  	[sflag:s23] =	ssyncset.done $0x0  }
0xa4: {  	s25 =	simm.s32 $0x1B8E;
	s24 =	sld [smem:$0x3FFE];
	[sflag:s23] =	ssyncadd.s32 $0xFFFFFFFF  }
0xa5: {  	s26 =	simm.s32 $execute0_lowered;
	[smem:$0x3FD2] =	sst s25  }
0xa6: {  	s4 =	sshll.u32 s26, $0x1;
	_ =	strace $0x8000004C;
	[dreg:$0x1] =	wrdreg $0xFFFFFFFF  }
0xa7: {  	s28 =	simm.s32 $_size_execute0_lowered;
	s2 =	sadd.s32 s2, s4;
	[dreg:$0x0] =	wrdreg $0x0  }
0xa8: {  	s4 =	sshll.u32 s28, $0x1;
	[dreg:$0x2] =	wrdreg s2  }
0xa9: {  	[dreg:$0x3] =	wrdreg s4  }
0xaa: {  	[dreg:$0x4] =	wrdreg $0xC0  }
0xab: {  	_ =	task [dreg:s6], $0x5FFFF  }
0xac: {  	[dreg:$0x1] =	wrdreg $0xFFFFFFFF  }
0xad: {  	[dreg:$0x0] =	wrdreg $0x60  }
0xae: {  	[dreg:$0x2] =	wrdreg s24  }
0xaf: {  	[dreg:$0x3] =	wrdreg $0x78000  }
0xb0: {  	[dreg:$0x4] =	wrdreg $0x9  }
0xb1: {  	_ =	task.clear_ibuf [dreg:s6], $0x5FFFF;
	_ =	strace $0x9000004C  }
0xb2: {  	s29 =	simm.s32 $0x9;
	_ =	strace $0x8000004E  }
0xb3: {  	_ =	swait.ge [sflag:s29], $0x1  }
0xb4: {  	[sflag:s29] =	ssyncadd.s32 $0xFFFFFFFF  }
0xb5: {  	_ =	strace $0x9000004E  }
0xb6: {  	_ =	sfence  }
0xb7: {  	s30 =	sld [smem:$0x0];
	_ =	sdelay $0x2  }
0xb8: {  	s31 =	sshll.u32 s1, $0xD;
	s1 =	sshrl.u32 s1, $0x2  }
0xb9: {  	s3 =	sand.u32 $0x4000, s31;
	s1 =	sadd.s32 s1, s30  }
0xba: {  	s0 =	sor.u32 s3, s0;
	s1 =	sshll.u32 s1, $0x11  }
0xbb: {  	s0 =	sor.u32 s1, s0  }
0xbc: {  	s0 =	sadd.s32 $0x8F2B, s0  }
0xbd: {  	[sflag:s0] =	ssyncadd.remote.s32 $0x1  }
0xbe: {  	_ =	sfence.sel $0xFFFF  }
0xbf: {  	[dreg:$0x0] =	wrdreg $0xFFFFFFFF;
	(pc) =	sbr.abs _section_cstart, $3  }
0xc0: {  	[dreg:$0x1] =	wrdreg $0xFFFFFFFF  }
0xc1: {  	_ =	task.clear_ibuf [dreg:s6], $0x2FFFF;
	_ =	strace $0x9FFFFFFF  }
0xc2: {  	(tm) =	ssettm $0x7FFFFFFF  }
0xc3: {  	_ =	shalt  }
tec
execute0_lowered:
.L_overlay_start_1:
0x0: {  	(tag) =	ssettag $0x1  }
0x1: {  	s0 =	rddreg [dreg:$0x0]  }
0x2: {  	s1 =	rddreg [dreg:$0x1];
	s2 =	simm.s32 $0x0;
	s5 =	srdreg.scid  }
0x3: {  	s11 =	stileid.u32;
	s28 =	simm.s32 $0x3800;
	s29 =	simm.s32 $0x5  }
0x4: {  	s30 =	simm.s32 $0x3780;
	s31 =	simm.s32 $0x40;
	s6 =	smul.u32 $0x50000, s11  }
0x5: {  	s14 =	simm.s32 $0x0;
	[smem:$0x7FF] =	sst s2;
	s8 =	smul.u32 $0x2F0, s11  }
0x6: {  	s4 =	sadd.s32 $0x16800, s0;
	s3 =	sadd.s32 $0xCA00, s0;
	s10 =	smul.u32 $0x1780, s11  }
0x7: {  	s7 =	sadd.s32 $0x2C00, s0;
	s5 =	sand.u32 $0x1, s5;
	s13 =	smul.u32 $0x14000, s11  }
0x8: {  	s0 =	sadd.s32 $0x3E800, s0;
	s11 =	smul.u32 $0x6F0, s11;
	_ =	strace $0x8000004D  }
0x9: {  	[dreg:$0x3] =	wrdreg s0;
	s21 =	ssub.s32 $0x2, s5;
	p0 =	sne.s32 s5, $0x0  }
0xa: {  	s9 =	sshrl.u32 s21, $0x1;
	s6 =	sshrl.u32 s6, $0x2;
	s22 =	sadd.s32 $0x6F00, s8  }
0xb: {  	s10 =	sshrl.u32 s10, $0x3;
	s24 =	sadd.s32 $0x140000, s13;
	[dreg:$0x4] =	wrdreg s13  }
0xc: {  	s25 =	sadd.s32 s13, s1;
	s13 =	simm.s32 $0x2;
	s0 =	ssub.s32 s21, s9  }
0xd: {  	s6 =	sadd.s32 s6, s1;
	s12 =	sadd.s32 s3, s22;
	s9 =	sadd.s32 s7, s22  }
0xe: {  	s23 =	sadd.s32 s7, s10;
	[dreg:$0x8] =	wrdreg s24;
	s3 =	sadd.s32 s3, s11  }
0xf: {  	s22 =	sadd.s32 s8, s7;
	s25 =	sshrl.u32 s25, $0x3;
	[dreg:$0x5] =	wrdreg s12  }
0x10: {  	s8 =	simm.s32 $0x5800;
	s10 =	simm.s32 $0x3;
	[dreg:$0x6] =	wrdreg s9  }
0x11: {  	s9 =	sadd.s32 $0x6F08, s23;
	s12 =	sadd.s32 s7, s11;
	[dreg:$0x9] =	wrdreg s3  }
0x12: {  	s0 =	smax.u32 s0, $0x1;
	s16 =	sadd.s32 $0x2000, s6;
	s17 =	sadd.s32 $0x4000, s6  }
.Ltmp0:
0x13: {  	s18 =	sadd.s32 $0x6000, s6;
	s19 =	sadd.s32 $0x8000, s6;
	(pc) =	sbr.rel .LBB2_1-.Ltmp0, $4  }
0x14: {  	s20 =	sadd.s32 $0xA000, s6;
	s21 =	sadd.s32 $0xC000, s6;
	s23 =	sadd.s32 $0xE000, s6  }
0x15: {  	s24 =	sadd.s32 $0x10000, s6;
	s11 =	simm.s32 $0x4;
	[dreg:$0x7] =	wrdreg s9  }
0x16: {  	s26 =	sadd.s32 $0x8, s12;
	[dreg:$0xb] =	wrdreg s0;
	s0 =	simm.s32 $0x37C0  }
0x17: {  	v0 =	vimm.f32 $0.0e+00;
	s9 =	simm.s32 $0x1;
	[dreg:$0xa] =	wrdreg s26;
	s26 =	sadd.s32 $0x12000, s6  }
.LBB2_9:
0x18: {  	[tilespmem:s8], [sflag:$0x2] =	stream.indirect.gather [hbm4b:s4+s31], $0x80, s5, s31, $0xb8;
	[tilespmem:$0x1B800] =	vst v63  }
0x19: {  	s3 =	rddreg [dreg:$0x8]  }
.LBB2_10:
0x1a: {  	_ =	swait.ge [sflag:s9], $0x2000  }
0x1b: {  	[sflag:s9] =	ssyncset.done $0x0  }
0x1c: {  	[sflag:s9] =	ssyncadd.s32 $0xFFFFE000  }
0x1d: {  	_ =	swait.ge [sflag:s10], $0x40  }
0x1e: {  	[sflag:s10] =	ssyncset.done $0x0  }
0x1f: {  	[sflag:s10] =	ssyncadd.s32 $0xFFFFFFC0  }
0x20: {  	[spmem:s1] =	stream.indirect.scatter.add.f32 [tilespmem:s28], [sflag:$0x5], $0x80, s30, s31, $0xb8;
	[tilespmem:$0x1B800] =	vst v63  }
0x21: {  	_ =	swait.ge [sflag:s29], $0x2000  }
0x22: {  	[sflag:s29] =	ssyncset.done $0x0  }
0x23: {  	[sflag:s29] =	ssyncadd.s32 $0xFFFFE000  }
0x24: {  	_ =	swait.ge [sflag:s13], $0x2000  }
0x25: {  	[sflag:s13] =	ssyncset.done $0x0  }
0x26: {  	[sflag:s13] =	ssyncadd.s32 $0xFFFFE000  }
0x27: {  	_ =	swait.ge [sflag:s11], $0x40  }
0x28: {  	[sflag:s11] =	ssyncset.done $0x0  }
0x29: {  	[sflag:s11] =	ssyncadd.s32 $0xFFFFFFC0  }
0x2a: {  	[spmem:s1] =	stream.indirect.scatter.add.f32 [tilespmem:s8], [sflag:$0x5], $0x80, s0, s31, $0xb8;
	[tilespmem:$0x1B800] =	vst v63  }
0x2b: {  	_ =	swait.ge [sflag:s29], $0x2000  }
0x2c: {  	s3 =	sshrl.u32 s3, $0x3;
	s5 =	stileid.u32;
	[sflag:s29] =	ssyncset.done $0x0  }
0x2d: {  	s5 =	sshll.u32 s5, $0x6;
	s7 =	rddreg [dreg:$0x3];
	[sflag:s29] =	ssyncadd.s32 $0xFFFFE000  }
0x2e: {  	s5 =	sor.u32 $0x1C05, s5;
	s3 =	sadd.s32 s7, s3;
	[bflag:$0x0] =	sbarrier.arrive $0xFFFF  }
0x2f: {  	[hbm:s3], [sflag:s5] =	dma.local [spmem:s25], $0x2800  }
0x30: {  	_ =	swait.ge [sflag:s29], $0x2800  }
0x31: {  	s14 =	sadd.s32 $0x1, s14;
	s15 =	rddreg [dreg:$0xb]  }
0x32: {  	p1 =	sne.s32 s14, s15  }
.Ltmp1:
0x33: {  	_ = 	snop;
	(pc) =	sbr.rel @!p1 .LBB2_11-.Ltmp1, $3  }
0x34: {  	_ =	sdelay $0x1  }
0x35: {  	[sflag:s29] =	ssyncset.done $0x0  }
0x36: {  	[sflag:s29] =	ssyncadd.s32 $0xFFFFD800  }
.LBB2_1:
0x37: {  	s3 =	simm.s32 $0x0;
	s7 =	simm.s32 $0x200  }
.LBB2_2:
0x38: {  	p1 =	sne.s32 s7, $0x7E00;
	[tilespmem:s3+$0x3870] =	vst v0  }
0x39: {  	[tilespmem:s3+$0x3800] =	vst v0  }
0x3a: {  	[tilespmem:s3+$0x3810] =	vst v0  }
.Ltmp2:
0x3b: {  	[tilespmem:s3+$0x3820] =	vst v0;
	(pc) =	sbr.rel @p1 .LBB2_2-.Ltmp2, $4  }
0x3c: {  	[tilespmem:s3+$0x3830] =	vst v0  }
0x3d: {  	[tilespmem:s3+$0x3840] =	vst v0  }
0x3e: {  	[tilespmem:s3+$0x3850] =	vst v0  }
0x3f: {  	[tilespmem:s3+$0x3860] =	vst v0;
	s3 =	sshra.s32 s7, $0x2;
	s7 =	sadd.s32 $0x200, s7  }
0x40: {  	[tilespmem:s3+$0x3870] =	vst v0  }
0x41: {  	[tilespmem:s3+$0x3800] =	vst v0  }
0x42: {  	[tilespmem:s3+$0x3810] =	vst v0  }
0x43: {  	[tilespmem:s3+$0x3820] =	vst v0  }
0x44: {  	[tilespmem:s3+$0x3830] =	vst v0  }
0x45: {  	[tilespmem:s3+$0x3840] =	vst v0  }
0x46: {  	[tilespmem:s3+$0x3850] =	vst v0  }
0x47: {  	[tilespmem:s3+$0x3860] =	vst v0  }
0x48: {  	[spmem:s6] =	stream.linear.scatter [tilespmem:s28], [sflag:$0x5], $0x2000, $0x38;
	[tilespmem:$0x1B800] =	vst v63  }
0x49: {  	_ =	swait.ge [sflag:s29], $0x2000  }
0x4a: {  	[sflag:s29] =	ssyncset.done $0x0  }
0x4b: {  	[sflag:s29] =	ssyncadd.s32 $0xFFFFE000  }
0x4c: {  	[spmem:s16] =	stream.linear.scatter [tilespmem:s28], [sflag:$0x5], $0x2000, $0x38;
	[tilespmem:$0x1B800] =	vst v63  }
0x4d: {  	_ =	swait.ge [sflag:s29], $0x2000  }
0x4e: {  	[sflag:s29] =	ssyncset.done $0x0  }
0x4f: {  	[sflag:s29] =	ssyncadd.s32 $0xFFFFE000  }
0x50: {  	[spmem:s17] =	stream.linear.scatter [tilespmem:s28], [sflag:$0x5], $0x2000, $0x38;
	[tilespmem:$0x1B800] =	vst v63  }
0x51: {  	_ =	swait.ge [sflag:s29], $0x2000  }
0x52: {  	[sflag:s29] =	ssyncset.done $0x0  }
0x53: {  	[sflag:s29] =	ssyncadd.s32 $0xFFFFE000  }
0x54: {  	[spmem:s18] =	stream.linear.scatter [tilespmem:s28], [sflag:$0x5], $0x2000, $0x38;
	[tilespmem:$0x1B800] =	vst v63  }
0x55: {  	_ =	swait.ge [sflag:s29], $0x2000  }
0x56: {  	[sflag:s29] =	ssyncset.done $0x0  }
0x57: {  	[sflag:s29] =	ssyncadd.s32 $0xFFFFE000  }
0x58: {  	[spmem:s19] =	stream.linear.scatter [tilespmem:s28], [sflag:$0x5], $0x2000, $0x38;
	[tilespmem:$0x1B800] =	vst v63  }
0x59: {  	_ =	swait.ge [sflag:s29], $0x2000  }
0x5a: {  	[sflag:s29] =	ssyncset.done $0x0  }
0x5b: {  	[sflag:s29] =	ssyncadd.s32 $0xFFFFE000  }
0x5c: {  	[spmem:s20] =	stream.linear.scatter [tilespmem:s28], [sflag:$0x5], $0x2000, $0x38;
	[tilespmem:$0x1B800] =	vst v63  }
0x5d: {  	_ =	swait.ge [sflag:s29], $0x2000  }
0x5e: {  	[sflag:s29] =	ssyncset.done $0x0  }
0x5f: {  	[sflag:s29] =	ssyncadd.s32 $0xFFFFE000  }
0x60: {  	[spmem:s21] =	stream.linear.scatter [tilespmem:s28], [sflag:$0x5], $0x2000, $0x38;
	[tilespmem:$0x1B800] =	vst v63  }
0x61: {  	_ =	swait.ge [sflag:s29], $0x2000  }
0x62: {  	[sflag:s29] =	ssyncset.done $0x0  }
0x63: {  	[sflag:s29] =	ssyncadd.s32 $0xFFFFE000  }
0x64: {  	[spmem:s23] =	stream.linear.scatter [tilespmem:s28], [sflag:$0x5], $0x2000, $0x38;
	[tilespmem:$0x1B800] =	vst v63  }
0x65: {  	_ =	swait.ge [sflag:s29], $0x2000  }
0x66: {  	[sflag:s29] =	ssyncset.done $0x0  }
0x67: {  	[sflag:s29] =	ssyncadd.s32 $0xFFFFE000  }
0x68: {  	[spmem:s24] =	stream.linear.scatter [tilespmem:s28], [sflag:$0x5], $0x2000, $0x38;
	[tilespmem:$0x1B800] =	vst v63  }
0x69: {  	_ =	swait.ge [sflag:s29], $0x2000  }
0x6a: {  	[sflag:s29] =	ssyncset.done $0x0  }
0x6b: {  	[sflag:s29] =	ssyncadd.s32 $0xFFFFE000  }
0x6c: {  	[spmem:s26] =	stream.linear.scatter [tilespmem:s28], [sflag:$0x5], $0x2000, $0x38;
	[tilespmem:$0x1B800] =	vst v63  }
.Ltmp3:
0x6d: {  	_ =	swait.ge [sflag:s29], $0x2000;
	(pc) =	sbr.rel @p0 .LBB2_7-.Ltmp3, $3  }
0x6e: {  	[sflag:s29] =	ssyncset.done $0x0  }
0x6f: {  	[sflag:s29] =	ssyncadd.s32 $0xFFFFE000  }
0x70: {  	[bflag:$0x0] =	sbarrier.arrive $0xFFFF;
	_ =	sdelay $0x1  }
0x71: {  	s3 =	rddreg [dreg:$0x9]  }
0x72: {  	[tilespmem:s2], [sflag:$0x5] =	stream.linear.gather [hbm4b:s3+s2], $0x3780, $0x38;
	[tilespmem:$0x1B800] =	vst v63  }
0x73: {  	_ =	swait.ge [sflag:s29], $0x3780  }
0x74: {  	[sflag:s29] =	ssyncset.done $0x0  }
0x75: {  	[sflag:s29] =	ssyncadd.s32 $0xFFFFC880  }
0x76: {  	[tilespmem:s30], [sflag:$0x3] =	stream.linear.gather [hbm4b:s12+s2], $0x40, $0x38;
	[tilespmem:$0x1B800] =	vst v63  }
0x77: {  	_ = 	snop  }
0x78: {  	[tilespmem:s28], [sflag:$0x1] =	stream.indirect.gather [hbm4b:s4+s31], $0x80, s2, s31, $0xb8;
	[tilespmem:$0x1B800] =	vst v63  }
0x79: {  	s5 =	rddreg [dreg:$0xa]  }
0x7a: {  	[tilespmem:s0], [sflag:$0x4] =	stream.linear.gather [hbm4b:s5+s2], $0x40, $0x38;
	[tilespmem:$0x1B800] =	vst v63  }
0x7b: {  	_ = 	snop  }
0x7c: {  	[tilespmem:s8], [sflag:$0x2] =	stream.indirect.gather [hbm4b:s4+s31], $0x80, s31, s31, $0xb8;
	[tilespmem:$0x1B800] =	vst v63  }
0x7d: {  	_ =	swait.ge [sflag:s9], $0x2000  }
0x7e: {  	[sflag:s9] =	ssyncset.done $0x0  }
0x7f: {  	[sflag:s9] =	ssyncadd.s32 $0xFFFFE000  }
0x80: {  	_ =	swait.ge [sflag:s10], $0x40  }
0x81: {  	[sflag:s10] =	ssyncset.done $0x0  }
0x82: {  	[sflag:s10] =	ssyncadd.s32 $0xFFFFFFC0  }
0x83: {  	[spmem:s1] =	stream.indirect.scatter.add.f32 [tilespmem:s28], [sflag:$0x5], $0x80, s30, s31, $0xb8;
	[tilespmem:$0x1B800] =	vst v63  }
0x84: {  	_ =	swait.ge [sflag:s29], $0x2000  }
0x85: {  	s7 =	sadd.s32 $0xFFFFF920, s12;
	[sflag:s29] =	ssyncset.done $0x0  }
0x86: {  	s5 =	sadd.s32 $0x6F0, s7;
	[sflag:s29] =	ssyncadd.s32 $0xFFFFE000  }
0x87: {  	[tilespmem:s30], [sflag:$0x3] =	stream.linear.gather [hbm4b:s5+s2], $0x40, $0x38;
	[tilespmem:$0x1B800] =	vst v63  }
0x88: {  	s15 =	simm.s32 $0x80  }
0x89: {  	[tilespmem:s28], [sflag:$0x1] =	stream.indirect.gather [hbm4b:s4+s31], $0x80, s15, s31, $0xb8;
	[tilespmem:$0x1B800] =	vst v63  }
0x8a: {  	_ =	swait.ge [sflag:s13], $0x2000  }
0x8b: {  	[sflag:s13] =	ssyncset.done $0x0  }
0x8c: {  	[sflag:s13] =	ssyncadd.s32 $0xFFFFE000  }
0x8d: {  	_ =	swait.ge [sflag:s11], $0x40  }
0x8e: {  	[sflag:s11] =	ssyncset.done $0x0  }
0x8f: {  	[sflag:s11] =	ssyncadd.s32 $0xFFFFFFC0  }
0x90: {  	[spmem:s1] =	stream.indirect.scatter.add.f32 [tilespmem:s8], [sflag:$0x5], $0x80, s0, s31, $0xb8;
	[tilespmem:$0x1B800] =	vst v63  }
0x91: {  	_ =	swait.ge [sflag:s29], $0x2000  }
0x92: {  	[sflag:s29] =	ssyncset.done $0x0  }
0x93: {  	s3 =	sadd.s32 $0x6F8, s7;
	[sflag:s29] =	ssyncadd.s32 $0xFFFFE000  }
0x94: {  	[tilespmem:s0], [sflag:$0x4] =	stream.linear.gather [hbm4b:s3+s2], $0x40, $0x38;
	[tilespmem:$0x1B800] =	vst v63  }
0x95: {  	s7 =	simm.s32 $0x100;
	s5 =	simm.s32 $0xC0;
	s3 =	simm.s32 $0xFFFFF930  }
.LBB2_5:
0x96: {  	[tilespmem:s8], [sflag:$0x2] =	stream.indirect.gather [hbm4b:s4+s31], $0x80, s5, s31, $0xb8;
	[tilespmem:$0x1B800] =	vst v63  }
0x97: {  	s5 =	smov.u32 s3  }
0x98: {  	p1 =	seq.s32 s3, $0xFFFFFFF0;
	s3 =	sadd.s32 $0x10, s3;
	_ =	swait.ge [sflag:s9], $0x2000  }
0x99: {  	[sflag:s9] =	ssyncset.done $0x0  }
0x9a: {  	[sflag:s9] =	ssyncadd.s32 $0xFFFFE000  }
0x9b: {  	_ =	swait.ge [sflag:s10], $0x40  }
0x9c: {  	[sflag:s10] =	ssyncset.done $0x0  }
0x9d: {  	[sflag:s10] =	ssyncadd.s32 $0xFFFFFFC0  }
0x9e: {  	[spmem:s1] =	stream.indirect.scatter.add.f32 [tilespmem:s28], [sflag:$0x5], $0x80, s30, s31, $0xb8;
	[tilespmem:$0x1B800] =	vst v63  }
0x9f: {  	_ =	swait.ge [sflag:s29], $0x2000  }
0xa0: {  	s5 =	sadd.s32 s5, s12;
	[sflag:s29] =	ssyncset.done $0x0  }
0xa1: {  	s15 =	sadd.s32 $0x6F0, s5;
	[sflag:s29] =	ssyncadd.s32 $0xFFFFE000  }
0xa2: {  	[tilespmem:s30], [sflag:$0x3] =	stream.linear.gather [hbm4b:s15+s2], $0x40, $0x38;
	[tilespmem:$0x1B800] =	vst v63  }
0xa3: {  	_ = 	snop  }
0xa4: {  	[tilespmem:s28], [sflag:$0x1] =	stream.indirect.gather [hbm4b:s4+s31], $0x80, s7, s31, $0xb8;
	[tilespmem:$0x1B800] =	vst v63  }
0xa5: {  	_ =	swait.ge [sflag:s13], $0x2000  }
0xa6: {  	[sflag:s13] =	ssyncset.done $0x0  }
0xa7: {  	[sflag:s13] =	ssyncadd.s32 $0xFFFFE000  }
0xa8: {  	_ =	swait.ge [sflag:s11], $0x40  }
0xa9: {  	[sflag:s11] =	ssyncset.done $0x0  }
0xaa: {  	[sflag:s11] =	ssyncadd.s32 $0xFFFFFFC0  }
0xab: {  	[spmem:s1] =	stream.indirect.scatter.add.f32 [tilespmem:s8], [sflag:$0x5], $0x80, s0, s31, $0xb8;
	[tilespmem:$0x1B800] =	vst v63  }
.Ltmp4:
0xac: {  	_ =	swait.ge [sflag:s29], $0x2000;
	(pc) =	sbr.rel @!p1 .LBB2_5-.Ltmp4, $4  }
0xad: {  	[sflag:s29] =	ssyncset.done $0x0  }
0xae: {  	s5 =	sadd.s32 $0x6F8, s5;
	[sflag:s29] =	ssyncadd.s32 $0xFFFFE000  }
0xaf: {  	[tilespmem:s0], [sflag:$0x4] =	stream.linear.gather [hbm4b:s5+s2], $0x40, $0x38;
	[tilespmem:$0x1B800] =	vst v63  }
0xb0: {  	s5 =	sadd.s32 $0x40, s7;
	s7 =	sadd.s32 $0x80, s7  }
.Ltmp5:
0xb1: {  	(pc) =	sbr.rel .LBB2_10-.Ltmp5, $3  }
0xb2: {  	_ =	sdelay $0x1  }
0xb3: {  	[tilespmem:s8], [sflag:$0x2] =	stream.indirect.gather [hbm4b:s4+s31], $0x80, s5, s31, $0xb8;
	[tilespmem:$0x1B800] =	vst v63  }
0xb4: {  	s3 =	rddreg [dreg:$0x4]  }
.LBB2_7:
0xb5: {  	s3 =	rddreg [dreg:$0x5]  }
0xb6: {  	[tilespmem:s2], [sflag:$0x5] =	stream.linear.gather [hbm4b:s3+s2], $0x1780, $0x38;
	[tilespmem:$0x1B800] =	vst v63  }
0xb7: {  	_ =	swait.ge [sflag:s29], $0x1780  }
0xb8: {  	[sflag:s29] =	ssyncset.done $0x0  }
0xb9: {  	s15 =	rddreg [dreg:$0x6];
	[sflag:s29] =	ssyncadd.s32 $0xFFFFE880  }
0xba: {  	[tilespmem:s30], [sflag:$0x3] =	stream.linear.gather [hbm4b:s15+s2], $0x40, $0x38;
	[tilespmem:$0x1B800] =	vst v63  }
0xbb: {  	_ = 	snop  }
0xbc: {  	[tilespmem:s28], [sflag:$0x1] =	stream.indirect.gather [hbm4b:s4+s31], $0x80, s2, s31, $0xb8;
	[tilespmem:$0x1B800] =	vst v63  }
0xbd: {  	s5 =	rddreg [dreg:$0x7]  }
0xbe: {  	[tilespmem:s0], [sflag:$0x4] =	stream.linear.gather [hbm4b:s5+s2], $0x40, $0x38;
	[tilespmem:$0x1B800] =	vst v63  }
0xbf: {  	_ = 	snop  }
0xc0: {  	[tilespmem:s8], [sflag:$0x2] =	stream.indirect.gather [hbm4b:s4+s31], $0x80, s31, s31, $0xb8;
	[tilespmem:$0x1B800] =	vst v63  }
0xc1: {  	_ =	swait.ge [sflag:s9], $0x2000  }
0xc2: {  	[sflag:s9] =	ssyncset.done $0x0  }
0xc3: {  	[sflag:s9] =	ssyncadd.s32 $0xFFFFE000  }
0xc4: {  	_ =	swait.ge [sflag:s10], $0x40  }
0xc5: {  	[sflag:s10] =	ssyncset.done $0x0  }
0xc6: {  	[sflag:s10] =	ssyncadd.s32 $0xFFFFFFC0  }
0xc7: {  	[spmem:s1] =	stream.indirect.scatter.add.f32 [tilespmem:s28], [sflag:$0x5], $0x80, s30, s31, $0xb8;
	[tilespmem:$0x1B800] =	vst v63  }
0xc8: {  	_ =	swait.ge [sflag:s29], $0x2000  }
0xc9: {  	s7 =	sadd.s32 $0xFFFFFD20, s22;
	[sflag:s29] =	ssyncset.done $0x0  }
0xca: {  	s5 =	sadd.s32 $0x71F0, s7;
	[sflag:s29] =	ssyncadd.s32 $0xFFFFE000  }
0xcb: {  	[tilespmem:s30], [sflag:$0x3] =	stream.linear.gather [hbm4b:s5+s2], $0x40, $0x38;
	[tilespmem:$0x1B800] =	vst v63  }
0xcc: {  	s15 =	simm.s32 $0x80  }
0xcd: {  	[tilespmem:s28], [sflag:$0x1] =	stream.indirect.gather [hbm4b:s4+s31], $0x80, s15, s31, $0xb8;
	[tilespmem:$0x1B800] =	vst v63  }
0xce: {  	_ =	swait.ge [sflag:s13], $0x2000  }
0xcf: {  	[sflag:s13] =	ssyncset.done $0x0  }
0xd0: {  	[sflag:s13] =	ssyncadd.s32 $0xFFFFE000  }
0xd1: {  	_ =	swait.ge [sflag:s11], $0x40  }
0xd2: {  	[sflag:s11] =	ssyncset.done $0x0  }
0xd3: {  	[sflag:s11] =	ssyncadd.s32 $0xFFFFFFC0  }
0xd4: {  	[spmem:s1] =	stream.indirect.scatter.add.f32 [tilespmem:s8], [sflag:$0x5], $0x80, s0, s31, $0xb8;
	[tilespmem:$0x1B800] =	vst v63  }
0xd5: {  	_ =	swait.ge [sflag:s29], $0x2000  }
0xd6: {  	[sflag:s29] =	ssyncset.done $0x0  }
0xd7: {  	s3 =	sadd.s32 $0x71F8, s7;
	[sflag:s29] =	ssyncadd.s32 $0xFFFFE000  }
0xd8: {  	[tilespmem:s0], [sflag:$0x4] =	stream.linear.gather [hbm4b:s3+s2], $0x40, $0x38;
	[tilespmem:$0x1B800] =	vst v63  }
0xd9: {  	s7 =	simm.s32 $0x100;
	s5 =	simm.s32 $0xC0;
	s3 =	simm.s32 $0xFFFFFD30  }
.LBB2_8:
0xda: {  	[tilespmem:s8], [sflag:$0x2] =	stream.indirect.gather [hbm4b:s4+s31], $0x80, s5, s31, $0xb8;
	[tilespmem:$0x1B800] =	vst v63  }
0xdb: {  	s5 =	smov.u32 s3  }
0xdc: {  	p1 =	sne.s32 s3, $0xFFFFFFF0;
	s3 =	sadd.s32 $0x10, s3;
	_ =	swait.ge [sflag:s9], $0x2000  }
0xdd: {  	[sflag:s9] =	ssyncset.done $0x0  }
0xde: {  	[sflag:s9] =	ssyncadd.s32 $0xFFFFE000  }
0xdf: {  	_ =	swait.ge [sflag:s10], $0x40  }
0xe0: {  	[sflag:s10] =	ssyncset.done $0x0  }
0xe1: {  	[sflag:s10] =	ssyncadd.s32 $0xFFFFFFC0  }
0xe2: {  	[spmem:s1] =	stream.indirect.scatter.add.f32 [tilespmem:s28], [sflag:$0x5], $0x80, s30, s31, $0xb8;
	[tilespmem:$0x1B800] =	vst v63  }
0xe3: {  	_ =	swait.ge [sflag:s29], $0x2000  }
0xe4: {  	s5 =	sadd.s32 s5, s22;
	[sflag:s29] =	ssyncset.done $0x0  }
0xe5: {  	s15 =	sadd.s32 $0x71F0, s5;
	[sflag:s29] =	ssyncadd.s32 $0xFFFFE000  }
0xe6: {  	[tilespmem:s30], [sflag:$0x3] =	stream.linear.gather [hbm4b:s15+s2], $0x40, $0x38;
	[tilespmem:$0x1B800] =	vst v63  }
0xe7: {  	_ = 	snop  }
0xe8: {  	[tilespmem:s28], [sflag:$0x1] =	stream.indirect.gather [hbm4b:s4+s31], $0x80, s7, s31, $0xb8;
	[tilespmem:$0x1B800] =	vst v63  }
0xe9: {  	_ =	swait.ge [sflag:s13], $0x2000  }
0xea: {  	[sflag:s13] =	ssyncset.done $0x0  }
0xeb: {  	[sflag:s13] =	ssyncadd.s32 $0xFFFFE000  }
0xec: {  	_ =	swait.ge [sflag:s11], $0x40  }
0xed: {  	[sflag:s11] =	ssyncset.done $0x0  }
0xee: {  	[sflag:s11] =	ssyncadd.s32 $0xFFFFFFC0  }
0xef: {  	[spmem:s1] =	stream.indirect.scatter.add.f32 [tilespmem:s8], [sflag:$0x5], $0x80, s0, s31, $0xb8;
	[tilespmem:$0x1B800] =	vst v63  }
.Ltmp6:
0xf0: {  	_ =	swait.ge [sflag:s29], $0x2000;
	(pc) =	sbr.rel @p1 .LBB2_8-.Ltmp6, $4  }
0xf1: {  	[sflag:s29] =	ssyncset.done $0x0  }
0xf2: {  	s5 =	sadd.s32 $0x71F8, s5;
	[sflag:s29] =	ssyncadd.s32 $0xFFFFE000  }
0xf3: {  	[tilespmem:s0], [sflag:$0x4] =	stream.linear.gather [hbm4b:s5+s2], $0x40, $0x38;
	[tilespmem:$0x1B800] =	vst v63  }
0xf4: {  	s5 =	sadd.s32 $0x40, s7;
	s7 =	sadd.s32 $0x80, s7  }
.Ltmp7:
0xf5: {  	_ = 	snop;
	(pc) =	sbr.rel .LBB2_9-.Ltmp7, $1  }
0xf6: {  	_ =	sdelay $0x3  }
.LBB2_11:
0xf7: {  	_ =	sfence.sel $0x180000  }
0xf8: {  	[bflag:$0x0] =	sbarrier.arrive $0xFFFF  }
0xf9: {  	_ =	strace $0x9000004D  }
0xfa: {  	s0 =	stileid.u32;
	[bflag:$0x2] =	sbarrier.arrive $0xFFFF  }
0xfb: {  	p0 =	sne.s32 s0, $0x0;
	s0 =	rddreg [dreg:$0x2]  }
0xfc: {  	s0 =	sadd.s32 @!p0 $0x100000, s0  }
0xfd: {  	[sflag:s0] =	ssyncadd.tile.s32 @!p0 $0x1;
	_ =	shalt  }
.Lfunc_end2:
_tile_overlayer_lowered:
.L_overlay_start_2:
0xfe: {  	(tag) =	ssettag $0x2  }
0xff: {  	s0 =	rddreg [dreg:$0x0];
	s2 =	stileid.u32  }
0x100: {  	s1 =	rddreg [dreg:$0x1];
	p0 =	sne.s32 s2, $0x0  }
0x101: {  	s3 =	rddreg [dreg:$0x2];
	[bflag:$0x3] =	sbarrier.arrive $0xFFFF;
	s2 =	simm.s32 @!p0 $0x1C05  }
0x102: {  	[timem:s3], [sflag:s2] =	dma.local @!p0 [hbm:s0], s1  }
0x103: {  	s0 =	simm.s32 @!p0 $0x5  }
0x104: {  	_ =	swait.ge @!p0 [sflag:s0], s1  }
0x105: {  	s1 =	ssub.s32 @!p0 $0x0, s1;
	[sflag:s0] =	ssyncset.done @!p0 $0x0  }
0x106: {  	[sflag:s0] =	ssyncadd.s32 @!p0 s1  }
0x107: {  	[bflag:$0x3] =	sbarrier.arrive $0xFFFF  }
0x108: {  	_ =	shalt  }

// kernel: kernel.19.cloned.1.call-start
scs
__scs_entry_jumppad:
0x0: {  	(pc) =	sbr.rel $0x88, $3  }
0x1: {  	(tag) =	ssettag $0x0;
	lr =	simm.s32 $0x1  }
0x2: {  	[smem:$0x3F99] =	sst lr;
	_ =	strace $0xD0000000  }
0x3: {  	_ = 	snop  }
0x4: {  	_ = 	snop  }
0x5: {  	_ = 	snop  }
0x6: {  	_ = 	snop  }
0x7: {  	_ = 	snop  }
__scs_overlays_trampoline_lowered:
0x8: {  	[smem:$0x3FA8] =	sst s0  }
0x9: {  	[smem:$0x3FA9] =	sst s1  }
0xa: {  	[smem:$0x3FAA] =	sst s2  }
0xb: {  	[smem:$0x3FAB] =	sst s3  }
0xc: {  	[smem:$0x3FAC] =	sst s4  }
0xd: {  	[smem:$0x3FAD] =	sst s5  }
0xe: {  	[smem:$0x3FAE] =	sst s6  }
0xf: {  	[smem:$0x3FAF] =	sst s7  }
0x10: {  	[smem:$0x3FB0] =	sst s8  }
0x11: {  	[smem:$0x3FB1] =	sst s9;
	s0 =	simm.s32 @!p0 $0x0  }
0x12: {  	s1 =	sld [smem:$0x3F97];
	s0 =	simm.s32 @p0 $0x1  }
0x13: {  	[smem:$0x3FB2] =	sst s0;
	s0 =	simm.s32 @!p1 $0x0  }
0x14: {  	s2 =	sld [smem:$0x3F96];
	s0 =	simm.s32 @p1 $0x1  }
0x15: {  	[smem:$0x3FB3] =	sst s0;
	s0 =	simm.s32 @!p2 $0x0  }
0x16: {  	s3 =	sld [smem:$0x3FDB];
	s0 =	simm.s32 @p2 $0x1  }
0x17: {  	s4 =	simm.s32 $0x1BF5;
	[smem:$0x3FB5] =	sst s0  }
0x18: {  	s0 =	sld [smem:$0x3F98];
	_ =	swait.ge [sflag:s4], $0x0  }
0x19: {  	s7 =	sld [smem:$0x3F99]  }
0x1a: {  	s8 =	sadd.s32 $0xFFFFE003, lr  }
0x1b: {  	s9 =	sadd.s32 $0xFFFFFEF7, lr;
	s5 =	simm.s32 $0xFFFFFFFF;
	p2 =	slt.u32 s8, $0xFFFFF086  }
0x1c: {  	p1 =	slt.u32 s9, $0xF7A;
	s5 =	simm.s32 @!p2 $0x0  }
0x1d: {  	s5 =	simm.s32 @p1 $0x1;
	p0 =	seq.s32 s7, s2  }
0x1e: {  	s7 =	smul.u32 @!p0 $0xF7A, s2;
	p2 =	seq.s32 @!p0 s5, $0x0  }
0x1f: {  	s9 =	smul.u32 $0xF7A, s1;
	s8 =	simm.s32 @!p0 $0x1BF5;
	p2 =	por !p2, p0  }
0x20: {  	[sflag:s8] =	ssyncset.s32 @!p0 $0xFFFFF086;
	s6 =	sadd.s32 @!p0 s3, s7;
	s7 =	simm.s32 @!p0 $0x108  }
0x21: {  	s3 =	sadd.s32 s3, s9;
	s6 =	sadd.s32 @!p0 $0x88, s6;
	s7 =	simm.s32 @p2 $0x1082  }
0x22: {  	[simem:s7], [sflag:s8] =	dma.local @!p0 [hbm:s6], $0xF7A  }
0x23: {  	s9 =	sor.u32 $0xD0000000, s2;
	s6 =	simm.s32 $0x108;
	_ =	swait.ge @!p0 [sflag:s8], $0x0  }
0x24: {  	s3 =	sadd.s32 $0x88, s3;
	s6 =	simm.s32 @!p1 $0x1082;
	[sflag:s4] =	ssyncset.s32 $0xFFFFF086  }
0x25: {  	[simem:s6], [sflag:s4] =	dma.local [hbm:s3], $0xF7A  }
0x26: {  	[smem:$0x3F99] =	sst s1;
	(tag) =	ssettag s2;
	_ =	strace s9  }
0x27: {  	s1 =	sld [smem:$0x3FA9]  }
0x28: {  	s2 =	sld [smem:$0x3FAA]  }
0x29: {  	s4 =	sld [smem:$0x3FAC]  }
0x2a: {  	p0 =	seq.s32 s5, $0x0;
	s5 =	sld [smem:$0x3FAD]  }
0x2b: {  	s6 =	sld [smem:$0x3FAE]  }
0x2c: {  	s7 =	sld [smem:$0x3FAF]  }
0x2d: {  	s3 =	simm.s32 $0x108;
	s8 =	sld [smem:$0x3FB0]  }
0x2e: {  	s3 =	simm.s32 @!p0 $0x1082;
	s9 =	sld [smem:$0x3FB1]  }
0x2f: {  	lr =	sadd.s32 s0, s3;
	s0 =	sld [smem:$0x3FA8]  }
0x30: {  	s3 =	sld [smem:$0x3FAB]  }
0x31: {  	[smem:$0x3FB4] =	sst s10  }
0x32: {  	s10 =	sld [smem:$0x3FB2];
	_ =	sdelay $0x3  }
0x33: {  	p0 =	seq.s32 s10, $0x1;
	s10 =	sld [smem:$0x3FB4];
	_ =	sdelay $0x3  }
0x34: {  	[smem:$0x3FB4] =	sst s10  }
0x35: {  	s10 =	sld [smem:$0x3FB3];
	_ =	sdelay $0x3  }
0x36: {  	p1 =	seq.s32 s10, $0x1;
	s10 =	sld [smem:$0x3FB4];
	_ =	sdelay $0x3  }
0x37: {  	[smem:$0x3FB4] =	sst s10  }
0x38: {  	s10 =	sld [smem:$0x3FB5]  }
0x39: {  	_ = 	snop;
	(pc) =	sbr.ind lr, $3  }
0x3a: {  	_ = 	snop  }
0x3b: {  	_ = 	snop  }
0x3c: {  	p2 =	seq.s32 s10, $0x1;
	s10 =	sld [smem:$0x3FB4]  }
0x3d: {  	_ =	shalt  }
0x3e: {  	_ =	shalt  }
0x3f: {  	_ =	shalt  }
0x40: {  	_ =	shalt  }
0x41: {  	_ =	shalt  }
0x42: {  	_ =	shalt  }
0x43: {  	_ =	shalt  }
0x44: {  	_ =	shalt  }
0x45: {  	_ =	shalt  }
0x46: {  	_ =	shalt  }
0x47: {  	_ =	shalt  }
0x48: {  	_ =	shalt  }
0x49: {  	_ =	shalt  }
0x4a: {  	_ =	shalt  }
0x4b: {  	_ =	shalt  }
0x4c: {  	_ =	shalt  }
0x4d: {  	_ =	shalt  }
0x4e: {  	_ =	shalt  }
0x4f: {  	_ =	shalt  }
0x50: {  	_ =	shalt  }
0x51: {  	_ =	shalt  }
0x52: {  	_ =	shalt  }
0x53: {  	_ =	shalt  }
0x54: {  	_ =	shalt  }
0x55: {  	_ =	shalt  }
0x56: {  	_ =	shalt  }
0x57: {  	_ =	shalt  }
0x58: {  	_ =	shalt  }
0x59: {  	_ =	shalt  }
0x5a: {  	_ =	shalt  }
0x5b: {  	_ =	shalt  }
0x5c: {  	_ =	shalt  }
0x5d: {  	_ =	shalt  }
0x5e: {  	_ =	shalt  }
0x5f: {  	_ =	shalt  }
0x60: {  	_ =	shalt  }
0x61: {  	_ =	shalt  }
0x62: {  	_ =	shalt  }
0x63: {  	_ =	shalt  }
0x64: {  	_ =	shalt  }
0x65: {  	_ =	shalt  }
0x66: {  	_ =	shalt  }
0x67: {  	_ =	shalt  }
0x68: {  	_ =	shalt  }
0x69: {  	_ =	shalt  }
0x6a: {  	_ =	shalt  }
0x6b: {  	_ =	shalt  }
0x6c: {  	_ =	shalt  }
0x6d: {  	_ =	shalt  }
0x6e: {  	_ =	shalt  }
0x6f: {  	_ =	shalt  }
0x70: {  	_ =	shalt  }
0x71: {  	_ =	shalt  }
0x72: {  	_ =	shalt  }
0x73: {  	_ =	shalt  }
0x74: {  	_ =	shalt  }
0x75: {  	_ =	shalt  }
0x76: {  	_ =	shalt  }
0x77: {  	_ =	shalt  }
0x78: {  	_ =	shalt  }
0x79: {  	_ =	shalt  }
0x7a: {  	_ =	shalt  }
0x7b: {  	_ =	shalt  }
0x7c: {  	_ =	shalt  }
0x7d: {  	_ =	shalt  }
0x7e: {  	_ =	shalt  }
0x7f: {  	_ =	shalt  }
0x80: {  	_ =	shalt  }
0x81: {  	_ =	shalt  }
0x82: {  	_ =	shalt  }
0x83: {  	_ =	shalt  }
0x84: {  	_ =	shalt  }
0x85: {  	_ =	shalt  }
0x86: {  	_ =	shalt  }
0x87: {  	_ =	shalt  }
.Lfunc_end0:
.L_simem_size_0:
called_computation.3_lowered:
.L_overlay_start_0:
0x88: {  	s2 =	sld [smem:$0x3FD9]  }
0x89: {  	s3 =	sld [smem:$0x3FFE];
	_ =	sdelay $0x1  }
0x8a: {  	s1 =	srdreg.scid  }
0x8b: {  	s0 =	sand.u32 $0x1, s1  }
0x8c: {  	s16 =	sshll.u32 s0, $0xA;
	s2 =	sadd.s32 s3, s2  }
0x8d: {  	s2 =	sadd.s32 s2, s16  }
0x8e: {  	[smem:$0x3FC0] =	sst s2  }
0x8f: {  	_ = 	snop  }
0x90: {  	(tm) =	ssettm $0x1  }
0x91: {  	s17 =	sld [smem:$0x3FFB];
	_ =	sdelay $0x3  }
0x92: {  	_ =	strace s17  }
0x93: {  	s2 =	sld [smem:$0x3FFC];
	_ =	sdelay $0x3  }
0x94: {  	_ =	strace s2  }
0x95: {  	s2 =	sld [smem:$0x3FFD];
	_ =	sdelay $0x3  }
0x96: {  	_ =	strace s2  }
0x97: {  	_ =	strace $0x8FFFFFFF  }
0x98: {  	s18 =	sld [smem:$0x3FDB];
	_ =	sdelay $0x1  }
0x99: {  	s19 =	simm.s32 $_scs_section_size  }
0x9a: {  	s4 =	simm.s32 $_size__tile_overlayer_lowered;
	s5 =	simm.s32 $_tile_overlayer_lowered  }
0x9b: {  	s22 =	simm.s32 $0x1BFF;
	s21 =	sshll.u32 s5, $0x1;
	s2 =	sadd.s32 s19, s18  }
0x9c: {  	s6 =	simm.s32 $0x0;
	s20 =	sshll.u32 s4, $0x1;
	s4 =	sadd.s32 s21, s2  }
0x9d: {  	[timem:s6], [sflag:s22] =	dma.local [hbm:s4], s20  }
0x9e: {  	_ =	swait.ge [sflag:s22], s20  }
0x9f: {  	s3 =	ssub.s32 $0x0, s20;
	[sflag:s22] =	ssyncset.done $0x0  }
0xa0: {  	[sflag:s22] =	ssyncadd.s32 s3;
	_ =	sdelay $0x1  }
0xa1: {  	s23 =	simm.s32 $0x1B8B  }
0xa2: {  	_ =	swait.ge [sflag:s23], $0x1  }
0xa3: {  	[sflag:s23] =	ssyncset.done $0x0  }
0xa4: {  	s25 =	simm.s32 $0x1B8E;
	s24 =	sld [smem:$0x3FFE];
	[sflag:s23] =	ssyncadd.s32 $0xFFFFFFFF  }
0xa5: {  	s26 =	simm.s32 $execute0_lowered;
	[smem:$0x3FD2] =	sst s25  }
0xa6: {  	s4 =	sshll.u32 s26, $0x1;
	_ =	strace $0x8000004F;
	[dreg:$0x1] =	wrdreg $0xFFFFFFFF  }
0xa7: {  	s28 =	simm.s32 $_size_execute0_lowered;
	s2 =	sadd.s32 s2, s4;
	[dreg:$0x0] =	wrdreg $0x0  }
0xa8: {  	s4 =	sshll.u32 s28, $0x1;
	[dreg:$0x2] =	wrdreg s2  }
0xa9: {  	[dreg:$0x3] =	wrdreg s4  }
0xaa: {  	[dreg:$0x4] =	wrdreg $0xC0  }
0xab: {  	_ =	task [dreg:s6], $0x5FFFF  }
0xac: {  	[dreg:$0x1] =	wrdreg $0xFFFFFFFF  }
0xad: {  	[dreg:$0x0] =	wrdreg $0x60  }
0xae: {  	[dreg:$0x2] =	wrdreg s24  }
0xaf: {  	[dreg:$0x3] =	wrdreg $0x78800  }
0xb0: {  	[dreg:$0x4] =	wrdreg $0x9  }
0xb1: {  	_ =	task.clear_ibuf [dreg:s6], $0x5FFFF;
	_ =	strace $0x9000004F  }
0xb2: {  	s29 =	simm.s32 $0x9;
	_ =	strace $0x80000051  }
0xb3: {  	_ =	swait.ge [sflag:s29], $0x1  }
0xb4: {  	[sflag:s29] =	ssyncadd.s32 $0xFFFFFFFF  }
0xb5: {  	_ =	strace $0x90000051  }
0xb6: {  	_ =	sfence  }
0xb7: {  	s30 =	sld [smem:$0x0];
	_ =	sdelay $0x2  }
0xb8: {  	s31 =	sshll.u32 s1, $0xD;
	s1 =	sshrl.u32 s1, $0x2  }
0xb9: {  	s3 =	sand.u32 $0x4000, s31;
	s1 =	sadd.s32 s1, s30  }
0xba: {  	s0 =	sor.u32 s3, s0;
	s1 =	sshll.u32 s1, $0x11  }
0xbb: {  	s0 =	sor.u32 s1, s0  }
0xbc: {  	s0 =	sadd.s32 $0x8F2B, s0  }
0xbd: {  	[sflag:s0] =	ssyncadd.remote.s32 $0x1  }
0xbe: {  	_ =	sfence.sel $0xFFFF  }
0xbf: {  	[dreg:$0x0] =	wrdreg $0xFFFFFFFF;
	(pc) =	sbr.abs _section_cstart, $3  }
0xc0: {  	[dreg:$0x1] =	wrdreg $0xFFFFFFFF  }
0xc1: {  	_ =	task.clear_ibuf [dreg:s6], $0x2FFFF;
	_ =	strace $0x9FFFFFFF  }
0xc2: {  	(tm) =	ssettm $0x7FFFFFFF  }
0xc3: {  	_ =	shalt  }
tec
execute0_lowered:
.L_overlay_start_1:
0x0: {  	(tag) =	ssettag $0x1  }
0x1: {  	s0 =	rddreg [dreg:$0x0]  }
0x2: {  	s1 =	rddreg [dreg:$0x1];
	s2 =	simm.s32 $0x0  }
0x3: {  	s6 =	srdreg.scid;
	s3 =	stileid.u32;
	s28 =	simm.s32 $0x3780  }
0x4: {  	s29 =	simm.s32 $0x80;
	s30 =	simm.s32 $0x3800;
	s7 =	smul.u32 $0x28000, s3  }
0x5: {  	s31 =	simm.s32 $0x5880;
	[smem:$0x7FF] =	sst s2;
	s11 =	smul.u32 $0x2F0, s3  }
0x6: {  	s4 =	sadd.s32 $0x16800, s0;
	s8 =	sadd.s32 $0xCA00, s0;
	s12 =	smul.u32 $0x1780, s3  }
0x7: {  	s5 =	sadd.s32 $0x2C00, s0;
	s9 =	sand.u32 $0x1, s6;
	s22 =	smul.u32 $0x3780, s3  }
0x8: {  	s6 =	sadd.s32 $0x2A800, s0;
	s23 =	smul.u32 $0x6F0, s3;
	_ =	strace $0x80000050  }
0x9: {  	s20 =	ssub.s32 $0x2, s9;
	p0 =	sne.s32 s9, $0x0;
	s9 =	simm.s32 $0x2  }
0xa: {  	s10 =	sshrl.u32 s20, $0x1;
	s7 =	sshrl.u32 s7, $0x2;
	s21 =	sadd.s32 $0x6F00, s11  }
0xb: {  	s12 =	sshrl.u32 s12, $0x3;
	s25 =	sadd.s32 $0x71E0, s11;
	s26 =	sadd.s32 $0x6E0, s23  }
0xc: {  	s0 =	ssub.s32 s20, s10;
	s7 =	sadd.s32 s7, s1;
	[dreg:$0x9] =	wrdreg s25  }
0xd: {  	s13 =	sadd.s32 s8, s21;
	s10 =	sadd.s32 s5, s21;
	[dreg:$0xa] =	wrdreg s26  }
0xe: {  	s12 =	sadd.s32 s5, s12;
	s8 =	sadd.s32 s8, s23;
	[dreg:$0x3] =	wrdreg s13  }
0xf: {  	s26 =	simm.s32 $0x5;
	[dreg:$0x4] =	wrdreg s10;
	s10 =	smul.u32 $0xA000, s3  }
0x10: {  	s12 =	sadd.s32 $0x6F10, s12;
	s13 =	sshrl.u32 s22, $0x3;
	[dreg:$0x7] =	wrdreg s8  }
0x11: {  	s16 =	smax.u32 s0, $0x1;
	s17 =	sadd.s32 $0x2000, s7;
	s18 =	sadd.s32 $0x4000, s7  }
0x12: {  	s19 =	sadd.s32 $0x6000, s7;
	s20 =	sadd.s32 $0x8000, s7;
	s0 =	simm.s32 $0x1  }
.Ltmp0:
0x13: {  	s8 =	simm.s32 $0x3;
	[dreg:$0x5] =	wrdreg s12;
	(pc) =	sbr.rel .LBB2_1-.Ltmp0, $4  }
0x14: {  	s13 =	sadd.s32 s5, s13;
	s14 =	sadd.s32 $0xA0000, s10;
	s15 =	sadd.s32 s10, s1  }
0x15: {  	s24 =	sadd.s32 $0x10, s13;
	s13 =	simm.s32 $0x0;
	[dreg:$0x6] =	wrdreg s14  }
0x16: {  	s14 =	sadd.s32 s5, s23;
	[dreg:$0x8] =	wrdreg s24;
	s23 =	sadd.s32 s11, s5  }
0x17: {  	v0 =	vimm.f32 $0.0e+00;
	s24 =	simm.s32 $0x3880;
	s25 =	sshrl.u32 s15, $0x3;
	s11 =	simm.s32 $0x4  }
.LBB2_6:
0x18: {  	[tilespmem:s31], [sflag:$0x2] =	stream.indirect.gather [hbm4b:s4+s29], $0x40, s21, s29, $0xb8;
	[tilespmem:$0x11880] =	vst v63  }
0x19: {  	s15 =	simm.s32 $0x3700;
	s21 =	rddreg [dreg:$0xa];
	s12 =	smov.u32 s10  }
.LBB2_10:
0x1a: {  	_ =	swait.ge [sflag:s0], $0x2000  }
0x1b: {  	[sflag:s0] =	ssyncset.done $0x0  }
0x1c: {  	[sflag:s0] =	ssyncadd.s32 $0xFFFFE000  }
0x1d: {  	_ =	swait.ge [sflag:s8], $0x80  }
0x1e: {  	[sflag:s8] =	ssyncset.done $0x0  }
0x1f: {  	[sflag:s8] =	ssyncadd.s32 $0xFFFFFF80  }
0x20: {  	[spmem:s1] =	stream.indirect.scatter.add.f32 [tilespmem:s24], [sflag:$0x5], $0x40, s28, s29, $0xb8;
	[tilespmem:$0x11880] =	vst v63  }
0x21: {  	_ =	swait.ge [sflag:s26], $0x2000  }
0x22: {  	[sflag:s26] =	ssyncset.done $0x0  }
0x23: {  	s21 =	sadd.s32 s5, s21;
	[sflag:s26] =	ssyncadd.s32 $0xFFFFE000  }
0x24: {  	[tilespmem:s28], [sflag:$0x3] =	stream.linear.gather [hbm4b:s21+s2], $0x80, $0x38;
	[tilespmem:$0x11880] =	vst v63  }
0x25: {  	_ = 	snop  }
0x26: {  	[tilespmem:s24], [sflag:$0x1] =	stream.indirect.gather [hbm4b:s4+s29], $0x40, s15, s29, $0xb8;
	[tilespmem:$0x11880] =	vst v63  }
0x27: {  	_ =	swait.ge [sflag:s9], $0x2000  }
0x28: {  	[sflag:s9] =	ssyncset.done $0x0  }
0x29: {  	[sflag:s9] =	ssyncadd.s32 $0xFFFFE000  }
0x2a: {  	_ =	swait.ge [sflag:s11], $0x80  }
0x2b: {  	[sflag:s11] =	ssyncset.done $0x0  }
0x2c: {  	[sflag:s11] =	ssyncadd.s32 $0xFFFFFF80  }
0x2d: {  	[spmem:s1] =	stream.indirect.scatter.add.f32 [tilespmem:s31], [sflag:$0x5], $0x40, s30, s29, $0xb8;
	[tilespmem:$0x11880] =	vst v63  }
0x2e: {  	_ =	swait.ge [sflag:s26], $0x2000  }
0x2f: {  	[sflag:s26] =	ssyncset.done $0x0  }
0x30: {  	[sflag:s26] =	ssyncadd.s32 $0xFFFFE000  }
0x31: {  	_ =	swait.ge [sflag:s0], $0x2000  }
0x32: {  	[sflag:s0] =	ssyncset.done $0x0  }
0x33: {  	[sflag:s0] =	ssyncadd.s32 $0xFFFFE000  }
0x34: {  	_ =	swait.ge [sflag:s8], $0x80  }
0x35: {  	[sflag:s8] =	ssyncset.done $0x0  }
0x36: {  	[sflag:s8] =	ssyncadd.s32 $0xFFFFFF80  }
0x37: {  	[spmem:s1] =	stream.indirect.scatter.add.f32 [tilespmem:s24], [sflag:$0x5], $0x40, s28, s29, $0xb8;
	[tilespmem:$0x11880] =	vst v63  }
0x38: {  	s12 =	sshrl.u32 s12, $0x3;
	_ =	swait.ge [sflag:s26], $0x2000  }
0x39: {  	s22 =	sshll.u32 s3, $0x6;
	s13 =	sadd.s32 $0x1, s13;
	[sflag:s26] =	ssyncset.done $0x0  }
0x3a: {  	s12 =	sadd.s32 s6, s12;
	p1 =	sne.s32 s13, s16;
	[sflag:s26] =	ssyncadd.s32 $0xFFFFE000  }
.Ltmp1:
0x3b: {  	s15 =	sor.u32 $0x1C05, s22;
	[bflag:$0x0] =	sbarrier.arrive $0xFFFF;
	(pc) =	sbr.rel @!p1 .LBB2_11-.Ltmp1, $4  }
0x3c: {  	[hbm:s12], [sflag:s15] =	dma.local [spmem:s25], $0x1400  }
0x3d: {  	_ =	swait.ge [sflag:s26], $0x1400  }
0x3e: {  	[sflag:s26] =	ssyncset.done $0x0  }
0x3f: {  	[sflag:s26] =	ssyncadd.s32 $0xFFFFEC00  }
.LBB2_1:
0x40: {  	s15 =	simm.s32 $0x100;
	s12 =	simm.s32 $0x0  }
.LBB2_2:
0x41: {  	p1 =	sne.s32 s15, $0x7F00;
	[tilespmem:s12+$0x38B0] =	vst v0;
	s21 =	smov.u32 s15;
	s15 =	sadd.s32 $0x100, s15  }
.Ltmp2:
0x42: {  	[tilespmem:s12+$0x38A0] =	vst v0;
	(pc) =	sbr.rel @p1 .LBB2_2-.Ltmp2, $3  }
0x43: {  	[tilespmem:s12+$0x3880] =	vst v0  }
0x44: {  	[tilespmem:s12+$0x3890] =	vst v0;
	_ =	sdelay $0x1  }
0x45: {  	s12 =	sshra.s32 s21, $0x2  }
0x46: {  	[tilespmem:s12+$0x38B0] =	vst v0  }
0x47: {  	[tilespmem:s12+$0x38A0] =	vst v0  }
0x48: {  	[tilespmem:s12+$0x3880] =	vst v0  }
0x49: {  	[tilespmem:s12+$0x3890] =	vst v0  }
0x4a: {  	[spmem:s7] =	stream.linear.scatter [tilespmem:s24], [sflag:$0x5], $0x2000, $0x38;
	[tilespmem:$0x11880] =	vst v63  }
0x4b: {  	_ =	swait.ge [sflag:s26], $0x2000  }
0x4c: {  	[sflag:s26] =	ssyncset.done $0x0  }
0x4d: {  	[sflag:s26] =	ssyncadd.s32 $0xFFFFE000  }
0x4e: {  	[spmem:s17] =	stream.linear.scatter [tilespmem:s24], [sflag:$0x5], $0x2000, $0x38;
	[tilespmem:$0x11880] =	vst v63  }
0x4f: {  	_ =	swait.ge [sflag:s26], $0x2000  }
0x50: {  	[sflag:s26] =	ssyncset.done $0x0  }
0x51: {  	[sflag:s26] =	ssyncadd.s32 $0xFFFFE000  }
0x52: {  	[spmem:s18] =	stream.linear.scatter [tilespmem:s24], [sflag:$0x5], $0x2000, $0x38;
	[tilespmem:$0x11880] =	vst v63  }
0x53: {  	_ =	swait.ge [sflag:s26], $0x2000  }
0x54: {  	[sflag:s26] =	ssyncset.done $0x0  }
0x55: {  	[sflag:s26] =	ssyncadd.s32 $0xFFFFE000  }
0x56: {  	[spmem:s19] =	stream.linear.scatter [tilespmem:s24], [sflag:$0x5], $0x2000, $0x38;
	[tilespmem:$0x11880] =	vst v63  }
0x57: {  	_ =	swait.ge [sflag:s26], $0x2000  }
0x58: {  	[sflag:s26] =	ssyncset.done $0x0  }
0x59: {  	[sflag:s26] =	ssyncadd.s32 $0xFFFFE000  }
0x5a: {  	[spmem:s20] =	stream.linear.scatter [tilespmem:s24], [sflag:$0x5], $0x2000, $0x38;
	[tilespmem:$0x11880] =	vst v63  }
.Ltmp3:
0x5b: {  	_ =	swait.ge [sflag:s26], $0x2000;
	(pc) =	sbr.rel @p0 .LBB2_7-.Ltmp3, $3  }
0x5c: {  	[sflag:s26] =	ssyncset.done $0x0  }
0x5d: {  	[sflag:s26] =	ssyncadd.s32 $0xFFFFE000  }
0x5e: {  	[bflag:$0x0] =	sbarrier.arrive $0xFFFF;
	_ =	sdelay $0x1  }
0x5f: {  	s12 =	rddreg [dreg:$0x7]  }
0x60: {  	[tilespmem:s2], [sflag:$0x5] =	stream.linear.gather [hbm4b:s12+s2], $0x3780, $0x38;
	[tilespmem:$0x11880] =	vst v63  }
0x61: {  	_ =	swait.ge [sflag:s26], $0x3780  }
0x62: {  	[sflag:s26] =	ssyncset.done $0x0  }
0x63: {  	[sflag:s26] =	ssyncadd.s32 $0xFFFFC880  }
0x64: {  	[tilespmem:s28], [sflag:$0x3] =	stream.linear.gather [hbm4b:s14+s2], $0x80, $0x38;
	[tilespmem:$0x11880] =	vst v63  }
0x65: {  	_ = 	snop  }
0x66: {  	[tilespmem:s24], [sflag:$0x1] =	stream.indirect.gather [hbm4b:s4+s29], $0x40, s2, s29, $0xb8;
	[tilespmem:$0x11880] =	vst v63  }
0x67: {  	s15 =	rddreg [dreg:$0x8]  }
0x68: {  	[tilespmem:s30], [sflag:$0x4] =	stream.linear.gather [hbm4b:s15+s2], $0x80, $0x38;
	[tilespmem:$0x11880] =	vst v63  }
0x69: {  	_ = 	snop  }
0x6a: {  	[tilespmem:s31], [sflag:$0x2] =	stream.indirect.gather [hbm4b:s4+s29], $0x40, s29, s29, $0xb8;
	[tilespmem:$0x11880] =	vst v63  }
0x6b: {  	_ =	swait.ge [sflag:s0], $0x2000  }
0x6c: {  	[sflag:s0] =	ssyncset.done $0x0  }
0x6d: {  	[sflag:s0] =	ssyncadd.s32 $0xFFFFE000  }
0x6e: {  	_ =	swait.ge [sflag:s8], $0x80  }
0x6f: {  	[sflag:s8] =	ssyncset.done $0x0  }
0x70: {  	[sflag:s8] =	ssyncadd.s32 $0xFFFFFF80  }
0x71: {  	[spmem:s1] =	stream.indirect.scatter.add.f32 [tilespmem:s24], [sflag:$0x5], $0x40, s28, s29, $0xb8;
	[tilespmem:$0x11880] =	vst v63  }
0x72: {  	_ =	swait.ge [sflag:s26], $0x2000  }
0x73: {  	s21 =	sadd.s32 $0xFFFFF940, s14;
	[sflag:s26] =	ssyncset.done $0x0  }
0x74: {  	s15 =	sadd.s32 $0x6E0, s21;
	[sflag:s26] =	ssyncadd.s32 $0xFFFFE000  }
0x75: {  	[tilespmem:s28], [sflag:$0x3] =	stream.linear.gather [hbm4b:s15+s2], $0x80, $0x38;
	[tilespmem:$0x11880] =	vst v63  }
0x76: {  	s22 =	simm.s32 $0x100  }
0x77: {  	[tilespmem:s24], [sflag:$0x1] =	stream.indirect.gather [hbm4b:s4+s29], $0x40, s22, s29, $0xb8;
	[tilespmem:$0x11880] =	vst v63  }
0x78: {  	_ =	swait.ge [sflag:s9], $0x2000  }
0x79: {  	[sflag:s9] =	ssyncset.done $0x0  }
0x7a: {  	[sflag:s9] =	ssyncadd.s32 $0xFFFFE000  }
0x7b: {  	_ =	swait.ge [sflag:s11], $0x80  }
0x7c: {  	[sflag:s11] =	ssyncset.done $0x0  }
0x7d: {  	p1 =	por $0x0, $0x0;
	[sflag:s11] =	ssyncadd.s32 $0xFFFFFF80  }
0x7e: {  	[spmem:s1] =	stream.indirect.scatter.add.f32 [tilespmem:s31], [sflag:$0x5], $0x40, s30, s29, $0xb8;
	[tilespmem:$0x11880] =	vst v63  }
.Ltmp4:
0x7f: {  	_ =	swait.ge [sflag:s26], $0x2000;
	(pc) =	sbr.rel @p1 .LBB2_6-.Ltmp4, $4  }
0x80: {  	[sflag:s26] =	ssyncset.done $0x0  }
0x81: {  	s12 =	sadd.s32 $0x6F0, s21;
	[sflag:s26] =	ssyncadd.s32 $0xFFFFE000  }
0x82: {  	[tilespmem:s30], [sflag:$0x4] =	stream.linear.gather [hbm4b:s12+s2], $0x80, $0x38;
	[tilespmem:$0x11880] =	vst v63  }
0x83: {  	s21 =	simm.s32 $0x180;
	s15 =	simm.s32 $0x200;
	s12 =	simm.s32 $0xFFFFF960  }
.LBB2_5:
0x84: {  	[tilespmem:s31], [sflag:$0x2] =	stream.indirect.gather [hbm4b:s4+s29], $0x40, s21, s29, $0xb8;
	[tilespmem:$0x11880] =	vst v63  }
0x85: {  	s21 =	smov.u32 s12  }
0x86: {  	p1 =	seq.s32 s12, $0xFFFFFFE0;
	s12 =	sadd.s32 $0x20, s12;
	_ =	swait.ge [sflag:s0], $0x2000  }
0x87: {  	[sflag:s0] =	ssyncset.done $0x0  }
0x88: {  	[sflag:s0] =	ssyncadd.s32 $0xFFFFE000  }
0x89: {  	_ =	swait.ge [sflag:s8], $0x80  }
0x8a: {  	[sflag:s8] =	ssyncset.done $0x0  }
0x8b: {  	[sflag:s8] =	ssyncadd.s32 $0xFFFFFF80  }
0x8c: {  	[spmem:s1] =	stream.indirect.scatter.add.f32 [tilespmem:s24], [sflag:$0x5], $0x40, s28, s29, $0xb8;
	[tilespmem:$0x11880] =	vst v63  }
0x8d: {  	_ =	swait.ge [sflag:s26], $0x2000  }
0x8e: {  	s21 =	sadd.s32 s21, s14;
	[sflag:s26] =	ssyncset.done $0x0  }
0x8f: {  	s22 =	sadd.s32 $0x6E0, s21;
	[sflag:s26] =	ssyncadd.s32 $0xFFFFE000  }
0x90: {  	[tilespmem:s28], [sflag:$0x3] =	stream.linear.gather [hbm4b:s22+s2], $0x80, $0x38;
	[tilespmem:$0x11880] =	vst v63  }
0x91: {  	_ = 	snop  }
0x92: {  	[tilespmem:s24], [sflag:$0x1] =	stream.indirect.gather [hbm4b:s4+s29], $0x40, s15, s29, $0xb8;
	[tilespmem:$0x11880] =	vst v63  }
0x93: {  	_ =	swait.ge [sflag:s9], $0x2000  }
0x94: {  	[sflag:s9] =	ssyncset.done $0x0  }
0x95: {  	[sflag:s9] =	ssyncadd.s32 $0xFFFFE000  }
0x96: {  	_ =	swait.ge [sflag:s11], $0x80  }
0x97: {  	[sflag:s11] =	ssyncset.done $0x0  }
0x98: {  	[sflag:s11] =	ssyncadd.s32 $0xFFFFFF80  }
0x99: {  	[spmem:s1] =	stream.indirect.scatter.add.f32 [tilespmem:s31], [sflag:$0x5], $0x40, s30, s29, $0xb8;
	[tilespmem:$0x11880] =	vst v63  }
.Ltmp5:
0x9a: {  	_ =	swait.ge [sflag:s26], $0x2000;
	(pc) =	sbr.rel @!p1 .LBB2_5-.Ltmp5, $4  }
0x9b: {  	[sflag:s26] =	ssyncset.done $0x0  }
0x9c: {  	s21 =	sadd.s32 $0x6F0, s21;
	[sflag:s26] =	ssyncadd.s32 $0xFFFFE000  }
0x9d: {  	[tilespmem:s30], [sflag:$0x4] =	stream.linear.gather [hbm4b:s21+s2], $0x80, $0x38;
	[tilespmem:$0x11880] =	vst v63  }
0x9e: {  	s21 =	sadd.s32 $0x80, s15;
	s15 =	sadd.s32 $0x100, s15  }
.Ltmp6:
0x9f: {  	_ = 	snop;
	(pc) =	sbr.rel .LBB2_6-.Ltmp6, $1  }
0xa0: {  	_ =	sdelay $0x3  }
.LBB2_7:
0xa1: {  	s12 =	rddreg [dreg:$0x3]  }
0xa2: {  	[tilespmem:s2], [sflag:$0x5] =	stream.linear.gather [hbm4b:s12+s2], $0x1780, $0x38;
	[tilespmem:$0x11880] =	vst v63  }
0xa3: {  	_ =	swait.ge [sflag:s26], $0x1780  }
0xa4: {  	[sflag:s26] =	ssyncset.done $0x0  }
0xa5: {  	s22 =	rddreg [dreg:$0x4];
	[sflag:s26] =	ssyncadd.s32 $0xFFFFE880  }
0xa6: {  	[tilespmem:s28], [sflag:$0x3] =	stream.linear.gather [hbm4b:s22+s2], $0x80, $0x38;
	[tilespmem:$0x11880] =	vst v63  }
0xa7: {  	_ = 	snop  }
0xa8: {  	[tilespmem:s24], [sflag:$0x1] =	stream.indirect.gather [hbm4b:s4+s29], $0x40, s2, s29, $0xb8;
	[tilespmem:$0x11880] =	vst v63  }
0xa9: {  	s15 =	rddreg [dreg:$0x5]  }
0xaa: {  	[tilespmem:s30], [sflag:$0x4] =	stream.linear.gather [hbm4b:s15+s2], $0x80, $0x38;
	[tilespmem:$0x11880] =	vst v63  }
0xab: {  	_ = 	snop  }
0xac: {  	[tilespmem:s31], [sflag:$0x2] =	stream.indirect.gather [hbm4b:s4+s29], $0x40, s29, s29, $0xb8;
	[tilespmem:$0x11880] =	vst v63  }
0xad: {  	_ =	swait.ge [sflag:s0], $0x2000  }
0xae: {  	[sflag:s0] =	ssyncset.done $0x0  }
0xaf: {  	[sflag:s0] =	ssyncadd.s32 $0xFFFFE000  }
0xb0: {  	_ =	swait.ge [sflag:s8], $0x80  }
0xb1: {  	[sflag:s8] =	ssyncset.done $0x0  }
0xb2: {  	[sflag:s8] =	ssyncadd.s32 $0xFFFFFF80  }
0xb3: {  	[spmem:s1] =	stream.indirect.scatter.add.f32 [tilespmem:s24], [sflag:$0x5], $0x40, s28, s29, $0xb8;
	[tilespmem:$0x11880] =	vst v63  }
0xb4: {  	_ =	swait.ge [sflag:s26], $0x2000  }
0xb5: {  	s21 =	sadd.s32 $0xFFFFFD40, s23;
	[sflag:s26] =	ssyncset.done $0x0  }
0xb6: {  	s15 =	sadd.s32 $0x71E0, s21;
	[sflag:s26] =	ssyncadd.s32 $0xFFFFE000  }
0xb7: {  	[tilespmem:s28], [sflag:$0x3] =	stream.linear.gather [hbm4b:s15+s2], $0x80, $0x38;
	[tilespmem:$0x11880] =	vst v63  }
0xb8: {  	s22 =	simm.s32 $0x100  }
0xb9: {  	[tilespmem:s24], [sflag:$0x1] =	stream.indirect.gather [hbm4b:s4+s29], $0x40, s22, s29, $0xb8;
	[tilespmem:$0x11880] =	vst v63  }
0xba: {  	_ =	swait.ge [sflag:s9], $0x2000  }
0xbb: {  	[sflag:s9] =	ssyncset.done $0x0  }
0xbc: {  	[sflag:s9] =	ssyncadd.s32 $0xFFFFE000  }
0xbd: {  	_ =	swait.ge [sflag:s11], $0x80  }
0xbe: {  	[sflag:s11] =	ssyncset.done $0x0  }
0xbf: {  	[sflag:s11] =	ssyncadd.s32 $0xFFFFFF80  }
0xc0: {  	[spmem:s1] =	stream.indirect.scatter.add.f32 [tilespmem:s31], [sflag:$0x5], $0x40, s30, s29, $0xb8;
	[tilespmem:$0x11880] =	vst v63  }
0xc1: {  	_ =	swait.ge [sflag:s26], $0x2000  }
0xc2: {  	[sflag:s26] =	ssyncset.done $0x0  }
0xc3: {  	s12 =	sadd.s32 $0x71F0, s21;
	[sflag:s26] =	ssyncadd.s32 $0xFFFFE000  }
0xc4: {  	[tilespmem:s30], [sflag:$0x4] =	stream.linear.gather [hbm4b:s12+s2], $0x80, $0x38;
	[tilespmem:$0x11880] =	vst v63  }
0xc5: {  	s21 =	simm.s32 $0x180;
	s15 =	simm.s32 $0x200;
	s12 =	simm.s32 $0xFFFFFD60  }
.LBB2_8:
0xc6: {  	[tilespmem:s31], [sflag:$0x2] =	stream.indirect.gather [hbm4b:s4+s29], $0x40, s21, s29, $0xb8;
	[tilespmem:$0x11880] =	vst v63  }
0xc7: {  	s21 =	smov.u32 s12  }
0xc8: {  	p1 =	sne.s32 s12, $0xFFFFFFE0;
	s12 =	sadd.s32 $0x20, s12;
	_ =	swait.ge [sflag:s0], $0x2000  }
0xc9: {  	[sflag:s0] =	ssyncset.done $0x0  }
0xca: {  	[sflag:s0] =	ssyncadd.s32 $0xFFFFE000  }
0xcb: {  	_ =	swait.ge [sflag:s8], $0x80  }
0xcc: {  	[sflag:s8] =	ssyncset.done $0x0  }
0xcd: {  	[sflag:s8] =	ssyncadd.s32 $0xFFFFFF80  }
0xce: {  	[spmem:s1] =	stream.indirect.scatter.add.f32 [tilespmem:s24], [sflag:$0x5], $0x40, s28, s29, $0xb8;
	[tilespmem:$0x11880] =	vst v63  }
0xcf: {  	_ =	swait.ge [sflag:s26], $0x2000  }
0xd0: {  	s21 =	sadd.s32 s21, s23;
	[sflag:s26] =	ssyncset.done $0x0  }
0xd1: {  	s22 =	sadd.s32 $0x71E0, s21;
	[sflag:s26] =	ssyncadd.s32 $0xFFFFE000  }
0xd2: {  	[tilespmem:s28], [sflag:$0x3] =	stream.linear.gather [hbm4b:s22+s2], $0x80, $0x38;
	[tilespmem:$0x11880] =	vst v63  }
0xd3: {  	_ = 	snop  }
0xd4: {  	[tilespmem:s24], [sflag:$0x1] =	stream.indirect.gather [hbm4b:s4+s29], $0x40, s15, s29, $0xb8;
	[tilespmem:$0x11880] =	vst v63  }
0xd5: {  	_ =	swait.ge [sflag:s9], $0x2000  }
0xd6: {  	[sflag:s9] =	ssyncset.done $0x0  }
0xd7: {  	[sflag:s9] =	ssyncadd.s32 $0xFFFFE000  }
0xd8: {  	_ =	swait.ge [sflag:s11], $0x80  }
0xd9: {  	[sflag:s11] =	ssyncset.done $0x0  }
0xda: {  	[sflag:s11] =	ssyncadd.s32 $0xFFFFFF80  }
0xdb: {  	[spmem:s1] =	stream.indirect.scatter.add.f32 [tilespmem:s31], [sflag:$0x5], $0x40, s30, s29, $0xb8;
	[tilespmem:$0x11880] =	vst v63  }
.Ltmp7:
0xdc: {  	_ =	swait.ge [sflag:s26], $0x2000;
	(pc) =	sbr.rel @p1 .LBB2_8-.Ltmp7, $4  }
0xdd: {  	[sflag:s26] =	ssyncset.done $0x0  }
0xde: {  	s21 =	sadd.s32 $0x71F0, s21;
	[sflag:s26] =	ssyncadd.s32 $0xFFFFE000  }
0xdf: {  	[tilespmem:s30], [sflag:$0x4] =	stream.linear.gather [hbm4b:s21+s2], $0x80, $0x38;
	[tilespmem:$0x11880] =	vst v63  }
0xe0: {  	s21 =	sadd.s32 $0x80, s15;
	s15 =	sadd.s32 $0x100, s15  }
.Ltmp8:
0xe1: {  	(pc) =	sbr.rel .LBB2_10-.Ltmp8, $4  }
0xe2: {  	_ = 	snop  }
0xe3: {  	[tilespmem:s31], [sflag:$0x2] =	stream.indirect.gather [hbm4b:s4+s29], $0x40, s21, s29, $0xb8;
	[tilespmem:$0x11880] =	vst v63  }
0xe4: {  	s21 =	rddreg [dreg:$0x9]  }
0xe5: {  	s15 =	simm.s32 $0x1700;
	s12 =	rddreg [dreg:$0x6]  }
.LBB2_11:
0xe6: {  	_ =	sfence.sel $0x180000  }
0xe7: {  	[bflag:$0x0] =	sbarrier.arrive $0xFFFF  }
0xe8: {  	_ =	strace $0x90000050  }
0xe9: {  	[bflag:$0x2] =	sbarrier.arrive $0xFFFF  }
0xea: {  	p0 =	sne.s32 s3, $0x0;
	s0 =	rddreg [dreg:$0x2]  }
0xeb: {  	s0 =	sadd.s32 @!p0 $0x100000, s0  }
0xec: {  	[sflag:s0] =	ssyncadd.tile.s32 @!p0 $0x1;
	_ =	shalt  }
.Lfunc_end2:
_tile_overlayer_lowered:
.L_overlay_start_2:
0xed: {  	(tag) =	ssettag $0x2  }
0xee: {  	s0 =	rddreg [dreg:$0x0];
	s2 =	stileid.u32  }
0xef: {  	s1 =	rddreg [dreg:$0x1];
	p0 =	sne.s32 s2, $0x0  }
0xf0: {  	s3 =	rddreg [dreg:$0x2];
	[bflag:$0x3] =	sbarrier.arrive $0xFFFF;
	s2 =	simm.s32 @!p0 $0x1C05  }
0xf1: {  	[timem:s3], [sflag:s2] =	dma.local @!p0 [hbm:s0], s1  }
0xf2: {  	s0 =	simm.s32 @!p0 $0x5  }
0xf3: {  	_ =	swait.ge @!p0 [sflag:s0], s1  }
0xf4: {  	s1 =	ssub.s32 @!p0 $0x0, s1;
	[sflag:s0] =	ssyncset.done @!p0 $0x0  }
0xf5: {  	[sflag:s0] =	ssyncadd.s32 @!p0 s1  }
0xf6: {  	[bflag:$0x3] =	sbarrier.arrive $0xFFFF  }
0xf7: {  	_ =	shalt  }

</sc_bundles>
